<compile_context>
chip_gen: v7x
topology: tpu7x:2x2x1
jax: 0.10.2.dev20260603
libtpu: 0.0.44.dev20260713+nightly
codegen_flags: <defaults>
</compile_context>

<pallas_src>
import functools

import jax
import jax.numpy as jnp
import numpy as np
from jax import lax
from jax.experimental import pallas as pl
from jax.experimental.pallas import tpu as pltpu
from jax.experimental.pallas import tpu_sc as plsc

N = 10000
D_IN = 1433
H1, C1 = 10, 8
F1 = H1 * C1
SRCW1 = 96
DSTW1 = 16
W2COLS = 16
NACC = 10112
ROWS_PER_TILE = NACC // 16
ZROWS = ROWS_PER_TILE // 4
E_LOOPED = 160000 + N
CHUNK = 128
NCORES = 2
NWORK = 16 * NCORES
CH_PER_W = 42
NCHUNKS = 32 * CH_PER_W
EPAD = NCHUNKS * CHUNK
BLK = 128
GRID = (N + BLK - 1) // BLK
F32 = jnp.float32


BLK_A = 2000


def _tca_body(x_hbm, ws_ref, wd_ref, ts_ref, td_ref, xbuf, sems):
    def cp(b, slot):
        return pltpu.make_async_copy(
            x_hbm.at[pl.ds(b * BLK_A, BLK_A), :], xbuf.at[slot], sems.at[slot]
        )

    cp(0, 0).start()
    cp(1, 1).start()
    ws = ws_ref[...].astype(jnp.bfloat16)
    wd = wd_ref[...].astype(jnp.bfloat16)
    for b in range(5):
        slot = b % 2
        cp(b, slot).wait()
        xb = xbuf[slot].astype(jnp.bfloat16)
        ts_ref[pl.ds(b * BLK_A, BLK_A), :] = jnp.dot(
            xb, ws, preferred_element_type=F32
        ).astype(jnp.bfloat16)
        td_ref[pl.ds(b * BLK_A, BLK_A), :] = jnp.dot(
            xb, wd, preferred_element_type=F32
        ).astype(jnp.bfloat16)
        if b + 2 < 5:
            cp(b + 2, slot).start()


def _tc_a(x, ws1, wd1):
    return pl.pallas_call(
        _tca_body,
        grid=(1,),
        in_specs=[
            pl.BlockSpec(memory_space=pltpu.MemorySpace.HBM),
            pl.BlockSpec((D_IN, SRCW1), lambda i: (0, 0)),
            pl.BlockSpec((D_IN, 2 * DSTW1), lambda i: (0, 0)),
        ],
        out_specs=[
            pl.BlockSpec((N, SRCW1), lambda i: (0, 0)),
            pl.BlockSpec((N, 2 * DSTW1), lambda i: (0, 0)),
        ],
        out_shape=[
            jax.ShapeDtypeStruct((N, SRCW1), jnp.bfloat16),
            jax.ShapeDtypeStruct((N, 2 * DSTW1), jnp.bfloat16),
        ],
        scratch_shapes=[
            pltpu.VMEM((2, BLK_A, D_IN), F32),
            pltpu.SemaphoreType.DMA((2,)),
        ],
    )(x, ws1, wd1)


_MESH = plsc.VectorSubcoreMesh(
    core_axis_name="c", subcore_axis_name="s", num_cores=NCORES
)

TOTCH = NCHUNKS + 6


def _zero_shared(zbuf, acc, sid, width):
    zero = jnp.zeros((16,), F32)

    def zrow(r, carry):
        for k in range(width // 16):
            zbuf[r, pl.ds(16 * k, 16)] = zero
        return carry

    lax.fori_loop(0, ZROWS, zrow, 0)
    for q in range(4):
        pltpu.sync_copy(zbuf, acc.at[pl.ds(sid * ROWS_PER_TILE + q * ZROWS, ZROWS), :])


def _make_sc_kernel(width, tdt, adw, compute_chunk):

    @functools.partial(
        pl.kernel,
        mesh=_MESH,
        out_type=jax.ShapeDtypeStruct((NCORES, NACC, width), F32),
        scratch_types=[
            pltpu.VMEM((2, CHUNK), jnp.int32),
            pltpu.VMEM((2, CHUNK), jnp.int32),
            pltpu.VMEM((CHUNK,), jnp.int32),
            pltpu.VMEM((CHUNK,), jnp.int32),
            pltpu.VMEM((CHUNK, width), tdt),
            pltpu.VMEM((CHUNK, width), tdt),
            pltpu.VMEM((CHUNK, adw), tdt),
            pltpu.VMEM((CHUNK, adw), tdt),
            pltpu.VMEM((CHUNK, width), F32),
            pltpu.VMEM((CHUNK, width), F32),
            pltpu.VMEM((ZROWS, width), F32),
            pltpu.VMEM_SHARED((NACC, width), F32),
        ] + [pltpu.SemaphoreType.DMA] * 8,
        compiler_params=pltpu.CompilerParams(use_tc_tiling_on_sc=False, needs_layout_passes=False),
    )
    def sc_kernel(sd_hbm, ts_hbm, td_hbm, out_hbm,
                  sd0, sd1, scd0, scd1, rows0, rows1, ad0, ad1, out0, out1,
                  zbuf, acc,
                  sdsem0, sdsem1, rg0, rg1, adsem0, adsem1, sc0, sc1):
        cid = lax.axis_index("c")
        sid = lax.axis_index("s")
        _zero_shared(zbuf, acc, sid, width)
        plsc.subcore_barrier()

        sds = (sd0, sd1)
        scds = (scd0, scd1)
        rowss = (rows0, rows1)
        ads = (ad0, ad1)
        outs = (out0, out1)
        sdsems = (sdsem0, sdsem1)
        rgs = (rg0, rg1)
        adsems = (adsem0, adsem1)
        scs = (sc0, sc1)
        cbase = 2 * sid * CH_PER_W + cid

        def iteration(g, s, skip_scwait):
            o = 1 - s
            pltpu.make_async_copy(sd_hbm.at[cbase + 2 * (g + 1)], sds[o], sdsems[o]).wait()
            pltpu.async_copy(ts_hbm.at[sds[o].at[0]], rowss[o], rgs[o])
            pltpu.async_copy(td_hbm.at[sds[o].at[1]], ads[o], adsems[o])
            pltpu.make_async_copy(ts_hbm.at[sds[s].at[0]], rowss[s], rgs[s]).wait()
            pltpu.make_async_copy(td_hbm.at[sds[s].at[1]], ads[s], adsems[s]).wait()
            if not skip_scwait:
                pltpu.make_async_copy(outs[s], acc.at[scds[s]], scs[s]).wait()
            for k in range(CHUNK // 16):
                scds[s][pl.ds(16 * k, 16)] = sds[s][1, pl.ds(16 * k, 16)]
            pltpu.async_copy(sd_hbm.at[cbase + 2 * (g + 2)], sds[s], sdsems[s])
            compute_chunk(rowss[s], ads[s], outs[s])
            pltpu.async_copy(outs[s], acc.at[scds[s]], scs[s], add=True)

        pltpu.async_copy(sd_hbm.at[cbase], sd0, sdsem0)
        pltpu.async_copy(sd_hbm.at[cbase + 2], sd1, sdsem1)
        pltpu.make_async_copy(sd_hbm.at[cbase], sd0, sdsem0).wait()
        pltpu.async_copy(ts_hbm.at[sd0.at[0]], rows0, rg0)
        pltpu.async_copy(td_hbm.at[sd0.at[1]], ad0, adsem0)
        iteration(0, 0, True)
        iteration(1, 1, True)

        def pair_body(g2, carry):
            iteration(2 * g2, 0, False)
            iteration(2 * g2 + 1, 1, False)
            return carry

        lax.fori_loop(1, CH_PER_W // 2, pair_body, 0)

        pltpu.make_async_copy(out0, acc.at[scd0], sc0).wait()
        pltpu.make_async_copy(out1, acc.at[scd1], sc1).wait()
        pltpu.make_async_copy(ts_hbm.at[sd0.at[0]], rows0, rg0).wait()
        pltpu.make_async_copy(td_hbm.at[sd0.at[1]], ad0, adsem0).wait()
        pltpu.make_async_copy(sd_hbm.at[cbase], sd1, sdsem1).wait()

        plsc.subcore_barrier()
        pltpu.sync_copy(
            acc.at[pl.ds(sid * ROWS_PER_TILE, ROWS_PER_TILE), :],
            out_hbm.at[cid, pl.ds(sid * ROWS_PER_TILE, ROWS_PER_TILE), :],
        )

    return sc_kernel


def _compute_chunk1(rows, ad, out):
    lanes = lax.iota(jnp.int32, 16)
    pats = [jnp.where(lanes < 8, 2 * v, 2 * v + 1) for v in range(5)]
    ilv = plsc.PackFormat.INTERLEAVED

    @plsc.parallel_loop(0, CHUNK, 1, unroll=4)
    def edge(e):
        adv, _ = plsc.unpack(ad[e, :], format=ilv)
        h0, h1 = plsc.unpack(rows[e, pl.ds(0, 32)], format=ilv)
        h2, h3 = plsc.unpack(rows[e, pl.ds(32, 32)], format=ilv)
        h4, asv = plsc.unpack(rows[e, pl.ds(64, 32)], format=ilv)
        s = asv + adv
        w = jnp.exp(jnp.where(s > 0, s, 0.2 * s))
        out[e, pl.ds(F1, 16)] = w
        for v, hv in enumerate((h0, h1, h2, h3, h4)):
            wv = jnp.take_along_axis(w, pats[v], axis=0)
            out[e, pl.ds(16 * v, 16)] = hv * wv


def _compute_chunk2(rows, ad, out):
    lane8 = jnp.full((16,), 8, dtype=jnp.int32)

    @plsc.parallel_loop(0, CHUNK, 1, unroll=4)
    def edge(e):
        sv = rows[e, :]
        s = sv + ad[e, :]
        w = jnp.exp(jnp.where(s > 0, s, 0.2 * s))
        out[e, :] = sv * jnp.take_along_axis(w, lane8, axis=0)


_sc_layer1 = _make_sc_kernel(SRCW1, jnp.bfloat16, 32, _compute_chunk1)
_sc_layer2 = _make_sc_kernel(W2COLS, F32, W2COLS, _compute_chunk2)


def _tcb_body(p_ref, psel_ref, ex_ref, b1_ref, wc2_ref, s_ref, d_ref, c_ref,
              ts2_ref, td2_ref):
    a = p_ref[0]
    for q in range(1, NCORES):
        a = a + p_ref[q]
    msg = a[:, :F1]
    den = jnp.dot(a, psel_ref[...], preferred_element_type=F32)
    rec = 1.0 / (den + 1e-16)
    recx = jnp.dot(rec, ex_ref[...], preferred_element_type=F32)
    h1 = msg * recx + b1_ref[...]
    h1a = jnp.where(h1 > 0, h1, jnp.exp(h1) - 1.0)
    t2 = jnp.dot(h1a, wc2_ref[...], preferred_element_type=F32)
    ts2_ref[...] = jnp.dot(t2, s_ref[...], preferred_element_type=F32) + c_ref[...]
    td2_ref[...] = jnp.dot(t2, d_ref[...], preferred_element_type=F32)


def _tc_b(p1, psel, ex, b1row, wc2, smat, dmat, cvec):
    return pl.pallas_call(
        _tcb_body,
        grid=(1,),
        in_specs=[
            pl.BlockSpec((NCORES, N, SRCW1), lambda i: (0, 0, 0)),
            pl.BlockSpec((SRCW1, H1), lambda i: (0, 0)),
            pl.BlockSpec((H1, F1), lambda i: (0, 0)),
            pl.BlockSpec((1, F1), lambda i: (0, 0)),
            pl.BlockSpec((F1, 9), lambda i: (0, 0)),
            pl.BlockSpec((9, W2COLS), lambda i: (0, 0)),
            pl.BlockSpec((9, W2COLS), lambda i: (0, 0)),
            pl.BlockSpec((1, W2COLS), lambda i: (0, 0)),
        ],
        out_specs=[
            pl.BlockSpec((N, W2COLS), lambda i: (0, 0)),
            pl.BlockSpec((N, W2COLS), lambda i: (0, 0)),
        ],
        out_shape=[
            jax.ShapeDtypeStruct((N, W2COLS), F32),
            jax.ShapeDtypeStruct((N, W2COLS), F32),
        ],
    )(p1, psel, ex, b1row, wc2, smat, dmat, cvec)


def _tcc_body(p_ref, b2_ref, o_ref):
    a = p_ref[0]
    for q in range(1, NCORES):
        a = a + p_ref[q]
    logits = a[:, :7] / (a[:, 7:8] + 1e-16) + b2_ref[...]
    m = jnp.max(logits, axis=-1, keepdims=True)
    z = logits - m
    lse = jnp.log(jnp.sum(jnp.exp(z), axis=-1, keepdims=True))
    o_ref[...] = z - lse


def _tc_c(p2, b2row):
    return pl.pallas_call(
        _tcc_body,
        grid=(1,),
        in_specs=[
            pl.BlockSpec((NCORES, N, W2COLS), lambda i: (0, 0, 0)),
            pl.BlockSpec((1, 7), lambda i: (0, 0)),
        ],
        out_specs=pl.BlockSpec((N, 7), lambda i: (0, 0)),
        out_shape=jax.ShapeDtypeStruct((N, 7), F32),
    )(p2, b2row)


def kernel(x, edge_index, W1, att_src1, att_dst1, b1, W2, att_src2, att_dst2, b2):
    eye10 = jnp.eye(H1, dtype=F32)
    As1 = (att_src1[:, :, None] * eye10[:, None, :]).reshape(F1, H1)
    Ad1 = (att_dst1[:, :, None] * eye10[:, None, :]).reshape(F1, H1)
    zpad = jnp.zeros((D_IN, 6), F32)
    ws1 = jnp.concatenate([W1, W1 @ As1, zpad], axis=1)
    perm = np.empty((SRCW1,), np.int32)
    for k in range(SRCW1 // 32):
        for j in range(16):
            perm[32 * k + 2 * j] = 32 * k + j
            perm[32 * k + 2 * j + 1] = 32 * k + 16 + j
    ws1 = ws1[:, perm]
    wd16 = jnp.concatenate([W1 @ Ad1, zpad], axis=1)
    wd1 = jnp.zeros((D_IN, 2 * DSTW1), F32).at[:, 0::2].set(wd16)

    wc2 = jnp.concatenate(
        [W2, W2 @ att_src2[0][:, None], W2 @ att_dst2[0][:, None]], axis=1
    )

    psel = jnp.asarray(
        np.concatenate([np.zeros((F1, H1)), np.eye(H1), np.zeros((6, H1))], axis=0),
        F32,
    )
    ex = jnp.asarray(np.repeat(np.eye(H1), C1, axis=1), F32)
    smat_np = np.zeros((9, W2COLS), np.float32)
    for j in range(7):
        smat_np[j, j] = 1.0
    smat_np[7, 8:] = 1.0
    smat = jnp.asarray(smat_np)
    dmat_np = np.zeros((9, W2COLS), np.float32)
    dmat_np[8, :] = 1.0
    dmat = jnp.asarray(dmat_np)
    cvec_np = np.zeros((1, W2COLS), np.float32)
    cvec_np[0, 7] = 1.0
    cvec = jnp.asarray(cvec_np)

    loops = jnp.arange(N, dtype=jnp.int32)
    npad = TOTCH * CHUNK - E_LOOPED
    src = jnp.concatenate(
        [edge_index[0].astype(jnp.int32), loops, jnp.zeros((npad,), jnp.int32)]
    )
    dst = jnp.concatenate(
        [edge_index[1].astype(jnp.int32), loops, jnp.full((npad,), N, jnp.int32)]
    )
    sd = jnp.stack(
        [src.reshape(TOTCH, CHUNK), dst.reshape(TOTCH, CHUNK)], axis=1
    )

    tsrc1, tdst1 = _tc_a(x, ws1, wd1)
    p1 = _sc_layer1(sd, tsrc1, tdst1)
    tsrc2, tdst2 = _tc_b(p1, psel, ex, b1.reshape(1, F1), wc2, smat, dmat, cvec)
    p2 = _sc_layer2(sd, tsrc2, tdst2)
    return _tc_c(p2, b2.reshape(1, 7))

# --- scband reference (transcript-rebuilt; emitter-appended) ---
"""Pipeline reference for scband-net-48524540510786 (READ-ONLY COPY).

The authoritative reference and input builder live on the scoring server;
editing this copy changes nothing except your own understanding.
"""

import jax, jax.numpy as jnp
import numpy as np

N_NODES = 10000
E_EDGES = 160000
D_IN = 1433
H1, C1 = 10, 8
H2, C2 = 1, 7


def setup_inputs(seed: int = 0) -> dict:
    key = jax.random.key(seed)
    ks = jax.random.split(key, 12)
    x = jax.random.normal(ks[0], (N_NODES, D_IN), dtype=jnp.float32)
    edge_index = jax.random.randint(ks[1], (2, E_EDGES), 0, N_NODES, dtype=jnp.int32)
    W1 = jax.random.normal(ks[2], (D_IN, H1 * C1), dtype=jnp.float32) * (1.0 / np.sqrt(D_IN))
    att_src1 = jax.random.normal(ks[3], (H1, C1), dtype=jnp.float32) * 0.1
    att_dst1 = jax.random.normal(ks[4], (H1, C1), dtype=jnp.float32) * 0.1
    b1 = jnp.zeros((H1 * C1,), dtype=jnp.float32)
    W2 = jax.random.normal(ks[5], (H1 * C1, H2 * C2), dtype=jnp.float32) * (1.0 / np.sqrt(H1 * C1))
    att_src2 = jax.random.normal(ks[6], (H2, C2), dtype=jnp.float32) * 0.1
    att_dst2 = jax.random.normal(ks[7], (H2, C2), dtype=jnp.float32) * 0.1
    b2 = jnp.zeros((H2 * C2,), dtype=jnp.float32)
    return {"x": x, "edge_index": edge_index, "W1": W1, "att_src1": att_src1,
            "att_dst1": att_dst1, "b1": b1, "W2": W2, "att_src2": att_src2,
            "att_dst2": att_dst2, "b2": b2}


def _gat_layer(x, edge_index, W, a_src, a_dst, bias, heads, out_ch, concat):
    N = x.shape[0]
    loops = jnp.arange(N, dtype=edge_index.dtype)
    src = jnp.concatenate([edge_index[0], loops])
    dst = jnp.concatenate([edge_index[1], loops])
    h = (x @ W).reshape(N, heads, out_ch)
    alpha_src = jnp.sum(h * a_src, axis=-1)  # [N, H]
    alpha_dst = jnp.sum(h * a_dst, axis=-1)  # [N, H]
    e = alpha_src[src] + alpha_dst[dst]      # [E', H]
    e = jax.nn.leaky_relu(e, negative_slope=0.2)
    e_max = jax.lax.stop_gradient(jax.ops.segment_max(e, dst, num_segments=N))
    e_exp = jnp.exp(e - e_max[dst])
    denom = jax.ops.segment_sum(e_exp, dst, num_segments=N)
    alpha = e_exp / (denom[dst] + 1e-16)
    out = jax.ops.segment_sum(h[src] * alpha[:, :, None], dst, num_segments=N)
    if concat:
        out = out.reshape(N, heads * out_ch)
    else:
        out = out.mean(axis=1)
    return out + bias


def reference(x, edge_index, W1, att_src1, att_dst1, b1, W2, att_src2, att_dst2, b2):
    # eval mode: F.dropout and GATConv attention dropout are identity
    h = _gat_layer(x, edge_index, W1, att_src1, att_dst1, b1, H1, C1, True)
    h = jax.nn.elu(h)
    out = _gat_layer(h, edge_index, W2, att_src2, att_dst2, b2, H2, C2, True)
    return jax.nn.log_softmax(out, axis=-1)

if __name__ == "__main__":
    import jax
    _d = setup_inputs()
    print(jax.jit(kernel)(*tuple(_d.values())))

</pallas_src>

<mosaic_0001>
#map = affine_map<(d0, d1) -> (0, 0, 0)>
#map1 = affine_map<(d0, d1) -> (0, 0)>
module attributes {stable_mosaic.version = 14 : i64} {
  func.func @sc_kernel(%arg0: i32, %arg1: i32, %arg2: memref<1350x2x128xi32, #tpu.memory_space<hbm>>, %arg3: memref<10000x16xf32, #tpu.memory_space<hbm>>, %arg4: memref<10000x16xf32, #tpu.memory_space<hbm>>, %arg5: memref<2x10112x16xf32, #tpu.memory_space<hbm>>, %arg6: memref<2x128xi32, #tpu.memory_space<vmem>>, %arg7: memref<2x128xi32, #tpu.memory_space<vmem>>, %arg8: memref<128xi32, #tpu.memory_space<vmem>>, %arg9: memref<128xi32, #tpu.memory_space<vmem>>, %arg10: memref<128x16xf32, #tpu.memory_space<vmem>>, %arg11: memref<128x16xf32, #tpu.memory_space<vmem>>, %arg12: memref<128x16xf32, #tpu.memory_space<vmem>>, %arg13: memref<128x16xf32, #tpu.memory_space<vmem>>, %arg14: memref<128x16xf32, #tpu.memory_space<vmem>>, %arg15: memref<128x16xf32, #tpu.memory_space<vmem>>, %arg16: memref<158x16xf32, #tpu.memory_space<vmem>>, %arg17: memref<10112x16xf32, #tpu.memory_space<vmem_shared>>, %arg18: memref<!tpu.dma_semaphore, #tpu.memory_space<semaphore_mem>>, %arg19: memref<!tpu.dma_semaphore, #tpu.memory_space<semaphore_mem>>, %arg20: memref<!tpu.dma_semaphore, #tpu.memory_space<semaphore_mem>>, %arg21: memref<!tpu.dma_semaphore, #tpu.memory_space<semaphore_mem>>, %arg22: memref<!tpu.dma_semaphore, #tpu.memory_space<semaphore_mem>>, %arg23: memref<!tpu.dma_semaphore, #tpu.memory_space<semaphore_mem>>, %arg24: memref<!tpu.dma_semaphore, #tpu.memory_space<semaphore_mem>>, %arg25: memref<!tpu.dma_semaphore, #tpu.memory_space<semaphore_mem>>) attributes {dimension_semantics = [#tpu.dimension_semantics<core_parallel>, #tpu.dimension_semantics<subcore_parallel>], iteration_bounds = array<i64: 2, 16>, scalar_prefetch = 0 : i64, scratch_operands = 20 : i64, tpu.core_type = #tpu.core_type<sc_vector_subcore>, window_params = [{transform_indices = #map}, {transform_indices = #map1}, {transform_indices = #map1}, {transform_indices = #map}]} {
    %broadcast_in_dim3A = arith.constant 0.000000e+00 : f32
    %broadcast_in_dim3A_0 = vector.broadcast %broadcast_in_dim3A : f32 to vector<16xf32>
    %scan3A = arith.constant 0 : i32
    %scan3A_1 = arith.constant 0 : i32
    %scan3A_2 = arith.constant 158 : i32
    %scan3A_3 = arith.addi %scan3A_1, %scan3A_2 : i32
    %scan3A_4 = arith.constant 1 : i32
    scf.for %scan3A_307 = %scan3A_1 to %scan3A_3 step %scan3A_4  : i32 {
      %swap3A_308 = arith.index_cast %scan3A_307 : i32 to index
      %swap3A_309 = arith.constant 0 : index
      %swap3A_310 = tpu.vector_load %arg16[%swap3A_308, %swap3A_309] {strides = array<i32>} : memref<158x16xf32, #tpu.memory_space<vmem>>, vector<16xf32>,
      tpu.vector_store %arg16[%swap3A_308, %swap3A_309], %broadcast_in_dim3A_0 {strides = array<i32>} : memref<158x16xf32, #tpu.memory_space<vmem>>, vector<16xf32>,
    }
    %scan3A_5 = arith.constant 158 : i32
    %mul3A = arith.constant 632 : i32
    %mul3A_6 = arith.muli %arg1, %mul3A : i32
    %add3A = arith.constant 0 : i32
    %add3A_7 = arith.addi %mul3A_6, %add3A : i32
    "tpu.region"() ({
      %run_scoped3A = tpu.sem_alloc : memref<!tpu.dma_semaphore, #tpu.memory_space<semaphore_mem>>
      %dma_start3A_307 = arith.constant 0 : i32
      %dma_start3A_308 = tpu.memref_slice %arg17[%add3A_7, %dma_start3A_307] : memref<10112x16xf32, #tpu.memory_space<vmem_shared>> -> memref<158x16xf32, #tpu.memory_space<vmem_shared>>
      %dma_start3A_309 = arith.constant 0 : i32
      %dma_start3A_310 = tpu.memref_slice %arg17[%add3A_7, %dma_start3A_309] : memref<10112x16xf32, #tpu.memory_space<vmem_shared>> -> memref<158x16xf32, #tpu.memory_space<vmem_shared>>
      tpu.enqueue_dma source(%arg16 : memref<158x16xf32, #tpu.memory_space<vmem>>) target(%dma_start3A_310 : memref<158x16xf32, #tpu.memory_space<vmem_shared>>) target_semaphore(%run_scoped3A : memref<!tpu.dma_semaphore, #tpu.memory_space<semaphore_mem>>)
      %dma_wait3A_311 = arith.constant 0 : i32
      %dma_wait3A_312 = tpu.memref_slice %arg17[%add3A_7, %dma_wait3A_311] : memref<10112x16xf32, #tpu.memory_space<vmem_shared>> -> memref<158x16xf32, #tpu.memory_space<vmem_shared>>
      %dma_wait3A_313 = arith.constant 0 : i32
      %dma_wait3A_314 = tpu.memref_slice %arg17[%add3A_7, %dma_wait3A_313] : memref<10112x16xf32, #tpu.memory_space<vmem_shared>> -> memref<158x16xf32, #tpu.memory_space<vmem_shared>>
      tpu.wait_dma2 semaphore(%run_scoped3A : memref<!tpu.dma_semaphore, #tpu.memory_space<semaphore_mem>>) src(%arg16 : memref<158x16xf32, #tpu.memory_space<vmem>>) dst(%dma_wait3A_314 : memref<158x16xf32, #tpu.memory_space<vmem_shared>>)
      tpu.yield
    }) : () -> ()
    %mul3A_8 = arith.constant 632 : i32
    %mul3A_9 = arith.muli %arg1, %mul3A_8 : i32
    %add3A_10 = arith.constant 158 : i32
    %add3A_11 = arith.addi %mul3A_9, %add3A_10 : i32
    "tpu.region"() ({
      %run_scoped3A = tpu.sem_alloc : memref<!tpu.dma_semaphore, #tpu.memory_space<semaphore_mem>>
      %dma_start3A_307 = arith.constant 0 : i32
      %dma_start3A_308 = tpu.memref_slice %arg17[%add3A_11, %dma_start3A_307] : memref<10112x16xf32, #tpu.memory_space<vmem_shared>> -> memref<158x16xf32, #tpu.memory_space<vmem_shared>>
      %dma_start3A_309 = arith.constant 0 : i32
      %dma_start3A_310 = tpu.memref_slice %arg17[%add3A_11, %dma_start3A_309] : memref<10112x16xf32, #tpu.memory_space<vmem_shared>> -> memref<158x16xf32, #tpu.memory_space<vmem_shared>>
      tpu.enqueue_dma source(%arg16 : memref<158x16xf32, #tpu.memory_space<vmem>>) target(%dma_start3A_310 : memref<158x16xf32, #tpu.memory_space<vmem_shared>>) target_semaphore(%run_scoped3A : memref<!tpu.dma_semaphore, #tpu.memory_space<semaphore_mem>>)
      %dma_wait3A_311 = arith.constant 0 : i32
      %dma_wait3A_312 = tpu.memref_slice %arg17[%add3A_11, %dma_wait3A_311] : memref<10112x16xf32, #tpu.memory_space<vmem_shared>> -> memref<158x16xf32, #tpu.memory_space<vmem_shared>>
      %dma_wait3A_313 = arith.constant 0 : i32
      %dma_wait3A_314 = tpu.memref_slice %arg17[%add3A_11, %dma_wait3A_313] : memref<10112x16xf32, #tpu.memory_space<vmem_shared>> -> memref<158x16xf32, #tpu.memory_space<vmem_shared>>
      tpu.wait_dma2 semaphore(%run_scoped3A : memref<!tpu.dma_semaphore, #tpu.memory_space<semaphore_mem>>) src(%arg16 : memref<158x16xf32, #tpu.memory_space<vmem>>) dst(%dma_wait3A_314 : memref<158x16xf32, #tpu.memory_space<vmem_shared>>)
      tpu.yield
    }) : () -> ()
    %mul3A_12 = arith.constant 632 : i32
    %mul3A_13 = arith.muli %arg1, %mul3A_12 : i32
    %add3A_14 = arith.constant 316 : i32
    %add3A_15 = arith.addi %mul3A_13, %add3A_14 : i32
    "tpu.region"() ({
      %run_scoped3A = tpu.sem_alloc : memref<!tpu.dma_semaphore, #tpu.memory_space<semaphore_mem>>
      %dma_start3A_307 = arith.constant 0 : i32
      %dma_start3A_308 = tpu.memref_slice %arg17[%add3A_15, %dma_start3A_307] : memref<10112x16xf32, #tpu.memory_space<vmem_shared>> -> memref<158x16xf32, #tpu.memory_space<vmem_shared>>
      %dma_start3A_309 = arith.constant 0 : i32
      %dma_start3A_310 = tpu.memref_slice %arg17[%add3A_15, %dma_start3A_309] : memref<10112x16xf32, #tpu.memory_space<vmem_shared>> -> memref<158x16xf32, #tpu.memory_space<vmem_shared>>
      tpu.enqueue_dma source(%arg16 : memref<158x16xf32, #tpu.memory_space<vmem>>) target(%dma_start3A_310 : memref<158x16xf32, #tpu.memory_space<vmem_shared>>) target_semaphore(%run_scoped3A : memref<!tpu.dma_semaphore, #tpu.memory_space<semaphore_mem>>)
      %dma_wait3A_311 = arith.constant 0 : i32
      %dma_wait3A_312 = tpu.memref_slice %arg17[%add3A_15, %dma_wait3A_311] : memref<10112x16xf32, #tpu.memory_space<vmem_shared>> -> memref<158x16xf32, #tpu.memory_space<vmem_shared>>
      %dma_wait3A_313 = arith.constant 0 : i32
      %dma_wait3A_314 = tpu.memref_slice %arg17[%add3A_15, %dma_wait3A_313] : memref<10112x16xf32, #tpu.memory_space<vmem_shared>> -> memref<158x16xf32, #tpu.memory_space<vmem_shared>>
      tpu.wait_dma2 semaphore(%run_scoped3A : memref<!tpu.dma_semaphore, #tpu.memory_space<semaphore_mem>>) src(%arg16 : memref<158x16xf32, #tpu.memory_space<vmem>>) dst(%dma_wait3A_314 : memref<158x16xf32, #tpu.memory_space<vmem_shared>>)
      tpu.yield
    }) : () -> ()
    %mul3A_16 = arith.constant 632 : i32
    %mul3A_17 = arith.muli %arg1, %mul3A_16 : i32
    %add3A_18 = arith.constant 474 : i32
    %add3A_19 = arith.addi %mul3A_17, %add3A_18 : i32
    "tpu.region"() ({
      %run_scoped3A = tpu.sem_alloc : memref<!tpu.dma_semaphore, #tpu.memory_space<semaphore_mem>>
      %dma_start3A_307 = arith.constant 0 : i32
      %dma_start3A_308 = tpu.memref_slice %arg17[%add3A_19, %dma_start3A_307] : memref<10112x16xf32, #tpu.memory_space<vmem_shared>> -> memref<158x16xf32, #tpu.memory_space<vmem_shared>>
      %dma_start3A_309 = arith.constant 0 : i32
      %dma_start3A_310 = tpu.memref_slice %arg17[%add3A_19, %dma_start3A_309] : memref<10112x16xf32, #tpu.memory_space<vmem_shared>> -> memref<158x16xf32, #tpu.memory_space<vmem_shared>>
      tpu.enqueue_dma source(%arg16 : memref<158x16xf32, #tpu.memory_space<vmem>>) target(%dma_start3A_310 : memref<158x16xf32, #tpu.memory_space<vmem_shared>>) target_semaphore(%run_scoped3A : memref<!tpu.dma_semaphore, #tpu.memory_space<semaphore_mem>>)
      %dma_wait3A_311 = arith.constant 0 : i32
      %dma_wait3A_312 = tpu.memref_slice %arg17[%add3A_19, %dma_wait3A_311] : memref<10112x16xf32, #tpu.memory_space<vmem_shared>> -> memref<158x16xf32, #tpu.memory_space<vmem_shared>>
      %dma_wait3A_313 = arith.constant 0 : i32
      %dma_wait3A_314 = tpu.memref_slice %arg17[%add3A_19, %dma_wait3A_313] : memref<10112x16xf32, #tpu.memory_space<vmem_shared>> -> memref<158x16xf32, #tpu.memory_space<vmem_shared>>
      tpu.wait_dma2 semaphore(%run_scoped3A : memref<!tpu.dma_semaphore, #tpu.memory_space<semaphore_mem>>) src(%arg16 : memref<158x16xf32, #tpu.memory_space<vmem>>) dst(%dma_wait3A_314 : memref<158x16xf32, #tpu.memory_space<vmem_shared>>)
      tpu.yield
    }) : () -> ()
    %barrier3A = arith.constant 0 : index
    tpu.barrier barrier_id(%barrier3A)
    %mul3A_20 = arith.constant 2 : i32
    %mul3A_21 = arith.muli %mul3A_20, %arg1 : i32
    %mul3A_22 = arith.constant 42 : i32
    %mul3A_23 = arith.muli %mul3A_21, %mul3A_22 : i32
    %add3A_24 = arith.addi %mul3A_23, %arg0 : i32
    %dma_start3A = arith.constant 0 : i32
    %dma_start3A_25 = arith.constant 0 : i32
    %dma_start3A_26 = tpu.memref_slice %arg2[%add3A_24, %dma_start3A, %dma_start3A_25] : memref<1350x2x128xi32, #tpu.memory_space<hbm>> -> memref<1x2x128xi32, #tpu.memory_space<hbm>>
    %dma_start3A_27 = tpu.memref_squeeze %dma_start3A_26 : memref<1x2x128xi32, #tpu.memory_space<hbm>> -> memref<2x128xi32, #tpu.memory_space<hbm>>
    %dma_start3A_28 = arith.constant 0 : i32
    %dma_start3A_29 = arith.constant 0 : i32
    %dma_start3A_30 = tpu.memref_slice %arg2[%add3A_24, %dma_start3A_28, %dma_start3A_29] : memref<1350x2x128xi32, #tpu.memory_space<hbm>> -> memref<1x2x128xi32, #tpu.memory_space<hbm>>
    %dma_start3A_31 = tpu.memref_squeeze %dma_start3A_30 : memref<1x2x128xi32, #tpu.memory_space<hbm>> -> memref<2x128xi32, #tpu.memory_space<hbm>>
    tpu.enqueue_dma source(%dma_start3A_31 : memref<2x128xi32, #tpu.memory_space<hbm>>) target(%arg6 : memref<2x128xi32, #tpu.memory_space<vmem>>) target_semaphore(%arg18 : memref<!tpu.dma_semaphore, #tpu.memory_space<semaphore_mem>>)
    %add3A_32 = arith.constant 2 : i32
    %add3A_33 = arith.addi %add3A_24, %add3A_32 : i32
    %dma_start3A_34 = arith.constant 0 : i32
    %dma_start3A_35 = arith.constant 0 : i32
    %dma_start3A_36 = tpu.memref_slice %arg2[%add3A_33, %dma_start3A_34, %dma_start3A_35] : memref<1350x2x128xi32, #tpu.memory_space<hbm>> -> memref<1x2x128xi32, #tpu.memory_space<hbm>>
    %dma_start3A_37 = tpu.memref_squeeze %dma_start3A_36 : memref<1x2x128xi32, #tpu.memory_space<hbm>> -> memref<2x128xi32, #tpu.memory_space<hbm>>
    %dma_start3A_38 = arith.constant 0 : i32
    %dma_start3A_39 = arith.constant 0 : i32
    %dma_start3A_40 = tpu.memref_slice %arg2[%add3A_33, %dma_start3A_38, %dma_start3A_39] : memref<1350x2x128xi32, #tpu.memory_space<hbm>> -> memref<1x2x128xi32, #tpu.memory_space<hbm>>
    %dma_start3A_41 = tpu.memref_squeeze %dma_start3A_40 : memref<1x2x128xi32, #tpu.memory_space<hbm>> -> memref<2x128xi32, #tpu.memory_space<hbm>>
    tpu.enqueue_dma source(%dma_start3A_41 : memref<2x128xi32, #tpu.memory_space<hbm>>) target(%arg7 : memref<2x128xi32, #tpu.memory_space<vmem>>) target_semaphore(%arg19 : memref<!tpu.dma_semaphore, #tpu.memory_space<semaphore_mem>>)
    %dma_wait3A = arith.constant 0 : i32
    %dma_wait3A_42 = arith.constant 0 : i32
    %dma_wait3A_43 = tpu.memref_slice %arg2[%add3A_24, %dma_wait3A, %dma_wait3A_42] : memref<1350x2x128xi32, #tpu.memory_space<hbm>> -> memref<1x2x128xi32, #tpu.memory_space<hbm>>
    %dma_wait3A_44 = tpu.memref_squeeze %dma_wait3A_43 : memref<1x2x128xi32, #tpu.memory_space<hbm>> -> memref<2x128xi32, #tpu.memory_space<hbm>>
    %dma_wait3A_45 = arith.constant 0 : i32
    %dma_wait3A_46 = arith.constant 0 : i32
    %dma_wait3A_47 = tpu.memref_slice %arg2[%add3A_24, %dma_wait3A_45, %dma_wait3A_46] : memref<1350x2x128xi32, #tpu.memory_space<hbm>> -> memref<1x2x128xi32, #tpu.memory_space<hbm>>
    %dma_wait3A_48 = tpu.memref_squeeze %dma_wait3A_47 : memref<1x2x128xi32, #tpu.memory_space<hbm>> -> memref<2x128xi32, #tpu.memory_space<hbm>>
    tpu.wait_dma2 semaphore(%arg18 : memref<!tpu.dma_semaphore, #tpu.memory_space<semaphore_mem>>) src(%dma_wait3A_48 : memref<2x128xi32, #tpu.memory_space<hbm>>) dst(%arg6 : memref<2x128xi32, #tpu.memory_space<vmem>>)
    %dma_start3A_49 = arith.constant 0 : i32
    %dma_start3A_50 = arith.constant 0 : i32
    %dma_start3A_51 = tpu.memref_slice %arg6[%dma_start3A_49, %dma_start3A_50] : memref<2x128xi32, #tpu.memory_space<vmem>> -> memref<1x128xi32, #tpu.memory_space<vmem>>
    %dma_start3A_52 = tpu.memref_squeeze %dma_start3A_51 : memref<1x128xi32, #tpu.memory_space<vmem>> -> memref<128xi32, #tpu.memory_space<vmem>>
    %dma_start3A_53 = arith.constant 0 : i32
    %dma_start3A_54 = arith.constant 0 : i32
    %dma_start3A_55 = tpu.memref_slice %arg3[%dma_start3A_53, %dma_start3A_54] : memref<10000x16xf32, #tpu.memory_space<hbm>> -> memref<10000x16xf32, #tpu.memory_space<hbm>>
    tpu.enqueue_indirect_dma source(%dma_start3A_55 : memref<10000x16xf32, #tpu.memory_space<hbm>>) target(%arg10 : memref<128x16xf32, #tpu.memory_space<vmem>>) offsets(%dma_start3A_52 : memref<128xi32, #tpu.memory_space<vmem>>) semaphore(%arg20 : memref<!tpu.dma_semaphore, #tpu.memory_space<semaphore_mem>>)
    %dma_start3A_56 = arith.constant 1 : i32
    %dma_start3A_57 = arith.constant 0 : i32
    %dma_start3A_58 = tpu.memref_slice %arg6[%dma_start3A_56, %dma_start3A_57] : memref<2x128xi32, #tpu.memory_space<vmem>> -> memref<1x128xi32, #tpu.memory_space<vmem>>
    %dma_start3A_59 = tpu.memref_squeeze %dma_start3A_58 : memref<1x128xi32, #tpu.memory_space<vmem>> -> memref<128xi32, #tpu.memory_space<vmem>>
    %dma_start3A_60 = arith.constant 0 : i32
    %dma_start3A_61 = arith.constant 0 : i32
    %dma_start3A_62 = tpu.memref_slice %arg4[%dma_start3A_60, %dma_start3A_61] : memref<10000x16xf32, #tpu.memory_space<hbm>> -> memref<10000x16xf32, #tpu.memory_space<hbm>>
    tpu.enqueue_indirect_dma source(%dma_start3A_62 : memref<10000x16xf32, #tpu.memory_space<hbm>>) target(%arg12 : memref<128x16xf32, #tpu.memory_space<vmem>>) offsets(%dma_start3A_59 : memref<128xi32, #tpu.memory_space<vmem>>) semaphore(%arg22 : memref<!tpu.dma_semaphore, #tpu.memory_space<semaphore_mem>>)
    %add3A_63 = arith.constant 2 : i32
    %add3A_64 = arith.addi %add3A_24, %add3A_63 : i32
    %dma_wait3A_65 = arith.constant 0 : i32
    %dma_wait3A_66 = arith.constant 0 : i32
    %dma_wait3A_67 = tpu.memref_slice %arg2[%add3A_64, %dma_wait3A_65, %dma_wait3A_66] : memref<1350x2x128xi32, #tpu.memory_space<hbm>> -> memref<1x2x128xi32, #tpu.memory_space<hbm>>
    %dma_wait3A_68 = tpu.memref_squeeze %dma_wait3A_67 : memref<1x2x128xi32, #tpu.memory_space<hbm>> -> memref<2x128xi32, #tpu.memory_space<hbm>>
    %dma_wait3A_69 = arith.constant 0 : i32
    %dma_wait3A_70 = arith.constant 0 : i32
    %dma_wait3A_71 = tpu.memref_slice %arg2[%add3A_64, %dma_wait3A_69, %dma_wait3A_70] : memref<1350x2x128xi32, #tpu.memory_space<hbm>> -> memref<1x2x128xi32, #tpu.memory_space<hbm>>
    %dma_wait3A_72 = tpu.memref_squeeze %dma_wait3A_71 : memref<1x2x128xi32, #tpu.memory_space<hbm>> -> memref<2x128xi32, #tpu.memory_space<hbm>>
    tpu.wait_dma2 semaphore(%arg19 : memref<!tpu.dma_semaphore, #tpu.memory_space<semaphore_mem>>) src(%dma_wait3A_72 : memref<2x128xi32, #tpu.memory_space<hbm>>) dst(%arg7 : memref<2x128xi32, #tpu.memory_space<vmem>>)
    %dma_start3A_73 = arith.constant 0 : i32
    %dma_start3A_74 = arith.constant 0 : i32
    %dma_start3A_75 = tpu.memref_slice %arg7[%dma_start3A_73, %dma_start3A_74] : memref<2x128xi32, #tpu.memory_space<vmem>> -> memref<1x128xi32, #tpu.memory_space<vmem>>
    %dma_start3A_76 = tpu.memref_squeeze %dma_start3A_75 : memref<1x128xi32, #tpu.memory_space<vmem>> -> memref<128xi32, #tpu.memory_space<vmem>>
    %dma_start3A_77 = arith.constant 0 : i32
    %dma_start3A_78 = arith.constant 0 : i32
    %dma_start3A_79 = tpu.memref_slice %arg3[%dma_start3A_77, %dma_start3A_78] : memref<10000x16xf32, #tpu.memory_space<hbm>> -> memref<10000x16xf32, #tpu.memory_space<hbm>>
    tpu.enqueue_indirect_dma source(%dma_start3A_79 : memref<10000x16xf32, #tpu.memory_space<hbm>>) target(%arg11 : memref<128x16xf32, #tpu.memory_space<vmem>>) offsets(%dma_start3A_76 : memref<128xi32, #tpu.memory_space<vmem>>) semaphore(%arg21 : memref<!tpu.dma_semaphore, #tpu.memory_space<semaphore_mem>>)
    %dma_start3A_80 = arith.constant 1 : i32
    %dma_start3A_81 = arith.constant 0 : i32
    %dma_start3A_82 = tpu.memref_slice %arg7[%dma_start3A_80, %dma_start3A_81] : memref<2x128xi32, #tpu.memory_space<vmem>> -> memref<1x128xi32, #tpu.memory_space<vmem>>
    %dma_start3A_83 = tpu.memref_squeeze %dma_start3A_82 : memref<1x128xi32, #tpu.memory_space<vmem>> -> memref<128xi32, #tpu.memory_space<vmem>>
    %dma_start3A_84 = arith.constant 0 : i32
    %dma_start3A_85 = arith.constant 0 : i32
    %dma_start3A_86 = tpu.memref_slice %arg4[%dma_start3A_84, %dma_start3A_85] : memref<10000x16xf32, #tpu.memory_space<hbm>> -> memref<10000x16xf32, #tpu.memory_space<hbm>>
    tpu.enqueue_indirect_dma source(%dma_start3A_86 : memref<10000x16xf32, #tpu.memory_space<hbm>>) target(%arg13 : memref<128x16xf32, #tpu.memory_space<vmem>>) offsets(%dma_start3A_83 : memref<128xi32, #tpu.memory_space<vmem>>) semaphore(%arg23 : memref<!tpu.dma_semaphore, #tpu.memory_space<semaphore_mem>>)
    %dma_wait3A_87 = arith.constant 0 : i32
    %dma_wait3A_88 = arith.constant 0 : i32
    %dma_wait3A_89 = tpu.memref_slice %arg6[%dma_wait3A_87, %dma_wait3A_88] : memref<2x128xi32, #tpu.memory_space<vmem>> -> memref<1x128xi32, #tpu.memory_space<vmem>>
    %dma_wait3A_90 = tpu.memref_squeeze %dma_wait3A_89 : memref<1x128xi32, #tpu.memory_space<vmem>> -> memref<128xi32, #tpu.memory_space<vmem>>
    %dma_wait3A_91 = arith.constant 0 : i32
    %dma_wait3A_92 = arith.constant 0 : i32
    %dma_wait3A_93 = tpu.memref_slice %arg3[%dma_wait3A_91, %dma_wait3A_92] : memref<10000x16xf32, #tpu.memory_space<hbm>> -> memref<10000x16xf32, #tpu.memory_space<hbm>>
    tpu.wait_indirect_dma semaphore(%arg20 : memref<!tpu.dma_semaphore, #tpu.memory_space<semaphore_mem>>) src(%dma_wait3A_93 : memref<10000x16xf32, #tpu.memory_space<hbm>>) dst(%arg10 : memref<128x16xf32, #tpu.memory_space<vmem>>)
    %dma_wait3A_94 = arith.constant 1 : i32
    %dma_wait3A_95 = arith.constant 0 : i32
    %dma_wait3A_96 = tpu.memref_slice %arg6[%dma_wait3A_94, %dma_wait3A_95] : memref<2x128xi32, #tpu.memory_space<vmem>> -> memref<1x128xi32, #tpu.memory_space<vmem>>
    %dma_wait3A_97 = tpu.memref_squeeze %dma_wait3A_96 : memref<1x128xi32, #tpu.memory_space<vmem>> -> memref<128xi32, #tpu.memory_space<vmem>>
    %dma_wait3A_98 = arith.constant 0 : i32
    %dma_wait3A_99 = arith.constant 0 : i32
    %dma_wait3A_100 = tpu.memref_slice %arg4[%dma_wait3A_98, %dma_wait3A_99] : memref<10000x16xf32, #tpu.memory_space<hbm>> -> memref<10000x16xf32, #tpu.memory_space<hbm>>
    tpu.wait_indirect_dma semaphore(%arg22 : memref<!tpu.dma_semaphore, #tpu.memory_space<semaphore_mem>>) src(%dma_wait3A_100 : memref<10000x16xf32, #tpu.memory_space<hbm>>) dst(%arg12 : memref<128x16xf32, #tpu.memory_space<vmem>>)
    %get3A = arith.constant 1 : i32
    %get3A_101 = arith.index_cast %get3A : i32 to index
    %get3A_102 = arith.constant 0 : index
    %get3A_103 = tpu.vector_load %arg6[%get3A_101, %get3A_102] {strides = array<i32>} : memref<2x128xi32, #tpu.memory_space<vmem>>, vector<16xi32>,
    %swap3A = arith.constant 0 : index
    %swap3A_104 = tpu.vector_load %arg8[%swap3A] {strides = array<i32>} : memref<128xi32, #tpu.memory_space<vmem>>, vector<16xi32>,
    tpu.vector_store %arg8[%swap3A], %get3A_103 {strides = array<i32>} : memref<128xi32, #tpu.memory_space<vmem>>, vector<16xi32>,
    %get3A_105 = arith.constant 1 : i32
    %get3A_106 = arith.index_cast %get3A_105 : i32 to index
    %get3A_107 = arith.constant 16 : index
    %get3A_108 = tpu.vector_load %arg6[%get3A_106, %get3A_107] {strides = array<i32>} : memref<2x128xi32, #tpu.memory_space<vmem>>, vector<16xi32>,
    %swap3A_109 = arith.constant 16 : index
    %swap3A_110 = tpu.vector_load %arg8[%swap3A_109] {strides = array<i32>} : memref<128xi32, #tpu.memory_space<vmem>>, vector<16xi32>,
    tpu.vector_store %arg8[%swap3A_109], %get3A_108 {strides = array<i32>} : memref<128xi32, #tpu.memory_space<vmem>>, vector<16xi32>,
    %get3A_111 = arith.constant 1 : i32
    %get3A_112 = arith.index_cast %get3A_111 : i32 to index
    %get3A_113 = arith.constant 32 : index
    %get3A_114 = tpu.vector_load %arg6[%get3A_112, %get3A_113] {strides = array<i32>} : memref<2x128xi32, #tpu.memory_space<vmem>>, vector<16xi32>,
    %swap3A_115 = arith.constant 32 : index
    %swap3A_116 = tpu.vector_load %arg8[%swap3A_115] {strides = array<i32>} : memref<128xi32, #tpu.memory_space<vmem>>, vector<16xi32>,
    tpu.vector_store %arg8[%swap3A_115], %get3A_114 {strides = array<i32>} : memref<128xi32, #tpu.memory_space<vmem>>, vector<16xi32>,
    %get3A_117 = arith.constant 1 : i32
    %get3A_118 = arith.index_cast %get3A_117 : i32 to index
    %get3A_119 = arith.constant 48 : index
    %get3A_120 = tpu.vector_load %arg6[%get3A_118, %get3A_119] {strides = array<i32>} : memref<2x128xi32, #tpu.memory_space<vmem>>, vector<16xi32>,
    %swap3A_121 = arith.constant 48 : index
    %swap3A_122 = tpu.vector_load %arg8[%swap3A_121] {strides = array<i32>} : memref<128xi32, #tpu.memory_space<vmem>>, vector<16xi32>,
    tpu.vector_store %arg8[%swap3A_121], %get3A_120 {strides = array<i32>} : memref<128xi32, #tpu.memory_space<vmem>>, vector<16xi32>,
    %get3A_123 = arith.constant 1 : i32
    %get3A_124 = arith.index_cast %get3A_123 : i32 to index
    %get3A_125 = arith.constant 64 : index
    %get3A_126 = tpu.vector_load %arg6[%get3A_124, %get3A_125] {strides = array<i32>} : memref<2x128xi32, #tpu.memory_space<vmem>>, vector<16xi32>,
    %swap3A_127 = arith.constant 64 : index
    %swap3A_128 = tpu.vector_load %arg8[%swap3A_127] {strides = array<i32>} : memref<128xi32, #tpu.memory_space<vmem>>, vector<16xi32>,
    tpu.vector_store %arg8[%swap3A_127], %get3A_126 {strides = array<i32>} : memref<128xi32, #tpu.memory_space<vmem>>, vector<16xi32>,
    %get3A_129 = arith.constant 1 : i32
    %get3A_130 = arith.index_cast %get3A_129 : i32 to index
    %get3A_131 = arith.constant 80 : index
    %get3A_132 = tpu.vector_load %arg6[%get3A_130, %get3A_131] {strides = array<i32>} : memref<2x128xi32, #tpu.memory_space<vmem>>, vector<16xi32>,
    %swap3A_133 = arith.constant 80 : index
    %swap3A_134 = tpu.vector_load %arg8[%swap3A_133] {strides = array<i32>} : memref<128xi32, #tpu.memory_space<vmem>>, vector<16xi32>,
    tpu.vector_store %arg8[%swap3A_133], %get3A_132 {strides = array<i32>} : memref<128xi32, #tpu.memory_space<vmem>>, vector<16xi32>,
    %get3A_135 = arith.constant 1 : i32
    %get3A_136 = arith.index_cast %get3A_135 : i32 to index
    %get3A_137 = arith.constant 96 : index
    %get3A_138 = tpu.vector_load %arg6[%get3A_136, %get3A_137] {strides = array<i32>} : memref<2x128xi32, #tpu.memory_space<vmem>>, vector<16xi32>,
    %swap3A_139 = arith.constant 96 : index
    %swap3A_140 = tpu.vector_load %arg8[%swap3A_139] {strides = array<i32>} : memref<128xi32, #tpu.memory_space<vmem>>, vector<16xi32>,
    tpu.vector_store %arg8[%swap3A_139], %get3A_138 {strides = array<i32>} : memref<128xi32, #tpu.memory_space<vmem>>, vector<16xi32>,
    %get3A_141 = arith.constant 1 : i32
    %get3A_142 = arith.index_cast %get3A_141 : i32 to index
    %get3A_143 = arith.constant 112 : index
    %get3A_144 = tpu.vector_load %arg6[%get3A_142, %get3A_143] {strides = array<i32>} : memref<2x128xi32, #tpu.memory_space<vmem>>, vector<16xi32>,
    %swap3A_145 = arith.constant 112 : index
    %swap3A_146 = tpu.vector_load %arg8[%swap3A_145] {strides = array<i32>} : memref<128xi32, #tpu.memory_space<vmem>>, vector<16xi32>,
    tpu.vector_store %arg8[%swap3A_145], %get3A_144 {strides = array<i32>} : memref<128xi32, #tpu.memory_space<vmem>>, vector<16xi32>,
    %add3A_147 = arith.constant 4 : i32
    %add3A_148 = arith.addi %add3A_24, %add3A_147 : i32
    %dma_start3A_149 = arith.constant 0 : i32
    %dma_start3A_150 = arith.constant 0 : i32
    %dma_start3A_151 = tpu.memref_slice %arg2[%add3A_148, %dma_start3A_149, %dma_start3A_150] : memref<1350x2x128xi32, #tpu.memory_space<hbm>> -> memref<1x2x128xi32, #tpu.memory_space<hbm>>
    %dma_start3A_152 = tpu.memref_squeeze %dma_start3A_151 : memref<1x2x128xi32, #tpu.memory_space<hbm>> -> memref<2x128xi32, #tpu.memory_space<hbm>>
    %dma_start3A_153 = arith.constant 0 : i32
    %dma_start3A_154 = arith.constant 0 : i32
    %dma_start3A_155 = tpu.memref_slice %arg2[%add3A_148, %dma_start3A_153, %dma_start3A_154] : memref<1350x2x128xi32, #tpu.memory_space<hbm>> -> memref<1x2x128xi32, #tpu.memory_space<hbm>>
    %dma_start3A_156 = tpu.memref_squeeze %dma_start3A_155 : memref<1x2x128xi32, #tpu.memory_space<hbm>> -> memref<2x128xi32, #tpu.memory_space<hbm>>
    tpu.enqueue_dma source(%dma_start3A_156 : memref<2x128xi32, #tpu.memory_space<hbm>>) target(%arg6 : memref<2x128xi32, #tpu.memory_space<vmem>>) target_semaphore(%arg18 : memref<!tpu.dma_semaphore, #tpu.memory_space<semaphore_mem>>)
    %broadcast_in_dim3A_157 = arith.constant 8 : i32
    %broadcast_in_dim3A_158 = vector.broadcast %broadcast_in_dim3A_157 : i32 to vector<16xi32>
    %parallel_loop3A = arith.constant 0 : i32
    %parallel_loop3A_159 = arith.constant 128 : i32
    %parallel_loop3A_160 = arith.constant 1 : i32
    scf.for %parallel_loop3A_307 = %parallel_loop3A to %parallel_loop3A_159 step %parallel_loop3A_160  : i32 {
      %parallel_loop3A_308 = arith.index_cast %parallel_loop3A_307 : i32 to index
      %parallel_loop3A_309 = arith.constant 0 : index
      %parallel_loop3A_310 = tpu.vector_load %arg10[%parallel_loop3A_308, %parallel_loop3A_309] {strides = array<i32>} : memref<128x16xf32, #tpu.memory_space<vmem>>, vector<16xf32>,
      %parallel_loop3A_311 = arith.index_cast %parallel_loop3A_307 : i32 to index
      %parallel_loop3A_312 = arith.constant 0 : index
      %parallel_loop3A_313 = tpu.vector_load %arg12[%parallel_loop3A_311, %parallel_loop3A_312] {strides = array<i32>} : memref<128x16xf32, #tpu.memory_space<vmem>>, vector<16xf32>,
      %parallel_loop3A_314 = arith.addf %parallel_loop3A_310, %parallel_loop3A_313 : vector<16xf32>
      %parallel_loop3A_315 = arith.constant 0.000000e+00 : f32
      %parallel_loop3A_316 = vector.broadcast %parallel_loop3A_315 : f32 to vector<16xf32>
      %parallel_loop3A_317 = arith.cmpf ogt, %parallel_loop3A_314, %parallel_loop3A_316 : vector<16xf32>
      %parallel_loop3A_318 = arith.constant 2.000000e-01 : f32
      %parallel_loop3A_319 = vector.broadcast %parallel_loop3A_318 : f32 to vector<16xf32>
      %parallel_loop3A_320 = arith.mulf %parallel_loop3A_319, %parallel_loop3A_314 : vector<16xf32>
      %parallel_loop3A_321 = arith.select %parallel_loop3A_317, %parallel_loop3A_314, %parallel_loop3A_320 : vector<16xi1>, vector<16xf32>
      %parallel_loop3A_322 = math.exp %parallel_loop3A_321 : vector<16xf32>
      %parallel_loop3A_323 = arith.constant 0 : i32
      %parallel_loop3A_324 = vector.broadcast %parallel_loop3A_323 : i32 to vector<16xi32>
      %parallel_loop3A_325 = arith.cmpi slt, %broadcast_in_dim3A_158, %parallel_loop3A_324 : vector<16xi32>
      %parallel_loop3A_326 = arith.constant 16 : i32
      %parallel_loop3A_327 = vector.broadcast %parallel_loop3A_326 : i32 to vector<16xi32>
      %parallel_loop3A_328 = arith.addi %broadcast_in_dim3A_158, %parallel_loop3A_327 : vector<16xi32>
      %parallel_loop3A_329 = arith.select %parallel_loop3A_325, %parallel_loop3A_328, %broadcast_in_dim3A_158 : vector<16xi1>, vector<16xi32>
      %parallel_loop3A_330 = vector.shape_cast %parallel_loop3A_329 : vector<16xi32> to vector<16x1xi32>
      %parallel_loop3A_331 = vector.shape_cast %parallel_loop3A_330 : vector<16x1xi32> to vector<16xi32>
      %parallel_loop3A_332 = tpu.dynamic_gather %parallel_loop3A_322[%parallel_loop3A_331] in [0] : vector<16xf32>, vector<16xi32> -> vector<16xf32>
      %parallel_loop3A_333 = arith.mulf %parallel_loop3A_310, %parallel_loop3A_332 : vector<16xf32>
      %parallel_loop3A_334 = arith.index_cast %parallel_loop3A_307 : i32 to index
      %parallel_loop3A_335 = arith.constant 0 : index
      %parallel_loop3A_336 = tpu.vector_load %arg14[%parallel_loop3A_334, %parallel_loop3A_335] {strides = array<i32>} : memref<128x16xf32, #tpu.memory_space<vmem>>, vector<16xf32>,
      tpu.vector_store %arg14[%parallel_loop3A_334, %parallel_loop3A_335], %parallel_loop3A_333 {strides = array<i32>} : memref<128x16xf32, #tpu.memory_space<vmem>>, vector<16xf32>,
    } {sc.loop_unroll_factor = 4 : i64, sc.parallel_access}
    %dma_start3A_161 = arith.constant 0 : i32
    %dma_start3A_162 = arith.constant 0 : i32
    %dma_start3A_163 = tpu.memref_slice %arg17[%dma_start3A_161, %dma_start3A_162] : memref<10112x16xf32, #tpu.memory_space<vmem_shared>> -> memref<10112x16xf32, #tpu.memory_space<vmem_shared>>
    tpu.enqueue_indirect_dma source(%arg14 : memref<128x16xf32, #tpu.memory_space<vmem>>) target(%dma_start3A_163 : memref<10112x16xf32, #tpu.memory_space<vmem_shared>>) offsets(%arg8 : memref<128xi32, #tpu.memory_space<vmem>>) semaphore(%arg24 : memref<!tpu.dma_semaphore, #tpu.memory_space<semaphore_mem>>) {add = true}
    %add3A_164 = arith.constant 4 : i32
    %add3A_165 = arith.addi %add3A_24, %add3A_164 : i32
    %dma_wait3A_166 = arith.constant 0 : i32
    %dma_wait3A_167 = arith.constant 0 : i32
    %dma_wait3A_168 = tpu.memref_slice %arg2[%add3A_165, %dma_wait3A_166, %dma_wait3A_167] : memref<1350x2x128xi32, #tpu.memory_space<hbm>> -> memref<1x2x128xi32, #tpu.memory_space<hbm>>
    %dma_wait3A_169 = tpu.memref_squeeze %dma_wait3A_168 : memref<1x2x128xi32, #tpu.memory_space<hbm>> -> memref<2x128xi32, #tpu.memory_space<hbm>>
    %dma_wait3A_170 = arith.constant 0 : i32
    %dma_wait3A_171 = arith.constant 0 : i32
    %dma_wait3A_172 = tpu.memref_slice %arg2[%add3A_165, %dma_wait3A_170, %dma_wait3A_171] : memref<1350x2x128xi32, #tpu.memory_space<hbm>> -> memref<1x2x128xi32, #tpu.memory_space<hbm>>
    %dma_wait3A_173 = tpu.memref_squeeze %dma_wait3A_172 : memref<1x2x128xi32, #tpu.memory_space<hbm>> -> memref<2x128xi32, #tpu.memory_space<hbm>>
    tpu.wait_dma2 semaphore(%arg18 : memref<!tpu.dma_semaphore, #tpu.memory_space<semaphore_mem>>) src(%dma_wait3A_173 : memref<2x128xi32, #tpu.memory_space<hbm>>) dst(%arg6 : memref<2x128xi32, #tpu.memory_space<vmem>>)
    %dma_start3A_174 = arith.constant 0 : i32
    %dma_start3A_175 = arith.constant 0 : i32
    %dma_start3A_176 = tpu.memref_slice %arg6[%dma_start3A_174, %dma_start3A_175] : memref<2x128xi32, #tpu.memory_space<vmem>> -> memref<1x128xi32, #tpu.memory_space<vmem>>
    %dma_start3A_177 = tpu.memref_squeeze %dma_start3A_176 : memref<1x128xi32, #tpu.memory_space<vmem>> -> memref<128xi32, #tpu.memory_space<vmem>>
    %dma_start3A_178 = arith.constant 0 : i32
    %dma_start3A_179 = arith.constant 0 : i32
    %dma_start3A_180 = tpu.memref_slice %arg3[%dma_start3A_178, %dma_start3A_179] : memref<10000x16xf32, #tpu.memory_space<hbm>> -> memref<10000x16xf32, #tpu.memory_space<hbm>>
    tpu.enqueue_indirect_dma source(%dma_start3A_180 : memref<10000x16xf32, #tpu.memory_space<hbm>>) target(%arg10 : memref<128x16xf32, #tpu.memory_space<vmem>>) offsets(%dma_start3A_177 : memref<128xi32, #tpu.memory_space<vmem>>) semaphore(%arg20 : memref<!tpu.dma_semaphore, #tpu.memory_space<semaphore_mem>>)
    %dma_start3A_181 = arith.constant 1 : i32
    %dma_start3A_182 = arith.constant 0 : i32
    %dma_start3A_183 = tpu.memref_slice %arg6[%dma_start3A_181, %dma_start3A_182] : memref<2x128xi32, #tpu.memory_space<vmem>> -> memref<1x128xi32, #tpu.memory_space<vmem>>
    %dma_start3A_184 = tpu.memref_squeeze %dma_start3A_183 : memref<1x128xi32, #tpu.memory_space<vmem>> -> memref<128xi32, #tpu.memory_space<vmem>>
    %dma_start3A_185 = arith.constant 0 : i32
    %dma_start3A_186 = arith.constant 0 : i32
    %dma_start3A_187 = tpu.memref_slice %arg4[%dma_start3A_185, %dma_start3A_186] : memref<10000x16xf32, #tpu.memory_space<hbm>> -> memref<10000x16xf32, #tpu.memory_space<hbm>>
    tpu.enqueue_indirect_dma source(%dma_start3A_187 : memref<10000x16xf32, #tpu.memory_space<hbm>>) target(%arg12 : memref<128x16xf32, #tpu.memory_space<vmem>>) offsets(%dma_start3A_184 : memref<128xi32, #tpu.memory_space<vmem>>) semaphore(%arg22 : memref<!tpu.dma_semaphore, #tpu.memory_space<semaphore_mem>>)
    %dma_wait3A_188 = arith.constant 0 : i32
    %dma_wait3A_189 = arith.constant 0 : i32
    %dma_wait3A_190 = tpu.memref_slice %arg7[%dma_wait3A_188, %dma_wait3A_189] : memref<2x128xi32, #tpu.memory_space<vmem>> -> memref<1x128xi32, #tpu.memory_space<vmem>>
    %dma_wait3A_191 = tpu.memref_squeeze %dma_wait3A_190 : memref<1x128xi32, #tpu.memory_space<vmem>> -> memref<128xi32, #tpu.memory_space<vmem>>
    %dma_wait3A_192 = arith.constant 0 : i32
    %dma_wait3A_193 = arith.constant 0 : i32
    %dma_wait3A_194 = tpu.memref_slice %arg3[%dma_wait3A_192, %dma_wait3A_193] : memref<10000x16xf32, #tpu.memory_space<hbm>> -> memref<10000x16xf32, #tpu.memory_space<hbm>>
    tpu.wait_indirect_dma semaphore(%arg21 : memref<!tpu.dma_semaphore, #tpu.memory_space<semaphore_mem>>) src(%dma_wait3A_194 : memref<10000x16xf32, #tpu.memory_space<hbm>>) dst(%arg11 : memref<128x16xf32, #tpu.memory_space<vmem>>)
    %dma_wait3A_195 = arith.constant 1 : i32
    %dma_wait3A_196 = arith.constant 0 : i32
    %dma_wait3A_197 = tpu.memref_slice %arg7[%dma_wait3A_195, %dma_wait3A_196] : memref<2x128xi32, #tpu.memory_space<vmem>> -> memref<1x128xi32, #tpu.memory_space<vmem>>
    %dma_wait3A_198 = tpu.memref_squeeze %dma_wait3A_197 : memref<1x128xi32, #tpu.memory_space<vmem>> -> memref<128xi32, #tpu.memory_space<vmem>>
    %dma_wait3A_199 = arith.constant 0 : i32
    %dma_wait3A_200 = arith.constant 0 : i32
    %dma_wait3A_201 = tpu.memref_slice %arg4[%dma_wait3A_199, %dma_wait3A_200] : memref<10000x16xf32, #tpu.memory_space<hbm>> -> memref<10000x16xf32, #tpu.memory_space<hbm>>
    tpu.wait_indirect_dma semaphore(%arg23 : memref<!tpu.dma_semaphore, #tpu.memory_space<semaphore_mem>>) src(%dma_wait3A_201 : memref<10000x16xf32, #tpu.memory_space<hbm>>) dst(%arg13 : memref<128x16xf32, #tpu.memory_space<vmem>>)
    %get3A_202 = arith.constant 1 : i32
    %get3A_203 = arith.index_cast %get3A_202 : i32 to index
    %get3A_204 = arith.constant 0 : index
    %get3A_205 = tpu.vector_load %arg7[%get3A_203, %get3A_204] {strides = array<i32>} : memref<2x128xi32, #tpu.memory_space<vmem>>, vector<16xi32>,
    %swap3A_206 = arith.constant 0 : index
    %swap3A_207 = tpu.vector_load %arg9[%swap3A_206] {strides = array<i32>} : memref<128xi32, #tpu.memory_space<vmem>>, vector<16xi32>,
    tpu.vector_store %arg9[%swap3A_206], %get3A_205 {strides = array<i32>} : memref<128xi32, #tpu.memory_space<vmem>>, vector<16xi32>,
    %get3A_208 = arith.constant 1 : i32
    %get3A_209 = arith.index_cast %get3A_208 : i32 to index
    %get3A_210 = arith.constant 16 : index
    %get3A_211 = tpu.vector_load %arg7[%get3A_209, %get3A_210] {strides = array<i32>} : memref<2x128xi32, #tpu.memory_space<vmem>>, vector<16xi32>,
    %swap3A_212 = arith.constant 16 : index
    %swap3A_213 = tpu.vector_load %arg9[%swap3A_212] {strides = array<i32>} : memref<128xi32, #tpu.memory_space<vmem>>, vector<16xi32>,
    tpu.vector_store %arg9[%swap3A_212], %get3A_211 {strides = array<i32>} : memref<128xi32, #tpu.memory_space<vmem>>, vector<16xi32>,
    %get3A_214 = arith.constant 1 : i32
    %get3A_215 = arith.index_cast %get3A_214 : i32 to index
    %get3A_216 = arith.constant 32 : index
    %get3A_217 = tpu.vector_load %arg7[%get3A_215, %get3A_216] {strides = array<i32>} : memref<2x128xi32, #tpu.memory_space<vmem>>, vector<16xi32>,
    %swap3A_218 = arith.constant 32 : index
    %swap3A_219 = tpu.vector_load %arg9[%swap3A_218] {strides = array<i32>} : memref<128xi32, #tpu.memory_space<vmem>>, vector<16xi32>,
    tpu.vector_store %arg9[%swap3A_218], %get3A_217 {strides = array<i32>} : memref<128xi32, #tpu.memory_space<vmem>>, vector<16xi32>,
    %get3A_220 = arith.constant 1 : i32
    %get3A_221 = arith.index_cast %get3A_220 : i32 to index
    %get3A_222 = arith.constant 48 : index
    %get3A_223 = tpu.vector_load %arg7[%get3A_221, %get3A_222] {strides = array<i32>} : memref<2x128xi32, #tpu.memory_space<vmem>>, vector<16xi32>,
    %swap3A_224 = arith.constant 48 : index
    %swap3A_225 = tpu.vector_load %arg9[%swap3A_224] {strides = array<i32>} : memref<128xi32, #tpu.memory_space<vmem>>, vector<16xi32>,
    tpu.vector_store %arg9[%swap3A_224], %get3A_223 {strides = array<i32>} : memref<128xi32, #tpu.memory_space<vmem>>, vector<16xi32>,
    %get3A_226 = arith.constant 1 : i32
    %get3A_227 = arith.index_cast %get3A_226 : i32 to index
    %get3A_228 = arith.constant 64 : index
    %get3A_229 = tpu.vector_load %arg7[%get3A_227, %get3A_228] {strides = array<i32>} : memref<2x128xi32, #tpu.memory_space<vmem>>, vector<16xi32>,
    %swap3A_230 = arith.constant 64 : index
    %swap3A_231 = tpu.vector_load %arg9[%swap3A_230] {strides = array<i32>} : memref<128xi32, #tpu.memory_space<vmem>>, vector<16xi32>,
    tpu.vector_store %arg9[%swap3A_230], %get3A_229 {strides = array<i32>} : memref<128xi32, #tpu.memory_space<vmem>>, vector<16xi32>,
    %get3A_232 = arith.constant 1 : i32
    %get3A_233 = arith.index_cast %get3A_232 : i32 to index
    %get3A_234 = arith.constant 80 : index
    %get3A_235 = tpu.vector_load %arg7[%get3A_233, %get3A_234] {strides = array<i32>} : memref<2x128xi32, #tpu.memory_space<vmem>>, vector<16xi32>,
    %swap3A_236 = arith.constant 80 : index
    %swap3A_237 = tpu.vector_load %arg9[%swap3A_236] {strides = array<i32>} : memref<128xi32, #tpu.memory_space<vmem>>, vector<16xi32>,
    tpu.vector_store %arg9[%swap3A_236], %get3A_235 {strides = array<i32>} : memref<128xi32, #tpu.memory_space<vmem>>, vector<16xi32>,
    %get3A_238 = arith.constant 1 : i32
    %get3A_239 = arith.index_cast %get3A_238 : i32 to index
    %get3A_240 = arith.constant 96 : index
    %get3A_241 = tpu.vector_load %arg7[%get3A_239, %get3A_240] {strides = array<i32>} : memref<2x128xi32, #tpu.memory_space<vmem>>, vector<16xi32>,
    %swap3A_242 = arith.constant 96 : index
    %swap3A_243 = tpu.vector_load %arg9[%swap3A_242] {strides = array<i32>} : memref<128xi32, #tpu.memory_space<vmem>>, vector<16xi32>,
    tpu.vector_store %arg9[%swap3A_242], %get3A_241 {strides = array<i32>} : memref<128xi32, #tpu.memory_space<vmem>>, vector<16xi32>,
    %get3A_244 = arith.constant 1 : i32
    %get3A_245 = arith.index_cast %get3A_244 : i32 to index
    %get3A_246 = arith.constant 112 : index
    %get3A_247 = tpu.vector_load %arg7[%get3A_245, %get3A_246] {strides = array<i32>} : memref<2x128xi32, #tpu.memory_space<vmem>>, vector<16xi32>,
    %swap3A_248 = arith.constant 112 : index
    %swap3A_249 = tpu.vector_load %arg9[%swap3A_248] {strides = array<i32>} : memref<128xi32, #tpu.memory_space<vmem>>, vector<16xi32>,
    tpu.vector_store %arg9[%swap3A_248], %get3A_247 {strides = array<i32>} : memref<128xi32, #tpu.memory_space<vmem>>, vector<16xi32>,
    %add3A_250 = arith.constant 6 : i32
    %add3A_251 = arith.addi %add3A_24, %add3A_250 : i32
    %dma_start3A_252 = arith.constant 0 : i32
    %dma_start3A_253 = arith.constant 0 : i32
    %dma_start3A_254 = tpu.memref_slice %arg2[%add3A_251, %dma_start3A_252, %dma_start3A_253] : memref<1350x2x128xi32, #tpu.memory_space<hbm>> -> memref<1x2x128xi32, #tpu.memory_space<hbm>>
    %dma_start3A_255 = tpu.memref_squeeze %dma_start3A_254 : memref<1x2x128xi32, #tpu.memory_space<hbm>> -> memref<2x128xi32, #tpu.memory_space<hbm>>
    %dma_start3A_256 = arith.constant 0 : i32
    %dma_start3A_257 = arith.constant 0 : i32
    %dma_start3A_258 = tpu.memref_slice %arg2[%add3A_251, %dma_start3A_256, %dma_start3A_257] : memref<1350x2x128xi32, #tpu.memory_space<hbm>> -> memref<1x2x128xi32, #tpu.memory_space<hbm>>
    %dma_start3A_259 = tpu.memref_squeeze %dma_start3A_258 : memref<1x2x128xi32, #tpu.memory_space<hbm>> -> memref<2x128xi32, #tpu.memory_space<hbm>>
    tpu.enqueue_dma source(%dma_start3A_259 : memref<2x128xi32, #tpu.memory_space<hbm>>) target(%arg7 : memref<2x128xi32, #tpu.memory_space<vmem>>) target_semaphore(%arg19 : memref<!tpu.dma_semaphore, #tpu.memory_space<semaphore_mem>>)
    %broadcast_in_dim3A_260 = arith.constant 8 : i32
    %broadcast_in_dim3A_261 = vector.broadcast %broadcast_in_dim3A_260 : i32 to vector<16xi32>
    %parallel_loop3A_262 = arith.constant 0 : i32
    %parallel_loop3A_263 = arith.constant 128 : i32
    %parallel_loop3A_264 = arith.constant 1 : i32
    scf.for %parallel_loop3A_307 = %parallel_loop3A_262 to %parallel_loop3A_263 step %parallel_loop3A_264  : i32 {
      %parallel_loop3A_308 = arith.index_cast %parallel_loop3A_307 : i32 to index
      %parallel_loop3A_309 = arith.constant 0 : index
      %parallel_loop3A_310 = tpu.vector_load %arg11[%parallel_loop3A_308, %parallel_loop3A_309] {strides = array<i32>} : memref<128x16xf32, #tpu.memory_space<vmem>>, vector<16xf32>,
      %parallel_loop3A_311 = arith.index_cast %parallel_loop3A_307 : i32 to index
      %parallel_loop3A_312 = arith.constant 0 : index
      %parallel_loop3A_313 = tpu.vector_load %arg13[%parallel_loop3A_311, %parallel_loop3A_312] {strides = array<i32>} : memref<128x16xf32, #tpu.memory_space<vmem>>, vector<16xf32>,
      %parallel_loop3A_314 = arith.addf %parallel_loop3A_310, %parallel_loop3A_313 : vector<16xf32>
      %parallel_loop3A_315 = arith.constant 0.000000e+00 : f32
      %parallel_loop3A_316 = vector.broadcast %parallel_loop3A_315 : f32 to vector<16xf32>
      %parallel_loop3A_317 = arith.cmpf ogt, %parallel_loop3A_314, %parallel_loop3A_316 : vector<16xf32>
      %parallel_loop3A_318 = arith.constant 2.000000e-01 : f32
      %parallel_loop3A_319 = vector.broadcast %parallel_loop3A_318 : f32 to vector<16xf32>
      %parallel_loop3A_320 = arith.mulf %parallel_loop3A_319, %parallel_loop3A_314 : vector<16xf32>
      %parallel_loop3A_321 = arith.select %parallel_loop3A_317, %parallel_loop3A_314, %parallel_loop3A_320 : vector<16xi1>, vector<16xf32>
      %parallel_loop3A_322 = math.exp %parallel_loop3A_321 : vector<16xf32>
      %parallel_loop3A_323 = arith.constant 0 : i32
      %parallel_loop3A_324 = vector.broadcast %parallel_loop3A_323 : i32 to vector<16xi32>
      %parallel_loop3A_325 = arith.cmpi slt, %broadcast_in_dim3A_261, %parallel_loop3A_324 : vector<16xi32>
      %parallel_loop3A_326 = arith.constant 16 : i32
      %parallel_loop3A_327 = vector.broadcast %parallel_loop3A_326 : i32 to vector<16xi32>
      %parallel_loop3A_328 = arith.addi %broadcast_in_dim3A_261, %parallel_loop3A_327 : vector<16xi32>
      %parallel_loop3A_329 = arith.select %parallel_loop3A_325, %parallel_loop3A_328, %broadcast_in_dim3A_261 : vector<16xi1>, vector<16xi32>
      %parallel_loop3A_330 = vector.shape_cast %parallel_loop3A_329 : vector<16xi32> to vector<16x1xi32>
      %parallel_loop3A_331 = vector.shape_cast %parallel_loop3A_330 : vector<16x1xi32> to vector<16xi32>
      %parallel_loop3A_332 = tpu.dynamic_gather %parallel_loop3A_322[%parallel_loop3A_331] in [0] : vector<16xf32>, vector<16xi32> -> vector<16xf32>
      %parallel_loop3A_333 = arith.mulf %parallel_loop3A_310, %parallel_loop3A_332 : vector<16xf32>
      %parallel_loop3A_334 = arith.index_cast %parallel_loop3A_307 : i32 to index
      %parallel_loop3A_335 = arith.constant 0 : index
      %parallel_loop3A_336 = tpu.vector_load %arg15[%parallel_loop3A_334, %parallel_loop3A_335] {strides = array<i32>} : memref<128x16xf32, #tpu.memory_space<vmem>>, vector<16xf32>,
      tpu.vector_store %arg15[%parallel_loop3A_334, %parallel_loop3A_335], %parallel_loop3A_333 {strides = array<i32>} : memref<128x16xf32, #tpu.memory_space<vmem>>, vector<16xf32>,
    } {sc.loop_unroll_factor = 4 : i64, sc.parallel_access}
    %dma_start3A_265 = arith.constant 0 : i32
    %dma_start3A_266 = arith.constant 0 : i32
    %dma_start3A_267 = tpu.memref_slice %arg17[%dma_start3A_265, %dma_start3A_266] : memref<10112x16xf32, #tpu.memory_space<vmem_shared>> -> memref<10112x16xf32, #tpu.memory_space<vmem_shared>>
    tpu.enqueue_indirect_dma source(%arg15 : memref<128x16xf32, #tpu.memory_space<vmem>>) target(%dma_start3A_267 : memref<10112x16xf32, #tpu.memory_space<vmem_shared>>) offsets(%arg9 : memref<128xi32, #tpu.memory_space<vmem>>) semaphore(%arg25 : memref<!tpu.dma_semaphore, #tpu.memory_space<semaphore_mem>>) {add = true}
    %scan3A_268 = arith.constant 0 : i32
    %scan3A_269 = arith.constant 1 : i32
    %scan3A_270 = arith.constant 20 : i32
    %scan3A_271 = arith.addi %scan3A_269, %scan3A_270 : i32
    %scan3A_272 = arith.constant 1 : i32
    scf.for %scan3A_307 = %scan3A_269 to %scan3A_271 step %scan3A_272  : i32 {
      %mul3A_308 = arith.constant 2 : i32
      %mul3A_309 = arith.muli %mul3A_308, %scan3A_307 : i32
      %add3A_310 = arith.constant 1 : i32
      %add3A_311 = arith.addi %mul3A_309, %add3A_310 : i32
      %mul3A_312 = arith.constant 2 : i32
      %mul3A_313 = arith.muli %mul3A_312, %add3A_311 : i32
      %add3A_314 = arith.addi %add3A_24, %mul3A_313 : i32
      %dma_wait3A_315 = arith.constant 0 : i32
      %dma_wait3A_316 = arith.constant 0 : i32
      %dma_wait3A_317 = tpu.memref_slice %arg2[%add3A_314, %dma_wait3A_315, %dma_wait3A_316] : memref<1350x2x128xi32, #tpu.memory_space<hbm>> -> memref<1x2x128xi32, #tpu.memory_space<hbm>>
      %dma_wait3A_318 = tpu.memref_squeeze %dma_wait3A_317 : memref<1x2x128xi32, #tpu.memory_space<hbm>> -> memref<2x128xi32, #tpu.memory_space<hbm>>
      %dma_wait3A_319 = arith.constant 0 : i32
      %dma_wait3A_320 = arith.constant 0 : i32
      %dma_wait3A_321 = tpu.memref_slice %arg2[%add3A_314, %dma_wait3A_319, %dma_wait3A_320] : memref<1350x2x128xi32, #tpu.memory_space<hbm>> -> memref<1x2x128xi32, #tpu.memory_space<hbm>>
      %dma_wait3A_322 = tpu.memref_squeeze %dma_wait3A_321 : memref<1x2x128xi32, #tpu.memory_space<hbm>> -> memref<2x128xi32, #tpu.memory_space<hbm>>
      tpu.wait_dma2 semaphore(%arg19 : memref<!tpu.dma_semaphore, #tpu.memory_space<semaphore_mem>>) src(%dma_wait3A_322 : memref<2x128xi32, #tpu.memory_space<hbm>>) dst(%arg7 : memref<2x128xi32, #tpu.memory_space<vmem>>)
      %dma_start3A_323 = arith.constant 0 : i32
      %dma_start3A_324 = arith.constant 0 : i32
      %dma_start3A_325 = tpu.memref_slice %arg7[%dma_start3A_323, %dma_start3A_324] : memref<2x128xi32, #tpu.memory_space<vmem>> -> memref<1x128xi32, #tpu.memory_space<vmem>>
      %dma_start3A_326 = tpu.memref_squeeze %dma_start3A_325 : memref<1x128xi32, #tpu.memory_space<vmem>> -> memref<128xi32, #tpu.memory_space<vmem>>
      %dma_start3A_327 = arith.constant 0 : i32
      %dma_start3A_328 = arith.constant 0 : i32
      %dma_start3A_329 = tpu.memref_slice %arg3[%dma_start3A_327, %dma_start3A_328] : memref<10000x16xf32, #tpu.memory_space<hbm>> -> memref<10000x16xf32, #tpu.memory_space<hbm>>
      tpu.enqueue_indirect_dma source(%dma_start3A_329 : memref<10000x16xf32, #tpu.memory_space<hbm>>) target(%arg11 : memref<128x16xf32, #tpu.memory_space<vmem>>) offsets(%dma_start3A_326 : memref<128xi32, #tpu.memory_space<vmem>>) semaphore(%arg21 : memref<!tpu.dma_semaphore, #tpu.memory_space<semaphore_mem>>)
      %dma_start3A_330 = arith.constant 1 : i32
      %dma_start3A_331 = arith.constant 0 : i32
      %dma_start3A_332 = tpu.memref_slice %arg7[%dma_start3A_330, %dma_start3A_331] : memref<2x128xi32, #tpu.memory_space<vmem>> -> memref<1x128xi32, #tpu.memory_space<vmem>>
      %dma_start3A_333 = tpu.memref_squeeze %dma_start3A_332 : memref<1x128xi32, #tpu.memory_space<vmem>> -> memref<128xi32, #tpu.memory_space<vmem>>
      %dma_start3A_334 = arith.constant 0 : i32
      %dma_start3A_335 = arith.constant 0 : i32
      %dma_start3A_336 = tpu.memref_slice %arg4[%dma_start3A_334, %dma_start3A_335] : memref<10000x16xf32, #tpu.memory_space<hbm>> -> memref<10000x16xf32, #tpu.memory_space<hbm>>
      tpu.enqueue_indirect_dma source(%dma_start3A_336 : memref<10000x16xf32, #tpu.memory_space<hbm>>) target(%arg13 : memref<128x16xf32, #tpu.memory_space<vmem>>) offsets(%dma_start3A_333 : memref<128xi32, #tpu.memory_space<vmem>>) semaphore(%arg23 : memref<!tpu.dma_semaphore, #tpu.memory_space<semaphore_mem>>)
      %dma_wait3A_337 = arith.constant 0 : i32
      %dma_wait3A_338 = arith.constant 0 : i32
      %dma_wait3A_339 = tpu.memref_slice %arg6[%dma_wait3A_337, %dma_wait3A_338] : memref<2x128xi32, #tpu.memory_space<vmem>> -> memref<1x128xi32, #tpu.memory_space<vmem>>
      %dma_wait3A_340 = tpu.memref_squeeze %dma_wait3A_339 : memref<1x128xi32, #tpu.memory_space<vmem>> -> memref<128xi32, #tpu.memory_space<vmem>>
      %dma_wait3A_341 = arith.constant 0 : i32
      %dma_wait3A_342 = arith.constant 0 : i32
      %dma_wait3A_343 = tpu.memref_slice %arg3[%dma_wait3A_341, %dma_wait3A_342] : memref<10000x16xf32, #tpu.memory_space<hbm>> -> memref<10000x16xf32, #tpu.memory_space<hbm>>
      tpu.wait_indirect_dma semaphore(%arg20 : memref<!tpu.dma_semaphore, #tpu.memory_space<semaphore_mem>>) src(%dma_wait3A_343 : memref<10000x16xf32, #tpu.memory_space<hbm>>) dst(%arg10 : memref<128x16xf32, #tpu.memory_space<vmem>>)
      %dma_wait3A_344 = arith.constant 1 : i32
      %dma_wait3A_345 = arith.constant 0 : i32
      %dma_wait3A_346 = tpu.memref_slice %arg6[%dma_wait3A_344, %dma_wait3A_345] : memref<2x128xi32, #tpu.memory_space<vmem>> -> memref<1x128xi32, #tpu.memory_space<vmem>>
      %dma_wait3A_347 = tpu.memref_squeeze %dma_wait3A_346 : memref<1x128xi32, #tpu.memory_space<vmem>> -> memref<128xi32, #tpu.memory_space<vmem>>
      %dma_wait3A_348 = arith.constant 0 : i32
      %dma_wait3A_349 = arith.constant 0 : i32
      %dma_wait3A_350 = tpu.memref_slice %arg4[%dma_wait3A_348, %dma_wait3A_349] : memref<10000x16xf32, #tpu.memory_space<hbm>> -> memref<10000x16xf32, #tpu.memory_space<hbm>>
      tpu.wait_indirect_dma semaphore(%arg22 : memref<!tpu.dma_semaphore, #tpu.memory_space<semaphore_mem>>) src(%dma_wait3A_350 : memref<10000x16xf32, #tpu.memory_space<hbm>>) dst(%arg12 : memref<128x16xf32, #tpu.memory_space<vmem>>)
      %dma_wait3A_351 = arith.constant 0 : i32
      %dma_wait3A_352 = arith.constant 0 : i32
      %dma_wait3A_353 = tpu.memref_slice %arg17[%dma_wait3A_351, %dma_wait3A_352] : memref<10112x16xf32, #tpu.memory_space<vmem_shared>> -> memref<10112x16xf32, #tpu.memory_space<vmem_shared>>
      tpu.wait_indirect_dma semaphore(%arg24 : memref<!tpu.dma_semaphore, #tpu.memory_space<semaphore_mem>>) src(%arg14 : memref<128x16xf32, #tpu.memory_space<vmem>>) dst(%dma_wait3A_353 : memref<10112x16xf32, #tpu.memory_space<vmem_shared>>)
      %get3A_354 = arith.constant 1 : i32
      %get3A_355 = arith.index_cast %get3A_354 : i32 to index
      %get3A_356 = arith.constant 0 : index
      %get3A_357 = tpu.vector_load %arg6[%get3A_355, %get3A_356] {strides = array<i32>} : memref<2x128xi32, #tpu.memory_space<vmem>>, vector<16xi32>,
      %swap3A_358 = arith.constant 0 : index
      %swap3A_359 = tpu.vector_load %arg8[%swap3A_358] {strides = array<i32>} : memref<128xi32, #tpu.memory_space<vmem>>, vector<16xi32>,
      tpu.vector_store %arg8[%swap3A_358], %get3A_357 {strides = array<i32>} : memref<128xi32, #tpu.memory_space<vmem>>, vector<16xi32>,
      %get3A_360 = arith.constant 1 : i32
      %get3A_361 = arith.index_cast %get3A_360 : i32 to index
      %get3A_362 = arith.constant 16 : index
      %get3A_363 = tpu.vector_load %arg6[%get3A_361, %get3A_362] {strides = array<i32>} : memref<2x128xi32, #tpu.memory_space<vmem>>, vector<16xi32>,
      %swap3A_364 = arith.constant 16 : index
      %swap3A_365 = tpu.vector_load %arg8[%swap3A_364] {strides = array<i32>} : memref<128xi32, #tpu.memory_space<vmem>>, vector<16xi32>,
      tpu.vector_store %arg8[%swap3A_364], %get3A_363 {strides = array<i32>} : memref<128xi32, #tpu.memory_space<vmem>>, vector<16xi32>,
      %get3A_366 = arith.constant 1 : i32
      %get3A_367 = arith.index_cast %get3A_366 : i32 to index
      %get3A_368 = arith.constant 32 : index
      %get3A_369 = tpu.vector_load %arg6[%get3A_367, %get3A_368] {strides = array<i32>} : memref<2x128xi32, #tpu.memory_space<vmem>>, vector<16xi32>,
      %swap3A_370 = arith.constant 32 : index
      %swap3A_371 = tpu.vector_load %arg8[%swap3A_370] {strides = array<i32>} : memref<128xi32, #tpu.memory_space<vmem>>, vector<16xi32>,
      tpu.vector_store %arg8[%swap3A_370], %get3A_369 {strides = array<i32>} : memref<128xi32, #tpu.memory_space<vmem>>, vector<16xi32>,
      %get3A_372 = arith.constant 1 : i32
      %get3A_373 = arith.index_cast %get3A_372 : i32 to index
      %get3A_374 = arith.constant 48 : index
      %get3A_375 = tpu.vector_load %arg6[%get3A_373, %get3A_374] {strides = array<i32>} : memref<2x128xi32, #tpu.memory_space<vmem>>, vector<16xi32>,
      %swap3A_376 = arith.constant 48 : index
      %swap3A_377 = tpu.vector_load %arg8[%swap3A_376] {strides = array<i32>} : memref<128xi32, #tpu.memory_space<vmem>>, vector<16xi32>,
      tpu.vector_store %arg8[%swap3A_376], %get3A_375 {strides = array<i32>} : memref<128xi32, #tpu.memory_space<vmem>>, vector<16xi32>,
      %get3A_378 = arith.constant 1 : i32
      %get3A_379 = arith.index_cast %get3A_378 : i32 to index
      %get3A_380 = arith.constant 64 : index
      %get3A_381 = tpu.vector_load %arg6[%get3A_379, %get3A_380] {strides = array<i32>} : memref<2x128xi32, #tpu.memory_space<vmem>>, vector<16xi32>,
      %swap3A_382 = arith.constant 64 : index
      %swap3A_383 = tpu.vector_load %arg8[%swap3A_382] {strides = array<i32>} : memref<128xi32, #tpu.memory_space<vmem>>, vector<16xi32>,
      tpu.vector_store %arg8[%swap3A_382], %get3A_381 {strides = array<i32>} : memref<128xi32, #tpu.memory_space<vmem>>, vector<16xi32>,
      %get3A_384 = arith.constant 1 : i32
      %get3A_385 = arith.index_cast %get3A_384 : i32 to index
      %get3A_386 = arith.constant 80 : index
      %get3A_387 = tpu.vector_load %arg6[%get3A_385, %get3A_386] {strides = array<i32>} : memref<2x128xi32, #tpu.memory_space<vmem>>, vector<16xi32>,
      %swap3A_388 = arith.constant 80 : index
      %swap3A_389 = tpu.vector_load %arg8[%swap3A_388] {strides = array<i32>} : memref<128xi32, #tpu.memory_space<vmem>>, vector<16xi32>,
      tpu.vector_store %arg8[%swap3A_388], %get3A_387 {strides = array<i32>} : memref<128xi32, #tpu.memory_space<vmem>>, vector<16xi32>,
      %get3A_390 = arith.constant 1 : i32
      %get3A_391 = arith.index_cast %get3A_390 : i32 to index
      %get3A_392 = arith.constant 96 : index
      %get3A_393 = tpu.vector_load %arg6[%get3A_391, %get3A_392] {strides = array<i32>} : memref<2x128xi32, #tpu.memory_space<vmem>>, vector<16xi32>,
      %swap3A_394 = arith.constant 96 : index
      %swap3A_395 = tpu.vector_load %arg8[%swap3A_394] {strides = array<i32>} : memref<128xi32, #tpu.memory_space<vmem>>, vector<16xi32>,
      tpu.vector_store %arg8[%swap3A_394], %get3A_393 {strides = array<i32>} : memref<128xi32, #tpu.memory_space<vmem>>, vector<16xi32>,
      %get3A_396 = arith.constant 1 : i32
      %get3A_397 = arith.index_cast %get3A_396 : i32 to index
      %get3A_398 = arith.constant 112 : index
      %get3A_399 = tpu.vector_load %arg6[%get3A_397, %get3A_398] {strides = array<i32>} : memref<2x128xi32, #tpu.memory_space<vmem>>, vector<16xi32>,
      %swap3A_400 = arith.constant 112 : index
      %swap3A_401 = tpu.vector_load %arg8[%swap3A_400] {strides = array<i32>} : memref<128xi32, #tpu.memory_space<vmem>>, vector<16xi32>,
      tpu.vector_store %arg8[%swap3A_400], %get3A_399 {strides = array<i32>} : memref<128xi32, #tpu.memory_space<vmem>>, vector<16xi32>,
      %add3A_402 = arith.constant 2 : i32
      %add3A_403 = arith.addi %mul3A_309, %add3A_402 : i32
      %mul3A_404 = arith.constant 2 : i32
      %mul3A_405 = arith.muli %mul3A_404, %add3A_403 : i32
      %add3A_406 = arith.addi %add3A_24, %mul3A_405 : i32
      %dma_start3A_407 = arith.constant 0 : i32
      %dma_start3A_408 = arith.constant 0 : i32
      %dma_start3A_409 = tpu.memref_slice %arg2[%add3A_406, %dma_start3A_407, %dma_start3A_408] : memref<1350x2x128xi32, #tpu.memory_space<hbm>> -> memref<1x2x128xi32, #tpu.memory_space<hbm>>
      %dma_start3A_410 = tpu.memref_squeeze %dma_start3A_409 : memref<1x2x128xi32, #tpu.memory_space<hbm>> -> memref<2x128xi32, #tpu.memory_space<hbm>>
      %dma_start3A_411 = arith.constant 0 : i32
      %dma_start3A_412 = arith.constant 0 : i32
      %dma_start3A_413 = tpu.memref_slice %arg2[%add3A_406, %dma_start3A_411, %dma_start3A_412] : memref<1350x2x128xi32, #tpu.memory_space<hbm>> -> memref<1x2x128xi32, #tpu.memory_space<hbm>>
      %dma_start3A_414 = tpu.memref_squeeze %dma_start3A_413 : memref<1x2x128xi32, #tpu.memory_space<hbm>> -> memref<2x128xi32, #tpu.memory_space<hbm>>
      tpu.enqueue_dma source(%dma_start3A_414 : memref<2x128xi32, #tpu.memory_space<hbm>>) target(%arg6 : memref<2x128xi32, #tpu.memory_space<vmem>>) target_semaphore(%arg18 : memref<!tpu.dma_semaphore, #tpu.memory_space<semaphore_mem>>)
      %broadcast_in_dim3A_415 = arith.constant 8 : i32
      %broadcast_in_dim3A_416 = vector.broadcast %broadcast_in_dim3A_415 : i32 to vector<16xi32>
      %parallel_loop3A_417 = arith.constant 0 : i32
      %parallel_loop3A_418 = arith.constant 128 : i32
      %parallel_loop3A_419 = arith.constant 1 : i32
      scf.for %parallel_loop3A_540 = %parallel_loop3A_417 to %parallel_loop3A_418 step %parallel_loop3A_419  : i32 {
        %parallel_loop3A_541 = arith.index_cast %parallel_loop3A_540 : i32 to index
        %parallel_loop3A_542 = arith.constant 0 : index
        %parallel_loop3A_543 = tpu.vector_load %arg10[%parallel_loop3A_541, %parallel_loop3A_542] {strides = array<i32>} : memref<128x16xf32, #tpu.memory_space<vmem>>, vector<16xf32>,
        %parallel_loop3A_544 = arith.index_cast %parallel_loop3A_540 : i32 to index
        %parallel_loop3A_545 = arith.constant 0 : index
        %parallel_loop3A_546 = tpu.vector_load %arg12[%parallel_loop3A_544, %parallel_loop3A_545] {strides = array<i32>} : memref<128x16xf32, #tpu.memory_space<vmem>>, vector<16xf32>,
        %parallel_loop3A_547 = arith.addf %parallel_loop3A_543, %parallel_loop3A_546 : vector<16xf32>
        %parallel_loop3A_548 = arith.constant 0.000000e+00 : f32
        %parallel_loop3A_549 = vector.broadcast %parallel_loop3A_548 : f32 to vector<16xf32>
        %parallel_loop3A_550 = arith.cmpf ogt, %parallel_loop3A_547, %parallel_loop3A_549 : vector<16xf32>
        %parallel_loop3A_551 = arith.constant 2.000000e-01 : f32
        %parallel_loop3A_552 = vector.broadcast %parallel_loop3A_551 : f32 to vector<16xf32>
        %parallel_loop3A_553 = arith.mulf %parallel_loop3A_552, %parallel_loop3A_547 : vector<16xf32>
        %parallel_loop3A_554 = arith.select %parallel_loop3A_550, %parallel_loop3A_547, %parallel_loop3A_553 : vector<16xi1>, vector<16xf32>
        %parallel_loop3A_555 = math.exp %parallel_loop3A_554 : vector<16xf32>
        %parallel_loop3A_556 = arith.constant 0 : i32
        %parallel_loop3A_557 = vector.broadcast %parallel_loop3A_556 : i32 to vector<16xi32>
        %parallel_loop3A_558 = arith.cmpi slt, %broadcast_in_dim3A_416, %parallel_loop3A_557 : vector<16xi32>
        %parallel_loop3A_559 = arith.constant 16 : i32
        %parallel_loop3A_560 = vector.broadcast %parallel_loop3A_559 : i32 to vector<16xi32>
        %parallel_loop3A_561 = arith.addi %broadcast_in_dim3A_416, %parallel_loop3A_560 : vector<16xi32>
        %parallel_loop3A_562 = arith.select %parallel_loop3A_558, %parallel_loop3A_561, %broadcast_in_dim3A_416 : vector<16xi1>, vector<16xi32>
        %parallel_loop3A_563 = vector.shape_cast %parallel_loop3A_562 : vector<16xi32> to vector<16x1xi32>
        %parallel_loop3A_564 = vector.shape_cast %parallel_loop3A_563 : vector<16x1xi32> to vector<16xi32>
        %parallel_loop3A_565 = tpu.dynamic_gather %parallel_loop3A_555[%parallel_loop3A_564] in [0] : vector<16xf32>, vector<16xi32> -> vector<16xf32>
        %parallel_loop3A_566 = arith.mulf %parallel_loop3A_543, %parallel_loop3A_565 : vector<16xf32>
        %parallel_loop3A_567 = arith.index_cast %parallel_loop3A_540 : i32 to index
        %parallel_loop3A_568 = arith.constant 0 : index
        %parallel_loop3A_569 = tpu.vector_load %arg14[%parallel_loop3A_567, %parallel_loop3A_568] {strides = array<i32>} : memref<128x16xf32, #tpu.memory_space<vmem>>, vector<16xf32>,
        tpu.vector_store %arg14[%parallel_loop3A_567, %parallel_loop3A_568], %parallel_loop3A_566 {strides = array<i32>} : memref<128x16xf32, #tpu.memory_space<vmem>>, vector<16xf32>,
      } {sc.loop_unroll_factor = 4 : i64, sc.parallel_access}
      %dma_start3A_420 = arith.constant 0 : i32
      %dma_start3A_421 = arith.constant 0 : i32
      %dma_start3A_422 = tpu.memref_slice %arg17[%dma_start3A_420, %dma_start3A_421] : memref<10112x16xf32, #tpu.memory_space<vmem_shared>> -> memref<10112x16xf32, #tpu.memory_space<vmem_shared>>
      tpu.enqueue_indirect_dma source(%arg14 : memref<128x16xf32, #tpu.memory_space<vmem>>) target(%dma_start3A_422 : memref<10112x16xf32, #tpu.memory_space<vmem_shared>>) offsets(%arg8 : memref<128xi32, #tpu.memory_space<vmem>>) semaphore(%arg24 : memref<!tpu.dma_semaphore, #tpu.memory_space<semaphore_mem>>) {add = true}
      %mul3A_423 = arith.constant 2 : i32
      %mul3A_424 = arith.muli %mul3A_423, %scan3A_307 : i32
      %add3A_425 = arith.constant 1 : i32
      %add3A_426 = arith.addi %mul3A_424, %add3A_425 : i32
      %add3A_427 = arith.constant 1 : i32
      %add3A_428 = arith.addi %add3A_426, %add3A_427 : i32
      %mul3A_429 = arith.constant 2 : i32
      %mul3A_430 = arith.muli %mul3A_429, %add3A_428 : i32
      %add3A_431 = arith.addi %add3A_24, %mul3A_430 : i32
      %dma_wait3A_432 = arith.constant 0 : i32
      %dma_wait3A_433 = arith.constant 0 : i32
      %dma_wait3A_434 = tpu.memref_slice %arg2[%add3A_431, %dma_wait3A_432, %dma_wait3A_433] : memref<1350x2x128xi32, #tpu.memory_space<hbm>> -> memref<1x2x128xi32, #tpu.memory_space<hbm>>
      %dma_wait3A_435 = tpu.memref_squeeze %dma_wait3A_434 : memref<1x2x128xi32, #tpu.memory_space<hbm>> -> memref<2x128xi32, #tpu.memory_space<hbm>>
      %dma_wait3A_436 = arith.constant 0 : i32
      %dma_wait3A_437 = arith.constant 0 : i32
      %dma_wait3A_438 = tpu.memref_slice %arg2[%add3A_431, %dma_wait3A_436, %dma_wait3A_437] : memref<1350x2x128xi32, #tpu.memory_space<hbm>> -> memref<1x2x128xi32, #tpu.memory_space<hbm>>
      %dma_wait3A_439 = tpu.memref_squeeze %dma_wait3A_438 : memref<1x2x128xi32, #tpu.memory_space<hbm>> -> memref<2x128xi32, #tpu.memory_space<hbm>>
      tpu.wait_dma2 semaphore(%arg18 : memref<!tpu.dma_semaphore, #tpu.memory_space<semaphore_mem>>) src(%dma_wait3A_439 : memref<2x128xi32, #tpu.memory_space<hbm>>) dst(%arg6 : memref<2x128xi32, #tpu.memory_space<vmem>>)
      %dma_start3A_440 = arith.constant 0 : i32
      %dma_start3A_441 = arith.constant 0 : i32
      %dma_start3A_442 = tpu.memref_slice %arg6[%dma_start3A_440, %dma_start3A_441] : memref<2x128xi32, #tpu.memory_space<vmem>> -> memref<1x128xi32, #tpu.memory_space<vmem>>
      %dma_start3A_443 = tpu.memref_squeeze %dma_start3A_442 : memref<1x128xi32, #tpu.memory_space<vmem>> -> memref<128xi32, #tpu.memory_space<vmem>>
      %dma_start3A_444 = arith.constant 0 : i32
      %dma_start3A_445 = arith.constant 0 : i32
      %dma_start3A_446 = tpu.memref_slice %arg3[%dma_start3A_444, %dma_start3A_445] : memref<10000x16xf32, #tpu.memory_space<hbm>> -> memref<10000x16xf32, #tpu.memory_space<hbm>>
      tpu.enqueue_indirect_dma source(%dma_start3A_446 : memref<10000x16xf32, #tpu.memory_space<hbm>>) target(%arg10 : memref<128x16xf32, #tpu.memory_space<vmem>>) offsets(%dma_start3A_443 : memref<128xi32, #tpu.memory_space<vmem>>) semaphore(%arg20 : memref<!tpu.dma_semaphore, #tpu.memory_space<semaphore_mem>>)
      %dma_start3A_447 = arith.constant 1 : i32
      %dma_start3A_448 = arith.constant 0 : i32
      %dma_start3A_449 = tpu.memref_slice %arg6[%dma_start3A_447, %dma_start3A_448] : memref<2x128xi32, #tpu.memory_space<vmem>> -> memref<1x128xi32, #tpu.memory_space<vmem>>
      %dma_start3A_450 = tpu.memref_squeeze %dma_start3A_449 : memref<1x128xi32, #tpu.memory_space<vmem>> -> memref<128xi32, #tpu.memory_space<vmem>>
      %dma_start3A_451 = arith.constant 0 : i32
      %dma_start3A_452 = arith.constant 0 : i32
      %dma_start3A_453 = tpu.memref_slice %arg4[%dma_start3A_451, %dma_start3A_452] : memref<10000x16xf32, #tpu.memory_space<hbm>> -> memref<10000x16xf32, #tpu.memory_space<hbm>>
      tpu.enqueue_indirect_dma source(%dma_start3A_453 : memref<10000x16xf32, #tpu.memory_space<hbm>>) target(%arg12 : memref<128x16xf32, #tpu.memory_space<vmem>>) offsets(%dma_start3A_450 : memref<128xi32, #tpu.memory_space<vmem>>) semaphore(%arg22 : memref<!tpu.dma_semaphore, #tpu.memory_space<semaphore_mem>>)
      %dma_wait3A_454 = arith.constant 0 : i32
      %dma_wait3A_455 = arith.constant 0 : i32
      %dma_wait3A_456 = tpu.memref_slice %arg7[%dma_wait3A_454, %dma_wait3A_455] : memref<2x128xi32, #tpu.memory_space<vmem>> -> memref<1x128xi32, #tpu.memory_space<vmem>>
      %dma_wait3A_457 = tpu.memref_squeeze %dma_wait3A_456 : memref<1x128xi32, #tpu.memory_space<vmem>> -> memref<128xi32, #tpu.memory_space<vmem>>
      %dma_wait3A_458 = arith.constant 0 : i32
      %dma_wait3A_459 = arith.constant 0 : i32
      %dma_wait3A_460 = tpu.memref_slice %arg3[%dma_wait3A_458, %dma_wait3A_459] : memref<10000x16xf32, #tpu.memory_space<hbm>> -> memref<10000x16xf32, #tpu.memory_space<hbm>>
      tpu.wait_indirect_dma semaphore(%arg21 : memref<!tpu.dma_semaphore, #tpu.memory_space<semaphore_mem>>) src(%dma_wait3A_460 : memref<10000x16xf32, #tpu.memory_space<hbm>>) dst(%arg11 : memref<128x16xf32, #tpu.memory_space<vmem>>)
      %dma_wait3A_461 = arith.constant 1 : i32
      %dma_wait3A_462 = arith.constant 0 : i32
      %dma_wait3A_463 = tpu.memref_slice %arg7[%dma_wait3A_461, %dma_wait3A_462] : memref<2x128xi32, #tpu.memory_space<vmem>> -> memref<1x128xi32, #tpu.memory_space<vmem>>
      %dma_wait3A_464 = tpu.memref_squeeze %dma_wait3A_463 : memref<1x128xi32, #tpu.memory_space<vmem>> -> memref<128xi32, #tpu.memory_space<vmem>>
      %dma_wait3A_465 = arith.constant 0 : i32
      %dma_wait3A_466 = arith.constant 0 : i32
      %dma_wait3A_467 = tpu.memref_slice %arg4[%dma_wait3A_465, %dma_wait3A_466] : memref<10000x16xf32, #tpu.memory_space<hbm>> -> memref<10000x16xf32, #tpu.memory_space<hbm>>
      tpu.wait_indirect_dma semaphore(%arg23 : memref<!tpu.dma_semaphore, #tpu.memory_space<semaphore_mem>>) src(%dma_wait3A_467 : memref<10000x16xf32, #tpu.memory_space<hbm>>) dst(%arg13 : memref<128x16xf32, #tpu.memory_space<vmem>>)
      %dma_wait3A_468 = arith.constant 0 : i32
      %dma_wait3A_469 = arith.constant 0 : i32
      %dma_wait3A_470 = tpu.memref_slice %arg17[%dma_wait3A_468, %dma_wait3A_469] : memref<10112x16xf32, #tpu.memory_space<vmem_shared>> -> memref<10112x16xf32, #tpu.memory_space<vmem_shared>>
      tpu.wait_indirect_dma semaphore(%arg25 : memref<!tpu.dma_semaphore, #tpu.memory_space<semaphore_mem>>) src(%arg15 : memref<128x16xf32, #tpu.memory_space<vmem>>) dst(%dma_wait3A_470 : memref<10112x16xf32, #tpu.memory_space<vmem_shared>>)
      %get3A_471 = arith.constant 1 : i32
      %get3A_472 = arith.index_cast %get3A_471 : i32 to index
      %get3A_473 = arith.constant 0 : index
      %get3A_474 = tpu.vector_load %arg7[%get3A_472, %get3A_473] {strides = array<i32>} : memref<2x128xi32, #tpu.memory_space<vmem>>, vector<16xi32>,
      %swap3A_475 = arith.constant 0 : index
      %swap3A_476 = tpu.vector_load %arg9[%swap3A_475] {strides = array<i32>} : memref<128xi32, #tpu.memory_space<vmem>>, vector<16xi32>,
      tpu.vector_store %arg9[%swap3A_475], %get3A_474 {strides = array<i32>} : memref<128xi32, #tpu.memory_space<vmem>>, vector<16xi32>,
      %get3A_477 = arith.constant 1 : i32
      %get3A_478 = arith.index_cast %get3A_477 : i32 to index
      %get3A_479 = arith.constant 16 : index
      %get3A_480 = tpu.vector_load %arg7[%get3A_478, %get3A_479] {strides = array<i32>} : memref<2x128xi32, #tpu.memory_space<vmem>>, vector<16xi32>,
      %swap3A_481 = arith.constant 16 : index
      %swap3A_482 = tpu.vector_load %arg9[%swap3A_481] {strides = array<i32>} : memref<128xi32, #tpu.memory_space<vmem>>, vector<16xi32>,
      tpu.vector_store %arg9[%swap3A_481], %get3A_480 {strides = array<i32>} : memref<128xi32, #tpu.memory_space<vmem>>, vector<16xi32>,
      %get3A_483 = arith.constant 1 : i32
      %get3A_484 = arith.index_cast %get3A_483 : i32 to index
      %get3A_485 = arith.constant 32 : index
      %get3A_486 = tpu.vector_load %arg7[%get3A_484, %get3A_485] {strides = array<i32>} : memref<2x128xi32, #tpu.memory_space<vmem>>, vector<16xi32>,
      %swap3A_487 = arith.constant 32 : index
      %swap3A_488 = tpu.vector_load %arg9[%swap3A_487] {strides = array<i32>} : memref<128xi32, #tpu.memory_space<vmem>>, vector<16xi32>,
      tpu.vector_store %arg9[%swap3A_487], %get3A_486 {strides = array<i32>} : memref<128xi32, #tpu.memory_space<vmem>>, vector<16xi32>,
      %get3A_489 = arith.constant 1 : i32
      %get3A_490 = arith.index_cast %get3A_489 : i32 to index
      %get3A_491 = arith.constant 48 : index
      %get3A_492 = tpu.vector_load %arg7[%get3A_490, %get3A_491] {strides = array<i32>} : memref<2x128xi32, #tpu.memory_space<vmem>>, vector<16xi32>,
      %swap3A_493 = arith.constant 48 : index
      %swap3A_494 = tpu.vector_load %arg9[%swap3A_493] {strides = array<i32>} : memref<128xi32, #tpu.memory_space<vmem>>, vector<16xi32>,
      tpu.vector_store %arg9[%swap3A_493], %get3A_492 {strides = array<i32>} : memref<128xi32, #tpu.memory_space<vmem>>, vector<16xi32>,
      %get3A_495 = arith.constant 1 : i32
      %get3A_496 = arith.index_cast %get3A_495 : i32 to index
      %get3A_497 = arith.constant 64 : index
      %get3A_498 = tpu.vector_load %arg7[%get3A_496, %get3A_497] {strides = array<i32>} : memref<2x128xi32, #tpu.memory_space<vmem>>, vector<16xi32>,
      %swap3A_499 = arith.constant 64 : index
      %swap3A_500 = tpu.vector_load %arg9[%swap3A_499] {strides = array<i32>} : memref<128xi32, #tpu.memory_space<vmem>>, vector<16xi32>,
      tpu.vector_store %arg9[%swap3A_499], %get3A_498 {strides = array<i32>} : memref<128xi32, #tpu.memory_space<vmem>>, vector<16xi32>,
      %get3A_501 = arith.constant 1 : i32
      %get3A_502 = arith.index_cast %get3A_501 : i32 to index
      %get3A_503 = arith.constant 80 : index
      %get3A_504 = tpu.vector_load %arg7[%get3A_502, %get3A_503] {strides = array<i32>} : memref<2x128xi32, #tpu.memory_space<vmem>>, vector<16xi32>,
      %swap3A_505 = arith.constant 80 : index
      %swap3A_506 = tpu.vector_load %arg9[%swap3A_505] {strides = array<i32>} : memref<128xi32, #tpu.memory_space<vmem>>, vector<16xi32>,
      tpu.vector_store %arg9[%swap3A_505], %get3A_504 {strides = array<i32>} : memref<128xi32, #tpu.memory_space<vmem>>, vector<16xi32>,
      %get3A_507 = arith.constant 1 : i32
      %get3A_508 = arith.index_cast %get3A_507 : i32 to index
      %get3A_509 = arith.constant 96 : index
      %get3A_510 = tpu.vector_load %arg7[%get3A_508, %get3A_509] {strides = array<i32>} : memref<2x128xi32, #tpu.memory_space<vmem>>, vector<16xi32>,
      %swap3A_511 = arith.constant 96 : index
      %swap3A_512 = tpu.vector_load %arg9[%swap3A_511] {strides = array<i32>} : memref<128xi32, #tpu.memory_space<vmem>>, vector<16xi32>,
      tpu.vector_store %arg9[%swap3A_511], %get3A_510 {strides = array<i32>} : memref<128xi32, #tpu.memory_space<vmem>>, vector<16xi32>,
      %get3A_513 = arith.constant 1 : i32
      %get3A_514 = arith.index_cast %get3A_513 : i32 to index
      %get3A_515 = arith.constant 112 : index
      %get3A_516 = tpu.vector_load %arg7[%get3A_514, %get3A_515] {strides = array<i32>} : memref<2x128xi32, #tpu.memory_space<vmem>>, vector<16xi32>,
      %swap3A_517 = arith.constant 112 : index
      %swap3A_518 = tpu.vector_load %arg9[%swap3A_517] {strides = array<i32>} : memref<128xi32, #tpu.memory_space<vmem>>, vector<16xi32>,
      tpu.vector_store %arg9[%swap3A_517], %get3A_516 {strides = array<i32>} : memref<128xi32, #tpu.memory_space<vmem>>, vector<16xi32>,
      %add3A_519 = arith.constant 2 : i32
      %add3A_520 = arith.addi %add3A_426, %add3A_519 : i32
      %mul3A_521 = arith.constant 2 : i32
      %mul3A_522 = arith.muli %mul3A_521, %add3A_520 : i32
      %add3A_523 = arith.addi %add3A_24, %mul3A_522 : i32
      %dma_start3A_524 = arith.constant 0 : i32
      %dma_start3A_525 = arith.constant 0 : i32
      %dma_start3A_526 = tpu.memref_slice %arg2[%add3A_523, %dma_start3A_524, %dma_start3A_525] : memref<1350x2x128xi32, #tpu.memory_space<hbm>> -> memref<1x2x128xi32, #tpu.memory_space<hbm>>
      %dma_start3A_527 = tpu.memref_squeeze %dma_start3A_526 : memref<1x2x128xi32, #tpu.memory_space<hbm>> -> memref<2x128xi32, #tpu.memory_space<hbm>>
      %dma_start3A_528 = arith.constant 0 : i32
      %dma_start3A_529 = arith.constant 0 : i32
      %dma_start3A_530 = tpu.memref_slice %arg2[%add3A_523, %dma_start3A_528, %dma_start3A_529] : memref<1350x2x128xi32, #tpu.memory_space<hbm>> -> memref<1x2x128xi32, #tpu.memory_space<hbm>>
      %dma_start3A_531 = tpu.memref_squeeze %dma_start3A_530 : memref<1x2x128xi32, #tpu.memory_space<hbm>> -> memref<2x128xi32, #tpu.memory_space<hbm>>
      tpu.enqueue_dma source(%dma_start3A_531 : memref<2x128xi32, #tpu.memory_space<hbm>>) target(%arg7 : memref<2x128xi32, #tpu.memory_space<vmem>>) target_semaphore(%arg19 : memref<!tpu.dma_semaphore, #tpu.memory_space<semaphore_mem>>)
      %broadcast_in_dim3A_532 = arith.constant 8 : i32
      %broadcast_in_dim3A_533 = vector.broadcast %broadcast_in_dim3A_532 : i32 to vector<16xi32>
      %parallel_loop3A_534 = arith.constant 0 : i32
      %parallel_loop3A_535 = arith.constant 128 : i32
      %parallel_loop3A_536 = arith.constant 1 : i32
      scf.for %parallel_loop3A_540 = %parallel_loop3A_534 to %parallel_loop3A_535 step %parallel_loop3A_536  : i32 {
        %parallel_loop3A_541 = arith.index_cast %parallel_loop3A_540 : i32 to index
        %parallel_loop3A_542 = arith.constant 0 : index
        %parallel_loop3A_543 = tpu.vector_load %arg11[%parallel_loop3A_541, %parallel_loop3A_542] {strides = array<i32>} : memref<128x16xf32, #tpu.memory_space<vmem>>, vector<16xf32>,
        %parallel_loop3A_544 = arith.index_cast %parallel_loop3A_540 : i32 to index
        %parallel_loop3A_545 = arith.constant 0 : index
        %parallel_loop3A_546 = tpu.vector_load %arg13[%parallel_loop3A_544, %parallel_loop3A_545] {strides = array<i32>} : memref<128x16xf32, #tpu.memory_space<vmem>>, vector<16xf32>,
        %parallel_loop3A_547 = arith.addf %parallel_loop3A_543, %parallel_loop3A_546 : vector<16xf32>
        %parallel_loop3A_548 = arith.constant 0.000000e+00 : f32
        %parallel_loop3A_549 = vector.broadcast %parallel_loop3A_548 : f32 to vector<16xf32>
        %parallel_loop3A_550 = arith.cmpf ogt, %parallel_loop3A_547, %parallel_loop3A_549 : vector<16xf32>
        %parallel_loop3A_551 = arith.constant 2.000000e-01 : f32
        %parallel_loop3A_552 = vector.broadcast %parallel_loop3A_551 : f32 to vector<16xf32>
        %parallel_loop3A_553 = arith.mulf %parallel_loop3A_552, %parallel_loop3A_547 : vector<16xf32>
        %parallel_loop3A_554 = arith.select %parallel_loop3A_550, %parallel_loop3A_547, %parallel_loop3A_553 : vector<16xi1>, vector<16xf32>
        %parallel_loop3A_555 = math.exp %parallel_loop3A_554 : vector<16xf32>
        %parallel_loop3A_556 = arith.constant 0 : i32
        %parallel_loop3A_557 = vector.broadcast %parallel_loop3A_556 : i32 to vector<16xi32>
        %parallel_loop3A_558 = arith.cmpi slt, %broadcast_in_dim3A_533, %parallel_loop3A_557 : vector<16xi32>
        %parallel_loop3A_559 = arith.constant 16 : i32
        %parallel_loop3A_560 = vector.broadcast %parallel_loop3A_559 : i32 to vector<16xi32>
        %parallel_loop3A_561 = arith.addi %broadcast_in_dim3A_533, %parallel_loop3A_560 : vector<16xi32>
        %parallel_loop3A_562 = arith.select %parallel_loop3A_558, %parallel_loop3A_561, %broadcast_in_dim3A_533 : vector<16xi1>, vector<16xi32>
        %parallel_loop3A_563 = vector.shape_cast %parallel_loop3A_562 : vector<16xi32> to vector<16x1xi32>
        %parallel_loop3A_564 = vector.shape_cast %parallel_loop3A_563 : vector<16x1xi32> to vector<16xi32>
        %parallel_loop3A_565 = tpu.dynamic_gather %parallel_loop3A_555[%parallel_loop3A_564] in [0] : vector<16xf32>, vector<16xi32> -> vector<16xf32>
        %parallel_loop3A_566 = arith.mulf %parallel_loop3A_543, %parallel_loop3A_565 : vector<16xf32>
        %parallel_loop3A_567 = arith.index_cast %parallel_loop3A_540 : i32 to index
        %parallel_loop3A_568 = arith.constant 0 : index
        %parallel_loop3A_569 = tpu.vector_load %arg15[%parallel_loop3A_567, %parallel_loop3A_568] {strides = array<i32>} : memref<128x16xf32, #tpu.memory_space<vmem>>, vector<16xf32>,
        tpu.vector_store %arg15[%parallel_loop3A_567, %parallel_loop3A_568], %parallel_loop3A_566 {strides = array<i32>} : memref<128x16xf32, #tpu.memory_space<vmem>>, vector<16xf32>,
      } {sc.loop_unroll_factor = 4 : i64, sc.parallel_access}
      %dma_start3A_537 = arith.constant 0 : i32
      %dma_start3A_538 = arith.constant 0 : i32
      %dma_start3A_539 = tpu.memref_slice %arg17[%dma_start3A_537, %dma_start3A_538] : memref<10112x16xf32, #tpu.memory_space<vmem_shared>> -> memref<10112x16xf32, #tpu.memory_space<vmem_shared>>
      tpu.enqueue_indirect_dma source(%arg15 : memref<128x16xf32, #tpu.memory_space<vmem>>) target(%dma_start3A_539 : memref<10112x16xf32, #tpu.memory_space<vmem_shared>>) offsets(%arg9 : memref<128xi32, #tpu.memory_space<vmem>>) semaphore(%arg25 : memref<!tpu.dma_semaphore, #tpu.memory_space<semaphore_mem>>) {add = true}
    }
    %scan3A_273 = arith.constant 20 : i32
    %dma_wait3A_274 = arith.constant 0 : i32
    %dma_wait3A_275 = arith.constant 0 : i32
    %dma_wait3A_276 = tpu.memref_slice %arg17[%dma_wait3A_274, %dma_wait3A_275] : memref<10112x16xf32, #tpu.memory_space<vmem_shared>> -> memref<10112x16xf32, #tpu.memory_space<vmem_shared>>
    tpu.wait_indirect_dma semaphore(%arg24 : memref<!tpu.dma_semaphore, #tpu.memory_space<semaphore_mem>>) src(%arg14 : memref<128x16xf32, #tpu.memory_space<vmem>>) dst(%dma_wait3A_276 : memref<10112x16xf32, #tpu.memory_space<vmem_shared>>)
    %dma_wait3A_277 = arith.constant 0 : i32
    %dma_wait3A_278 = arith.constant 0 : i32
    %dma_wait3A_279 = tpu.memref_slice %arg17[%dma_wait3A_277, %dma_wait3A_278] : memref<10112x16xf32, #tpu.memory_space<vmem_shared>> -> memref<10112x16xf32, #tpu.memory_space<vmem_shared>>
    tpu.wait_indirect_dma semaphore(%arg25 : memref<!tpu.dma_semaphore, #tpu.memory_space<semaphore_mem>>) src(%arg15 : memref<128x16xf32, #tpu.memory_space<vmem>>) dst(%dma_wait3A_279 : memref<10112x16xf32, #tpu.memory_space<vmem_shared>>)
    %dma_wait3A_280 = arith.constant 0 : i32
    %dma_wait3A_281 = arith.constant 0 : i32
    %dma_wait3A_282 = tpu.memref_slice %arg6[%dma_wait3A_280, %dma_wait3A_281] : memref<2x128xi32, #tpu.memory_space<vmem>> -> memref<1x128xi32, #tpu.memory_space<vmem>>
    %dma_wait3A_283 = tpu.memref_squeeze %dma_wait3A_282 : memref<1x128xi32, #tpu.memory_space<vmem>> -> memref<128xi32, #tpu.memory_space<vmem>>
    %dma_wait3A_284 = arith.constant 0 : i32
    %dma_wait3A_285 = arith.constant 0 : i32
    %dma_wait3A_286 = tpu.memref_slice %arg3[%dma_wait3A_284, %dma_wait3A_285] : memref<10000x16xf32, #tpu.memory_space<hbm>> -> memref<10000x16xf32, #tpu.memory_space<hbm>>
    tpu.wait_indirect_dma semaphore(%arg20 : memref<!tpu.dma_semaphore, #tpu.memory_space<semaphore_mem>>) src(%dma_wait3A_286 : memref<10000x16xf32, #tpu.memory_space<hbm>>) dst(%arg10 : memref<128x16xf32, #tpu.memory_space<vmem>>)
    %dma_wait3A_287 = arith.constant 1 : i32
    %dma_wait3A_288 = arith.constant 0 : i32
    %dma_wait3A_289 = tpu.memref_slice %arg6[%dma_wait3A_287, %dma_wait3A_288] : memref<2x128xi32, #tpu.memory_space<vmem>> -> memref<1x128xi32, #tpu.memory_space<vmem>>
    %dma_wait3A_290 = tpu.memref_squeeze %dma_wait3A_289 : memref<1x128xi32, #tpu.memory_space<vmem>> -> memref<128xi32, #tpu.memory_space<vmem>>
    %dma_wait3A_291 = arith.constant 0 : i32
    %dma_wait3A_292 = arith.constant 0 : i32
    %dma_wait3A_293 = tpu.memref_slice %arg4[%dma_wait3A_291, %dma_wait3A_292] : memref<10000x16xf32, #tpu.memory_space<hbm>> -> memref<10000x16xf32, #tpu.memory_space<hbm>>
    tpu.wait_indirect_dma semaphore(%arg22 : memref<!tpu.dma_semaphore, #tpu.memory_space<semaphore_mem>>) src(%dma_wait3A_293 : memref<10000x16xf32, #tpu.memory_space<hbm>>) dst(%arg12 : memref<128x16xf32, #tpu.memory_space<vmem>>)
    %dma_wait3A_294 = arith.constant 0 : i32
    %dma_wait3A_295 = arith.constant 0 : i32
    %dma_wait3A_296 = tpu.memref_slice %arg2[%add3A_24, %dma_wait3A_294, %dma_wait3A_295] : memref<1350x2x128xi32, #tpu.memory_space<hbm>> -> memref<1x2x128xi32, #tpu.memory_space<hbm>>
    %dma_wait3A_297 = tpu.memref_squeeze %dma_wait3A_296 : memref<1x2x128xi32, #tpu.memory_space<hbm>> -> memref<2x128xi32, #tpu.memory_space<hbm>>
    %dma_wait3A_298 = arith.constant 0 : i32
    %dma_wait3A_299 = arith.constant 0 : i32
    %dma_wait3A_300 = tpu.memref_slice %arg2[%add3A_24, %dma_wait3A_298, %dma_wait3A_299] : memref<1350x2x128xi32, #tpu.memory_space<hbm>> -> memref<1x2x128xi32, #tpu.memory_space<hbm>>
    %dma_wait3A_301 = tpu.memref_squeeze %dma_wait3A_300 : memref<1x2x128xi32, #tpu.memory_space<hbm>> -> memref<2x128xi32, #tpu.memory_space<hbm>>
    tpu.wait_dma2 semaphore(%arg19 : memref<!tpu.dma_semaphore, #tpu.memory_space<semaphore_mem>>) src(%dma_wait3A_301 : memref<2x128xi32, #tpu.memory_space<hbm>>) dst(%arg7 : memref<2x128xi32, #tpu.memory_space<vmem>>)
    %barrier3A_302 = arith.constant 0 : index
    tpu.barrier barrier_id(%barrier3A_302)
    %mul3A_303 = arith.constant 632 : i32
    %mul3A_304 = arith.muli %arg1, %mul3A_303 : i32
    %mul3A_305 = arith.constant 632 : i32
    %mul3A_306 = arith.muli %arg1, %mul3A_305 : i32
    "tpu.region"() ({
      %run_scoped3A = tpu.sem_alloc : memref<!tpu.dma_semaphore, #tpu.memory_space<semaphore_mem>>
      %dma_start3A_307 = arith.constant 0 : i32
      %dma_start3A_308 = tpu.memref_slice %arg5[%arg0, %mul3A_306, %dma_start3A_307] : memref<2x10112x16xf32, #tpu.memory_space<hbm>> -> memref<1x632x16xf32, #tpu.memory_space<hbm>>
      %dma_start3A_309 = tpu.memref_squeeze %dma_start3A_308 : memref<1x632x16xf32, #tpu.memory_space<hbm>> -> memref<632x16xf32, #tpu.memory_space<hbm>>
      %dma_start3A_310 = arith.constant 0 : i32
      %dma_start3A_311 = tpu.memref_slice %arg17[%mul3A_304, %dma_start3A_310] : memref<10112x16xf32, #tpu.memory_space<vmem_shared>> -> memref<632x16xf32, #tpu.memory_space<vmem_shared>>
      tpu.enqueue_dma source(%dma_start3A_311 : memref<632x16xf32, #tpu.memory_space<vmem_shared>>) target(%dma_start3A_309 : memref<632x16xf32, #tpu.memory_space<hbm>>) target_semaphore(%run_scoped3A : memref<!tpu.dma_semaphore, #tpu.memory_space<semaphore_mem>>)
      %dma_wait3A_312 = arith.constant 0 : i32
      %dma_wait3A_313 = tpu.memref_slice %arg5[%arg0, %mul3A_306, %dma_wait3A_312] : memref<2x10112x16xf32, #tpu.memory_space<hbm>> -> memref<1x632x16xf32, #tpu.memory_space<hbm>>
      %dma_wait3A_314 = tpu.memref_squeeze %dma_wait3A_313 : memref<1x632x16xf32, #tpu.memory_space<hbm>> -> memref<632x16xf32, #tpu.memory_space<hbm>>
      %dma_wait3A_315 = arith.constant 0 : i32
      %dma_wait3A_316 = tpu.memref_slice %arg17[%mul3A_304, %dma_wait3A_315] : memref<10112x16xf32, #tpu.memory_space<vmem_shared>> -> memref<632x16xf32, #tpu.memory_space<vmem_shared>>
      tpu.wait_dma2 semaphore(%run_scoped3A : memref<!tpu.dma_semaphore, #tpu.memory_space<semaphore_mem>>) src(%dma_wait3A_316 : memref<632x16xf32, #tpu.memory_space<vmem_shared>>) dst(%dma_wait3A_314 : memref<632x16xf32, #tpu.memory_space<hbm>>)
      tpu.yield
    }) : () -> ()
    return
  }
}

#map = affine_map<(d0, d1) -> (0, 0, 0)>
#map1 = affine_map<(d0, d1) -> (0, 0)>
module attributes {stable_mosaic.version = 14 : i64} {
  func.func @sc_kernel(%arg0: i32, %arg1: i32, %arg2: memref<1350x2x128xi32, #tpu.memory_space<hbm>>, %arg3: memref<10000x96xbf16, #tpu.memory_space<hbm>>, %arg4: memref<10000x32xbf16, #tpu.memory_space<hbm>>, %arg5: memref<2x10112x96xf32, #tpu.memory_space<hbm>>, %arg6: memref<2x128xi32, #tpu.memory_space<vmem>>, %arg7: memref<2x128xi32, #tpu.memory_space<vmem>>, %arg8: memref<128xi32, #tpu.memory_space<vmem>>, %arg9: memref<128xi32, #tpu.memory_space<vmem>>, %arg10: memref<128x96xbf16, #tpu.memory_space<vmem>>, %arg11: memref<128x96xbf16, #tpu.memory_space<vmem>>, %arg12: memref<128x32xbf16, #tpu.memory_space<vmem>>, %arg13: memref<128x32xbf16, #tpu.memory_space<vmem>>, %arg14: memref<128x96xf32, #tpu.memory_space<vmem>>, %arg15: memref<128x96xf32, #tpu.memory_space<vmem>>, %arg16: memref<158x96xf32, #tpu.memory_space<vmem>>, %arg17: memref<10112x96xf32, #tpu.memory_space<vmem_shared>>, %arg18: memref<!tpu.dma_semaphore, #tpu.memory_space<semaphore_mem>>, %arg19: memref<!tpu.dma_semaphore, #tpu.memory_space<semaphore_mem>>, %arg20: memref<!tpu.dma_semaphore, #tpu.memory_space<semaphore_mem>>, %arg21: memref<!tpu.dma_semaphore, #tpu.memory_space<semaphore_mem>>, %arg22: memref<!tpu.dma_semaphore, #tpu.memory_space<semaphore_mem>>, %arg23: memref<!tpu.dma_semaphore, #tpu.memory_space<semaphore_mem>>, %arg24: memref<!tpu.dma_semaphore, #tpu.memory_space<semaphore_mem>>, %arg25: memref<!tpu.dma_semaphore, #tpu.memory_space<semaphore_mem>>) attributes {dimension_semantics = [#tpu.dimension_semantics<core_parallel>, #tpu.dimension_semantics<subcore_parallel>], iteration_bounds = array<i64: 2, 16>, scalar_prefetch = 0 : i64, scratch_operands = 20 : i64, tpu.core_type = #tpu.core_type<sc_vector_subcore>, window_params = [{transform_indices = #map}, {transform_indices = #map1}, {transform_indices = #map1}, {transform_indices = #map}]} {
    %broadcast_in_dim3A = arith.constant 0.000000e+00 : f32
    %broadcast_in_dim3A_0 = vector.broadcast %broadcast_in_dim3A : f32 to vector<16xf32>
    %scan3A = arith.constant 0 : i32
    %scan3A_1 = arith.constant 0 : i32
    %scan3A_2 = arith.constant 158 : i32
    %scan3A_3 = arith.addi %scan3A_1, %scan3A_2 : i32
    %scan3A_4 = arith.constant 1 : i32
    scf.for %scan3A_381 = %scan3A_1 to %scan3A_3 step %scan3A_4  : i32 {
      %swap3A_382 = arith.index_cast %scan3A_381 : i32 to index
      %swap3A_383 = arith.constant 0 : index
      %swap3A_384 = tpu.vector_load %arg16[%swap3A_382, %swap3A_383] {strides = array<i32>} : memref<158x96xf32, #tpu.memory_space<vmem>>, vector<16xf32>,
      tpu.vector_store %arg16[%swap3A_382, %swap3A_383], %broadcast_in_dim3A_0 {strides = array<i32>} : memref<158x96xf32, #tpu.memory_space<vmem>>, vector<16xf32>,
      %swap3A_385 = arith.index_cast %scan3A_381 : i32 to index
      %swap3A_386 = arith.constant 16 : index
      %swap3A_387 = tpu.vector_load %arg16[%swap3A_385, %swap3A_386] {strides = array<i32>} : memref<158x96xf32, #tpu.memory_space<vmem>>, vector<16xf32>,
      tpu.vector_store %arg16[%swap3A_385, %swap3A_386], %broadcast_in_dim3A_0 {strides = array<i32>} : memref<158x96xf32, #tpu.memory_space<vmem>>, vector<16xf32>,
      %swap3A_388 = arith.index_cast %scan3A_381 : i32 to index
      %swap3A_389 = arith.constant 32 : index
      %swap3A_390 = tpu.vector_load %arg16[%swap3A_388, %swap3A_389] {strides = array<i32>} : memref<158x96xf32, #tpu.memory_space<vmem>>, vector<16xf32>,
      tpu.vector_store %arg16[%swap3A_388, %swap3A_389], %broadcast_in_dim3A_0 {strides = array<i32>} : memref<158x96xf32, #tpu.memory_space<vmem>>, vector<16xf32>,
      %swap3A_391 = arith.index_cast %scan3A_381 : i32 to index
      %swap3A_392 = arith.constant 48 : index
      %swap3A_393 = tpu.vector_load %arg16[%swap3A_391, %swap3A_392] {strides = array<i32>} : memref<158x96xf32, #tpu.memory_space<vmem>>, vector<16xf32>,
      tpu.vector_store %arg16[%swap3A_391, %swap3A_392], %broadcast_in_dim3A_0 {strides = array<i32>} : memref<158x96xf32, #tpu.memory_space<vmem>>, vector<16xf32>,
      %swap3A_394 = arith.index_cast %scan3A_381 : i32 to index
      %swap3A_395 = arith.constant 64 : index
      %swap3A_396 = tpu.vector_load %arg16[%swap3A_394, %swap3A_395] {strides = array<i32>} : memref<158x96xf32, #tpu.memory_space<vmem>>, vector<16xf32>,
      tpu.vector_store %arg16[%swap3A_394, %swap3A_395], %broadcast_in_dim3A_0 {strides = array<i32>} : memref<158x96xf32, #tpu.memory_space<vmem>>, vector<16xf32>,
      %swap3A_397 = arith.index_cast %scan3A_381 : i32 to index
      %swap3A_398 = arith.constant 80 : index
      %swap3A_399 = tpu.vector_load %arg16[%swap3A_397, %swap3A_398] {strides = array<i32>} : memref<158x96xf32, #tpu.memory_space<vmem>>, vector<16xf32>,
      tpu.vector_store %arg16[%swap3A_397, %swap3A_398], %broadcast_in_dim3A_0 {strides = array<i32>} : memref<158x96xf32, #tpu.memory_space<vmem>>, vector<16xf32>,
    }
    %scan3A_5 = arith.constant 158 : i32
    %mul3A = arith.constant 632 : i32
    %mul3A_6 = arith.muli %arg1, %mul3A : i32
    %add3A = arith.constant 0 : i32
    %add3A_7 = arith.addi %mul3A_6, %add3A : i32
    "tpu.region"() ({
      %run_scoped3A = tpu.sem_alloc : memref<!tpu.dma_semaphore, #tpu.memory_space<semaphore_mem>>
      %dma_start3A_381 = arith.constant 0 : i32
      %dma_start3A_382 = tpu.memref_slice %arg17[%add3A_7, %dma_start3A_381] : memref<10112x96xf32, #tpu.memory_space<vmem_shared>> -> memref<158x96xf32, #tpu.memory_space<vmem_shared>>
      %dma_start3A_383 = arith.constant 0 : i32
      %dma_start3A_384 = tpu.memref_slice %arg17[%add3A_7, %dma_start3A_383] : memref<10112x96xf32, #tpu.memory_space<vmem_shared>> -> memref<158x96xf32, #tpu.memory_space<vmem_shared>>
      tpu.enqueue_dma source(%arg16 : memref<158x96xf32, #tpu.memory_space<vmem>>) target(%dma_start3A_384 : memref<158x96xf32, #tpu.memory_space<vmem_shared>>) target_semaphore(%run_scoped3A : memref<!tpu.dma_semaphore, #tpu.memory_space<semaphore_mem>>)
      %dma_wait3A_385 = arith.constant 0 : i32
      %dma_wait3A_386 = tpu.memref_slice %arg17[%add3A_7, %dma_wait3A_385] : memref<10112x96xf32, #tpu.memory_space<vmem_shared>> -> memref<158x96xf32, #tpu.memory_space<vmem_shared>>
      %dma_wait3A_387 = arith.constant 0 : i32
      %dma_wait3A_388 = tpu.memref_slice %arg17[%add3A_7, %dma_wait3A_387] : memref<10112x96xf32, #tpu.memory_space<vmem_shared>> -> memref<158x96xf32, #tpu.memory_space<vmem_shared>>
      tpu.wait_dma2 semaphore(%run_scoped3A : memref<!tpu.dma_semaphore, #tpu.memory_space<semaphore_mem>>) src(%arg16 : memref<158x96xf32, #tpu.memory_space<vmem>>) dst(%dma_wait3A_388 : memref<158x96xf32, #tpu.memory_space<vmem_shared>>)
      tpu.yield
    }) : () -> ()
    %mul3A_8 = arith.constant 632 : i32
    %mul3A_9 = arith.muli %arg1, %mul3A_8 : i32
    %add3A_10 = arith.constant 158 : i32
    %add3A_11 = arith.addi %mul3A_9, %add3A_10 : i32
    "tpu.region"() ({
      %run_scoped3A = tpu.sem_alloc : memref<!tpu.dma_semaphore, #tpu.memory_space<semaphore_mem>>
      %dma_start3A_381 = arith.constant 0 : i32
      %dma_start3A_382 = tpu.memref_slice %arg17[%add3A_11, %dma_start3A_381] : memref<10112x96xf32, #tpu.memory_space<vmem_shared>> -> memref<158x96xf32, #tpu.memory_space<vmem_shared>>
      %dma_start3A_383 = arith.constant 0 : i32
      %dma_start3A_384 = tpu.memref_slice %arg17[%add3A_11, %dma_start3A_383] : memref<10112x96xf32, #tpu.memory_space<vmem_shared>> -> memref<158x96xf32, #tpu.memory_space<vmem_shared>>
      tpu.enqueue_dma source(%arg16 : memref<158x96xf32, #tpu.memory_space<vmem>>) target(%dma_start3A_384 : memref<158x96xf32, #tpu.memory_space<vmem_shared>>) target_semaphore(%run_scoped3A : memref<!tpu.dma_semaphore, #tpu.memory_space<semaphore_mem>>)
      %dma_wait3A_385 = arith.constant 0 : i32
      %dma_wait3A_386 = tpu.memref_slice %arg17[%add3A_11, %dma_wait3A_385] : memref<10112x96xf32, #tpu.memory_space<vmem_shared>> -> memref<158x96xf32, #tpu.memory_space<vmem_shared>>
      %dma_wait3A_387 = arith.constant 0 : i32
      %dma_wait3A_388 = tpu.memref_slice %arg17[%add3A_11, %dma_wait3A_387] : memref<10112x96xf32, #tpu.memory_space<vmem_shared>> -> memref<158x96xf32, #tpu.memory_space<vmem_shared>>
      tpu.wait_dma2 semaphore(%run_scoped3A : memref<!tpu.dma_semaphore, #tpu.memory_space<semaphore_mem>>) src(%arg16 : memref<158x96xf32, #tpu.memory_space<vmem>>) dst(%dma_wait3A_388 : memref<158x96xf32, #tpu.memory_space<vmem_shared>>)
      tpu.yield
    }) : () -> ()
    %mul3A_12 = arith.constant 632 : i32
    %mul3A_13 = arith.muli %arg1, %mul3A_12 : i32
    %add3A_14 = arith.constant 316 : i32
    %add3A_15 = arith.addi %mul3A_13, %add3A_14 : i32
    "tpu.region"() ({
      %run_scoped3A = tpu.sem_alloc : memref<!tpu.dma_semaphore, #tpu.memory_space<semaphore_mem>>
      %dma_start3A_381 = arith.constant 0 : i32
      %dma_start3A_382 = tpu.memref_slice %arg17[%add3A_15, %dma_start3A_381] : memref<10112x96xf32, #tpu.memory_space<vmem_shared>> -> memref<158x96xf32, #tpu.memory_space<vmem_shared>>
      %dma_start3A_383 = arith.constant 0 : i32
      %dma_start3A_384 = tpu.memref_slice %arg17[%add3A_15, %dma_start3A_383] : memref<10112x96xf32, #tpu.memory_space<vmem_shared>> -> memref<158x96xf32, #tpu.memory_space<vmem_shared>>
      tpu.enqueue_dma source(%arg16 : memref<158x96xf32, #tpu.memory_space<vmem>>) target(%dma_start3A_384 : memref<158x96xf32, #tpu.memory_space<vmem_shared>>) target_semaphore(%run_scoped3A : memref<!tpu.dma_semaphore, #tpu.memory_space<semaphore_mem>>)
      %dma_wait3A_385 = arith.constant 0 : i32
      %dma_wait3A_386 = tpu.memref_slice %arg17[%add3A_15, %dma_wait3A_385] : memref<10112x96xf32, #tpu.memory_space<vmem_shared>> -> memref<158x96xf32, #tpu.memory_space<vmem_shared>>
      %dma_wait3A_387 = arith.constant 0 : i32
      %dma_wait3A_388 = tpu.memref_slice %arg17[%add3A_15, %dma_wait3A_387] : memref<10112x96xf32, #tpu.memory_space<vmem_shared>> -> memref<158x96xf32, #tpu.memory_space<vmem_shared>>
      tpu.wait_dma2 semaphore(%run_scoped3A : memref<!tpu.dma_semaphore, #tpu.memory_space<semaphore_mem>>) src(%arg16 : memref<158x96xf32, #tpu.memory_space<vmem>>) dst(%dma_wait3A_388 : memref<158x96xf32, #tpu.memory_space<vmem_shared>>)
      tpu.yield
    }) : () -> ()
    %mul3A_16 = arith.constant 632 : i32
    %mul3A_17 = arith.muli %arg1, %mul3A_16 : i32
    %add3A_18 = arith.constant 474 : i32
    %add3A_19 = arith.addi %mul3A_17, %add3A_18 : i32
    "tpu.region"() ({
      %run_scoped3A = tpu.sem_alloc : memref<!tpu.dma_semaphore, #tpu.memory_space<semaphore_mem>>
      %dma_start3A_381 = arith.constant 0 : i32
      %dma_start3A_382 = tpu.memref_slice %arg17[%add3A_19, %dma_start3A_381] : memref<10112x96xf32, #tpu.memory_space<vmem_shared>> -> memref<158x96xf32, #tpu.memory_space<vmem_shared>>
      %dma_start3A_383 = arith.constant 0 : i32
      %dma_start3A_384 = tpu.memref_slice %arg17[%add3A_19, %dma_start3A_383] : memref<10112x96xf32, #tpu.memory_space<vmem_shared>> -> memref<158x96xf32, #tpu.memory_space<vmem_shared>>
      tpu.enqueue_dma source(%arg16 : memref<158x96xf32, #tpu.memory_space<vmem>>) target(%dma_start3A_384 : memref<158x96xf32, #tpu.memory_space<vmem_shared>>) target_semaphore(%run_scoped3A : memref<!tpu.dma_semaphore, #tpu.memory_space<semaphore_mem>>)
      %dma_wait3A_385 = arith.constant 0 : i32
      %dma_wait3A_386 = tpu.memref_slice %arg17[%add3A_19, %dma_wait3A_385] : memref<10112x96xf32, #tpu.memory_space<vmem_shared>> -> memref<158x96xf32, #tpu.memory_space<vmem_shared>>
      %dma_wait3A_387 = arith.constant 0 : i32
      %dma_wait3A_388 = tpu.memref_slice %arg17[%add3A_19, %dma_wait3A_387] : memref<10112x96xf32, #tpu.memory_space<vmem_shared>> -> memref<158x96xf32, #tpu.memory_space<vmem_shared>>
      tpu.wait_dma2 semaphore(%run_scoped3A : memref<!tpu.dma_semaphore, #tpu.memory_space<semaphore_mem>>) src(%arg16 : memref<158x96xf32, #tpu.memory_space<vmem>>) dst(%dma_wait3A_388 : memref<158x96xf32, #tpu.memory_space<vmem_shared>>)
      tpu.yield
    }) : () -> ()
    %barrier3A = arith.constant 0 : index
    tpu.barrier barrier_id(%barrier3A)
    %mul3A_20 = arith.constant 2 : i32
    %mul3A_21 = arith.muli %mul3A_20, %arg1 : i32
    %mul3A_22 = arith.constant 42 : i32
    %mul3A_23 = arith.muli %mul3A_21, %mul3A_22 : i32
    %add3A_24 = arith.addi %mul3A_23, %arg0 : i32
    %dma_start3A = arith.constant 0 : i32
    %dma_start3A_25 = arith.constant 0 : i32
    %dma_start3A_26 = tpu.memref_slice %arg2[%add3A_24, %dma_start3A, %dma_start3A_25] : memref<1350x2x128xi32, #tpu.memory_space<hbm>> -> memref<1x2x128xi32, #tpu.memory_space<hbm>>
    %dma_start3A_27 = tpu.memref_squeeze %dma_start3A_26 : memref<1x2x128xi32, #tpu.memory_space<hbm>> -> memref<2x128xi32, #tpu.memory_space<hbm>>
    %dma_start3A_28 = arith.constant 0 : i32
    %dma_start3A_29 = arith.constant 0 : i32
    %dma_start3A_30 = tpu.memref_slice %arg2[%add3A_24, %dma_start3A_28, %dma_start3A_29] : memref<1350x2x128xi32, #tpu.memory_space<hbm>> -> memref<1x2x128xi32, #tpu.memory_space<hbm>>
    %dma_start3A_31 = tpu.memref_squeeze %dma_start3A_30 : memref<1x2x128xi32, #tpu.memory_space<hbm>> -> memref<2x128xi32, #tpu.memory_space<hbm>>
    tpu.enqueue_dma source(%dma_start3A_31 : memref<2x128xi32, #tpu.memory_space<hbm>>) target(%arg6 : memref<2x128xi32, #tpu.memory_space<vmem>>) target_semaphore(%arg18 : memref<!tpu.dma_semaphore, #tpu.memory_space<semaphore_mem>>)
    %add3A_32 = arith.constant 2 : i32
    %add3A_33 = arith.addi %add3A_24, %add3A_32 : i32
    %dma_start3A_34 = arith.constant 0 : i32
    %dma_start3A_35 = arith.constant 0 : i32
    %dma_start3A_36 = tpu.memref_slice %arg2[%add3A_33, %dma_start3A_34, %dma_start3A_35] : memref<1350x2x128xi32, #tpu.memory_space<hbm>> -> memref<1x2x128xi32, #tpu.memory_space<hbm>>
    %dma_start3A_37 = tpu.memref_squeeze %dma_start3A_36 : memref<1x2x128xi32, #tpu.memory_space<hbm>> -> memref<2x128xi32, #tpu.memory_space<hbm>>
    %dma_start3A_38 = arith.constant 0 : i32
    %dma_start3A_39 = arith.constant 0 : i32
    %dma_start3A_40 = tpu.memref_slice %arg2[%add3A_33, %dma_start3A_38, %dma_start3A_39] : memref<1350x2x128xi32, #tpu.memory_space<hbm>> -> memref<1x2x128xi32, #tpu.memory_space<hbm>>
    %dma_start3A_41 = tpu.memref_squeeze %dma_start3A_40 : memref<1x2x128xi32, #tpu.memory_space<hbm>> -> memref<2x128xi32, #tpu.memory_space<hbm>>
    tpu.enqueue_dma source(%dma_start3A_41 : memref<2x128xi32, #tpu.memory_space<hbm>>) target(%arg7 : memref<2x128xi32, #tpu.memory_space<vmem>>) target_semaphore(%arg19 : memref<!tpu.dma_semaphore, #tpu.memory_space<semaphore_mem>>)
    %dma_wait3A = arith.constant 0 : i32
    %dma_wait3A_42 = arith.constant 0 : i32
    %dma_wait3A_43 = tpu.memref_slice %arg2[%add3A_24, %dma_wait3A, %dma_wait3A_42] : memref<1350x2x128xi32, #tpu.memory_space<hbm>> -> memref<1x2x128xi32, #tpu.memory_space<hbm>>
    %dma_wait3A_44 = tpu.memref_squeeze %dma_wait3A_43 : memref<1x2x128xi32, #tpu.memory_space<hbm>> -> memref<2x128xi32, #tpu.memory_space<hbm>>
    %dma_wait3A_45 = arith.constant 0 : i32
    %dma_wait3A_46 = arith.constant 0 : i32
    %dma_wait3A_47 = tpu.memref_slice %arg2[%add3A_24, %dma_wait3A_45, %dma_wait3A_46] : memref<1350x2x128xi32, #tpu.memory_space<hbm>> -> memref<1x2x128xi32, #tpu.memory_space<hbm>>
    %dma_wait3A_48 = tpu.memref_squeeze %dma_wait3A_47 : memref<1x2x128xi32, #tpu.memory_space<hbm>> -> memref<2x128xi32, #tpu.memory_space<hbm>>
    tpu.wait_dma2 semaphore(%arg18 : memref<!tpu.dma_semaphore, #tpu.memory_space<semaphore_mem>>) src(%dma_wait3A_48 : memref<2x128xi32, #tpu.memory_space<hbm>>) dst(%arg6 : memref<2x128xi32, #tpu.memory_space<vmem>>)
    %dma_start3A_49 = arith.constant 0 : i32
    %dma_start3A_50 = arith.constant 0 : i32
    %dma_start3A_51 = tpu.memref_slice %arg6[%dma_start3A_49, %dma_start3A_50] : memref<2x128xi32, #tpu.memory_space<vmem>> -> memref<1x128xi32, #tpu.memory_space<vmem>>
    %dma_start3A_52 = tpu.memref_squeeze %dma_start3A_51 : memref<1x128xi32, #tpu.memory_space<vmem>> -> memref<128xi32, #tpu.memory_space<vmem>>
    %dma_start3A_53 = arith.constant 0 : i32
    %dma_start3A_54 = arith.constant 0 : i32
    %dma_start3A_55 = tpu.memref_slice %arg3[%dma_start3A_53, %dma_start3A_54] : memref<10000x96xbf16, #tpu.memory_space<hbm>> -> memref<10000x96xbf16, #tpu.memory_space<hbm>>
    tpu.enqueue_indirect_dma source(%dma_start3A_55 : memref<10000x96xbf16, #tpu.memory_space<hbm>>) target(%arg10 : memref<128x96xbf16, #tpu.memory_space<vmem>>) offsets(%dma_start3A_52 : memref<128xi32, #tpu.memory_space<vmem>>) semaphore(%arg20 : memref<!tpu.dma_semaphore, #tpu.memory_space<semaphore_mem>>)
    %dma_start3A_56 = arith.constant 1 : i32
    %dma_start3A_57 = arith.constant 0 : i32
    %dma_start3A_58 = tpu.memref_slice %arg6[%dma_start3A_56, %dma_start3A_57] : memref<2x128xi32, #tpu.memory_space<vmem>> -> memref<1x128xi32, #tpu.memory_space<vmem>>
    %dma_start3A_59 = tpu.memref_squeeze %dma_start3A_58 : memref<1x128xi32, #tpu.memory_space<vmem>> -> memref<128xi32, #tpu.memory_space<vmem>>
    %dma_start3A_60 = arith.constant 0 : i32
    %dma_start3A_61 = arith.constant 0 : i32
    %dma_start3A_62 = tpu.memref_slice %arg4[%dma_start3A_60, %dma_start3A_61] : memref<10000x32xbf16, #tpu.memory_space<hbm>> -> memref<10000x32xbf16, #tpu.memory_space<hbm>>
    tpu.enqueue_indirect_dma source(%dma_start3A_62 : memref<10000x32xbf16, #tpu.memory_space<hbm>>) target(%arg12 : memref<128x32xbf16, #tpu.memory_space<vmem>>) offsets(%dma_start3A_59 : memref<128xi32, #tpu.memory_space<vmem>>) semaphore(%arg22 : memref<!tpu.dma_semaphore, #tpu.memory_space<semaphore_mem>>)
    %add3A_63 = arith.constant 2 : i32
    %add3A_64 = arith.addi %add3A_24, %add3A_63 : i32
    %dma_wait3A_65 = arith.constant 0 : i32
    %dma_wait3A_66 = arith.constant 0 : i32
    %dma_wait3A_67 = tpu.memref_slice %arg2[%add3A_64, %dma_wait3A_65, %dma_wait3A_66] : memref<1350x2x128xi32, #tpu.memory_space<hbm>> -> memref<1x2x128xi32, #tpu.memory_space<hbm>>
    %dma_wait3A_68 = tpu.memref_squeeze %dma_wait3A_67 : memref<1x2x128xi32, #tpu.memory_space<hbm>> -> memref<2x128xi32, #tpu.memory_space<hbm>>
    %dma_wait3A_69 = arith.constant 0 : i32
    %dma_wait3A_70 = arith.constant 0 : i32
    %dma_wait3A_71 = tpu.memref_slice %arg2[%add3A_64, %dma_wait3A_69, %dma_wait3A_70] : memref<1350x2x128xi32, #tpu.memory_space<hbm>> -> memref<1x2x128xi32, #tpu.memory_space<hbm>>
    %dma_wait3A_72 = tpu.memref_squeeze %dma_wait3A_71 : memref<1x2x128xi32, #tpu.memory_space<hbm>> -> memref<2x128xi32, #tpu.memory_space<hbm>>
    tpu.wait_dma2 semaphore(%arg19 : memref<!tpu.dma_semaphore, #tpu.memory_space<semaphore_mem>>) src(%dma_wait3A_72 : memref<2x128xi32, #tpu.memory_space<hbm>>) dst(%arg7 : memref<2x128xi32, #tpu.memory_space<vmem>>)
    %dma_start3A_73 = arith.constant 0 : i32
    %dma_start3A_74 = arith.constant 0 : i32
    %dma_start3A_75 = tpu.memref_slice %arg7[%dma_start3A_73, %dma_start3A_74] : memref<2x128xi32, #tpu.memory_space<vmem>> -> memref<1x128xi32, #tpu.memory_space<vmem>>
    %dma_start3A_76 = tpu.memref_squeeze %dma_start3A_75 : memref<1x128xi32, #tpu.memory_space<vmem>> -> memref<128xi32, #tpu.memory_space<vmem>>
    %dma_start3A_77 = arith.constant 0 : i32
    %dma_start3A_78 = arith.constant 0 : i32
    %dma_start3A_79 = tpu.memref_slice %arg3[%dma_start3A_77, %dma_start3A_78] : memref<10000x96xbf16, #tpu.memory_space<hbm>> -> memref<10000x96xbf16, #tpu.memory_space<hbm>>
    tpu.enqueue_indirect_dma source(%dma_start3A_79 : memref<10000x96xbf16, #tpu.memory_space<hbm>>) target(%arg11 : memref<128x96xbf16, #tpu.memory_space<vmem>>) offsets(%dma_start3A_76 : memref<128xi32, #tpu.memory_space<vmem>>) semaphore(%arg21 : memref<!tpu.dma_semaphore, #tpu.memory_space<semaphore_mem>>)
    %dma_start3A_80 = arith.constant 1 : i32
    %dma_start3A_81 = arith.constant 0 : i32
    %dma_start3A_82 = tpu.memref_slice %arg7[%dma_start3A_80, %dma_start3A_81] : memref<2x128xi32, #tpu.memory_space<vmem>> -> memref<1x128xi32, #tpu.memory_space<vmem>>
    %dma_start3A_83 = tpu.memref_squeeze %dma_start3A_82 : memref<1x128xi32, #tpu.memory_space<vmem>> -> memref<128xi32, #tpu.memory_space<vmem>>
    %dma_start3A_84 = arith.constant 0 : i32
    %dma_start3A_85 = arith.constant 0 : i32
    %dma_start3A_86 = tpu.memref_slice %arg4[%dma_start3A_84, %dma_start3A_85] : memref<10000x32xbf16, #tpu.memory_space<hbm>> -> memref<10000x32xbf16, #tpu.memory_space<hbm>>
    tpu.enqueue_indirect_dma source(%dma_start3A_86 : memref<10000x32xbf16, #tpu.memory_space<hbm>>) target(%arg13 : memref<128x32xbf16, #tpu.memory_space<vmem>>) offsets(%dma_start3A_83 : memref<128xi32, #tpu.memory_space<vmem>>) semaphore(%arg23 : memref<!tpu.dma_semaphore, #tpu.memory_space<semaphore_mem>>)
    %dma_wait3A_87 = arith.constant 0 : i32
    %dma_wait3A_88 = arith.constant 0 : i32
    %dma_wait3A_89 = tpu.memref_slice %arg6[%dma_wait3A_87, %dma_wait3A_88] : memref<2x128xi32, #tpu.memory_space<vmem>> -> memref<1x128xi32, #tpu.memory_space<vmem>>
    %dma_wait3A_90 = tpu.memref_squeeze %dma_wait3A_89 : memref<1x128xi32, #tpu.memory_space<vmem>> -> memref<128xi32, #tpu.memory_space<vmem>>
    %dma_wait3A_91 = arith.constant 0 : i32
    %dma_wait3A_92 = arith.constant 0 : i32
    %dma_wait3A_93 = tpu.memref_slice %arg3[%dma_wait3A_91, %dma_wait3A_92] : memref<10000x96xbf16, #tpu.memory_space<hbm>> -> memref<10000x96xbf16, #tpu.memory_space<hbm>>
    tpu.wait_indirect_dma semaphore(%arg20 : memref<!tpu.dma_semaphore, #tpu.memory_space<semaphore_mem>>) src(%dma_wait3A_93 : memref<10000x96xbf16, #tpu.memory_space<hbm>>) dst(%arg10 : memref<128x96xbf16, #tpu.memory_space<vmem>>)
    %dma_wait3A_94 = arith.constant 1 : i32
    %dma_wait3A_95 = arith.constant 0 : i32
    %dma_wait3A_96 = tpu.memref_slice %arg6[%dma_wait3A_94, %dma_wait3A_95] : memref<2x128xi32, #tpu.memory_space<vmem>> -> memref<1x128xi32, #tpu.memory_space<vmem>>
    %dma_wait3A_97 = tpu.memref_squeeze %dma_wait3A_96 : memref<1x128xi32, #tpu.memory_space<vmem>> -> memref<128xi32, #tpu.memory_space<vmem>>
    %dma_wait3A_98 = arith.constant 0 : i32
    %dma_wait3A_99 = arith.constant 0 : i32
    %dma_wait3A_100 = tpu.memref_slice %arg4[%dma_wait3A_98, %dma_wait3A_99] : memref<10000x32xbf16, #tpu.memory_space<hbm>> -> memref<10000x32xbf16, #tpu.memory_space<hbm>>
    tpu.wait_indirect_dma semaphore(%arg22 : memref<!tpu.dma_semaphore, #tpu.memory_space<semaphore_mem>>) src(%dma_wait3A_100 : memref<10000x32xbf16, #tpu.memory_space<hbm>>) dst(%arg12 : memref<128x32xbf16, #tpu.memory_space<vmem>>)
    %get3A = arith.constant 1 : i32
    %get3A_101 = arith.index_cast %get3A : i32 to index
    %get3A_102 = arith.constant 0 : index
    %get3A_103 = tpu.vector_load %arg6[%get3A_101, %get3A_102] {strides = array<i32>} : memref<2x128xi32, #tpu.memory_space<vmem>>, vector<16xi32>,
    %swap3A = arith.constant 0 : index
    %swap3A_104 = tpu.vector_load %arg8[%swap3A] {strides = array<i32>} : memref<128xi32, #tpu.memory_space<vmem>>, vector<16xi32>,
    tpu.vector_store %arg8[%swap3A], %get3A_103 {strides = array<i32>} : memref<128xi32, #tpu.memory_space<vmem>>, vector<16xi32>,
    %get3A_105 = arith.constant 1 : i32
    %get3A_106 = arith.index_cast %get3A_105 : i32 to index
    %get3A_107 = arith.constant 16 : index
    %get3A_108 = tpu.vector_load %arg6[%get3A_106, %get3A_107] {strides = array<i32>} : memref<2x128xi32, #tpu.memory_space<vmem>>, vector<16xi32>,
    %swap3A_109 = arith.constant 16 : index
    %swap3A_110 = tpu.vector_load %arg8[%swap3A_109] {strides = array<i32>} : memref<128xi32, #tpu.memory_space<vmem>>, vector<16xi32>,
    tpu.vector_store %arg8[%swap3A_109], %get3A_108 {strides = array<i32>} : memref<128xi32, #tpu.memory_space<vmem>>, vector<16xi32>,
    %get3A_111 = arith.constant 1 : i32
    %get3A_112 = arith.index_cast %get3A_111 : i32 to index
    %get3A_113 = arith.constant 32 : index
    %get3A_114 = tpu.vector_load %arg6[%get3A_112, %get3A_113] {strides = array<i32>} : memref<2x128xi32, #tpu.memory_space<vmem>>, vector<16xi32>,
    %swap3A_115 = arith.constant 32 : index
    %swap3A_116 = tpu.vector_load %arg8[%swap3A_115] {strides = array<i32>} : memref<128xi32, #tpu.memory_space<vmem>>, vector<16xi32>,
    tpu.vector_store %arg8[%swap3A_115], %get3A_114 {strides = array<i32>} : memref<128xi32, #tpu.memory_space<vmem>>, vector<16xi32>,
    %get3A_117 = arith.constant 1 : i32
    %get3A_118 = arith.index_cast %get3A_117 : i32 to index
    %get3A_119 = arith.constant 48 : index
    %get3A_120 = tpu.vector_load %arg6[%get3A_118, %get3A_119] {strides = array<i32>} : memref<2x128xi32, #tpu.memory_space<vmem>>, vector<16xi32>,
    %swap3A_121 = arith.constant 48 : index
    %swap3A_122 = tpu.vector_load %arg8[%swap3A_121] {strides = array<i32>} : memref<128xi32, #tpu.memory_space<vmem>>, vector<16xi32>,
    tpu.vector_store %arg8[%swap3A_121], %get3A_120 {strides = array<i32>} : memref<128xi32, #tpu.memory_space<vmem>>, vector<16xi32>,
    %get3A_123 = arith.constant 1 : i32
    %get3A_124 = arith.index_cast %get3A_123 : i32 to index
    %get3A_125 = arith.constant 64 : index
    %get3A_126 = tpu.vector_load %arg6[%get3A_124, %get3A_125] {strides = array<i32>} : memref<2x128xi32, #tpu.memory_space<vmem>>, vector<16xi32>,
    %swap3A_127 = arith.constant 64 : index
    %swap3A_128 = tpu.vector_load %arg8[%swap3A_127] {strides = array<i32>} : memref<128xi32, #tpu.memory_space<vmem>>, vector<16xi32>,
    tpu.vector_store %arg8[%swap3A_127], %get3A_126 {strides = array<i32>} : memref<128xi32, #tpu.memory_space<vmem>>, vector<16xi32>,
    %get3A_129 = arith.constant 1 : i32
    %get3A_130 = arith.index_cast %get3A_129 : i32 to index
    %get3A_131 = arith.constant 80 : index
    %get3A_132 = tpu.vector_load %arg6[%get3A_130, %get3A_131] {strides = array<i32>} : memref<2x128xi32, #tpu.memory_space<vmem>>, vector<16xi32>,
    %swap3A_133 = arith.constant 80 : index
    %swap3A_134 = tpu.vector_load %arg8[%swap3A_133] {strides = array<i32>} : memref<128xi32, #tpu.memory_space<vmem>>, vector<16xi32>,
    tpu.vector_store %arg8[%swap3A_133], %get3A_132 {strides = array<i32>} : memref<128xi32, #tpu.memory_space<vmem>>, vector<16xi32>,
    %get3A_135 = arith.constant 1 : i32
    %get3A_136 = arith.index_cast %get3A_135 : i32 to index
    %get3A_137 = arith.constant 96 : index
    %get3A_138 = tpu.vector_load %arg6[%get3A_136, %get3A_137] {strides = array<i32>} : memref<2x128xi32, #tpu.memory_space<vmem>>, vector<16xi32>,
    %swap3A_139 = arith.constant 96 : index
    %swap3A_140 = tpu.vector_load %arg8[%swap3A_139] {strides = array<i32>} : memref<128xi32, #tpu.memory_space<vmem>>, vector<16xi32>,
    tpu.vector_store %arg8[%swap3A_139], %get3A_138 {strides = array<i32>} : memref<128xi32, #tpu.memory_space<vmem>>, vector<16xi32>,
    %get3A_141 = arith.constant 1 : i32
    %get3A_142 = arith.index_cast %get3A_141 : i32 to index
    %get3A_143 = arith.constant 112 : index
    %get3A_144 = tpu.vector_load %arg6[%get3A_142, %get3A_143] {strides = array<i32>} : memref<2x128xi32, #tpu.memory_space<vmem>>, vector<16xi32>,
    %swap3A_145 = arith.constant 112 : index
    %swap3A_146 = tpu.vector_load %arg8[%swap3A_145] {strides = array<i32>} : memref<128xi32, #tpu.memory_space<vmem>>, vector<16xi32>,
    tpu.vector_store %arg8[%swap3A_145], %get3A_144 {strides = array<i32>} : memref<128xi32, #tpu.memory_space<vmem>>, vector<16xi32>,
    %add3A_147 = arith.constant 4 : i32
    %add3A_148 = arith.addi %add3A_24, %add3A_147 : i32
    %dma_start3A_149 = arith.constant 0 : i32
    %dma_start3A_150 = arith.constant 0 : i32
    %dma_start3A_151 = tpu.memref_slice %arg2[%add3A_148, %dma_start3A_149, %dma_start3A_150] : memref<1350x2x128xi32, #tpu.memory_space<hbm>> -> memref<1x2x128xi32, #tpu.memory_space<hbm>>
    %dma_start3A_152 = tpu.memref_squeeze %dma_start3A_151 : memref<1x2x128xi32, #tpu.memory_space<hbm>> -> memref<2x128xi32, #tpu.memory_space<hbm>>
    %dma_start3A_153 = arith.constant 0 : i32
    %dma_start3A_154 = arith.constant 0 : i32
    %dma_start3A_155 = tpu.memref_slice %arg2[%add3A_148, %dma_start3A_153, %dma_start3A_154] : memref<1350x2x128xi32, #tpu.memory_space<hbm>> -> memref<1x2x128xi32, #tpu.memory_space<hbm>>
    %dma_start3A_156 = tpu.memref_squeeze %dma_start3A_155 : memref<1x2x128xi32, #tpu.memory_space<hbm>> -> memref<2x128xi32, #tpu.memory_space<hbm>>
    tpu.enqueue_dma source(%dma_start3A_156 : memref<2x128xi32, #tpu.memory_space<hbm>>) target(%arg6 : memref<2x128xi32, #tpu.memory_space<vmem>>) target_semaphore(%arg18 : memref<!tpu.dma_semaphore, #tpu.memory_space<semaphore_mem>>)
    %iota3A = tpu.iota {dimensions = array<i32: 0>} : vector<16xi32>
    %lt3A = arith.constant 8 : i32
    %lt3A_157 = vector.broadcast %lt3A : i32 to vector<16xi32>
    %lt3A_158 = arith.cmpi slt, %iota3A, %lt3A_157 : vector<16xi32>
    %jit3A = arith.constant 0 : i32
    %jit3A_159 = arith.constant 1 : i32
    %broadcast_in_dim3A_160 = vector.broadcast %jit3A : i32 to vector<16xi32>
    %broadcast_in_dim3A_161 = vector.broadcast %jit3A_159 : i32 to vector<16xi32>
    %select_n3A = arith.select %lt3A_158, %broadcast_in_dim3A_160, %broadcast_in_dim3A_161 : vector<16xi1>, vector<16xi32>
    %lt3A_162 = arith.constant 8 : i32
    %lt3A_163 = vector.broadcast %lt3A_162 : i32 to vector<16xi32>
    %lt3A_164 = arith.cmpi slt, %iota3A, %lt3A_163 : vector<16xi32>
    %jit3A_165 = arith.constant 2 : i32
    %jit3A_166 = arith.constant 3 : i32
    %broadcast_in_dim3A_167 = vector.broadcast %jit3A_165 : i32 to vector<16xi32>
    %broadcast_in_dim3A_168 = vector.broadcast %jit3A_166 : i32 to vector<16xi32>
    %select_n3A_169 = arith.select %lt3A_164, %broadcast_in_dim3A_167, %broadcast_in_dim3A_168 : vector<16xi1>, vector<16xi32>
    %lt3A_170 = arith.constant 8 : i32
    %lt3A_171 = vector.broadcast %lt3A_170 : i32 to vector<16xi32>
    %lt3A_172 = arith.cmpi slt, %iota3A, %lt3A_171 : vector<16xi32>
    %jit3A_173 = arith.constant 4 : i32
    %jit3A_174 = arith.constant 5 : i32
    %broadcast_in_dim3A_175 = vector.broadcast %jit3A_173 : i32 to vector<16xi32>
    %broadcast_in_dim3A_176 = vector.broadcast %jit3A_174 : i32 to vector<16xi32>
    %select_n3A_177 = arith.select %lt3A_172, %broadcast_in_dim3A_175, %broadcast_in_dim3A_176 : vector<16xi1>, vector<16xi32>
    %lt3A_178 = arith.constant 8 : i32
    %lt3A_179 = vector.broadcast %lt3A_178 : i32 to vector<16xi32>
    %lt3A_180 = arith.cmpi slt, %iota3A, %lt3A_179 : vector<16xi32>
    %jit3A_181 = arith.constant 6 : i32
    %jit3A_182 = arith.constant 7 : i32
    %broadcast_in_dim3A_183 = vector.broadcast %jit3A_181 : i32 to vector<16xi32>
    %broadcast_in_dim3A_184 = vector.broadcast %jit3A_182 : i32 to vector<16xi32>
    %select_n3A_185 = arith.select %lt3A_180, %broadcast_in_dim3A_183, %broadcast_in_dim3A_184 : vector<16xi1>, vector<16xi32>
    %lt3A_186 = arith.constant 8 : i32
    %lt3A_187 = vector.broadcast %lt3A_186 : i32 to vector<16xi32>
    %lt3A_188 = arith.cmpi slt, %iota3A, %lt3A_187 : vector<16xi32>
    %jit3A_189 = arith.constant 8 : i32
    %jit3A_190 = arith.constant 9 : i32
    %broadcast_in_dim3A_191 = vector.broadcast %jit3A_189 : i32 to vector<16xi32>
    %broadcast_in_dim3A_192 = vector.broadcast %jit3A_190 : i32 to vector<16xi32>
    %select_n3A_193 = arith.select %lt3A_188, %broadcast_in_dim3A_191, %broadcast_in_dim3A_192 : vector<16xi1>, vector<16xi32>
    %parallel_loop3A = arith.constant 0 : i32
    %parallel_loop3A_194 = arith.constant 128 : i32
    %parallel_loop3A_195 = arith.constant 1 : i32
    scf.for %parallel_loop3A_381 = %parallel_loop3A to %parallel_loop3A_194 step %parallel_loop3A_195  : i32 {
      %parallel_loop3A_382 = arith.index_cast %parallel_loop3A_381 : i32 to index
      %parallel_loop3A_383 = arith.constant 0 : index
      %parallel_loop3A_384 = tpu.vector_load %arg12[%parallel_loop3A_382, %parallel_loop3A_383] {strides = array<i32>} : memref<128x32xbf16, #tpu.memory_space<vmem>>, vector<32xbf16>,
      %parallel_loop3A_385 = tpu.unpack_subelements %parallel_loop3A_384, 0 {pack_format = #tpu.pack_format<interleaved>} : vector<32xbf16> -> vector<16xf32>
      %parallel_loop3A_386 = tpu.unpack_subelements %parallel_loop3A_384, 1 {pack_format = #tpu.pack_format<interleaved>} : vector<32xbf16> -> vector<16xf32>
      %parallel_loop3A_387 = arith.index_cast %parallel_loop3A_381 : i32 to index
      %parallel_loop3A_388 = arith.constant 0 : index
      %parallel_loop3A_389 = tpu.vector_load %arg10[%parallel_loop3A_387, %parallel_loop3A_388] {strides = array<i32>} : memref<128x96xbf16, #tpu.memory_space<vmem>>, vector<32xbf16>,
      %parallel_loop3A_390 = tpu.unpack_subelements %parallel_loop3A_389, 0 {pack_format = #tpu.pack_format<interleaved>} : vector<32xbf16> -> vector<16xf32>
      %parallel_loop3A_391 = tpu.unpack_subelements %parallel_loop3A_389, 1 {pack_format = #tpu.pack_format<interleaved>} : vector<32xbf16> -> vector<16xf32>
      %parallel_loop3A_392 = arith.index_cast %parallel_loop3A_381 : i32 to index
      %parallel_loop3A_393 = arith.constant 32 : index
      %parallel_loop3A_394 = tpu.vector_load %arg10[%parallel_loop3A_392, %parallel_loop3A_393] {strides = array<i32>} : memref<128x96xbf16, #tpu.memory_space<vmem>>, vector<32xbf16>,
      %parallel_loop3A_395 = tpu.unpack_subelements %parallel_loop3A_394, 0 {pack_format = #tpu.pack_format<interleaved>} : vector<32xbf16> -> vector<16xf32>
      %parallel_loop3A_396 = tpu.unpack_subelements %parallel_loop3A_394, 1 {pack_format = #tpu.pack_format<interleaved>} : vector<32xbf16> -> vector<16xf32>
      %parallel_loop3A_397 = arith.index_cast %parallel_loop3A_381 : i32 to index
      %parallel_loop3A_398 = arith.constant 64 : index
      %parallel_loop3A_399 = tpu.vector_load %arg10[%parallel_loop3A_397, %parallel_loop3A_398] {strides = array<i32>} : memref<128x96xbf16, #tpu.memory_space<vmem>>, vector<32xbf16>,
      %parallel_loop3A_400 = tpu.unpack_subelements %parallel_loop3A_399, 0 {pack_format = #tpu.pack_format<interleaved>} : vector<32xbf16> -> vector<16xf32>
      %parallel_loop3A_401 = tpu.unpack_subelements %parallel_loop3A_399, 1 {pack_format = #tpu.pack_format<interleaved>} : vector<32xbf16> -> vector<16xf32>
      %parallel_loop3A_402 = arith.addf %parallel_loop3A_401, %parallel_loop3A_385 : vector<16xf32>
      %parallel_loop3A_403 = arith.constant 0.000000e+00 : f32
      %parallel_loop3A_404 = vector.broadcast %parallel_loop3A_403 : f32 to vector<16xf32>
      %parallel_loop3A_405 = arith.cmpf ogt, %parallel_loop3A_402, %parallel_loop3A_404 : vector<16xf32>
      %parallel_loop3A_406 = arith.constant 2.000000e-01 : f32
      %parallel_loop3A_407 = vector.broadcast %parallel_loop3A_406 : f32 to vector<16xf32>
      %parallel_loop3A_408 = arith.mulf %parallel_loop3A_407, %parallel_loop3A_402 : vector<16xf32>
      %parallel_loop3A_409 = arith.select %parallel_loop3A_405, %parallel_loop3A_402, %parallel_loop3A_408 : vector<16xi1>, vector<16xf32>
      %parallel_loop3A_410 = math.exp %parallel_loop3A_409 : vector<16xf32>
      %parallel_loop3A_411 = arith.index_cast %parallel_loop3A_381 : i32 to index
      %parallel_loop3A_412 = arith.constant 80 : index
      %parallel_loop3A_413 = tpu.vector_load %arg14[%parallel_loop3A_411, %parallel_loop3A_412] {strides = array<i32>} : memref<128x96xf32, #tpu.memory_space<vmem>>, vector<16xf32>,
      tpu.vector_store %arg14[%parallel_loop3A_411, %parallel_loop3A_412], %parallel_loop3A_410 {strides = array<i32>} : memref<128x96xf32, #tpu.memory_space<vmem>>, vector<16xf32>,
      %parallel_loop3A_414 = arith.constant 0 : i32
      %parallel_loop3A_415 = vector.broadcast %parallel_loop3A_414 : i32 to vector<16xi32>
      %parallel_loop3A_416 = arith.cmpi slt, %select_n3A, %parallel_loop3A_415 : vector<16xi32>
      %parallel_loop3A_417 = arith.constant 16 : i32
      %parallel_loop3A_418 = vector.broadcast %parallel_loop3A_417 : i32 to vector<16xi32>
      %parallel_loop3A_419 = arith.addi %select_n3A, %parallel_loop3A_418 : vector<16xi32>
      %parallel_loop3A_420 = arith.select %parallel_loop3A_416, %parallel_loop3A_419, %select_n3A : vector<16xi1>, vector<16xi32>
      %parallel_loop3A_421 = vector.shape_cast %parallel_loop3A_420 : vector<16xi32> to vector<16x1xi32>
      %parallel_loop3A_422 = vector.shape_cast %parallel_loop3A_421 : vector<16x1xi32> to vector<16xi32>
      %parallel_loop3A_423 = tpu.dynamic_gather %parallel_loop3A_410[%parallel_loop3A_422] in [0] : vector<16xf32>, vector<16xi32> -> vector<16xf32>
      %parallel_loop3A_424 = arith.mulf %parallel_loop3A_390, %parallel_loop3A_423 : vector<16xf32>
      %parallel_loop3A_425 = arith.index_cast %parallel_loop3A_381 : i32 to index
      %parallel_loop3A_426 = arith.constant 0 : index
      %parallel_loop3A_427 = tpu.vector_load %arg14[%parallel_loop3A_425, %parallel_loop3A_426] {strides = array<i32>} : memref<128x96xf32, #tpu.memory_space<vmem>>, vector<16xf32>,
      tpu.vector_store %arg14[%parallel_loop3A_425, %parallel_loop3A_426], %parallel_loop3A_424 {strides = array<i32>} : memref<128x96xf32, #tpu.memory_space<vmem>>, vector<16xf32>,
      %parallel_loop3A_428 = arith.constant 0 : i32
      %parallel_loop3A_429 = vector.broadcast %parallel_loop3A_428 : i32 to vector<16xi32>
      %parallel_loop3A_430 = arith.cmpi slt, %select_n3A_169, %parallel_loop3A_429 : vector<16xi32>
      %parallel_loop3A_431 = arith.constant 16 : i32
      %parallel_loop3A_432 = vector.broadcast %parallel_loop3A_431 : i32 to vector<16xi32>
      %parallel_loop3A_433 = arith.addi %select_n3A_169, %parallel_loop3A_432 : vector<16xi32>
      %parallel_loop3A_434 = arith.select %parallel_loop3A_430, %parallel_loop3A_433, %select_n3A_169 : vector<16xi1>, vector<16xi32>
      %parallel_loop3A_435 = vector.shape_cast %parallel_loop3A_434 : vector<16xi32> to vector<16x1xi32>
      %parallel_loop3A_436 = vector.shape_cast %parallel_loop3A_435 : vector<16x1xi32> to vector<16xi32>
      %parallel_loop3A_437 = tpu.dynamic_gather %parallel_loop3A_410[%parallel_loop3A_436] in [0] : vector<16xf32>, vector<16xi32> -> vector<16xf32>
      %parallel_loop3A_438 = arith.mulf %parallel_loop3A_391, %parallel_loop3A_437 : vector<16xf32>
      %parallel_loop3A_439 = arith.index_cast %parallel_loop3A_381 : i32 to index
      %parallel_loop3A_440 = arith.constant 16 : index
      %parallel_loop3A_441 = tpu.vector_load %arg14[%parallel_loop3A_439, %parallel_loop3A_440] {strides = array<i32>} : memref<128x96xf32, #tpu.memory_space<vmem>>, vector<16xf32>,
      tpu.vector_store %arg14[%parallel_loop3A_439, %parallel_loop3A_440], %parallel_loop3A_438 {strides = array<i32>} : memref<128x96xf32, #tpu.memory_space<vmem>>, vector<16xf32>,
      %parallel_loop3A_442 = arith.constant 0 : i32
      %parallel_loop3A_443 = vector.broadcast %parallel_loop3A_442 : i32 to vector<16xi32>
      %parallel_loop3A_444 = arith.cmpi slt, %select_n3A_177, %parallel_loop3A_443 : vector<16xi32>
      %parallel_loop3A_445 = arith.constant 16 : i32
      %parallel_loop3A_446 = vector.broadcast %parallel_loop3A_445 : i32 to vector<16xi32>
      %parallel_loop3A_447 = arith.addi %select_n3A_177, %parallel_loop3A_446 : vector<16xi32>
      %parallel_loop3A_448 = arith.select %parallel_loop3A_444, %parallel_loop3A_447, %select_n3A_177 : vector<16xi1>, vector<16xi32>
      %parallel_loop3A_449 = vector.shape_cast %parallel_loop3A_448 : vector<16xi32> to vector<16x1xi32>
      %parallel_loop3A_450 = vector.shape_cast %parallel_loop3A_449 : vector<16x1xi32> to vector<16xi32>
      %parallel_loop3A_451 = tpu.dynamic_gather %parallel_loop3A_410[%parallel_loop3A_450] in [0] : vector<16xf32>, vector<16xi32> -> vector<16xf32>
      %parallel_loop3A_452 = arith.mulf %parallel_loop3A_395, %parallel_loop3A_451 : vector<16xf32>
      %parallel_loop3A_453 = arith.index_cast %parallel_loop3A_381 : i32 to index
      %parallel_loop3A_454 = arith.constant 32 : index
      %parallel_loop3A_455 = tpu.vector_load %arg14[%parallel_loop3A_453, %parallel_loop3A_454] {strides = array<i32>} : memref<128x96xf32, #tpu.memory_space<vmem>>, vector<16xf32>,
      tpu.vector_store %arg14[%parallel_loop3A_453, %parallel_loop3A_454], %parallel_loop3A_452 {strides = array<i32>} : memref<128x96xf32, #tpu.memory_space<vmem>>, vector<16xf32>,
      %parallel_loop3A_456 = arith.constant 0 : i32
      %parallel_loop3A_457 = vector.broadcast %parallel_loop3A_456 : i32 to vector<16xi32>
      %parallel_loop3A_458 = arith.cmpi slt, %select_n3A_185, %parallel_loop3A_457 : vector<16xi32>
      %parallel_loop3A_459 = arith.constant 16 : i32
      %parallel_loop3A_460 = vector.broadcast %parallel_loop3A_459 : i32 to vector<16xi32>
      %parallel_loop3A_461 = arith.addi %select_n3A_185, %parallel_loop3A_460 : vector<16xi32>
      %parallel_loop3A_462 = arith.select %parallel_loop3A_458, %parallel_loop3A_461, %select_n3A_185 : vector<16xi1>, vector<16xi32>
      %parallel_loop3A_463 = vector.shape_cast %parallel_loop3A_462 : vector<16xi32> to vector<16x1xi32>
      %parallel_loop3A_464 = vector.shape_cast %parallel_loop3A_463 : vector<16x1xi32> to vector<16xi32>
      %parallel_loop3A_465 = tpu.dynamic_gather %parallel_loop3A_410[%parallel_loop3A_464] in [0] : vector<16xf32>, vector<16xi32> -> vector<16xf32>
      %parallel_loop3A_466 = arith.mulf %parallel_loop3A_396, %parallel_loop3A_465 : vector<16xf32>
      %parallel_loop3A_467 = arith.index_cast %parallel_loop3A_381 : i32 to index
      %parallel_loop3A_468 = arith.constant 48 : index
      %parallel_loop3A_469 = tpu.vector_load %arg14[%parallel_loop3A_467, %parallel_loop3A_468] {strides = array<i32>} : memref<128x96xf32, #tpu.memory_space<vmem>>, vector<16xf32>,
      tpu.vector_store %arg14[%parallel_loop3A_467, %parallel_loop3A_468], %parallel_loop3A_466 {strides = array<i32>} : memref<128x96xf32, #tpu.memory_space<vmem>>, vector<16xf32>,
      %parallel_loop3A_470 = arith.constant 0 : i32
      %parallel_loop3A_471 = vector.broadcast %parallel_loop3A_470 : i32 to vector<16xi32>
      %parallel_loop3A_472 = arith.cmpi slt, %select_n3A_193, %parallel_loop3A_471 : vector<16xi32>
      %parallel_loop3A_473 = arith.constant 16 : i32
      %parallel_loop3A_474 = vector.broadcast %parallel_loop3A_473 : i32 to vector<16xi32>
      %parallel_loop3A_475 = arith.addi %select_n3A_193, %parallel_loop3A_474 : vector<16xi32>
      %parallel_loop3A_476 = arith.select %parallel_loop3A_472, %parallel_loop3A_475, %select_n3A_193 : vector<16xi1>, vector<16xi32>
      %parallel_loop3A_477 = vector.shape_cast %parallel_loop3A_476 : vector<16xi32> to vector<16x1xi32>
      %parallel_loop3A_478 = vector.shape_cast %parallel_loop3A_477 : vector<16x1xi32> to vector<16xi32>
      %parallel_loop3A_479 = tpu.dynamic_gather %parallel_loop3A_410[%parallel_loop3A_478] in [0] : vector<16xf32>, vector<16xi32> -> vector<16xf32>
      %parallel_loop3A_480 = arith.mulf %parallel_loop3A_400, %parallel_loop3A_479 : vector<16xf32>
      %parallel_loop3A_481 = arith.index_cast %parallel_loop3A_381 : i32 to index
      %parallel_loop3A_482 = arith.constant 64 : index
      %parallel_loop3A_483 = tpu.vector_load %arg14[%parallel_loop3A_481, %parallel_loop3A_482] {strides = array<i32>} : memref<128x96xf32, #tpu.memory_space<vmem>>, vector<16xf32>,
      tpu.vector_store %arg14[%parallel_loop3A_481, %parallel_loop3A_482], %parallel_loop3A_480 {strides = array<i32>} : memref<128x96xf32, #tpu.memory_space<vmem>>, vector<16xf32>,
    } {sc.loop_unroll_factor = 4 : i64, sc.parallel_access}
    %dma_start3A_196 = arith.constant 0 : i32
    %dma_start3A_197 = arith.constant 0 : i32
    %dma_start3A_198 = tpu.memref_slice %arg17[%dma_start3A_196, %dma_start3A_197] : memref<10112x96xf32, #tpu.memory_space<vmem_shared>> -> memref<10112x96xf32, #tpu.memory_space<vmem_shared>>
    tpu.enqueue_indirect_dma source(%arg14 : memref<128x96xf32, #tpu.memory_space<vmem>>) target(%dma_start3A_198 : memref<10112x96xf32, #tpu.memory_space<vmem_shared>>) offsets(%arg8 : memref<128xi32, #tpu.memory_space<vmem>>) semaphore(%arg24 : memref<!tpu.dma_semaphore, #tpu.memory_space<semaphore_mem>>) {add = true}
    %add3A_199 = arith.constant 4 : i32
    %add3A_200 = arith.addi %add3A_24, %add3A_199 : i32
    %dma_wait3A_201 = arith.constant 0 : i32
    %dma_wait3A_202 = arith.constant 0 : i32
    %dma_wait3A_203 = tpu.memref_slice %arg2[%add3A_200, %dma_wait3A_201, %dma_wait3A_202] : memref<1350x2x128xi32, #tpu.memory_space<hbm>> -> memref<1x2x128xi32, #tpu.memory_space<hbm>>
    %dma_wait3A_204 = tpu.memref_squeeze %dma_wait3A_203 : memref<1x2x128xi32, #tpu.memory_space<hbm>> -> memref<2x128xi32, #tpu.memory_space<hbm>>
    %dma_wait3A_205 = arith.constant 0 : i32
    %dma_wait3A_206 = arith.constant 0 : i32
    %dma_wait3A_207 = tpu.memref_slice %arg2[%add3A_200, %dma_wait3A_205, %dma_wait3A_206] : memref<1350x2x128xi32, #tpu.memory_space<hbm>> -> memref<1x2x128xi32, #tpu.memory_space<hbm>>
    %dma_wait3A_208 = tpu.memref_squeeze %dma_wait3A_207 : memref<1x2x128xi32, #tpu.memory_space<hbm>> -> memref<2x128xi32, #tpu.memory_space<hbm>>
    tpu.wait_dma2 semaphore(%arg18 : memref<!tpu.dma_semaphore, #tpu.memory_space<semaphore_mem>>) src(%dma_wait3A_208 : memref<2x128xi32, #tpu.memory_space<hbm>>) dst(%arg6 : memref<2x128xi32, #tpu.memory_space<vmem>>)
    %dma_start3A_209 = arith.constant 0 : i32
    %dma_start3A_210 = arith.constant 0 : i32
    %dma_start3A_211 = tpu.memref_slice %arg6[%dma_start3A_209, %dma_start3A_210] : memref<2x128xi32, #tpu.memory_space<vmem>> -> memref<1x128xi32, #tpu.memory_space<vmem>>
    %dma_start3A_212 = tpu.memref_squeeze %dma_start3A_211 : memref<1x128xi32, #tpu.memory_space<vmem>> -> memref<128xi32, #tpu.memory_space<vmem>>
    %dma_start3A_213 = arith.constant 0 : i32
    %dma_start3A_214 = arith.constant 0 : i32
    %dma_start3A_215 = tpu.memref_slice %arg3[%dma_start3A_213, %dma_start3A_214] : memref<10000x96xbf16, #tpu.memory_space<hbm>> -> memref<10000x96xbf16, #tpu.memory_space<hbm>>
    tpu.enqueue_indirect_dma source(%dma_start3A_215 : memref<10000x96xbf16, #tpu.memory_space<hbm>>) target(%arg10 : memref<128x96xbf16, #tpu.memory_space<vmem>>) offsets(%dma_start3A_212 : memref<128xi32, #tpu.memory_space<vmem>>) semaphore(%arg20 : memref<!tpu.dma_semaphore, #tpu.memory_space<semaphore_mem>>)
    %dma_start3A_216 = arith.constant 1 : i32
    %dma_start3A_217 = arith.constant 0 : i32
    %dma_start3A_218 = tpu.memref_slice %arg6[%dma_start3A_216, %dma_start3A_217] : memref<2x128xi32, #tpu.memory_space<vmem>> -> memref<1x128xi32, #tpu.memory_space<vmem>>
    %dma_start3A_219 = tpu.memref_squeeze %dma_start3A_218 : memref<1x128xi32, #tpu.memory_space<vmem>> -> memref<128xi32, #tpu.memory_space<vmem>>
    %dma_start3A_220 = arith.constant 0 : i32
    %dma_start3A_221 = arith.constant 0 : i32
    %dma_start3A_222 = tpu.memref_slice %arg4[%dma_start3A_220, %dma_start3A_221] : memref<10000x32xbf16, #tpu.memory_space<hbm>> -> memref<10000x32xbf16, #tpu.memory_space<hbm>>
    tpu.enqueue_indirect_dma source(%dma_start3A_222 : memref<10000x32xbf16, #tpu.memory_space<hbm>>) target(%arg12 : memref<128x32xbf16, #tpu.memory_space<vmem>>) offsets(%dma_start3A_219 : memref<128xi32, #tpu.memory_space<vmem>>) semaphore(%arg22 : memref<!tpu.dma_semaphore, #tpu.memory_space<semaphore_mem>>)
    %dma_wait3A_223 = arith.constant 0 : i32
    %dma_wait3A_224 = arith.constant 0 : i32
    %dma_wait3A_225 = tpu.memref_slice %arg7[%dma_wait3A_223, %dma_wait3A_224] : memref<2x128xi32, #tpu.memory_space<vmem>> -> memref<1x128xi32, #tpu.memory_space<vmem>>
    %dma_wait3A_226 = tpu.memref_squeeze %dma_wait3A_225 : memref<1x128xi32, #tpu.memory_space<vmem>> -> memref<128xi32, #tpu.memory_space<vmem>>
    %dma_wait3A_227 = arith.constant 0 : i32
    %dma_wait3A_228 = arith.constant 0 : i32
    %dma_wait3A_229 = tpu.memref_slice %arg3[%dma_wait3A_227, %dma_wait3A_228] : memref<10000x96xbf16, #tpu.memory_space<hbm>> -> memref<10000x96xbf16, #tpu.memory_space<hbm>>
    tpu.wait_indirect_dma semaphore(%arg21 : memref<!tpu.dma_semaphore, #tpu.memory_space<semaphore_mem>>) src(%dma_wait3A_229 : memref<10000x96xbf16, #tpu.memory_space<hbm>>) dst(%arg11 : memref<128x96xbf16, #tpu.memory_space<vmem>>)
    %dma_wait3A_230 = arith.constant 1 : i32
    %dma_wait3A_231 = arith.constant 0 : i32
    %dma_wait3A_232 = tpu.memref_slice %arg7[%dma_wait3A_230, %dma_wait3A_231] : memref<2x128xi32, #tpu.memory_space<vmem>> -> memref<1x128xi32, #tpu.memory_space<vmem>>
    %dma_wait3A_233 = tpu.memref_squeeze %dma_wait3A_232 : memref<1x128xi32, #tpu.memory_space<vmem>> -> memref<128xi32, #tpu.memory_space<vmem>>
    %dma_wait3A_234 = arith.constant 0 : i32
    %dma_wait3A_235 = arith.constant 0 : i32
    %dma_wait3A_236 = tpu.memref_slice %arg4[%dma_wait3A_234, %dma_wait3A_235] : memref<10000x32xbf16, #tpu.memory_space<hbm>> -> memref<10000x32xbf16, #tpu.memory_space<hbm>>
    tpu.wait_indirect_dma semaphore(%arg23 : memref<!tpu.dma_semaphore, #tpu.memory_space<semaphore_mem>>) src(%dma_wait3A_236 : memref<10000x32xbf16, #tpu.memory_space<hbm>>) dst(%arg13 : memref<128x32xbf16, #tpu.memory_space<vmem>>)
    %get3A_237 = arith.constant 1 : i32
    %get3A_238 = arith.index_cast %get3A_237 : i32 to index
    %get3A_239 = arith.constant 0 : index
    %get3A_240 = tpu.vector_load %arg7[%get3A_238, %get3A_239] {strides = array<i32>} : memref<2x128xi32, #tpu.memory_space<vmem>>, vector<16xi32>,
    %swap3A_241 = arith.constant 0 : index
    %swap3A_242 = tpu.vector_load %arg9[%swap3A_241] {strides = array<i32>} : memref<128xi32, #tpu.memory_space<vmem>>, vector<16xi32>,
    tpu.vector_store %arg9[%swap3A_241], %get3A_240 {strides = array<i32>} : memref<128xi32, #tpu.memory_space<vmem>>, vector<16xi32>,
    %get3A_243 = arith.constant 1 : i32
    %get3A_244 = arith.index_cast %get3A_243 : i32 to index
    %get3A_245 = arith.constant 16 : index
    %get3A_246 = tpu.vector_load %arg7[%get3A_244, %get3A_245] {strides = array<i32>} : memref<2x128xi32, #tpu.memory_space<vmem>>, vector<16xi32>,
    %swap3A_247 = arith.constant 16 : index
    %swap3A_248 = tpu.vector_load %arg9[%swap3A_247] {strides = array<i32>} : memref<128xi32, #tpu.memory_space<vmem>>, vector<16xi32>,
    tpu.vector_store %arg9[%swap3A_247], %get3A_246 {strides = array<i32>} : memref<128xi32, #tpu.memory_space<vmem>>, vector<16xi32>,
    %get3A_249 = arith.constant 1 : i32
    %get3A_250 = arith.index_cast %get3A_249 : i32 to index
    %get3A_251 = arith.constant 32 : index
    %get3A_252 = tpu.vector_load %arg7[%get3A_250, %get3A_251] {strides = array<i32>} : memref<2x128xi32, #tpu.memory_space<vmem>>, vector<16xi32>,
    %swap3A_253 = arith.constant 32 : index
    %swap3A_254 = tpu.vector_load %arg9[%swap3A_253] {strides = array<i32>} : memref<128xi32, #tpu.memory_space<vmem>>, vector<16xi32>,
    tpu.vector_store %arg9[%swap3A_253], %get3A_252 {strides = array<i32>} : memref<128xi32, #tpu.memory_space<vmem>>, vector<16xi32>,
    %get3A_255 = arith.constant 1 : i32
    %get3A_256 = arith.index_cast %get3A_255 : i32 to index
    %get3A_257 = arith.constant 48 : index
    %get3A_258 = tpu.vector_load %arg7[%get3A_256, %get3A_257] {strides = array<i32>} : memref<2x128xi32, #tpu.memory_space<vmem>>, vector<16xi32>,
    %swap3A_259 = arith.constant 48 : index
    %swap3A_260 = tpu.vector_load %arg9[%swap3A_259] {strides = array<i32>} : memref<128xi32, #tpu.memory_space<vmem>>, vector<16xi32>,
    tpu.vector_store %arg9[%swap3A_259], %get3A_258 {strides = array<i32>} : memref<128xi32, #tpu.memory_space<vmem>>, vector<16xi32>,
    %get3A_261 = arith.constant 1 : i32
    %get3A_262 = arith.index_cast %get3A_261 : i32 to index
    %get3A_263 = arith.constant 64 : index
    %get3A_264 = tpu.vector_load %arg7[%get3A_262, %get3A_263] {strides = array<i32>} : memref<2x128xi32, #tpu.memory_space<vmem>>, vector<16xi32>,
    %swap3A_265 = arith.constant 64 : index
    %swap3A_266 = tpu.vector_load %arg9[%swap3A_265] {strides = array<i32>} : memref<128xi32, #tpu.memory_space<vmem>>, vector<16xi32>,
    tpu.vector_store %arg9[%swap3A_265], %get3A_264 {strides = array<i32>} : memref<128xi32, #tpu.memory_space<vmem>>, vector<16xi32>,
    %get3A_267 = arith.constant 1 : i32
    %get3A_268 = arith.index_cast %get3A_267 : i32 to index
    %get3A_269 = arith.constant 80 : index
    %get3A_270 = tpu.vector_load %arg7[%get3A_268, %get3A_269] {strides = array<i32>} : memref<2x128xi32, #tpu.memory_space<vmem>>, vector<16xi32>,
    %swap3A_271 = arith.constant 80 : index
    %swap3A_272 = tpu.vector_load %arg9[%swap3A_271] {strides = array<i32>} : memref<128xi32, #tpu.memory_space<vmem>>, vector<16xi32>,
    tpu.vector_store %arg9[%swap3A_271], %get3A_270 {strides = array<i32>} : memref<128xi32, #tpu.memory_space<vmem>>, vector<16xi32>,
    %get3A_273 = arith.constant 1 : i32
    %get3A_274 = arith.index_cast %get3A_273 : i32 to index
    %get3A_275 = arith.constant 96 : index
    %get3A_276 = tpu.vector_load %arg7[%get3A_274, %get3A_275] {strides = array<i32>} : memref<2x128xi32, #tpu.memory_space<vmem>>, vector<16xi32>,
    %swap3A_277 = arith.constant 96 : index
    %swap3A_278 = tpu.vector_load %arg9[%swap3A_277] {strides = array<i32>} : memref<128xi32, #tpu.memory_space<vmem>>, vector<16xi32>,
    tpu.vector_store %arg9[%swap3A_277], %get3A_276 {strides = array<i32>} : memref<128xi32, #tpu.memory_space<vmem>>, vector<16xi32>,
    %get3A_279 = arith.constant 1 : i32
    %get3A_280 = arith.index_cast %get3A_279 : i32 to index
    %get3A_281 = arith.constant 112 : index
    %get3A_282 = tpu.vector_load %arg7[%get3A_280, %get3A_281] {strides = array<i32>} : memref<2x128xi32, #tpu.memory_space<vmem>>, vector<16xi32>,
    %swap3A_283 = arith.constant 112 : index
    %swap3A_284 = tpu.vector_load %arg9[%swap3A_283] {strides = array<i32>} : memref<128xi32, #tpu.memory_space<vmem>>, vector<16xi32>,
    tpu.vector_store %arg9[%swap3A_283], %get3A_282 {strides = array<i32>} : memref<128xi32, #tpu.memory_space<vmem>>, vector<16xi32>,
    %add3A_285 = arith.constant 6 : i32
    %add3A_286 = arith.addi %add3A_24, %add3A_285 : i32
    %dma_start3A_287 = arith.constant 0 : i32
    %dma_start3A_288 = arith.constant 0 : i32
    %dma_start3A_289 = tpu.memref_slice %arg2[%add3A_286, %dma_start3A_287, %dma_start3A_288] : memref<1350x2x128xi32, #tpu.memory_space<hbm>> -> memref<1x2x128xi32, #tpu.memory_space<hbm>>
    %dma_start3A_290 = tpu.memref_squeeze %dma_start3A_289 : memref<1x2x128xi32, #tpu.memory_space<hbm>> -> memref<2x128xi32, #tpu.memory_space<hbm>>
    %dma_start3A_291 = arith.constant 0 : i32
    %dma_start3A_292 = arith.constant 0 : i32
    %dma_start3A_293 = tpu.memref_slice %arg2[%add3A_286, %dma_start3A_291, %dma_start3A_292] : memref<1350x2x128xi32, #tpu.memory_space<hbm>> -> memref<1x2x128xi32, #tpu.memory_space<hbm>>
    %dma_start3A_294 = tpu.memref_squeeze %dma_start3A_293 : memref<1x2x128xi32, #tpu.memory_space<hbm>> -> memref<2x128xi32, #tpu.memory_space<hbm>>
    tpu.enqueue_dma source(%dma_start3A_294 : memref<2x128xi32, #tpu.memory_space<hbm>>) target(%arg7 : memref<2x128xi32, #tpu.memory_space<vmem>>) target_semaphore(%arg19 : memref<!tpu.dma_semaphore, #tpu.memory_space<semaphore_mem>>)
    %iota3A_295 = tpu.iota {dimensions = array<i32: 0>} : vector<16xi32>
    %lt3A_296 = arith.constant 8 : i32
    %lt3A_297 = vector.broadcast %lt3A_296 : i32 to vector<16xi32>
    %lt3A_298 = arith.cmpi slt, %iota3A_295, %lt3A_297 : vector<16xi32>
    %jit3A_299 = arith.constant 0 : i32
    %jit3A_300 = arith.constant 1 : i32
    %broadcast_in_dim3A_301 = vector.broadcast %jit3A_299 : i32 to vector<16xi32>
    %broadcast_in_dim3A_302 = vector.broadcast %jit3A_300 : i32 to vector<16xi32>
    %select_n3A_303 = arith.select %lt3A_298, %broadcast_in_dim3A_301, %broadcast_in_dim3A_302 : vector<16xi1>, vector<16xi32>
    %lt3A_304 = arith.constant 8 : i32
    %lt3A_305 = vector.broadcast %lt3A_304 : i32 to vector<16xi32>
    %lt3A_306 = arith.cmpi slt, %iota3A_295, %lt3A_305 : vector<16xi32>
    %jit3A_307 = arith.constant 2 : i32
    %jit3A_308 = arith.constant 3 : i32
    %broadcast_in_dim3A_309 = vector.broadcast %jit3A_307 : i32 to vector<16xi32>
    %broadcast_in_dim3A_310 = vector.broadcast %jit3A_308 : i32 to vector<16xi32>
    %select_n3A_311 = arith.select %lt3A_306, %broadcast_in_dim3A_309, %broadcast_in_dim3A_310 : vector<16xi1>, vector<16xi32>
    %lt3A_312 = arith.constant 8 : i32
    %lt3A_313 = vector.broadcast %lt3A_312 : i32 to vector<16xi32>
    %lt3A_314 = arith.cmpi slt, %iota3A_295, %lt3A_313 : vector<16xi32>
    %jit3A_315 = arith.constant 4 : i32
    %jit3A_316 = arith.constant 5 : i32
    %broadcast_in_dim3A_317 = vector.broadcast %jit3A_315 : i32 to vector<16xi32>
    %broadcast_in_dim3A_318 = vector.broadcast %jit3A_316 : i32 to vector<16xi32>
    %select_n3A_319 = arith.select %lt3A_314, %broadcast_in_dim3A_317, %broadcast_in_dim3A_318 : vector<16xi1>, vector<16xi32>
    %lt3A_320 = arith.constant 8 : i32
    %lt3A_321 = vector.broadcast %lt3A_320 : i32 to vector<16xi32>
    %lt3A_322 = arith.cmpi slt, %iota3A_295, %lt3A_321 : vector<16xi32>
    %jit3A_323 = arith.constant 6 : i32
    %jit3A_324 = arith.constant 7 : i32
    %broadcast_in_dim3A_325 = vector.broadcast %jit3A_323 : i32 to vector<16xi32>
    %broadcast_in_dim3A_326 = vector.broadcast %jit3A_324 : i32 to vector<16xi32>
    %select_n3A_327 = arith.select %lt3A_322, %broadcast_in_dim3A_325, %broadcast_in_dim3A_326 : vector<16xi1>, vector<16xi32>
    %lt3A_328 = arith.constant 8 : i32
    %lt3A_329 = vector.broadcast %lt3A_328 : i32 to vector<16xi32>
    %lt3A_330 = arith.cmpi slt, %iota3A_295, %lt3A_329 : vector<16xi32>
    %jit3A_331 = arith.constant 8 : i32
    %jit3A_332 = arith.constant 9 : i32
    %broadcast_in_dim3A_333 = vector.broadcast %jit3A_331 : i32 to vector<16xi32>
    %broadcast_in_dim3A_334 = vector.broadcast %jit3A_332 : i32 to vector<16xi32>
    %select_n3A_335 = arith.select %lt3A_330, %broadcast_in_dim3A_333, %broadcast_in_dim3A_334 : vector<16xi1>, vector<16xi32>
    %parallel_loop3A_336 = arith.constant 0 : i32
    %parallel_loop3A_337 = arith.constant 128 : i32
    %parallel_loop3A_338 = arith.constant 1 : i32
    scf.for %parallel_loop3A_381 = %parallel_loop3A_336 to %parallel_loop3A_337 step %parallel_loop3A_338  : i32 {
      %parallel_loop3A_382 = arith.index_cast %parallel_loop3A_381 : i32 to index
      %parallel_loop3A_383 = arith.constant 0 : index
      %parallel_loop3A_384 = tpu.vector_load %arg13[%parallel_loop3A_382, %parallel_loop3A_383] {strides = array<i32>} : memref<128x32xbf16, #tpu.memory_space<vmem>>, vector<32xbf16>,
      %parallel_loop3A_385 = tpu.unpack_subelements %parallel_loop3A_384, 0 {pack_format = #tpu.pack_format<interleaved>} : vector<32xbf16> -> vector<16xf32>
      %parallel_loop3A_386 = tpu.unpack_subelements %parallel_loop3A_384, 1 {pack_format = #tpu.pack_format<interleaved>} : vector<32xbf16> -> vector<16xf32>
      %parallel_loop3A_387 = arith.index_cast %parallel_loop3A_381 : i32 to index
      %parallel_loop3A_388 = arith.constant 0 : index
      %parallel_loop3A_389 = tpu.vector_load %arg11[%parallel_loop3A_387, %parallel_loop3A_388] {strides = array<i32>} : memref<128x96xbf16, #tpu.memory_space<vmem>>, vector<32xbf16>,
      %parallel_loop3A_390 = tpu.unpack_subelements %parallel_loop3A_389, 0 {pack_format = #tpu.pack_format<interleaved>} : vector<32xbf16> -> vector<16xf32>
      %parallel_loop3A_391 = tpu.unpack_subelements %parallel_loop3A_389, 1 {pack_format = #tpu.pack_format<interleaved>} : vector<32xbf16> -> vector<16xf32>
      %parallel_loop3A_392 = arith.index_cast %parallel_loop3A_381 : i32 to index
      %parallel_loop3A_393 = arith.constant 32 : index
      %parallel_loop3A_394 = tpu.vector_load %arg11[%parallel_loop3A_392, %parallel_loop3A_393] {strides = array<i32>} : memref<128x96xbf16, #tpu.memory_space<vmem>>, vector<32xbf16>,
      %parallel_loop3A_395 = tpu.unpack_subelements %parallel_loop3A_394, 0 {pack_format = #tpu.pack_format<interleaved>} : vector<32xbf16> -> vector<16xf32>
      %parallel_loop3A_396 = tpu.unpack_subelements %parallel_loop3A_394, 1 {pack_format = #tpu.pack_format<interleaved>} : vector<32xbf16> -> vector<16xf32>
      %parallel_loop3A_397 = arith.index_cast %parallel_loop3A_381 : i32 to index
      %parallel_loop3A_398 = arith.constant 64 : index
      %parallel_loop3A_399 = tpu.vector_load %arg11[%parallel_loop3A_397, %parallel_loop3A_398] {strides = array<i32>} : memref<128x96xbf16, #tpu.memory_space<vmem>>, vector<32xbf16>,
      %parallel_loop3A_400 = tpu.unpack_subelements %parallel_loop3A_399, 0 {pack_format = #tpu.pack_format<interleaved>} : vector<32xbf16> -> vector<16xf32>
      %parallel_loop3A_401 = tpu.unpack_subelements %parallel_loop3A_399, 1 {pack_format = #tpu.pack_format<interleaved>} : vector<32xbf16> -> vector<16xf32>
      %parallel_loop3A_402 = arith.addf %parallel_loop3A_401, %parallel_loop3A_385 : vector<16xf32>
      %parallel_loop3A_403 = arith.constant 0.000000e+00 : f32
      %parallel_loop3A_404 = vector.broadcast %parallel_loop3A_403 : f32 to vector<16xf32>
      %parallel_loop3A_405 = arith.cmpf ogt, %parallel_loop3A_402, %parallel_loop3A_404 : vector<16xf32>
      %parallel_loop3A_406 = arith.constant 2.000000e-01 : f32
      %parallel_loop3A_407 = vector.broadcast %parallel_loop3A_406 : f32 to vector<16xf32>
      %parallel_loop3A_408 = arith.mulf %parallel_loop3A_407, %parallel_loop3A_402 : vector<16xf32>
      %parallel_loop3A_409 = arith.select %parallel_loop3A_405, %parallel_loop3A_402, %parallel_loop3A_408 : vector<16xi1>, vector<16xf32>
      %parallel_loop3A_410 = math.exp %parallel_loop3A_409 : vector<16xf32>
      %parallel_loop3A_411 = arith.index_cast %parallel_loop3A_381 : i32 to index
      %parallel_loop3A_412 = arith.constant 80 : index
      %parallel_loop3A_413 = tpu.vector_load %arg15[%parallel_loop3A_411, %parallel_loop3A_412] {strides = array<i32>} : memref<128x96xf32, #tpu.memory_space<vmem>>, vector<16xf32>,
      tpu.vector_store %arg15[%parallel_loop3A_411, %parallel_loop3A_412], %parallel_loop3A_410 {strides = array<i32>} : memref<128x96xf32, #tpu.memory_space<vmem>>, vector<16xf32>,
      %parallel_loop3A_414 = arith.constant 0 : i32
      %parallel_loop3A_415 = vector.broadcast %parallel_loop3A_414 : i32 to vector<16xi32>
      %parallel_loop3A_416 = arith.cmpi slt, %select_n3A_303, %parallel_loop3A_415 : vector<16xi32>
      %parallel_loop3A_417 = arith.constant 16 : i32
      %parallel_loop3A_418 = vector.broadcast %parallel_loop3A_417 : i32 to vector<16xi32>
      %parallel_loop3A_419 = arith.addi %select_n3A_303, %parallel_loop3A_418 : vector<16xi32>
      %parallel_loop3A_420 = arith.select %parallel_loop3A_416, %parallel_loop3A_419, %select_n3A_303 : vector<16xi1>, vector<16xi32>
      %parallel_loop3A_421 = vector.shape_cast %parallel_loop3A_420 : vector<16xi32> to vector<16x1xi32>
      %parallel_loop3A_422 = vector.shape_cast %parallel_loop3A_421 : vector<16x1xi32> to vector<16xi32>
      %parallel_loop3A_423 = tpu.dynamic_gather %parallel_loop3A_410[%parallel_loop3A_422] in [0] : vector<16xf32>, vector<16xi32> -> vector<16xf32>
      %parallel_loop3A_424 = arith.mulf %parallel_loop3A_390, %parallel_loop3A_423 : vector<16xf32>
      %parallel_loop3A_425 = arith.index_cast %parallel_loop3A_381 : i32 to index
      %parallel_loop3A_426 = arith.constant 0 : index
      %parallel_loop3A_427 = tpu.vector_load %arg15[%parallel_loop3A_425, %parallel_loop3A_426] {strides = array<i32>} : memref<128x96xf32, #tpu.memory_space<vmem>>, vector<16xf32>,
      tpu.vector_store %arg15[%parallel_loop3A_425, %parallel_loop3A_426], %parallel_loop3A_424 {strides = array<i32>} : memref<128x96xf32, #tpu.memory_space<vmem>>, vector<16xf32>,
      %parallel_loop3A_428 = arith.constant 0 : i32
      %parallel_loop3A_429 = vector.broadcast %parallel_loop3A_428 : i32 to vector<16xi32>
      %parallel_loop3A_430 = arith.cmpi slt, %select_n3A_311, %parallel_loop3A_429 : vector<16xi32>
      %parallel_loop3A_431 = arith.constant 16 : i32
      %parallel_loop3A_432 = vector.broadcast %parallel_loop3A_431 : i32 to vector<16xi32>
      %parallel_loop3A_433 = arith.addi %select_n3A_311, %parallel_loop3A_432 : vector<16xi32>
      %parallel_loop3A_434 = arith.select %parallel_loop3A_430, %parallel_loop3A_433, %select_n3A_311 : vector<16xi1>, vector<16xi32>
      %parallel_loop3A_435 = vector.shape_cast %parallel_loop3A_434 : vector<16xi32> to vector<16x1xi32>
      %parallel_loop3A_436 = vector.shape_cast %parallel_loop3A_435 : vector<16x1xi32> to vector<16xi32>
      %parallel_loop3A_437 = tpu.dynamic_gather %parallel_loop3A_410[%parallel_loop3A_436] in [0] : vector<16xf32>, vector<16xi32> -> vector<16xf32>
      %parallel_loop3A_438 = arith.mulf %parallel_loop3A_391, %parallel_loop3A_437 : vector<16xf32>
      %parallel_loop3A_439 = arith.index_cast %parallel_loop3A_381 : i32 to index
      %parallel_loop3A_440 = arith.constant 16 : index
      %parallel_loop3A_441 = tpu.vector_load %arg15[%parallel_loop3A_439, %parallel_loop3A_440] {strides = array<i32>} : memref<128x96xf32, #tpu.memory_space<vmem>>, vector<16xf32>,
      tpu.vector_store %arg15[%parallel_loop3A_439, %parallel_loop3A_440], %parallel_loop3A_438 {strides = array<i32>} : memref<128x96xf32, #tpu.memory_space<vmem>>, vector<16xf32>,
      %parallel_loop3A_442 = arith.constant 0 : i32
      %parallel_loop3A_443 = vector.broadcast %parallel_loop3A_442 : i32 to vector<16xi32>
      %parallel_loop3A_444 = arith.cmpi slt, %select_n3A_319, %parallel_loop3A_443 : vector<16xi32>
      %parallel_loop3A_445 = arith.constant 16 : i32
      %parallel_loop3A_446 = vector.broadcast %parallel_loop3A_445 : i32 to vector<16xi32>
      %parallel_loop3A_447 = arith.addi %select_n3A_319, %parallel_loop3A_446 : vector<16xi32>
      %parallel_loop3A_448 = arith.select %parallel_loop3A_444, %parallel_loop3A_447, %select_n3A_319 : vector<16xi1>, vector<16xi32>
      %parallel_loop3A_449 = vector.shape_cast %parallel_loop3A_448 : vector<16xi32> to vector<16x1xi32>
      %parallel_loop3A_450 = vector.shape_cast %parallel_loop3A_449 : vector<16x1xi32> to vector<16xi32>
      %parallel_loop3A_451 = tpu.dynamic_gather %parallel_loop3A_410[%parallel_loop3A_450] in [0] : vector<16xf32>, vector<16xi32> -> vector<16xf32>
      %parallel_loop3A_452 = arith.mulf %parallel_loop3A_395, %parallel_loop3A_451 : vector<16xf32>
      %parallel_loop3A_453 = arith.index_cast %parallel_loop3A_381 : i32 to index
      %parallel_loop3A_454 = arith.constant 32 : index
      %parallel_loop3A_455 = tpu.vector_load %arg15[%parallel_loop3A_453, %parallel_loop3A_454] {strides = array<i32>} : memref<128x96xf32, #tpu.memory_space<vmem>>, vector<16xf32>,
      tpu.vector_store %arg15[%parallel_loop3A_453, %parallel_loop3A_454], %parallel_loop3A_452 {strides = array<i32>} : memref<128x96xf32, #tpu.memory_space<vmem>>, vector<16xf32>,
      %parallel_loop3A_456 = arith.constant 0 : i32
      %parallel_loop3A_457 = vector.broadcast %parallel_loop3A_456 : i32 to vector<16xi32>
      %parallel_loop3A_458 = arith.cmpi slt, %select_n3A_327, %parallel_loop3A_457 : vector<16xi32>
      %parallel_loop3A_459 = arith.constant 16 : i32
      %parallel_loop3A_460 = vector.broadcast %parallel_loop3A_459 : i32 to vector<16xi32>
      %parallel_loop3A_461 = arith.addi %select_n3A_327, %parallel_loop3A_460 : vector<16xi32>
      %parallel_loop3A_462 = arith.select %parallel_loop3A_458, %parallel_loop3A_461, %select_n3A_327 : vector<16xi1>, vector<16xi32>
      %parallel_loop3A_463 = vector.shape_cast %parallel_loop3A_462 : vector<16xi32> to vector<16x1xi32>
      %parallel_loop3A_464 = vector.shape_cast %parallel_loop3A_463 : vector<16x1xi32> to vector<16xi32>
      %parallel_loop3A_465 = tpu.dynamic_gather %parallel_loop3A_410[%parallel_loop3A_464] in [0] : vector<16xf32>, vector<16xi32> -> vector<16xf32>
      %parallel_loop3A_466 = arith.mulf %parallel_loop3A_396, %parallel_loop3A_465 : vector<16xf32>
      %parallel_loop3A_467 = arith.index_cast %parallel_loop3A_381 : i32 to index
      %parallel_loop3A_468 = arith.constant 48 : index
      %parallel_loop3A_469 = tpu.vector_load %arg15[%parallel_loop3A_467, %parallel_loop3A_468] {strides = array<i32>} : memref<128x96xf32, #tpu.memory_space<vmem>>, vector<16xf32>,
      tpu.vector_store %arg15[%parallel_loop3A_467, %parallel_loop3A_468], %parallel_loop3A_466 {strides = array<i32>} : memref<128x96xf32, #tpu.memory_space<vmem>>, vector<16xf32>,
      %parallel_loop3A_470 = arith.constant 0 : i32
      %parallel_loop3A_471 = vector.broadcast %parallel_loop3A_470 : i32 to vector<16xi32>
      %parallel_loop3A_472 = arith.cmpi slt, %select_n3A_335, %parallel_loop3A_471 : vector<16xi32>
      %parallel_loop3A_473 = arith.constant 16 : i32
      %parallel_loop3A_474 = vector.broadcast %parallel_loop3A_473 : i32 to vector<16xi32>
      %parallel_loop3A_475 = arith.addi %select_n3A_335, %parallel_loop3A_474 : vector<16xi32>
      %parallel_loop3A_476 = arith.select %parallel_loop3A_472, %parallel_loop3A_475, %select_n3A_335 : vector<16xi1>, vector<16xi32>
      %parallel_loop3A_477 = vector.shape_cast %parallel_loop3A_476 : vector<16xi32> to vector<16x1xi32>
      %parallel_loop3A_478 = vector.shape_cast %parallel_loop3A_477 : vector<16x1xi32> to vector<16xi32>
      %parallel_loop3A_479 = tpu.dynamic_gather %parallel_loop3A_410[%parallel_loop3A_478] in [0] : vector<16xf32>, vector<16xi32> -> vector<16xf32>
      %parallel_loop3A_480 = arith.mulf %parallel_loop3A_400, %parallel_loop3A_479 : vector<16xf32>
      %parallel_loop3A_481 = arith.index_cast %parallel_loop3A_381 : i32 to index
      %parallel_loop3A_482 = arith.constant 64 : index
      %parallel_loop3A_483 = tpu.vector_load %arg15[%parallel_loop3A_481, %parallel_loop3A_482] {strides = array<i32>} : memref<128x96xf32, #tpu.memory_space<vmem>>, vector<16xf32>,
      tpu.vector_store %arg15[%parallel_loop3A_481, %parallel_loop3A_482], %parallel_loop3A_480 {strides = array<i32>} : memref<128x96xf32, #tpu.memory_space<vmem>>, vector<16xf32>,
    } {sc.loop_unroll_factor = 4 : i64, sc.parallel_access}
    %dma_start3A_339 = arith.constant 0 : i32
    %dma_start3A_340 = arith.constant 0 : i32
    %dma_start3A_341 = tpu.memref_slice %arg17[%dma_start3A_339, %dma_start3A_340] : memref<10112x96xf32, #tpu.memory_space<vmem_shared>> -> memref<10112x96xf32, #tpu.memory_space<vmem_shared>>
    tpu.enqueue_indirect_dma source(%arg15 : memref<128x96xf32, #tpu.memory_space<vmem>>) target(%dma_start3A_341 : memref<10112x96xf32, #tpu.memory_space<vmem_shared>>) offsets(%arg9 : memref<128xi32, #tpu.memory_space<vmem>>) semaphore(%arg25 : memref<!tpu.dma_semaphore, #tpu.memory_space<semaphore_mem>>) {add = true}
    %scan3A_342 = arith.constant 0 : i32
    %scan3A_343 = arith.constant 1 : i32
    %scan3A_344 = arith.constant 20 : i32
    %scan3A_345 = arith.addi %scan3A_343, %scan3A_344 : i32
    %scan3A_346 = arith.constant 1 : i32
    scf.for %scan3A_381 = %scan3A_343 to %scan3A_345 step %scan3A_346  : i32 {
      %mul3A_382 = arith.constant 2 : i32
      %mul3A_383 = arith.muli %mul3A_382, %scan3A_381 : i32
      %add3A_384 = arith.constant 1 : i32
      %add3A_385 = arith.addi %mul3A_383, %add3A_384 : i32
      %mul3A_386 = arith.constant 2 : i32
      %mul3A_387 = arith.muli %mul3A_386, %add3A_385 : i32
      %add3A_388 = arith.addi %add3A_24, %mul3A_387 : i32
      %dma_wait3A_389 = arith.constant 0 : i32
      %dma_wait3A_390 = arith.constant 0 : i32
      %dma_wait3A_391 = tpu.memref_slice %arg2[%add3A_388, %dma_wait3A_389, %dma_wait3A_390] : memref<1350x2x128xi32, #tpu.memory_space<hbm>> -> memref<1x2x128xi32, #tpu.memory_space<hbm>>
      %dma_wait3A_392 = tpu.memref_squeeze %dma_wait3A_391 : memref<1x2x128xi32, #tpu.memory_space<hbm>> -> memref<2x128xi32, #tpu.memory_space<hbm>>
      %dma_wait3A_393 = arith.constant 0 : i32
      %dma_wait3A_394 = arith.constant 0 : i32
      %dma_wait3A_395 = tpu.memref_slice %arg2[%add3A_388, %dma_wait3A_393, %dma_wait3A_394] : memref<1350x2x128xi32, #tpu.memory_space<hbm>> -> memref<1x2x128xi32, #tpu.memory_space<hbm>>
      %dma_wait3A_396 = tpu.memref_squeeze %dma_wait3A_395 : memref<1x2x128xi32, #tpu.memory_space<hbm>> -> memref<2x128xi32, #tpu.memory_space<hbm>>
      tpu.wait_dma2 semaphore(%arg19 : memref<!tpu.dma_semaphore, #tpu.memory_space<semaphore_mem>>) src(%dma_wait3A_396 : memref<2x128xi32, #tpu.memory_space<hbm>>) dst(%arg7 : memref<2x128xi32, #tpu.memory_space<vmem>>)
      %dma_start3A_397 = arith.constant 0 : i32
      %dma_start3A_398 = arith.constant 0 : i32
      %dma_start3A_399 = tpu.memref_slice %arg7[%dma_start3A_397, %dma_start3A_398] : memref<2x128xi32, #tpu.memory_space<vmem>> -> memref<1x128xi32, #tpu.memory_space<vmem>>
      %dma_start3A_400 = tpu.memref_squeeze %dma_start3A_399 : memref<1x128xi32, #tpu.memory_space<vmem>> -> memref<128xi32, #tpu.memory_space<vmem>>
      %dma_start3A_401 = arith.constant 0 : i32
      %dma_start3A_402 = arith.constant 0 : i32
      %dma_start3A_403 = tpu.memref_slice %arg3[%dma_start3A_401, %dma_start3A_402] : memref<10000x96xbf16, #tpu.memory_space<hbm>> -> memref<10000x96xbf16, #tpu.memory_space<hbm>>
      tpu.enqueue_indirect_dma source(%dma_start3A_403 : memref<10000x96xbf16, #tpu.memory_space<hbm>>) target(%arg11 : memref<128x96xbf16, #tpu.memory_space<vmem>>) offsets(%dma_start3A_400 : memref<128xi32, #tpu.memory_space<vmem>>) semaphore(%arg21 : memref<!tpu.dma_semaphore, #tpu.memory_space<semaphore_mem>>)
      %dma_start3A_404 = arith.constant 1 : i32
      %dma_start3A_405 = arith.constant 0 : i32
      %dma_start3A_406 = tpu.memref_slice %arg7[%dma_start3A_404, %dma_start3A_405] : memref<2x128xi32, #tpu.memory_space<vmem>> -> memref<1x128xi32, #tpu.memory_space<vmem>>
      %dma_start3A_407 = tpu.memref_squeeze %dma_start3A_406 : memref<1x128xi32, #tpu.memory_space<vmem>> -> memref<128xi32, #tpu.memory_space<vmem>>
      %dma_start3A_408 = arith.constant 0 : i32
      %dma_start3A_409 = arith.constant 0 : i32
      %dma_start3A_410 = tpu.memref_slice %arg4[%dma_start3A_408, %dma_start3A_409] : memref<10000x32xbf16, #tpu.memory_space<hbm>> -> memref<10000x32xbf16, #tpu.memory_space<hbm>>
      tpu.enqueue_indirect_dma source(%dma_start3A_410 : memref<10000x32xbf16, #tpu.memory_space<hbm>>) target(%arg13 : memref<128x32xbf16, #tpu.memory_space<vmem>>) offsets(%dma_start3A_407 : memref<128xi32, #tpu.memory_space<vmem>>) semaphore(%arg23 : memref<!tpu.dma_semaphore, #tpu.memory_space<semaphore_mem>>)
      %dma_wait3A_411 = arith.constant 0 : i32
      %dma_wait3A_412 = arith.constant 0 : i32
      %dma_wait3A_413 = tpu.memref_slice %arg6[%dma_wait3A_411, %dma_wait3A_412] : memref<2x128xi32, #tpu.memory_space<vmem>> -> memref<1x128xi32, #tpu.memory_space<vmem>>
      %dma_wait3A_414 = tpu.memref_squeeze %dma_wait3A_413 : memref<1x128xi32, #tpu.memory_space<vmem>> -> memref<128xi32, #tpu.memory_space<vmem>>
      %dma_wait3A_415 = arith.constant 0 : i32
      %dma_wait3A_416 = arith.constant 0 : i32
      %dma_wait3A_417 = tpu.memref_slice %arg3[%dma_wait3A_415, %dma_wait3A_416] : memref<10000x96xbf16, #tpu.memory_space<hbm>> -> memref<10000x96xbf16, #tpu.memory_space<hbm>>
      tpu.wait_indirect_dma semaphore(%arg20 : memref<!tpu.dma_semaphore, #tpu.memory_space<semaphore_mem>>) src(%dma_wait3A_417 : memref<10000x96xbf16, #tpu.memory_space<hbm>>) dst(%arg10 : memref<128x96xbf16, #tpu.memory_space<vmem>>)
      %dma_wait3A_418 = arith.constant 1 : i32
      %dma_wait3A_419 = arith.constant 0 : i32
      %dma_wait3A_420 = tpu.memref_slice %arg6[%dma_wait3A_418, %dma_wait3A_419] : memref<2x128xi32, #tpu.memory_space<vmem>> -> memref<1x128xi32, #tpu.memory_space<vmem>>
      %dma_wait3A_421 = tpu.memref_squeeze %dma_wait3A_420 : memref<1x128xi32, #tpu.memory_space<vmem>> -> memref<128xi32, #tpu.memory_space<vmem>>
      %dma_wait3A_422 = arith.constant 0 : i32
      %dma_wait3A_423 = arith.constant 0 : i32
      %dma_wait3A_424 = tpu.memref_slice %arg4[%dma_wait3A_422, %dma_wait3A_423] : memref<10000x32xbf16, #tpu.memory_space<hbm>> -> memref<10000x32xbf16, #tpu.memory_space<hbm>>
      tpu.wait_indirect_dma semaphore(%arg22 : memref<!tpu.dma_semaphore, #tpu.memory_space<semaphore_mem>>) src(%dma_wait3A_424 : memref<10000x32xbf16, #tpu.memory_space<hbm>>) dst(%arg12 : memref<128x32xbf16, #tpu.memory_space<vmem>>)
      %dma_wait3A_425 = arith.constant 0 : i32
      %dma_wait3A_426 = arith.constant 0 : i32
      %dma_wait3A_427 = tpu.memref_slice %arg17[%dma_wait3A_425, %dma_wait3A_426] : memref<10112x96xf32, #tpu.memory_space<vmem_shared>> -> memref<10112x96xf32, #tpu.memory_space<vmem_shared>>
      tpu.wait_indirect_dma semaphore(%arg24 : memref<!tpu.dma_semaphore, #tpu.memory_space<semaphore_mem>>) src(%arg14 : memref<128x96xf32, #tpu.memory_space<vmem>>) dst(%dma_wait3A_427 : memref<10112x96xf32, #tpu.memory_space<vmem_shared>>)
      %get3A_428 = arith.constant 1 : i32
      %get3A_429 = arith.index_cast %get3A_428 : i32 to index
      %get3A_430 = arith.constant 0 : index
      %get3A_431 = tpu.vector_load %arg6[%get3A_429, %get3A_430] {strides = array<i32>} : memref<2x128xi32, #tpu.memory_space<vmem>>, vector<16xi32>,
      %swap3A_432 = arith.constant 0 : index
      %swap3A_433 = tpu.vector_load %arg8[%swap3A_432] {strides = array<i32>} : memref<128xi32, #tpu.memory_space<vmem>>, vector<16xi32>,
      tpu.vector_store %arg8[%swap3A_432], %get3A_431 {strides = array<i32>} : memref<128xi32, #tpu.memory_space<vmem>>, vector<16xi32>,
      %get3A_434 = arith.constant 1 : i32
      %get3A_435 = arith.index_cast %get3A_434 : i32 to index
      %get3A_436 = arith.constant 16 : index
      %get3A_437 = tpu.vector_load %arg6[%get3A_435, %get3A_436] {strides = array<i32>} : memref<2x128xi32, #tpu.memory_space<vmem>>, vector<16xi32>,
      %swap3A_438 = arith.constant 16 : index
      %swap3A_439 = tpu.vector_load %arg8[%swap3A_438] {strides = array<i32>} : memref<128xi32, #tpu.memory_space<vmem>>, vector<16xi32>,
      tpu.vector_store %arg8[%swap3A_438], %get3A_437 {strides = array<i32>} : memref<128xi32, #tpu.memory_space<vmem>>, vector<16xi32>,
      %get3A_440 = arith.constant 1 : i32
      %get3A_441 = arith.index_cast %get3A_440 : i32 to index
      %get3A_442 = arith.constant 32 : index
      %get3A_443 = tpu.vector_load %arg6[%get3A_441, %get3A_442] {strides = array<i32>} : memref<2x128xi32, #tpu.memory_space<vmem>>, vector<16xi32>,
      %swap3A_444 = arith.constant 32 : index
      %swap3A_445 = tpu.vector_load %arg8[%swap3A_444] {strides = array<i32>} : memref<128xi32, #tpu.memory_space<vmem>>, vector<16xi32>,
      tpu.vector_store %arg8[%swap3A_444], %get3A_443 {strides = array<i32>} : memref<128xi32, #tpu.memory_space<vmem>>, vector<16xi32>,
      %get3A_446 = arith.constant 1 : i32
      %get3A_447 = arith.index_cast %get3A_446 : i32 to index
      %get3A_448 = arith.constant 48 : index
      %get3A_449 = tpu.vector_load %arg6[%get3A_447, %get3A_448] {strides = array<i32>} : memref<2x128xi32, #tpu.memory_space<vmem>>, vector<16xi32>,
      %swap3A_450 = arith.constant 48 : index
      %swap3A_451 = tpu.vector_load %arg8[%swap3A_450] {strides = array<i32>} : memref<128xi32, #tpu.memory_space<vmem>>, vector<16xi32>,
      tpu.vector_store %arg8[%swap3A_450], %get3A_449 {strides = array<i32>} : memref<128xi32, #tpu.memory_space<vmem>>, vector<16xi32>,
      %get3A_452 = arith.constant 1 : i32
      %get3A_453 = arith.index_cast %get3A_452 : i32 to index
      %get3A_454 = arith.constant 64 : index
      %get3A_455 = tpu.vector_load %arg6[%get3A_453, %get3A_454] {strides = array<i32>} : memref<2x128xi32, #tpu.memory_space<vmem>>, vector<16xi32>,
      %swap3A_456 = arith.constant 64 : index
      %swap3A_457 = tpu.vector_load %arg8[%swap3A_456] {strides = array<i32>} : memref<128xi32, #tpu.memory_space<vmem>>, vector<16xi32>,
      tpu.vector_store %arg8[%swap3A_456], %get3A_455 {strides = array<i32>} : memref<128xi32, #tpu.memory_space<vmem>>, vector<16xi32>,
      %get3A_458 = arith.constant 1 : i32
      %get3A_459 = arith.index_cast %get3A_458 : i32 to index
      %get3A_460 = arith.constant 80 : index
      %get3A_461 = tpu.vector_load %arg6[%get3A_459, %get3A_460] {strides = array<i32>} : memref<2x128xi32, #tpu.memory_space<vmem>>, vector<16xi32>,
      %swap3A_462 = arith.constant 80 : index
      %swap3A_463 = tpu.vector_load %arg8[%swap3A_462] {strides = array<i32>} : memref<128xi32, #tpu.memory_space<vmem>>, vector<16xi32>,
      tpu.vector_store %arg8[%swap3A_462], %get3A_461 {strides = array<i32>} : memref<128xi32, #tpu.memory_space<vmem>>, vector<16xi32>,
      %get3A_464 = arith.constant 1 : i32
      %get3A_465 = arith.index_cast %get3A_464 : i32 to index
      %get3A_466 = arith.constant 96 : index
      %get3A_467 = tpu.vector_load %arg6[%get3A_465, %get3A_466] {strides = array<i32>} : memref<2x128xi32, #tpu.memory_space<vmem>>, vector<16xi32>,
      %swap3A_468 = arith.constant 96 : index
      %swap3A_469 = tpu.vector_load %arg8[%swap3A_468] {strides = array<i32>} : memref<128xi32, #tpu.memory_space<vmem>>, vector<16xi32>,
      tpu.vector_store %arg8[%swap3A_468], %get3A_467 {strides = array<i32>} : memref<128xi32, #tpu.memory_space<vmem>>, vector<16xi32>,
      %get3A_470 = arith.constant 1 : i32
      %get3A_471 = arith.index_cast %get3A_470 : i32 to index
      %get3A_472 = arith.constant 112 : index
      %get3A_473 = tpu.vector_load %arg6[%get3A_471, %get3A_472] {strides = array<i32>} : memref<2x128xi32, #tpu.memory_space<vmem>>, vector<16xi32>,
      %swap3A_474 = arith.constant 112 : index
      %swap3A_475 = tpu.vector_load %arg8[%swap3A_474] {strides = array<i32>} : memref<128xi32, #tpu.memory_space<vmem>>, vector<16xi32>,
      tpu.vector_store %arg8[%swap3A_474], %get3A_473 {strides = array<i32>} : memref<128xi32, #tpu.memory_space<vmem>>, vector<16xi32>,
      %add3A_476 = arith.constant 2 : i32
      %add3A_477 = arith.addi %mul3A_383, %add3A_476 : i32
      %mul3A_478 = arith.constant 2 : i32
      %mul3A_479 = arith.muli %mul3A_478, %add3A_477 : i32
      %add3A_480 = arith.addi %add3A_24, %mul3A_479 : i32
      %dma_start3A_481 = arith.constant 0 : i32
      %dma_start3A_482 = arith.constant 0 : i32
      %dma_start3A_483 = tpu.memref_slice %arg2[%add3A_480, %dma_start3A_481, %dma_start3A_482] : memref<1350x2x128xi32, #tpu.memory_space<hbm>> -> memref<1x2x128xi32, #tpu.memory_space<hbm>>
      %dma_start3A_484 = tpu.memref_squeeze %dma_start3A_483 : memref<1x2x128xi32, #tpu.memory_space<hbm>> -> memref<2x128xi32, #tpu.memory_space<hbm>>
      %dma_start3A_485 = arith.constant 0 : i32
      %dma_start3A_486 = arith.constant 0 : i32
      %dma_start3A_487 = tpu.memref_slice %arg2[%add3A_480, %dma_start3A_485, %dma_start3A_486] : memref<1350x2x128xi32, #tpu.memory_space<hbm>> -> memref<1x2x128xi32, #tpu.memory_space<hbm>>
      %dma_start3A_488 = tpu.memref_squeeze %dma_start3A_487 : memref<1x2x128xi32, #tpu.memory_space<hbm>> -> memref<2x128xi32, #tpu.memory_space<hbm>>
      tpu.enqueue_dma source(%dma_start3A_488 : memref<2x128xi32, #tpu.memory_space<hbm>>) target(%arg6 : memref<2x128xi32, #tpu.memory_space<vmem>>) target_semaphore(%arg18 : memref<!tpu.dma_semaphore, #tpu.memory_space<semaphore_mem>>)
      %iota3A_489 = tpu.iota {dimensions = array<i32: 0>} : vector<16xi32>
      %lt3A_490 = arith.constant 8 : i32
      %lt3A_491 = vector.broadcast %lt3A_490 : i32 to vector<16xi32>
      %lt3A_492 = arith.cmpi slt, %iota3A_489, %lt3A_491 : vector<16xi32>
      %jit3A_493 = arith.constant 0 : i32
      %jit3A_494 = arith.constant 1 : i32
      %broadcast_in_dim3A_495 = vector.broadcast %jit3A_493 : i32 to vector<16xi32>
      %broadcast_in_dim3A_496 = vector.broadcast %jit3A_494 : i32 to vector<16xi32>
      %select_n3A_497 = arith.select %lt3A_492, %broadcast_in_dim3A_495, %broadcast_in_dim3A_496 : vector<16xi1>, vector<16xi32>
      %lt3A_498 = arith.constant 8 : i32
      %lt3A_499 = vector.broadcast %lt3A_498 : i32 to vector<16xi32>
      %lt3A_500 = arith.cmpi slt, %iota3A_489, %lt3A_499 : vector<16xi32>
      %jit3A_501 = arith.constant 2 : i32
      %jit3A_502 = arith.constant 3 : i32
      %broadcast_in_dim3A_503 = vector.broadcast %jit3A_501 : i32 to vector<16xi32>
      %broadcast_in_dim3A_504 = vector.broadcast %jit3A_502 : i32 to vector<16xi32>
      %select_n3A_505 = arith.select %lt3A_500, %broadcast_in_dim3A_503, %broadcast_in_dim3A_504 : vector<16xi1>, vector<16xi32>
      %lt3A_506 = arith.constant 8 : i32
      %lt3A_507 = vector.broadcast %lt3A_506 : i32 to vector<16xi32>
      %lt3A_508 = arith.cmpi slt, %iota3A_489, %lt3A_507 : vector<16xi32>
      %jit3A_509 = arith.constant 4 : i32
      %jit3A_510 = arith.constant 5 : i32
      %broadcast_in_dim3A_511 = vector.broadcast %jit3A_509 : i32 to vector<16xi32>
      %broadcast_in_dim3A_512 = vector.broadcast %jit3A_510 : i32 to vector<16xi32>
      %select_n3A_513 = arith.select %lt3A_508, %broadcast_in_dim3A_511, %broadcast_in_dim3A_512 : vector<16xi1>, vector<16xi32>
      %lt3A_514 = arith.constant 8 : i32
      %lt3A_515 = vector.broadcast %lt3A_514 : i32 to vector<16xi32>
      %lt3A_516 = arith.cmpi slt, %iota3A_489, %lt3A_515 : vector<16xi32>
      %jit3A_517 = arith.constant 6 : i32
      %jit3A_518 = arith.constant 7 : i32
      %broadcast_in_dim3A_519 = vector.broadcast %jit3A_517 : i32 to vector<16xi32>
      %broadcast_in_dim3A_520 = vector.broadcast %jit3A_518 : i32 to vector<16xi32>
      %select_n3A_521 = arith.select %lt3A_516, %broadcast_in_dim3A_519, %broadcast_in_dim3A_520 : vector<16xi1>, vector<16xi32>
      %lt3A_522 = arith.constant 8 : i32
      %lt3A_523 = vector.broadcast %lt3A_522 : i32 to vector<16xi32>
      %lt3A_524 = arith.cmpi slt, %iota3A_489, %lt3A_523 : vector<16xi32>
      %jit3A_525 = arith.constant 8 : i32
      %jit3A_526 = arith.constant 9 : i32
      %broadcast_in_dim3A_527 = vector.broadcast %jit3A_525 : i32 to vector<16xi32>
      %broadcast_in_dim3A_528 = vector.broadcast %jit3A_526 : i32 to vector<16xi32>
      %select_n3A_529 = arith.select %lt3A_524, %broadcast_in_dim3A_527, %broadcast_in_dim3A_528 : vector<16xi1>, vector<16xi32>
      %parallel_loop3A_530 = arith.constant 0 : i32
      %parallel_loop3A_531 = arith.constant 128 : i32
      %parallel_loop3A_532 = arith.constant 1 : i32
      scf.for %parallel_loop3A_692 = %parallel_loop3A_530 to %parallel_loop3A_531 step %parallel_loop3A_532  : i32 {
        %parallel_loop3A_693 = arith.index_cast %parallel_loop3A_692 : i32 to index
        %parallel_loop3A_694 = arith.constant 0 : index
        %parallel_loop3A_695 = tpu.vector_load %arg12[%parallel_loop3A_693, %parallel_loop3A_694] {strides = array<i32>} : memref<128x32xbf16, #tpu.memory_space<vmem>>, vector<32xbf16>,
        %parallel_loop3A_696 = tpu.unpack_subelements %parallel_loop3A_695, 0 {pack_format = #tpu.pack_format<interleaved>} : vector<32xbf16> -> vector<16xf32>
        %parallel_loop3A_697 = tpu.unpack_subelements %parallel_loop3A_695, 1 {pack_format = #tpu.pack_format<interleaved>} : vector<32xbf16> -> vector<16xf32>
        %parallel_loop3A_698 = arith.index_cast %parallel_loop3A_692 : i32 to index
        %parallel_loop3A_699 = arith.constant 0 : index
        %parallel_loop3A_700 = tpu.vector_load %arg10[%parallel_loop3A_698, %parallel_loop3A_699] {strides = array<i32>} : memref<128x96xbf16, #tpu.memory_space<vmem>>, vector<32xbf16>,
        %parallel_loop3A_701 = tpu.unpack_subelements %parallel_loop3A_700, 0 {pack_format = #tpu.pack_format<interleaved>} : vector<32xbf16> -> vector<16xf32>
        %parallel_loop3A_702 = tpu.unpack_subelements %parallel_loop3A_700, 1 {pack_format = #tpu.pack_format<interleaved>} : vector<32xbf16> -> vector<16xf32>
        %parallel_loop3A_703 = arith.index_cast %parallel_loop3A_692 : i32 to index
        %parallel_loop3A_704 = arith.constant 32 : index
        %parallel_loop3A_705 = tpu.vector_load %arg10[%parallel_loop3A_703, %parallel_loop3A_704] {strides = array<i32>} : memref<128x96xbf16, #tpu.memory_space<vmem>>, vector<32xbf16>,
        %parallel_loop3A_706 = tpu.unpack_subelements %parallel_loop3A_705, 0 {pack_format = #tpu.pack_format<interleaved>} : vector<32xbf16> -> vector<16xf32>
        %parallel_loop3A_707 = tpu.unpack_subelements %parallel_loop3A_705, 1 {pack_format = #tpu.pack_format<interleaved>} : vector<32xbf16> -> vector<16xf32>
        %parallel_loop3A_708 = arith.index_cast %parallel_loop3A_692 : i32 to index
        %parallel_loop3A_709 = arith.constant 64 : index
        %parallel_loop3A_710 = tpu.vector_load %arg10[%parallel_loop3A_708, %parallel_loop3A_709] {strides = array<i32>} : memref<128x96xbf16, #tpu.memory_space<vmem>>, vector<32xbf16>,
        %parallel_loop3A_711 = tpu.unpack_subelements %parallel_loop3A_710, 0 {pack_format = #tpu.pack_format<interleaved>} : vector<32xbf16> -> vector<16xf32>
        %parallel_loop3A_712 = tpu.unpack_subelements %parallel_loop3A_710, 1 {pack_format = #tpu.pack_format<interleaved>} : vector<32xbf16> -> vector<16xf32>
        %parallel_loop3A_713 = arith.addf %parallel_loop3A_712, %parallel_loop3A_696 : vector<16xf32>
        %parallel_loop3A_714 = arith.constant 0.000000e+00 : f32
        %parallel_loop3A_715 = vector.broadcast %parallel_loop3A_714 : f32 to vector<16xf32>
        %parallel_loop3A_716 = arith.cmpf ogt, %parallel_loop3A_713, %parallel_loop3A_715 : vector<16xf32>
        %parallel_loop3A_717 = arith.constant 2.000000e-01 : f32
        %parallel_loop3A_718 = vector.broadcast %parallel_loop3A_717 : f32 to vector<16xf32>
        %parallel_loop3A_719 = arith.mulf %parallel_loop3A_718, %parallel_loop3A_713 : vector<16xf32>
        %parallel_loop3A_720 = arith.select %parallel_loop3A_716, %parallel_loop3A_713, %parallel_loop3A_719 : vector<16xi1>, vector<16xf32>
        %parallel_loop3A_721 = math.exp %parallel_loop3A_720 : vector<16xf32>
        %parallel_loop3A_722 = arith.index_cast %parallel_loop3A_692 : i32 to index
        %parallel_loop3A_723 = arith.constant 80 : index
        %parallel_loop3A_724 = tpu.vector_load %arg14[%parallel_loop3A_722, %parallel_loop3A_723] {strides = array<i32>} : memref<128x96xf32, #tpu.memory_space<vmem>>, vector<16xf32>,
        tpu.vector_store %arg14[%parallel_loop3A_722, %parallel_loop3A_723], %parallel_loop3A_721 {strides = array<i32>} : memref<128x96xf32, #tpu.memory_space<vmem>>, vector<16xf32>,
        %parallel_loop3A_725 = arith.constant 0 : i32
        %parallel_loop3A_726 = vector.broadcast %parallel_loop3A_725 : i32 to vector<16xi32>
        %parallel_loop3A_727 = arith.cmpi slt, %select_n3A_497, %parallel_loop3A_726 : vector<16xi32>
        %parallel_loop3A_728 = arith.constant 16 : i32
        %parallel_loop3A_729 = vector.broadcast %parallel_loop3A_728 : i32 to vector<16xi32>
        %parallel_loop3A_730 = arith.addi %select_n3A_497, %parallel_loop3A_729 : vector<16xi32>
        %parallel_loop3A_731 = arith.select %parallel_loop3A_727, %parallel_loop3A_730, %select_n3A_497 : vector<16xi1>, vector<16xi32>
        %parallel_loop3A_732 = vector.shape_cast %parallel_loop3A_731 : vector<16xi32> to vector<16x1xi32>
        %parallel_loop3A_733 = vector.shape_cast %parallel_loop3A_732 : vector<16x1xi32> to vector<16xi32>
        %parallel_loop3A_734 = tpu.dynamic_gather %parallel_loop3A_721[%parallel_loop3A_733] in [0] : vector<16xf32>, vector<16xi32> -> vector<16xf32>
        %parallel_loop3A_735 = arith.mulf %parallel_loop3A_701, %parallel_loop3A_734 : vector<16xf32>
        %parallel_loop3A_736 = arith.index_cast %parallel_loop3A_692 : i32 to index
        %parallel_loop3A_737 = arith.constant 0 : index
        %parallel_loop3A_738 = tpu.vector_load %arg14[%parallel_loop3A_736, %parallel_loop3A_737] {strides = array<i32>} : memref<128x96xf32, #tpu.memory_space<vmem>>, vector<16xf32>,
        tpu.vector_store %arg14[%parallel_loop3A_736, %parallel_loop3A_737], %parallel_loop3A_735 {strides = array<i32>} : memref<128x96xf32, #tpu.memory_space<vmem>>, vector<16xf32>,
        %parallel_loop3A_739 = arith.constant 0 : i32
        %parallel_loop3A_740 = vector.broadcast %parallel_loop3A_739 : i32 to vector<16xi32>
        %parallel_loop3A_741 = arith.cmpi slt, %select_n3A_505, %parallel_loop3A_740 : vector<16xi32>
        %parallel_loop3A_742 = arith.constant 16 : i32
        %parallel_loop3A_743 = vector.broadcast %parallel_loop3A_742 : i32 to vector<16xi32>
        %parallel_loop3A_744 = arith.addi %select_n3A_505, %parallel_loop3A_743 : vector<16xi32>
        %parallel_loop3A_745 = arith.select %parallel_loop3A_741, %parallel_loop3A_744, %select_n3A_505 : vector<16xi1>, vector<16xi32>
        %parallel_loop3A_746 = vector.shape_cast %parallel_loop3A_745 : vector<16xi32> to vector<16x1xi32>
        %parallel_loop3A_747 = vector.shape_cast %parallel_loop3A_746 : vector<16x1xi32> to vector<16xi32>
        %parallel_loop3A_748 = tpu.dynamic_gather %parallel_loop3A_721[%parallel_loop3A_747] in [0] : vector<16xf32>, vector<16xi32> -> vector<16xf32>
        %parallel_loop3A_749 = arith.mulf %parallel_loop3A_702, %parallel_loop3A_748 : vector<16xf32>
        %parallel_loop3A_750 = arith.index_cast %parallel_loop3A_692 : i32 to index
        %parallel_loop3A_751 = arith.constant 16 : index
        %parallel_loop3A_752 = tpu.vector_load %arg14[%parallel_loop3A_750, %parallel_loop3A_751] {strides = array<i32>} : memref<128x96xf32, #tpu.memory_space<vmem>>, vector<16xf32>,
        tpu.vector_store %arg14[%parallel_loop3A_750, %parallel_loop3A_751], %parallel_loop3A_749 {strides = array<i32>} : memref<128x96xf32, #tpu.memory_space<vmem>>, vector<16xf32>,
        %parallel_loop3A_753 = arith.constant 0 : i32
        %parallel_loop3A_754 = vector.broadcast %parallel_loop3A_753 : i32 to vector<16xi32>
        %parallel_loop3A_755 = arith.cmpi slt, %select_n3A_513, %parallel_loop3A_754 : vector<16xi32>
        %parallel_loop3A_756 = arith.constant 16 : i32
        %parallel_loop3A_757 = vector.broadcast %parallel_loop3A_756 : i32 to vector<16xi32>
        %parallel_loop3A_758 = arith.addi %select_n3A_513, %parallel_loop3A_757 : vector<16xi32>
        %parallel_loop3A_759 = arith.select %parallel_loop3A_755, %parallel_loop3A_758, %select_n3A_513 : vector<16xi1>, vector<16xi32>
        %parallel_loop3A_760 = vector.shape_cast %parallel_loop3A_759 : vector<16xi32> to vector<16x1xi32>
        %parallel_loop3A_761 = vector.shape_cast %parallel_loop3A_760 : vector<16x1xi32> to vector<16xi32>
        %parallel_loop3A_762 = tpu.dynamic_gather %parallel_loop3A_721[%parallel_loop3A_761] in [0] : vector<16xf32>, vector<16xi32> -> vector<16xf32>
        %parallel_loop3A_763 = arith.mulf %parallel_loop3A_706, %parallel_loop3A_762 : vector<16xf32>
        %parallel_loop3A_764 = arith.index_cast %parallel_loop3A_692 : i32 to index
        %parallel_loop3A_765 = arith.constant 32 : index
        %parallel_loop3A_766 = tpu.vector_load %arg14[%parallel_loop3A_764, %parallel_loop3A_765] {strides = array<i32>} : memref<128x96xf32, #tpu.memory_space<vmem>>, vector<16xf32>,
        tpu.vector_store %arg14[%parallel_loop3A_764, %parallel_loop3A_765], %parallel_loop3A_763 {strides = array<i32>} : memref<128x96xf32, #tpu.memory_space<vmem>>, vector<16xf32>,
        %parallel_loop3A_767 = arith.constant 0 : i32
        %parallel_loop3A_768 = vector.broadcast %parallel_loop3A_767 : i32 to vector<16xi32>
        %parallel_loop3A_769 = arith.cmpi slt, %select_n3A_521, %parallel_loop3A_768 : vector<16xi32>
        %parallel_loop3A_770 = arith.constant 16 : i32
        %parallel_loop3A_771 = vector.broadcast %parallel_loop3A_770 : i32 to vector<16xi32>
        %parallel_loop3A_772 = arith.addi %select_n3A_521, %parallel_loop3A_771 : vector<16xi32>
        %parallel_loop3A_773 = arith.select %parallel_loop3A_769, %parallel_loop3A_772, %select_n3A_521 : vector<16xi1>, vector<16xi32>
        %parallel_loop3A_774 = vector.shape_cast %parallel_loop3A_773 : vector<16xi32> to vector<16x1xi32>
        %parallel_loop3A_775 = vector.shape_cast %parallel_loop3A_774 : vector<16x1xi32> to vector<16xi32>
        %parallel_loop3A_776 = tpu.dynamic_gather %parallel_loop3A_721[%parallel_loop3A_775] in [0] : vector<16xf32>, vector<16xi32> -> vector<16xf32>
        %parallel_loop3A_777 = arith.mulf %parallel_loop3A_707, %parallel_loop3A_776 : vector<16xf32>
        %parallel_loop3A_778 = arith.index_cast %parallel_loop3A_692 : i32 to index
        %parallel_loop3A_779 = arith.constant 48 : index
        %parallel_loop3A_780 = tpu.vector_load %arg14[%parallel_loop3A_778, %parallel_loop3A_779] {strides = array<i32>} : memref<128x96xf32, #tpu.memory_space<vmem>>, vector<16xf32>,
        tpu.vector_store %arg14[%parallel_loop3A_778, %parallel_loop3A_779], %parallel_loop3A_777 {strides = array<i32>} : memref<128x96xf32, #tpu.memory_space<vmem>>, vector<16xf32>,
        %parallel_loop3A_781 = arith.constant 0 : i32
        %parallel_loop3A_782 = vector.broadcast %parallel_loop3A_781 : i32 to vector<16xi32>
        %parallel_loop3A_783 = arith.cmpi slt, %select_n3A_529, %parallel_loop3A_782 : vector<16xi32>
        %parallel_loop3A_784 = arith.constant 16 : i32
        %parallel_loop3A_785 = vector.broadcast %parallel_loop3A_784 : i32 to vector<16xi32>
        %parallel_loop3A_786 = arith.addi %select_n3A_529, %parallel_loop3A_785 : vector<16xi32>
        %parallel_loop3A_787 = arith.select %parallel_loop3A_783, %parallel_loop3A_786, %select_n3A_529 : vector<16xi1>, vector<16xi32>
        %parallel_loop3A_788 = vector.shape_cast %parallel_loop3A_787 : vector<16xi32> to vector<16x1xi32>
        %parallel_loop3A_789 = vector.shape_cast %parallel_loop3A_788 : vector<16x1xi32> to vector<16xi32>
        %parallel_loop3A_790 = tpu.dynamic_gather %parallel_loop3A_721[%parallel_loop3A_789] in [0] : vector<16xf32>, vector<16xi32> -> vector<16xf32>
        %parallel_loop3A_791 = arith.mulf %parallel_loop3A_711, %parallel_loop3A_790 : vector<16xf32>
        %parallel_loop3A_792 = arith.index_cast %parallel_loop3A_692 : i32 to index
        %parallel_loop3A_793 = arith.constant 64 : index
        %parallel_loop3A_794 = tpu.vector_load %arg14[%parallel_loop3A_792, %parallel_loop3A_793] {strides = array<i32>} : memref<128x96xf32, #tpu.memory_space<vmem>>, vector<16xf32>,
        tpu.vector_store %arg14[%parallel_loop3A_792, %parallel_loop3A_793], %parallel_loop3A_791 {strides = array<i32>} : memref<128x96xf32, #tpu.memory_space<vmem>>, vector<16xf32>,
      } {sc.loop_unroll_factor = 4 : i64, sc.parallel_access}
      %dma_start3A_533 = arith.constant 0 : i32
      %dma_start3A_534 = arith.constant 0 : i32
      %dma_start3A_535 = tpu.memref_slice %arg17[%dma_start3A_533, %dma_start3A_534] : memref<10112x96xf32, #tpu.memory_space<vmem_shared>> -> memref<10112x96xf32, #tpu.memory_space<vmem_shared>>
      tpu.enqueue_indirect_dma source(%arg14 : memref<128x96xf32, #tpu.memory_space<vmem>>) target(%dma_start3A_535 : memref<10112x96xf32, #tpu.memory_space<vmem_shared>>) offsets(%arg8 : memref<128xi32, #tpu.memory_space<vmem>>) semaphore(%arg24 : memref<!tpu.dma_semaphore, #tpu.memory_space<semaphore_mem>>) {add = true}
      %mul3A_536 = arith.constant 2 : i32
      %mul3A_537 = arith.muli %mul3A_536, %scan3A_381 : i32
      %add3A_538 = arith.constant 1 : i32
      %add3A_539 = arith.addi %mul3A_537, %add3A_538 : i32
      %add3A_540 = arith.constant 1 : i32
      %add3A_541 = arith.addi %add3A_539, %add3A_540 : i32
      %mul3A_542 = arith.constant 2 : i32
      %mul3A_543 = arith.muli %mul3A_542, %add3A_541 : i32
      %add3A_544 = arith.addi %add3A_24, %mul3A_543 : i32
      %dma_wait3A_545 = arith.constant 0 : i32
      %dma_wait3A_546 = arith.constant 0 : i32
      %dma_wait3A_547 = tpu.memref_slice %arg2[%add3A_544, %dma_wait3A_545, %dma_wait3A_546] : memref<1350x2x128xi32, #tpu.memory_space<hbm>> -> memref<1x2x128xi32, #tpu.memory_space<hbm>>
      %dma_wait3A_548 = tpu.memref_squeeze %dma_wait3A_547 : memref<1x2x128xi32, #tpu.memory_space<hbm>> -> memref<2x128xi32, #tpu.memory_space<hbm>>
      %dma_wait3A_549 = arith.constant 0 : i32
      %dma_wait3A_550 = arith.constant 0 : i32
      %dma_wait3A_551 = tpu.memref_slice %arg2[%add3A_544, %dma_wait3A_549, %dma_wait3A_550] : memref<1350x2x128xi32, #tpu.memory_space<hbm>> -> memref<1x2x128xi32, #tpu.memory_space<hbm>>
      %dma_wait3A_552 = tpu.memref_squeeze %dma_wait3A_551 : memref<1x2x128xi32, #tpu.memory_space<hbm>> -> memref<2x128xi32, #tpu.memory_space<hbm>>
      tpu.wait_dma2 semaphore(%arg18 : memref<!tpu.dma_semaphore, #tpu.memory_space<semaphore_mem>>) src(%dma_wait3A_552 : memref<2x128xi32, #tpu.memory_space<hbm>>) dst(%arg6 : memref<2x128xi32, #tpu.memory_space<vmem>>)
      %dma_start3A_553 = arith.constant 0 : i32
      %dma_start3A_554 = arith.constant 0 : i32
      %dma_start3A_555 = tpu.memref_slice %arg6[%dma_start3A_553, %dma_start3A_554] : memref<2x128xi32, #tpu.memory_space<vmem>> -> memref<1x128xi32, #tpu.memory_space<vmem>>
      %dma_start3A_556 = tpu.memref_squeeze %dma_start3A_555 : memref<1x128xi32, #tpu.memory_space<vmem>> -> memref<128xi32, #tpu.memory_space<vmem>>
      %dma_start3A_557 = arith.constant 0 : i32
      %dma_start3A_558 = arith.constant 0 : i32
      %dma_start3A_559 = tpu.memref_slice %arg3[%dma_start3A_557, %dma_start3A_558] : memref<10000x96xbf16, #tpu.memory_space<hbm>> -> memref<10000x96xbf16, #tpu.memory_space<hbm>>
      tpu.enqueue_indirect_dma source(%dma_start3A_559 : memref<10000x96xbf16, #tpu.memory_space<hbm>>) target(%arg10 : memref<128x96xbf16, #tpu.memory_space<vmem>>) offsets(%dma_start3A_556 : memref<128xi32, #tpu.memory_space<vmem>>) semaphore(%arg20 : memref<!tpu.dma_semaphore, #tpu.memory_space<semaphore_mem>>)
      %dma_start3A_560 = arith.constant 1 : i32
      %dma_start3A_561 = arith.constant 0 : i32
      %dma_start3A_562 = tpu.memref_slice %arg6[%dma_start3A_560, %dma_start3A_561] : memref<2x128xi32, #tpu.memory_space<vmem>> -> memref<1x128xi32, #tpu.memory_space<vmem>>
      %dma_start3A_563 = tpu.memref_squeeze %dma_start3A_562 : memref<1x128xi32, #tpu.memory_space<vmem>> -> memref<128xi32, #tpu.memory_space<vmem>>
      %dma_start3A_564 = arith.constant 0 : i32
      %dma_start3A_565 = arith.constant 0 : i32
      %dma_start3A_566 = tpu.memref_slice %arg4[%dma_start3A_564, %dma_start3A_565] : memref<10000x32xbf16, #tpu.memory_space<hbm>> -> memref<10000x32xbf16, #tpu.memory_space<hbm>>
      tpu.enqueue_indirect_dma source(%dma_start3A_566 : memref<10000x32xbf16, #tpu.memory_space<hbm>>) target(%arg12 : memref<128x32xbf16, #tpu.memory_space<vmem>>) offsets(%dma_start3A_563 : memref<128xi32, #tpu.memory_space<vmem>>) semaphore(%arg22 : memref<!tpu.dma_semaphore, #tpu.memory_space<semaphore_mem>>)
      %dma_wait3A_567 = arith.constant 0 : i32
      %dma_wait3A_568 = arith.constant 0 : i32
      %dma_wait3A_569 = tpu.memref_slice %arg7[%dma_wait3A_567, %dma_wait3A_568] : memref<2x128xi32, #tpu.memory_space<vmem>> -> memref<1x128xi32, #tpu.memory_space<vmem>>
      %dma_wait3A_570 = tpu.memref_squeeze %dma_wait3A_569 : memref<1x128xi32, #tpu.memory_space<vmem>> -> memref<128xi32, #tpu.memory_space<vmem>>
      %dma_wait3A_571 = arith.constant 0 : i32
      %dma_wait3A_572 = arith.constant 0 : i32
      %dma_wait3A_573 = tpu.memref_slice %arg3[%dma_wait3A_571, %dma_wait3A_572] : memref<10000x96xbf16, #tpu.memory_space<hbm>> -> memref<10000x96xbf16, #tpu.memory_space<hbm>>
      tpu.wait_indirect_dma semaphore(%arg21 : memref<!tpu.dma_semaphore, #tpu.memory_space<semaphore_mem>>) src(%dma_wait3A_573 : memref<10000x96xbf16, #tpu.memory_space<hbm>>) dst(%arg11 : memref<128x96xbf16, #tpu.memory_space<vmem>>)
      %dma_wait3A_574 = arith.constant 1 : i32
      %dma_wait3A_575 = arith.constant 0 : i32
      %dma_wait3A_576 = tpu.memref_slice %arg7[%dma_wait3A_574, %dma_wait3A_575] : memref<2x128xi32, #tpu.memory_space<vmem>> -> memref<1x128xi32, #tpu.memory_space<vmem>>
      %dma_wait3A_577 = tpu.memref_squeeze %dma_wait3A_576 : memref<1x128xi32, #tpu.memory_space<vmem>> -> memref<128xi32, #tpu.memory_space<vmem>>
      %dma_wait3A_578 = arith.constant 0 : i32
      %dma_wait3A_579 = arith.constant 0 : i32
      %dma_wait3A_580 = tpu.memref_slice %arg4[%dma_wait3A_578, %dma_wait3A_579] : memref<10000x32xbf16, #tpu.memory_space<hbm>> -> memref<10000x32xbf16, #tpu.memory_space<hbm>>
      tpu.wait_indirect_dma semaphore(%arg23 : memref<!tpu.dma_semaphore, #tpu.memory_space<semaphore_mem>>) src(%dma_wait3A_580 : memref<10000x32xbf16, #tpu.memory_space<hbm>>) dst(%arg13 : memref<128x32xbf16, #tpu.memory_space<vmem>>)
      %dma_wait3A_581 = arith.constant 0 : i32
      %dma_wait3A_582 = arith.constant 0 : i32
      %dma_wait3A_583 = tpu.memref_slice %arg17[%dma_wait3A_581, %dma_wait3A_582] : memref<10112x96xf32, #tpu.memory_space<vmem_shared>> -> memref<10112x96xf32, #tpu.memory_space<vmem_shared>>
      tpu.wait_indirect_dma semaphore(%arg25 : memref<!tpu.dma_semaphore, #tpu.memory_space<semaphore_mem>>) src(%arg15 : memref<128x96xf32, #tpu.memory_space<vmem>>) dst(%dma_wait3A_583 : memref<10112x96xf32, #tpu.memory_space<vmem_shared>>)
      %get3A_584 = arith.constant 1 : i32
      %get3A_585 = arith.index_cast %get3A_584 : i32 to index
      %get3A_586 = arith.constant 0 : index
      %get3A_587 = tpu.vector_load %arg7[%get3A_585, %get3A_586] {strides = array<i32>} : memref<2x128xi32, #tpu.memory_space<vmem>>, vector<16xi32>,
      %swap3A_588 = arith.constant 0 : index
      %swap3A_589 = tpu.vector_load %arg9[%swap3A_588] {strides = array<i32>} : memref<128xi32, #tpu.memory_space<vmem>>, vector<16xi32>,
      tpu.vector_store %arg9[%swap3A_588], %get3A_587 {strides = array<i32>} : memref<128xi32, #tpu.memory_space<vmem>>, vector<16xi32>,
      %get3A_590 = arith.constant 1 : i32
      %get3A_591 = arith.index_cast %get3A_590 : i32 to index
      %get3A_592 = arith.constant 16 : index
      %get3A_593 = tpu.vector_load %arg7[%get3A_591, %get3A_592] {strides = array<i32>} : memref<2x128xi32, #tpu.memory_space<vmem>>, vector<16xi32>,
      %swap3A_594 = arith.constant 16 : index
      %swap3A_595 = tpu.vector_load %arg9[%swap3A_594] {strides = array<i32>} : memref<128xi32, #tpu.memory_space<vmem>>, vector<16xi32>,
      tpu.vector_store %arg9[%swap3A_594], %get3A_593 {strides = array<i32>} : memref<128xi32, #tpu.memory_space<vmem>>, vector<16xi32>,
      %get3A_596 = arith.constant 1 : i32
      %get3A_597 = arith.index_cast %get3A_596 : i32 to index
      %get3A_598 = arith.constant 32 : index
      %get3A_599 = tpu.vector_load %arg7[%get3A_597, %get3A_598] {strides = array<i32>} : memref<2x128xi32, #tpu.memory_space<vmem>>, vector<16xi32>,
      %swap3A_600 = arith.constant 32 : index
      %swap3A_601 = tpu.vector_load %arg9[%swap3A_600] {strides = array<i32>} : memref<128xi32, #tpu.memory_space<vmem>>, vector<16xi32>,
      tpu.vector_store %arg9[%swap3A_600], %get3A_599 {strides = array<i32>} : memref<128xi32, #tpu.memory_space<vmem>>, vector<16xi32>,
      %get3A_602 = arith.constant 1 : i32
      %get3A_603 = arith.index_cast %get3A_602 : i32 to index
      %get3A_604 = arith.constant 48 : index
      %get3A_605 = tpu.vector_load %arg7[%get3A_603, %get3A_604] {strides = array<i32>} : memref<2x128xi32, #tpu.memory_space<vmem>>, vector<16xi32>,
      %swap3A_606 = arith.constant 48 : index
      %swap3A_607 = tpu.vector_load %arg9[%swap3A_606] {strides = array<i32>} : memref<128xi32, #tpu.memory_space<vmem>>, vector<16xi32>,
      tpu.vector_store %arg9[%swap3A_606], %get3A_605 {strides = array<i32>} : memref<128xi32, #tpu.memory_space<vmem>>, vector<16xi32>,
      %get3A_608 = arith.constant 1 : i32
      %get3A_609 = arith.index_cast %get3A_608 : i32 to index
      %get3A_610 = arith.constant 64 : index
      %get3A_611 = tpu.vector_load %arg7[%get3A_609, %get3A_610] {strides = array<i32>} : memref<2x128xi32, #tpu.memory_space<vmem>>, vector<16xi32>,
      %swap3A_612 = arith.constant 64 : index
      %swap3A_613 = tpu.vector_load %arg9[%swap3A_612] {strides = array<i32>} : memref<128xi32, #tpu.memory_space<vmem>>, vector<16xi32>,
      tpu.vector_store %arg9[%swap3A_612], %get3A_611 {strides = array<i32>} : memref<128xi32, #tpu.memory_space<vmem>>, vector<16xi32>,
      %get3A_614 = arith.constant 1 : i32
      %get3A_615 = arith.index_cast %get3A_614 : i32 to index
      %get3A_616 = arith.constant 80 : index
      %get3A_617 = tpu.vector_load %arg7[%get3A_615, %get3A_616] {strides = array<i32>} : memref<2x128xi32, #tpu.memory_space<vmem>>, vector<16xi32>,
      %swap3A_618 = arith.constant 80 : index
      %swap3A_619 = tpu.vector_load %arg9[%swap3A_618] {strides = array<i32>} : memref<128xi32, #tpu.memory_space<vmem>>, vector<16xi32>,
      tpu.vector_store %arg9[%swap3A_618], %get3A_617 {strides = array<i32>} : memref<128xi32, #tpu.memory_space<vmem>>, vector<16xi32>,
      %get3A_620 = arith.constant 1 : i32
      %get3A_621 = arith.index_cast %get3A_620 : i32 to index
      %get3A_622 = arith.constant 96 : index
      %get3A_623 = tpu.vector_load %arg7[%get3A_621, %get3A_622] {strides = array<i32>} : memref<2x128xi32, #tpu.memory_space<vmem>>, vector<16xi32>,
      %swap3A_624 = arith.constant 96 : index
      %swap3A_625 = tpu.vector_load %arg9[%swap3A_624] {strides = array<i32>} : memref<128xi32, #tpu.memory_space<vmem>>, vector<16xi32>,
      tpu.vector_store %arg9[%swap3A_624], %get3A_623 {strides = array<i32>} : memref<128xi32, #tpu.memory_space<vmem>>, vector<16xi32>,
      %get3A_626 = arith.constant 1 : i32
      %get3A_627 = arith.index_cast %get3A_626 : i32 to index
      %get3A_628 = arith.constant 112 : index
      %get3A_629 = tpu.vector_load %arg7[%get3A_627, %get3A_628] {strides = array<i32>} : memref<2x128xi32, #tpu.memory_space<vmem>>, vector<16xi32>,
      %swap3A_630 = arith.constant 112 : index
      %swap3A_631 = tpu.vector_load %arg9[%swap3A_630] {strides = array<i32>} : memref<128xi32, #tpu.memory_space<vmem>>, vector<16xi32>,
      tpu.vector_store %arg9[%swap3A_630], %get3A_629 {strides = array<i32>} : memref<128xi32, #tpu.memory_space<vmem>>, vector<16xi32>,
      %add3A_632 = arith.constant 2 : i32
      %add3A_633 = arith.addi %add3A_539, %add3A_632 : i32
      %mul3A_634 = arith.constant 2 : i32
      %mul3A_635 = arith.muli %mul3A_634, %add3A_633 : i32
      %add3A_636 = arith.addi %add3A_24, %mul3A_635 : i32
      %dma_start3A_637 = arith.constant 0 : i32
      %dma_start3A_638 = arith.constant 0 : i32
      %dma_start3A_639 = tpu.memref_slice %arg2[%add3A_636, %dma_start3A_637, %dma_start3A_638] : memref<1350x2x128xi32, #tpu.memory_space<hbm>> -> memref<1x2x128xi32, #tpu.memory_space<hbm>>
      %dma_start3A_640 = tpu.memref_squeeze %dma_start3A_639 : memref<1x2x128xi32, #tpu.memory_space<hbm>> -> memref<2x128xi32, #tpu.memory_space<hbm>>
      %dma_start3A_641 = arith.constant 0 : i32
      %dma_start3A_642 = arith.constant 0 : i32
      %dma_start3A_643 = tpu.memref_slice %arg2[%add3A_636, %dma_start3A_641, %dma_start3A_642] : memref<1350x2x128xi32, #tpu.memory_space<hbm>> -> memref<1x2x128xi32, #tpu.memory_space<hbm>>
      %dma_start3A_644 = tpu.memref_squeeze %dma_start3A_643 : memref<1x2x128xi32, #tpu.memory_space<hbm>> -> memref<2x128xi32, #tpu.memory_space<hbm>>
      tpu.enqueue_dma source(%dma_start3A_644 : memref<2x128xi32, #tpu.memory_space<hbm>>) target(%arg7 : memref<2x128xi32, #tpu.memory_space<vmem>>) target_semaphore(%arg19 : memref<!tpu.dma_semaphore, #tpu.memory_space<semaphore_mem>>)
      %iota3A_645 = tpu.iota {dimensions = array<i32: 0>} : vector<16xi32>
      %lt3A_646 = arith.constant 8 : i32
      %lt3A_647 = vector.broadcast %lt3A_646 : i32 to vector<16xi32>
      %lt3A_648 = arith.cmpi slt, %iota3A_645, %lt3A_647 : vector<16xi32>
      %jit3A_649 = arith.constant 0 : i32
      %jit3A_650 = arith.constant 1 : i32
      %broadcast_in_dim3A_651 = vector.broadcast %jit3A_649 : i32 to vector<16xi32>
      %broadcast_in_dim3A_652 = vector.broadcast %jit3A_650 : i32 to vector<16xi32>
      %select_n3A_653 = arith.select %lt3A_648, %broadcast_in_dim3A_651, %broadcast_in_dim3A_652 : vector<16xi1>, vector<16xi32>
      %lt3A_654 = arith.constant 8 : i32
      %lt3A_655 = vector.broadcast %lt3A_654 : i32 to vector<16xi32>
      %lt3A_656 = arith.cmpi slt, %iota3A_645, %lt3A_655 : vector<16xi32>
      %jit3A_657 = arith.constant 2 : i32
      %jit3A_658 = arith.constant 3 : i32
      %broadcast_in_dim3A_659 = vector.broadcast %jit3A_657 : i32 to vector<16xi32>
      %broadcast_in_dim3A_660 = vector.broadcast %jit3A_658 : i32 to vector<16xi32>
      %select_n3A_661 = arith.select %lt3A_656, %broadcast_in_dim3A_659, %broadcast_in_dim3A_660 : vector<16xi1>, vector<16xi32>
      %lt3A_662 = arith.constant 8 : i32
      %lt3A_663 = vector.broadcast %lt3A_662 : i32 to vector<16xi32>
      %lt3A_664 = arith.cmpi slt, %iota3A_645, %lt3A_663 : vector<16xi32>
      %jit3A_665 = arith.constant 4 : i32
      %jit3A_666 = arith.constant 5 : i32
      %broadcast_in_dim3A_667 = vector.broadcast %jit3A_665 : i32 to vector<16xi32>
      %broadcast_in_dim3A_668 = vector.broadcast %jit3A_666 : i32 to vector<16xi32>
      %select_n3A_669 = arith.select %lt3A_664, %broadcast_in_dim3A_667, %broadcast_in_dim3A_668 : vector<16xi1>, vector<16xi32>
      %lt3A_670 = arith.constant 8 : i32
      %lt3A_671 = vector.broadcast %lt3A_670 : i32 to vector<16xi32>
      %lt3A_672 = arith.cmpi slt, %iota3A_645, %lt3A_671 : vector<16xi32>
      %jit3A_673 = arith.constant 6 : i32
      %jit3A_674 = arith.constant 7 : i32
      %broadcast_in_dim3A_675 = vector.broadcast %jit3A_673 : i32 to vector<16xi32>
      %broadcast_in_dim3A_676 = vector.broadcast %jit3A_674 : i32 to vector<16xi32>
      %select_n3A_677 = arith.select %lt3A_672, %broadcast_in_dim3A_675, %broadcast_in_dim3A_676 : vector<16xi1>, vector<16xi32>
      %lt3A_678 = arith.constant 8 : i32
      %lt3A_679 = vector.broadcast %lt3A_678 : i32 to vector<16xi32>
      %lt3A_680 = arith.cmpi slt, %iota3A_645, %lt3A_679 : vector<16xi32>
      %jit3A_681 = arith.constant 8 : i32
      %jit3A_682 = arith.constant 9 : i32
      %broadcast_in_dim3A_683 = vector.broadcast %jit3A_681 : i32 to vector<16xi32>
      %broadcast_in_dim3A_684 = vector.broadcast %jit3A_682 : i32 to vector<16xi32>
      %select_n3A_685 = arith.select %lt3A_680, %broadcast_in_dim3A_683, %broadcast_in_dim3A_684 : vector<16xi1>, vector<16xi32>
      %parallel_loop3A_686 = arith.constant 0 : i32
      %parallel_loop3A_687 = arith.constant 128 : i32
      %parallel_loop3A_688 = arith.constant 1 : i32
      scf.for %parallel_loop3A_692 = %parallel_loop3A_686 to %parallel_loop3A_687 step %parallel_loop3A_688  : i32 {
        %parallel_loop3A_693 = arith.index_cast %parallel_loop3A_692 : i32 to index
        %parallel_loop3A_694 = arith.constant 0 : index
        %parallel_loop3A_695 = tpu.vector_load %arg13[%parallel_loop3A_693, %parallel_loop3A_694] {strides = array<i32>} : memref<128x32xbf16, #tpu.memory_space<vmem>>, vector<32xbf16>,
        %parallel_loop3A_696 = tpu.unpack_subelements %parallel_loop3A_695, 0 {pack_format = #tpu.pack_format<interleaved>} : vector<32xbf16> -> vector<16xf32>
        %parallel_loop3A_697 = tpu.unpack_subelements %parallel_loop3A_695, 1 {pack_format = #tpu.pack_format<interleaved>} : vector<32xbf16> -> vector<16xf32>
        %parallel_loop3A_698 = arith.index_cast %parallel_loop3A_692 : i32 to index
        %parallel_loop3A_699 = arith.constant 0 : index
        %parallel_loop3A_700 = tpu.vector_load %arg11[%parallel_loop3A_698, %parallel_loop3A_699] {strides = array<i32>} : memref<128x96xbf16, #tpu.memory_space<vmem>>, vector<32xbf16>,
        %parallel_loop3A_701 = tpu.unpack_subelements %parallel_loop3A_700, 0 {pack_format = #tpu.pack_format<interleaved>} : vector<32xbf16> -> vector<16xf32>
        %parallel_loop3A_702 = tpu.unpack_subelements %parallel_loop3A_700, 1 {pack_format = #tpu.pack_format<interleaved>} : vector<32xbf16> -> vector<16xf32>
        %parallel_loop3A_703 = arith.index_cast %parallel_loop3A_692 : i32 to index
        %parallel_loop3A_704 = arith.constant 32 : index
        %parallel_loop3A_705 = tpu.vector_load %arg11[%parallel_loop3A_703, %parallel_loop3A_704] {strides = array<i32>} : memref<128x96xbf16, #tpu.memory_space<vmem>>, vector<32xbf16>,
        %parallel_loop3A_706 = tpu.unpack_subelements %parallel_loop3A_705, 0 {pack_format = #tpu.pack_format<interleaved>} : vector<32xbf16> -> vector<16xf32>
        %parallel_loop3A_707 = tpu.unpack_subelements %parallel_loop3A_705, 1 {pack_format = #tpu.pack_format<interleaved>} : vector<32xbf16> -> vector<16xf32>
        %parallel_loop3A_708 = arith.index_cast %parallel_loop3A_692 : i32 to index
        %parallel_loop3A_709 = arith.constant 64 : index
        %parallel_loop3A_710 = tpu.vector_load %arg11[%parallel_loop3A_708, %parallel_loop3A_709] {strides = array<i32>} : memref<128x96xbf16, #tpu.memory_space<vmem>>, vector<32xbf16>,
        %parallel_loop3A_711 = tpu.unpack_subelements %parallel_loop3A_710, 0 {pack_format = #tpu.pack_format<interleaved>} : vector<32xbf16> -> vector<16xf32>
        %parallel_loop3A_712 = tpu.unpack_subelements %parallel_loop3A_710, 1 {pack_format = #tpu.pack_format<interleaved>} : vector<32xbf16> -> vector<16xf32>
        %parallel_loop3A_713 = arith.addf %parallel_loop3A_712, %parallel_loop3A_696 : vector<16xf32>
        %parallel_loop3A_714 = arith.constant 0.000000e+00 : f32
        %parallel_loop3A_715 = vector.broadcast %parallel_loop3A_714 : f32 to vector<16xf32>
        %parallel_loop3A_716 = arith.cmpf ogt, %parallel_loop3A_713, %parallel_loop3A_715 : vector<16xf32>
        %parallel_loop3A_717 = arith.constant 2.000000e-01 : f32
        %parallel_loop3A_718 = vector.broadcast %parallel_loop3A_717 : f32 to vector<16xf32>
        %parallel_loop3A_719 = arith.mulf %parallel_loop3A_718, %parallel_loop3A_713 : vector<16xf32>
        %parallel_loop3A_720 = arith.select %parallel_loop3A_716, %parallel_loop3A_713, %parallel_loop3A_719 : vector<16xi1>, vector<16xf32>
        %parallel_loop3A_721 = math.exp %parallel_loop3A_720 : vector<16xf32>
        %parallel_loop3A_722 = arith.index_cast %parallel_loop3A_692 : i32 to index
        %parallel_loop3A_723 = arith.constant 80 : index
        %parallel_loop3A_724 = tpu.vector_load %arg15[%parallel_loop3A_722, %parallel_loop3A_723] {strides = array<i32>} : memref<128x96xf32, #tpu.memory_space<vmem>>, vector<16xf32>,
        tpu.vector_store %arg15[%parallel_loop3A_722, %parallel_loop3A_723], %parallel_loop3A_721 {strides = array<i32>} : memref<128x96xf32, #tpu.memory_space<vmem>>, vector<16xf32>,
        %parallel_loop3A_725 = arith.constant 0 : i32
        %parallel_loop3A_726 = vector.broadcast %parallel_loop3A_725 : i32 to vector<16xi32>
        %parallel_loop3A_727 = arith.cmpi slt, %select_n3A_653, %parallel_loop3A_726 : vector<16xi32>
        %parallel_loop3A_728 = arith.constant 16 : i32
        %parallel_loop3A_729 = vector.broadcast %parallel_loop3A_728 : i32 to vector<16xi32>
        %parallel_loop3A_730 = arith.addi %select_n3A_653, %parallel_loop3A_729 : vector<16xi32>
        %parallel_loop3A_731 = arith.select %parallel_loop3A_727, %parallel_loop3A_730, %select_n3A_653 : vector<16xi1>, vector<16xi32>
        %parallel_loop3A_732 = vector.shape_cast %parallel_loop3A_731 : vector<16xi32> to vector<16x1xi32>
        %parallel_loop3A_733 = vector.shape_cast %parallel_loop3A_732 : vector<16x1xi32> to vector<16xi32>
        %parallel_loop3A_734 = tpu.dynamic_gather %parallel_loop3A_721[%parallel_loop3A_733] in [0] : vector<16xf32>, vector<16xi32> -> vector<16xf32>
        %parallel_loop3A_735 = arith.mulf %parallel_loop3A_701, %parallel_loop3A_734 : vector<16xf32>
        %parallel_loop3A_736 = arith.index_cast %parallel_loop3A_692 : i32 to index
        %parallel_loop3A_737 = arith.constant 0 : index
        %parallel_loop3A_738 = tpu.vector_load %arg15[%parallel_loop3A_736, %parallel_loop3A_737] {strides = array<i32>} : memref<128x96xf32, #tpu.memory_space<vmem>>, vector<16xf32>,
        tpu.vector_store %arg15[%parallel_loop3A_736, %parallel_loop3A_737], %parallel_loop3A_735 {strides = array<i32>} : memref<128x96xf32, #tpu.memory_space<vmem>>, vector<16xf32>,
        %parallel_loop3A_739 = arith.constant 0 : i32
        %parallel_loop3A_740 = vector.broadcast %parallel_loop3A_739 : i32 to vector<16xi32>
        %parallel_loop3A_741 = arith.cmpi slt, %select_n3A_661, %parallel_loop3A_740 : vector<16xi32>
        %parallel_loop3A_742 = arith.constant 16 : i32
        %parallel_loop3A_743 = vector.broadcast %parallel_loop3A_742 : i32 to vector<16xi32>
        %parallel_loop3A_744 = arith.addi %select_n3A_661, %parallel_loop3A_743 : vector<16xi32>
        %parallel_loop3A_745 = arith.select %parallel_loop3A_741, %parallel_loop3A_744, %select_n3A_661 : vector<16xi1>, vector<16xi32>
        %parallel_loop3A_746 = vector.shape_cast %parallel_loop3A_745 : vector<16xi32> to vector<16x1xi32>
        %parallel_loop3A_747 = vector.shape_cast %parallel_loop3A_746 : vector<16x1xi32> to vector<16xi32>
        %parallel_loop3A_748 = tpu.dynamic_gather %parallel_loop3A_721[%parallel_loop3A_747] in [0] : vector<16xf32>, vector<16xi32> -> vector<16xf32>
        %parallel_loop3A_749 = arith.mulf %parallel_loop3A_702, %parallel_loop3A_748 : vector<16xf32>
        %parallel_loop3A_750 = arith.index_cast %parallel_loop3A_692 : i32 to index
        %parallel_loop3A_751 = arith.constant 16 : index
        %parallel_loop3A_752 = tpu.vector_load %arg15[%parallel_loop3A_750, %parallel_loop3A_751] {strides = array<i32>} : memref<128x96xf32, #tpu.memory_space<vmem>>, vector<16xf32>,
        tpu.vector_store %arg15[%parallel_loop3A_750, %parallel_loop3A_751], %parallel_loop3A_749 {strides = array<i32>} : memref<128x96xf32, #tpu.memory_space<vmem>>, vector<16xf32>,
        %parallel_loop3A_753 = arith.constant 0 : i32
        %parallel_loop3A_754 = vector.broadcast %parallel_loop3A_753 : i32 to vector<16xi32>
        %parallel_loop3A_755 = arith.cmpi slt, %select_n3A_669, %parallel_loop3A_754 : vector<16xi32>
        %parallel_loop3A_756 = arith.constant 16 : i32
        %parallel_loop3A_757 = vector.broadcast %parallel_loop3A_756 : i32 to vector<16xi32>
        %parallel_loop3A_758 = arith.addi %select_n3A_669, %parallel_loop3A_757 : vector<16xi32>
        %parallel_loop3A_759 = arith.select %parallel_loop3A_755, %parallel_loop3A_758, %select_n3A_669 : vector<16xi1>, vector<16xi32>
        %parallel_loop3A_760 = vector.shape_cast %parallel_loop3A_759 : vector<16xi32> to vector<16x1xi32>
        %parallel_loop3A_761 = vector.shape_cast %parallel_loop3A_760 : vector<16x1xi32> to vector<16xi32>
        %parallel_loop3A_762 = tpu.dynamic_gather %parallel_loop3A_721[%parallel_loop3A_761] in [0] : vector<16xf32>, vector<16xi32> -> vector<16xf32>
        %parallel_loop3A_763 = arith.mulf %parallel_loop3A_706, %parallel_loop3A_762 : vector<16xf32>
        %parallel_loop3A_764 = arith.index_cast %parallel_loop3A_692 : i32 to index
        %parallel_loop3A_765 = arith.constant 32 : index
        %parallel_loop3A_766 = tpu.vector_load %arg15[%parallel_loop3A_764, %parallel_loop3A_765] {strides = array<i32>} : memref<128x96xf32, #tpu.memory_space<vmem>>, vector<16xf32>,
        tpu.vector_store %arg15[%parallel_loop3A_764, %parallel_loop3A_765], %parallel_loop3A_763 {strides = array<i32>} : memref<128x96xf32, #tpu.memory_space<vmem>>, vector<16xf32>,
        %parallel_loop3A_767 = arith.constant 0 : i32
        %parallel_loop3A_768 = vector.broadcast %parallel_loop3A_767 : i32 to vector<16xi32>
        %parallel_loop3A_769 = arith.cmpi slt, %select_n3A_677, %parallel_loop3A_768 : vector<16xi32>
        %parallel_loop3A_770 = arith.constant 16 : i32
        %parallel_loop3A_771 = vector.broadcast %parallel_loop3A_770 : i32 to vector<16xi32>
        %parallel_loop3A_772 = arith.addi %select_n3A_677, %parallel_loop3A_771 : vector<16xi32>
        %parallel_loop3A_773 = arith.select %parallel_loop3A_769, %parallel_loop3A_772, %select_n3A_677 : vector<16xi1>, vector<16xi32>
        %parallel_loop3A_774 = vector.shape_cast %parallel_loop3A_773 : vector<16xi32> to vector<16x1xi32>
        %parallel_loop3A_775 = vector.shape_cast %parallel_loop3A_774 : vector<16x1xi32> to vector<16xi32>
        %parallel_loop3A_776 = tpu.dynamic_gather %parallel_loop3A_721[%parallel_loop3A_775] in [0] : vector<16xf32>, vector<16xi32> -> vector<16xf32>
        %parallel_loop3A_777 = arith.mulf %parallel_loop3A_707, %parallel_loop3A_776 : vector<16xf32>
        %parallel_loop3A_778 = arith.index_cast %parallel_loop3A_692 : i32 to index
        %parallel_loop3A_779 = arith.constant 48 : index
        %parallel_loop3A_780 = tpu.vector_load %arg15[%parallel_loop3A_778, %parallel_loop3A_779] {strides = array<i32>} : memref<128x96xf32, #tpu.memory_space<vmem>>, vector<16xf32>,
        tpu.vector_store %arg15[%parallel_loop3A_778, %parallel_loop3A_779], %parallel_loop3A_777 {strides = array<i32>} : memref<128x96xf32, #tpu.memory_space<vmem>>, vector<16xf32>,
        %parallel_loop3A_781 = arith.constant 0 : i32
        %parallel_loop3A_782 = vector.broadcast %parallel_loop3A_781 : i32 to vector<16xi32>
        %parallel_loop3A_783 = arith.cmpi slt, %select_n3A_685, %parallel_loop3A_782 : vector<16xi32>
        %parallel_loop3A_784 = arith.constant 16 : i32
        %parallel_loop3A_785 = vector.broadcast %parallel_loop3A_784 : i32 to vector<16xi32>
        %parallel_loop3A_786 = arith.addi %select_n3A_685, %parallel_loop3A_785 : vector<16xi32>
        %parallel_loop3A_787 = arith.select %parallel_loop3A_783, %parallel_loop3A_786, %select_n3A_685 : vector<16xi1>, vector<16xi32>
        %parallel_loop3A_788 = vector.shape_cast %parallel_loop3A_787 : vector<16xi32> to vector<16x1xi32>
        %parallel_loop3A_789 = vector.shape_cast %parallel_loop3A_788 : vector<16x1xi32> to vector<16xi32>
        %parallel_loop3A_790 = tpu.dynamic_gather %parallel_loop3A_721[%parallel_loop3A_789] in [0] : vector<16xf32>, vector<16xi32> -> vector<16xf32>
        %parallel_loop3A_791 = arith.mulf %parallel_loop3A_711, %parallel_loop3A_790 : vector<16xf32>
        %parallel_loop3A_792 = arith.index_cast %parallel_loop3A_692 : i32 to index
        %parallel_loop3A_793 = arith.constant 64 : index
        %parallel_loop3A_794 = tpu.vector_load %arg15[%parallel_loop3A_792, %parallel_loop3A_793] {strides = array<i32>} : memref<128x96xf32, #tpu.memory_space<vmem>>, vector<16xf32>,
        tpu.vector_store %arg15[%parallel_loop3A_792, %parallel_loop3A_793], %parallel_loop3A_791 {strides = array<i32>} : memref<128x96xf32, #tpu.memory_space<vmem>>, vector<16xf32>,
      } {sc.loop_unroll_factor = 4 : i64, sc.parallel_access}
      %dma_start3A_689 = arith.constant 0 : i32
      %dma_start3A_690 = arith.constant 0 : i32
      %dma_start3A_691 = tpu.memref_slice %arg17[%dma_start3A_689, %dma_start3A_690] : memref<10112x96xf32, #tpu.memory_space<vmem_shared>> -> memref<10112x96xf32, #tpu.memory_space<vmem_shared>>
      tpu.enqueue_indirect_dma source(%arg15 : memref<128x96xf32, #tpu.memory_space<vmem>>) target(%dma_start3A_691 : memref<10112x96xf32, #tpu.memory_space<vmem_shared>>) offsets(%arg9 : memref<128xi32, #tpu.memory_space<vmem>>) semaphore(%arg25 : memref<!tpu.dma_semaphore, #tpu.memory_space<semaphore_mem>>) {add = true}
    }
    %scan3A_347 = arith.constant 20 : i32
    %dma_wait3A_348 = arith.constant 0 : i32
    %dma_wait3A_349 = arith.constant 0 : i32
    %dma_wait3A_350 = tpu.memref_slice %arg17[%dma_wait3A_348, %dma_wait3A_349] : memref<10112x96xf32, #tpu.memory_space<vmem_shared>> -> memref<10112x96xf32, #tpu.memory_space<vmem_shared>>
    tpu.wait_indirect_dma semaphore(%arg24 : memref<!tpu.dma_semaphore, #tpu.memory_space<semaphore_mem>>) src(%arg14 : memref<128x96xf32, #tpu.memory_space<vmem>>) dst(%dma_wait3A_350 : memref<10112x96xf32, #tpu.memory_space<vmem_shared>>)
    %dma_wait3A_351 = arith.constant 0 : i32
    %dma_wait3A_352 = arith.constant 0 : i32
    %dma_wait3A_353 = tpu.memref_slice %arg17[%dma_wait3A_351, %dma_wait3A_352] : memref<10112x96xf32, #tpu.memory_space<vmem_shared>> -> memref<10112x96xf32, #tpu.memory_space<vmem_shared>>
    tpu.wait_indirect_dma semaphore(%arg25 : memref<!tpu.dma_semaphore, #tpu.memory_space<semaphore_mem>>) src(%arg15 : memref<128x96xf32, #tpu.memory_space<vmem>>) dst(%dma_wait3A_353 : memref<10112x96xf32, #tpu.memory_space<vmem_shared>>)
    %dma_wait3A_354 = arith.constant 0 : i32
    %dma_wait3A_355 = arith.constant 0 : i32
    %dma_wait3A_356 = tpu.memref_slice %arg6[%dma_wait3A_354, %dma_wait3A_355] : memref<2x128xi32, #tpu.memory_space<vmem>> -> memref<1x128xi32, #tpu.memory_space<vmem>>
    %dma_wait3A_357 = tpu.memref_squeeze %dma_wait3A_356 : memref<1x128xi32, #tpu.memory_space<vmem>> -> memref<128xi32, #tpu.memory_space<vmem>>
    %dma_wait3A_358 = arith.constant 0 : i32
    %dma_wait3A_359 = arith.constant 0 : i32
    %dma_wait3A_360 = tpu.memref_slice %arg3[%dma_wait3A_358, %dma_wait3A_359] : memref<10000x96xbf16, #tpu.memory_space<hbm>> -> memref<10000x96xbf16, #tpu.memory_space<hbm>>
    tpu.wait_indirect_dma semaphore(%arg20 : memref<!tpu.dma_semaphore, #tpu.memory_space<semaphore_mem>>) src(%dma_wait3A_360 : memref<10000x96xbf16, #tpu.memory_space<hbm>>) dst(%arg10 : memref<128x96xbf16, #tpu.memory_space<vmem>>)
    %dma_wait3A_361 = arith.constant 1 : i32
    %dma_wait3A_362 = arith.constant 0 : i32
    %dma_wait3A_363 = tpu.memref_slice %arg6[%dma_wait3A_361, %dma_wait3A_362] : memref<2x128xi32, #tpu.memory_space<vmem>> -> memref<1x128xi32, #tpu.memory_space<vmem>>
    %dma_wait3A_364 = tpu.memref_squeeze %dma_wait3A_363 : memref<1x128xi32, #tpu.memory_space<vmem>> -> memref<128xi32, #tpu.memory_space<vmem>>
    %dma_wait3A_365 = arith.constant 0 : i32
    %dma_wait3A_366 = arith.constant 0 : i32
    %dma_wait3A_367 = tpu.memref_slice %arg4[%dma_wait3A_365, %dma_wait3A_366] : memref<10000x32xbf16, #tpu.memory_space<hbm>> -> memref<10000x32xbf16, #tpu.memory_space<hbm>>
    tpu.wait_indirect_dma semaphore(%arg22 : memref<!tpu.dma_semaphore, #tpu.memory_space<semaphore_mem>>) src(%dma_wait3A_367 : memref<10000x32xbf16, #tpu.memory_space<hbm>>) dst(%arg12 : memref<128x32xbf16, #tpu.memory_space<vmem>>)
    %dma_wait3A_368 = arith.constant 0 : i32
    %dma_wait3A_369 = arith.constant 0 : i32
    %dma_wait3A_370 = tpu.memref_slice %arg2[%add3A_24, %dma_wait3A_368, %dma_wait3A_369] : memref<1350x2x128xi32, #tpu.memory_space<hbm>> -> memref<1x2x128xi32, #tpu.memory_space<hbm>>
    %dma_wait3A_371 = tpu.memref_squeeze %dma_wait3A_370 : memref<1x2x128xi32, #tpu.memory_space<hbm>> -> memref<2x128xi32, #tpu.memory_space<hbm>>
    %dma_wait3A_372 = arith.constant 0 : i32
    %dma_wait3A_373 = arith.constant 0 : i32
    %dma_wait3A_374 = tpu.memref_slice %arg2[%add3A_24, %dma_wait3A_372, %dma_wait3A_373] : memref<1350x2x128xi32, #tpu.memory_space<hbm>> -> memref<1x2x128xi32, #tpu.memory_space<hbm>>
    %dma_wait3A_375 = tpu.memref_squeeze %dma_wait3A_374 : memref<1x2x128xi32, #tpu.memory_space<hbm>> -> memref<2x128xi32, #tpu.memory_space<hbm>>
    tpu.wait_dma2 semaphore(%arg19 : memref<!tpu.dma_semaphore, #tpu.memory_space<semaphore_mem>>) src(%dma_wait3A_375 : memref<2x128xi32, #tpu.memory_space<hbm>>) dst(%arg7 : memref<2x128xi32, #tpu.memory_space<vmem>>)
    %barrier3A_376 = arith.constant 0 : index
    tpu.barrier barrier_id(%barrier3A_376)
    %mul3A_377 = arith.constant 632 : i32
    %mul3A_378 = arith.muli %arg1, %mul3A_377 : i32
    %mul3A_379 = arith.constant 632 : i32
    %mul3A_380 = arith.muli %arg1, %mul3A_379 : i32
    "tpu.region"() ({
      %run_scoped3A = tpu.sem_alloc : memref<!tpu.dma_semaphore, #tpu.memory_space<semaphore_mem>>
      %dma_start3A_381 = arith.constant 0 : i32
      %dma_start3A_382 = tpu.memref_slice %arg5[%arg0, %mul3A_380, %dma_start3A_381] : memref<2x10112x96xf32, #tpu.memory_space<hbm>> -> memref<1x632x96xf32, #tpu.memory_space<hbm>>
      %dma_start3A_383 = tpu.memref_squeeze %dma_start3A_382 : memref<1x632x96xf32, #tpu.memory_space<hbm>> -> memref<632x96xf32, #tpu.memory_space<hbm>>
      %dma_start3A_384 = arith.constant 0 : i32
      %dma_start3A_385 = tpu.memref_slice %arg17[%mul3A_378, %dma_start3A_384] : memref<10112x96xf32, #tpu.memory_space<vmem_shared>> -> memref<632x96xf32, #tpu.memory_space<vmem_shared>>
      tpu.enqueue_dma source(%dma_start3A_385 : memref<632x96xf32, #tpu.memory_space<vmem_shared>>) target(%dma_start3A_383 : memref<632x96xf32, #tpu.memory_space<hbm>>) target_semaphore(%run_scoped3A : memref<!tpu.dma_semaphore, #tpu.memory_space<semaphore_mem>>)
      %dma_wait3A_386 = arith.constant 0 : i32
      %dma_wait3A_387 = tpu.memref_slice %arg5[%arg0, %mul3A_380, %dma_wait3A_386] : memref<2x10112x96xf32, #tpu.memory_space<hbm>> -> memref<1x632x96xf32, #tpu.memory_space<hbm>>
      %dma_wait3A_388 = tpu.memref_squeeze %dma_wait3A_387 : memref<1x632x96xf32, #tpu.memory_space<hbm>> -> memref<632x96xf32, #tpu.memory_space<hbm>>
      %dma_wait3A_389 = arith.constant 0 : i32
      %dma_wait3A_390 = tpu.memref_slice %arg17[%mul3A_378, %dma_wait3A_389] : memref<10112x96xf32, #tpu.memory_space<vmem_shared>> -> memref<632x96xf32, #tpu.memory_space<vmem_shared>>
      tpu.wait_dma2 semaphore(%run_scoped3A : memref<!tpu.dma_semaphore, #tpu.memory_space<semaphore_mem>>) src(%dma_wait3A_390 : memref<632x96xf32, #tpu.memory_space<vmem_shared>>) dst(%dma_wait3A_388 : memref<632x96xf32, #tpu.memory_space<hbm>>)
      tpu.yield
    }) : () -> ()
    return
  }
}

module attributes {stable_mosaic.version = 14 : i64} {
  func.func @_tca_body(%arg0: i32, %arg1: memref<10000x1433xf32, #tpu.memory_space<hbm>>, %arg2: memref<1433x96xf32, #tpu.memory_space<vmem>>, %arg3: memref<1433x32xf32, #tpu.memory_space<vmem>>, %arg4: memref<10000x96xbf16, #tpu.memory_space<vmem>>, %arg5: memref<10000x32xbf16, #tpu.memory_space<vmem>>, %arg6: memref<2x2000x1433xf32, #tpu.memory_space<vmem>>, %arg7: memref<2x!tpu.dma_semaphore, #tpu.memory_space<semaphore_mem>>) attributes {dimension_semantics = [#tpu.dimension_semantics<arbitrary>], iteration_bounds = array<i64: 1>, scalar_prefetch = 0 : i64, scratch_operands = 2 : i64, tpu.core_type = #tpu.core_type<tc>, window_params = [{}, {pipeline_mode = #tpu.pipeline_mode<synchronous>, transform_indices = @transform_1, window_bounds = array<i64: 1433, 96>}, {pipeline_mode = #tpu.pipeline_mode<synchronous>, transform_indices = @transform_2, window_bounds = array<i64: 1433, 32>}, {pipeline_mode = #tpu.pipeline_mode<synchronous>, transform_indices = @transform_3, window_bounds = array<i64: 10000, 96>}, {pipeline_mode = #tpu.pipeline_mode<synchronous>, transform_indices = @transform_4, window_bounds = array<i64: 10000, 32>}]} {
    %dma_start3A = arith.constant 0 : i32
    %dma_start3A_0 = arith.constant 0 : i32
    %dma_start3A_1 = tpu.memref_slice %arg7[%dma_start3A_0] : memref<2x!tpu.dma_semaphore, #tpu.memory_space<semaphore_mem>> -> memref<1x!tpu.dma_semaphore, #tpu.memory_space<semaphore_mem>>
    %dma_start3A_2 = tpu.memref_squeeze %dma_start3A_1 : memref<1x!tpu.dma_semaphore, #tpu.memory_space<semaphore_mem>> -> memref<!tpu.dma_semaphore, #tpu.memory_space<semaphore_mem>>
    %dma_start3A_3 = arith.constant 0 : i32
    %dma_start3A_4 = arith.constant 0 : i32
    %dma_start3A_5 = tpu.memref_slice %arg6[%dma_start3A, %dma_start3A_3, %dma_start3A_4] : memref<2x2000x1433xf32, #tpu.memory_space<vmem>> -> memref<1x2000x1433xf32, #tpu.memory_space<vmem>>
    %dma_start3A_6 = tpu.memref_squeeze %dma_start3A_5 : memref<1x2000x1433xf32, #tpu.memory_space<vmem>> -> memref<2000x1433xf32, #tpu.memory_space<vmem>>
    %dma_start3A_7 = arith.constant 0 : i32
    %dma_start3A_8 = arith.constant 0 : i32
    %dma_start3A_9 = tpu.memref_slice %arg1[%dma_start3A_7, %dma_start3A_8] : memref<10000x1433xf32, #tpu.memory_space<hbm>> -> memref<2000x1433xf32, #tpu.memory_space<hbm>>
    tpu.enqueue_dma source(%dma_start3A_9 : memref<2000x1433xf32, #tpu.memory_space<hbm>>) target(%dma_start3A_6 : memref<2000x1433xf32, #tpu.memory_space<vmem>>) target_semaphore(%dma_start3A_2 : memref<!tpu.dma_semaphore, #tpu.memory_space<semaphore_mem>>)
    %dma_start3A_10 = arith.constant 1 : i32
    %dma_start3A_11 = arith.constant 1 : i32
    %dma_start3A_12 = tpu.memref_slice %arg7[%dma_start3A_11] : memref<2x!tpu.dma_semaphore, #tpu.memory_space<semaphore_mem>> -> memref<1x!tpu.dma_semaphore, #tpu.memory_space<semaphore_mem>>
    %dma_start3A_13 = tpu.memref_squeeze %dma_start3A_12 : memref<1x!tpu.dma_semaphore, #tpu.memory_space<semaphore_mem>> -> memref<!tpu.dma_semaphore, #tpu.memory_space<semaphore_mem>>
    %dma_start3A_14 = arith.constant 0 : i32
    %dma_start3A_15 = arith.constant 0 : i32
    %dma_start3A_16 = tpu.memref_slice %arg6[%dma_start3A_10, %dma_start3A_14, %dma_start3A_15] : memref<2x2000x1433xf32, #tpu.memory_space<vmem>> -> memref<1x2000x1433xf32, #tpu.memory_space<vmem>>
    %dma_start3A_17 = tpu.memref_squeeze %dma_start3A_16 : memref<1x2000x1433xf32, #tpu.memory_space<vmem>> -> memref<2000x1433xf32, #tpu.memory_space<vmem>>
    %dma_start3A_18 = arith.constant 2000 : i32
    %dma_start3A_19 = arith.constant 0 : i32
    %dma_start3A_20 = tpu.memref_slice %arg1[%dma_start3A_18, %dma_start3A_19] : memref<10000x1433xf32, #tpu.memory_space<hbm>> -> memref<2000x1433xf32, #tpu.memory_space<hbm>>
    tpu.enqueue_dma source(%dma_start3A_20 : memref<2000x1433xf32, #tpu.memory_space<hbm>>) target(%dma_start3A_17 : memref<2000x1433xf32, #tpu.memory_space<vmem>>) target_semaphore(%dma_start3A_13 : memref<!tpu.dma_semaphore, #tpu.memory_space<semaphore_mem>>)
    %get3A = arith.constant 0 : index
    %get3A_21 = arith.constant 0 : index
    %get3A_22 = vector.load %arg2[%get3A, %get3A_21] : memref<1433x96xf32, #tpu.memory_space<vmem>>, vector<1433x96xf32>
    %convert_element_type3A = arith.truncf %get3A_22 : vector<1433x96xf32> to vector<1433x96xbf16>
    %get3A_23 = arith.constant 0 : index
    %get3A_24 = arith.constant 0 : index
    %get3A_25 = vector.load %arg3[%get3A_23, %get3A_24] : memref<1433x32xf32, #tpu.memory_space<vmem>>, vector<1433x32xf32>
    %convert_element_type3A_26 = arith.truncf %get3A_25 : vector<1433x32xf32> to vector<1433x32xbf16>
    %dma_wait3A = arith.constant 0 : i32
    %dma_wait3A_27 = arith.constant 0 : i32
    %dma_wait3A_28 = tpu.memref_slice %arg7[%dma_wait3A_27] : memref<2x!tpu.dma_semaphore, #tpu.memory_space<semaphore_mem>> -> memref<1x!tpu.dma_semaphore, #tpu.memory_space<semaphore_mem>>
    %dma_wait3A_29 = tpu.memref_squeeze %dma_wait3A_28 : memref<1x!tpu.dma_semaphore, #tpu.memory_space<semaphore_mem>> -> memref<!tpu.dma_semaphore, #tpu.memory_space<semaphore_mem>>
    %dma_wait3A_30 = arith.constant 0 : i32
    %dma_wait3A_31 = arith.constant 0 : i32
    %dma_wait3A_32 = tpu.memref_slice %arg6[%dma_wait3A, %dma_wait3A_30, %dma_wait3A_31] : memref<2x2000x1433xf32, #tpu.memory_space<vmem>> -> memref<1x2000x1433xf32, #tpu.memory_space<vmem>>
    %dma_wait3A_33 = tpu.memref_squeeze %dma_wait3A_32 : memref<1x2000x1433xf32, #tpu.memory_space<vmem>> -> memref<2000x1433xf32, #tpu.memory_space<vmem>>
    %dma_wait3A_34 = arith.constant 0 : i32
    %dma_wait3A_35 = arith.constant 0 : i32
    %dma_wait3A_36 = tpu.memref_slice %arg1[%dma_wait3A_34, %dma_wait3A_35] : memref<10000x1433xf32, #tpu.memory_space<hbm>> -> memref<2000x1433xf32, #tpu.memory_space<hbm>>
    tpu.wait_dma2 semaphore(%dma_wait3A_29 : memref<!tpu.dma_semaphore, #tpu.memory_space<semaphore_mem>>) src(%dma_wait3A_36 : memref<2000x1433xf32, #tpu.memory_space<hbm>>) dst(%dma_wait3A_33 : memref<2000x1433xf32, #tpu.memory_space<vmem>>)
    %get3A_37 = arith.constant 0 : index
    %get3A_38 = arith.constant 0 : index
    %get3A_39 = arith.constant 0 : index
    %get3A_40 = vector.load %arg6[%get3A_37, %get3A_38, %get3A_39] : memref<2x2000x1433xf32, #tpu.memory_space<vmem>>, vector<1x2000x1433xf32>
    %get3A_41 = vector.shape_cast %get3A_40 : vector<1x2000x1433xf32> to vector<2000x1433xf32>
    %convert_element_type3A_42 = arith.truncf %get3A_41 : vector<2000x1433xf32> to vector<2000x1433xbf16>
    %dot_general3A = arith.constant dense<0.000000e+00> : vector<2000x96xf32>
    %dot_general3A_43 = tpu.matmul %convert_element_type3A_42, %convert_element_type3A, %dot_general3A {dimension_numbers = #tpu.dot_dimension_numbers<[1], [0], [0], [1], [0, 0, 1, 1], [], []>, transpose_lhs_hint = false} : vector<2000x1433xbf16>, vector<1433x96xbf16>, vector<2000x96xf32> -> vector<2000x96xf32>
    %convert_element_type3A_44 = arith.truncf %dot_general3A_43 : vector<2000x96xf32> to vector<2000x96xbf16>
    %swap3A = arith.constant 0 : index
    %swap3A_45 = arith.constant 0 : index
    %swap3A_46 = vector.load %arg4[%swap3A, %swap3A_45] : memref<10000x96xbf16, #tpu.memory_space<vmem>>, vector<2000x96xbf16>
    tpu.vector_store %arg4[%swap3A, %swap3A_45], %convert_element_type3A_44 {strides = array<i32>} : memref<10000x96xbf16, #tpu.memory_space<vmem>>, vector<2000x96xbf16>,
    %dot_general3A_47 = arith.constant dense<0.000000e+00> : vector<2000x32xf32>
    %dot_general3A_48 = tpu.matmul %convert_element_type3A_42, %convert_element_type3A_26, %dot_general3A_47 {dimension_numbers = #tpu.dot_dimension_numbers<[1], [0], [0], [1], [0, 0, 1, 1], [], []>, transpose_lhs_hint = false} : vector<2000x1433xbf16>, vector<1433x32xbf16>, vector<2000x32xf32> -> vector<2000x32xf32>
    %convert_element_type3A_49 = arith.truncf %dot_general3A_48 : vector<2000x32xf32> to vector<2000x32xbf16>
    %swap3A_50 = arith.constant 0 : index
    %swap3A_51 = arith.constant 0 : index
    %swap3A_52 = vector.load %arg5[%swap3A_50, %swap3A_51] : memref<10000x32xbf16, #tpu.memory_space<vmem>>, vector<2000x32xbf16>
    tpu.vector_store %arg5[%swap3A_50, %swap3A_51], %convert_element_type3A_49 {strides = array<i32>} : memref<10000x32xbf16, #tpu.memory_space<vmem>>, vector<2000x32xbf16>,
    %dma_start3A_53 = arith.constant 0 : i32
    %dma_start3A_54 = arith.constant 0 : i32
    %dma_start3A_55 = tpu.memref_slice %arg7[%dma_start3A_54] : memref<2x!tpu.dma_semaphore, #tpu.memory_space<semaphore_mem>> -> memref<1x!tpu.dma_semaphore, #tpu.memory_space<semaphore_mem>>
    %dma_start3A_56 = tpu.memref_squeeze %dma_start3A_55 : memref<1x!tpu.dma_semaphore, #tpu.memory_space<semaphore_mem>> -> memref<!tpu.dma_semaphore, #tpu.memory_space<semaphore_mem>>
    %dma_start3A_57 = arith.constant 0 : i32
    %dma_start3A_58 = arith.constant 0 : i32
    %dma_start3A_59 = tpu.memref_slice %arg6[%dma_start3A_53, %dma_start3A_57, %dma_start3A_58] : memref<2x2000x1433xf32, #tpu.memory_space<vmem>> -> memref<1x2000x1433xf32, #tpu.memory_space<vmem>>
    %dma_start3A_60 = tpu.memref_squeeze %dma_start3A_59 : memref<1x2000x1433xf32, #tpu.memory_space<vmem>> -> memref<2000x1433xf32, #tpu.memory_space<vmem>>
    %dma_start3A_61 = arith.constant 4000 : i32
    %dma_start3A_62 = arith.constant 0 : i32
    %dma_start3A_63 = tpu.memref_slice %arg1[%dma_start3A_61, %dma_start3A_62] : memref<10000x1433xf32, #tpu.memory_space<hbm>> -> memref<2000x1433xf32, #tpu.memory_space<hbm>>
    tpu.enqueue_dma source(%dma_start3A_63 : memref<2000x1433xf32, #tpu.memory_space<hbm>>) target(%dma_start3A_60 : memref<2000x1433xf32, #tpu.memory_space<vmem>>) target_semaphore(%dma_start3A_56 : memref<!tpu.dma_semaphore, #tpu.memory_space<semaphore_mem>>)
    %dma_wait3A_64 = arith.constant 1 : i32
    %dma_wait3A_65 = arith.constant 1 : i32
    %dma_wait3A_66 = tpu.memref_slice %arg7[%dma_wait3A_65] : memref<2x!tpu.dma_semaphore, #tpu.memory_space<semaphore_mem>> -> memref<1x!tpu.dma_semaphore, #tpu.memory_space<semaphore_mem>>
    %dma_wait3A_67 = tpu.memref_squeeze %dma_wait3A_66 : memref<1x!tpu.dma_semaphore, #tpu.memory_space<semaphore_mem>> -> memref<!tpu.dma_semaphore, #tpu.memory_space<semaphore_mem>>
    %dma_wait3A_68 = arith.constant 0 : i32
    %dma_wait3A_69 = arith.constant 0 : i32
    %dma_wait3A_70 = tpu.memref_slice %arg6[%dma_wait3A_64, %dma_wait3A_68, %dma_wait3A_69] : memref<2x2000x1433xf32, #tpu.memory_space<vmem>> -> memref<1x2000x1433xf32, #tpu.memory_space<vmem>>
    %dma_wait3A_71 = tpu.memref_squeeze %dma_wait3A_70 : memref<1x2000x1433xf32, #tpu.memory_space<vmem>> -> memref<2000x1433xf32, #tpu.memory_space<vmem>>
    %dma_wait3A_72 = arith.constant 2000 : i32
    %dma_wait3A_73 = arith.constant 0 : i32
    %dma_wait3A_74 = tpu.memref_slice %arg1[%dma_wait3A_72, %dma_wait3A_73] : memref<10000x1433xf32, #tpu.memory_space<hbm>> -> memref<2000x1433xf32, #tpu.memory_space<hbm>>
    tpu.wait_dma2 semaphore(%dma_wait3A_67 : memref<!tpu.dma_semaphore, #tpu.memory_space<semaphore_mem>>) src(%dma_wait3A_74 : memref<2000x1433xf32, #tpu.memory_space<hbm>>) dst(%dma_wait3A_71 : memref<2000x1433xf32, #tpu.memory_space<vmem>>)
    %get3A_75 = arith.constant 1 : index
    %get3A_76 = arith.constant 0 : index
    %get3A_77 = arith.constant 0 : index
    %get3A_78 = vector.load %arg6[%get3A_75, %get3A_76, %get3A_77] : memref<2x2000x1433xf32, #tpu.memory_space<vmem>>, vector<1x2000x1433xf32>
    %get3A_79 = vector.shape_cast %get3A_78 : vector<1x2000x1433xf32> to vector<2000x1433xf32>
    %convert_element_type3A_80 = arith.truncf %get3A_79 : vector<2000x1433xf32> to vector<2000x1433xbf16>
    %dot_general3A_81 = arith.constant dense<0.000000e+00> : vector<2000x96xf32>
    %dot_general3A_82 = tpu.matmul %convert_element_type3A_80, %convert_element_type3A, %dot_general3A_81 {dimension_numbers = #tpu.dot_dimension_numbers<[1], [0], [0], [1], [0, 0, 1, 1], [], []>, transpose_lhs_hint = false} : vector<2000x1433xbf16>, vector<1433x96xbf16>, vector<2000x96xf32> -> vector<2000x96xf32>
    %convert_element_type3A_83 = arith.truncf %dot_general3A_82 : vector<2000x96xf32> to vector<2000x96xbf16>
    %swap3A_84 = arith.constant 2000 : index
    %swap3A_85 = arith.constant 0 : index
    %swap3A_86 = vector.load %arg4[%swap3A_84, %swap3A_85] : memref<10000x96xbf16, #tpu.memory_space<vmem>>, vector<2000x96xbf16>
    tpu.vector_store %arg4[%swap3A_84, %swap3A_85], %convert_element_type3A_83 {strides = array<i32>} : memref<10000x96xbf16, #tpu.memory_space<vmem>>, vector<2000x96xbf16>,
    %dot_general3A_87 = arith.constant dense<0.000000e+00> : vector<2000x32xf32>
    %dot_general3A_88 = tpu.matmul %convert_element_type3A_80, %convert_element_type3A_26, %dot_general3A_87 {dimension_numbers = #tpu.dot_dimension_numbers<[1], [0], [0], [1], [0, 0, 1, 1], [], []>, transpose_lhs_hint = false} : vector<2000x1433xbf16>, vector<1433x32xbf16>, vector<2000x32xf32> -> vector<2000x32xf32>
    %convert_element_type3A_89 = arith.truncf %dot_general3A_88 : vector<2000x32xf32> to vector<2000x32xbf16>
    %swap3A_90 = arith.constant 2000 : index
    %swap3A_91 = arith.constant 0 : index
    %swap3A_92 = vector.load %arg5[%swap3A_90, %swap3A_91] : memref<10000x32xbf16, #tpu.memory_space<vmem>>, vector<2000x32xbf16>
    tpu.vector_store %arg5[%swap3A_90, %swap3A_91], %convert_element_type3A_89 {strides = array<i32>} : memref<10000x32xbf16, #tpu.memory_space<vmem>>, vector<2000x32xbf16>,
    %dma_start3A_93 = arith.constant 1 : i32
    %dma_start3A_94 = arith.constant 1 : i32
    %dma_start3A_95 = tpu.memref_slice %arg7[%dma_start3A_94] : memref<2x!tpu.dma_semaphore, #tpu.memory_space<semaphore_mem>> -> memref<1x!tpu.dma_semaphore, #tpu.memory_space<semaphore_mem>>
    %dma_start3A_96 = tpu.memref_squeeze %dma_start3A_95 : memref<1x!tpu.dma_semaphore, #tpu.memory_space<semaphore_mem>> -> memref<!tpu.dma_semaphore, #tpu.memory_space<semaphore_mem>>
    %dma_start3A_97 = arith.constant 0 : i32
    %dma_start3A_98 = arith.constant 0 : i32
    %dma_start3A_99 = tpu.memref_slice %arg6[%dma_start3A_93, %dma_start3A_97, %dma_start3A_98] : memref<2x2000x1433xf32, #tpu.memory_space<vmem>> -> memref<1x2000x1433xf32, #tpu.memory_space<vmem>>
    %dma_start3A_100 = tpu.memref_squeeze %dma_start3A_99 : memref<1x2000x1433xf32, #tpu.memory_space<vmem>> -> memref<2000x1433xf32, #tpu.memory_space<vmem>>
    %dma_start3A_101 = arith.constant 6000 : i32
    %dma_start3A_102 = arith.constant 0 : i32
    %dma_start3A_103 = tpu.memref_slice %arg1[%dma_start3A_101, %dma_start3A_102] : memref<10000x1433xf32, #tpu.memory_space<hbm>> -> memref<2000x1433xf32, #tpu.memory_space<hbm>>
    tpu.enqueue_dma source(%dma_start3A_103 : memref<2000x1433xf32, #tpu.memory_space<hbm>>) target(%dma_start3A_100 : memref<2000x1433xf32, #tpu.memory_space<vmem>>) target_semaphore(%dma_start3A_96 : memref<!tpu.dma_semaphore, #tpu.memory_space<semaphore_mem>>)
    %dma_wait3A_104 = arith.constant 0 : i32
    %dma_wait3A_105 = arith.constant 0 : i32
    %dma_wait3A_106 = tpu.memref_slice %arg7[%dma_wait3A_105] : memref<2x!tpu.dma_semaphore, #tpu.memory_space<semaphore_mem>> -> memref<1x!tpu.dma_semaphore, #tpu.memory_space<semaphore_mem>>
    %dma_wait3A_107 = tpu.memref_squeeze %dma_wait3A_106 : memref<1x!tpu.dma_semaphore, #tpu.memory_space<semaphore_mem>> -> memref<!tpu.dma_semaphore, #tpu.memory_space<semaphore_mem>>
    %dma_wait3A_108 = arith.constant 0 : i32
    %dma_wait3A_109 = arith.constant 0 : i32
    %dma_wait3A_110 = tpu.memref_slice %arg6[%dma_wait3A_104, %dma_wait3A_108, %dma_wait3A_109] : memref<2x2000x1433xf32, #tpu.memory_space<vmem>> -> memref<1x2000x1433xf32, #tpu.memory_space<vmem>>
    %dma_wait3A_111 = tpu.memref_squeeze %dma_wait3A_110 : memref<1x2000x1433xf32, #tpu.memory_space<vmem>> -> memref<2000x1433xf32, #tpu.memory_space<vmem>>
    %dma_wait3A_112 = arith.constant 4000 : i32
    %dma_wait3A_113 = arith.constant 0 : i32
    %dma_wait3A_114 = tpu.memref_slice %arg1[%dma_wait3A_112, %dma_wait3A_113] : memref<10000x1433xf32, #tpu.memory_space<hbm>> -> memref<2000x1433xf32, #tpu.memory_space<hbm>>
    tpu.wait_dma2 semaphore(%dma_wait3A_107 : memref<!tpu.dma_semaphore, #tpu.memory_space<semaphore_mem>>) src(%dma_wait3A_114 : memref<2000x1433xf32, #tpu.memory_space<hbm>>) dst(%dma_wait3A_111 : memref<2000x1433xf32, #tpu.memory_space<vmem>>)
    %get3A_115 = arith.constant 0 : index
    %get3A_116 = arith.constant 0 : index
    %get3A_117 = arith.constant 0 : index
    %get3A_118 = vector.load %arg6[%get3A_115, %get3A_116, %get3A_117] : memref<2x2000x1433xf32, #tpu.memory_space<vmem>>, vector<1x2000x1433xf32>
    %get3A_119 = vector.shape_cast %get3A_118 : vector<1x2000x1433xf32> to vector<2000x1433xf32>
    %convert_element_type3A_120 = arith.truncf %get3A_119 : vector<2000x1433xf32> to vector<2000x1433xbf16>
    %dot_general3A_121 = arith.constant dense<0.000000e+00> : vector<2000x96xf32>
    %dot_general3A_122 = tpu.matmul %convert_element_type3A_120, %convert_element_type3A, %dot_general3A_121 {dimension_numbers = #tpu.dot_dimension_numbers<[1], [0], [0], [1], [0, 0, 1, 1], [], []>, transpose_lhs_hint = false} : vector<2000x1433xbf16>, vector<1433x96xbf16>, vector<2000x96xf32> -> vector<2000x96xf32>
    %convert_element_type3A_123 = arith.truncf %dot_general3A_122 : vector<2000x96xf32> to vector<2000x96xbf16>
    %swap3A_124 = arith.constant 4000 : index
    %swap3A_125 = arith.constant 0 : index
    %swap3A_126 = vector.load %arg4[%swap3A_124, %swap3A_125] : memref<10000x96xbf16, #tpu.memory_space<vmem>>, vector<2000x96xbf16>
    tpu.vector_store %arg4[%swap3A_124, %swap3A_125], %convert_element_type3A_123 {strides = array<i32>} : memref<10000x96xbf16, #tpu.memory_space<vmem>>, vector<2000x96xbf16>,
    %dot_general3A_127 = arith.constant dense<0.000000e+00> : vector<2000x32xf32>
    %dot_general3A_128 = tpu.matmul %convert_element_type3A_120, %convert_element_type3A_26, %dot_general3A_127 {dimension_numbers = #tpu.dot_dimension_numbers<[1], [0], [0], [1], [0, 0, 1, 1], [], []>, transpose_lhs_hint = false} : vector<2000x1433xbf16>, vector<1433x32xbf16>, vector<2000x32xf32> -> vector<2000x32xf32>
    %convert_element_type3A_129 = arith.truncf %dot_general3A_128 : vector<2000x32xf32> to vector<2000x32xbf16>
    %swap3A_130 = arith.constant 4000 : index
    %swap3A_131 = arith.constant 0 : index
    %swap3A_132 = vector.load %arg5[%swap3A_130, %swap3A_131] : memref<10000x32xbf16, #tpu.memory_space<vmem>>, vector<2000x32xbf16>
    tpu.vector_store %arg5[%swap3A_130, %swap3A_131], %convert_element_type3A_129 {strides = array<i32>} : memref<10000x32xbf16, #tpu.memory_space<vmem>>, vector<2000x32xbf16>,
    %dma_start3A_133 = arith.constant 0 : i32
    %dma_start3A_134 = arith.constant 0 : i32
    %dma_start3A_135 = tpu.memref_slice %arg7[%dma_start3A_134] : memref<2x!tpu.dma_semaphore, #tpu.memory_space<semaphore_mem>> -> memref<1x!tpu.dma_semaphore, #tpu.memory_space<semaphore_mem>>
    %dma_start3A_136 = tpu.memref_squeeze %dma_start3A_135 : memref<1x!tpu.dma_semaphore, #tpu.memory_space<semaphore_mem>> -> memref<!tpu.dma_semaphore, #tpu.memory_space<semaphore_mem>>
    %dma_start3A_137 = arith.constant 0 : i32
    %dma_start3A_138 = arith.constant 0 : i32
    %dma_start3A_139 = tpu.memref_slice %arg6[%dma_start3A_133, %dma_start3A_137, %dma_start3A_138] : memref<2x2000x1433xf32, #tpu.memory_space<vmem>> -> memref<1x2000x1433xf32, #tpu.memory_space<vmem>>
    %dma_start3A_140 = tpu.memref_squeeze %dma_start3A_139 : memref<1x2000x1433xf32, #tpu.memory_space<vmem>> -> memref<2000x1433xf32, #tpu.memory_space<vmem>>
    %dma_start3A_141 = arith.constant 8000 : i32
    %dma_start3A_142 = arith.constant 0 : i32
    %dma_start3A_143 = tpu.memref_slice %arg1[%dma_start3A_141, %dma_start3A_142] : memref<10000x1433xf32, #tpu.memory_space<hbm>> -> memref<2000x1433xf32, #tpu.memory_space<hbm>>
    tpu.enqueue_dma source(%dma_start3A_143 : memref<2000x1433xf32, #tpu.memory_space<hbm>>) target(%dma_start3A_140 : memref<2000x1433xf32, #tpu.memory_space<vmem>>) target_semaphore(%dma_start3A_136 : memref<!tpu.dma_semaphore, #tpu.memory_space<semaphore_mem>>)
    %dma_wait3A_144 = arith.constant 1 : i32
    %dma_wait3A_145 = arith.constant 1 : i32
    %dma_wait3A_146 = tpu.memref_slice %arg7[%dma_wait3A_145] : memref<2x!tpu.dma_semaphore, #tpu.memory_space<semaphore_mem>> -> memref<1x!tpu.dma_semaphore, #tpu.memory_space<semaphore_mem>>
    %dma_wait3A_147 = tpu.memref_squeeze %dma_wait3A_146 : memref<1x!tpu.dma_semaphore, #tpu.memory_space<semaphore_mem>> -> memref<!tpu.dma_semaphore, #tpu.memory_space<semaphore_mem>>
    %dma_wait3A_148 = arith.constant 0 : i32
    %dma_wait3A_149 = arith.constant 0 : i32
    %dma_wait3A_150 = tpu.memref_slice %arg6[%dma_wait3A_144, %dma_wait3A_148, %dma_wait3A_149] : memref<2x2000x1433xf32, #tpu.memory_space<vmem>> -> memref<1x2000x1433xf32, #tpu.memory_space<vmem>>
    %dma_wait3A_151 = tpu.memref_squeeze %dma_wait3A_150 : memref<1x2000x1433xf32, #tpu.memory_space<vmem>> -> memref<2000x1433xf32, #tpu.memory_space<vmem>>
    %dma_wait3A_152 = arith.constant 6000 : i32
    %dma_wait3A_153 = arith.constant 0 : i32
    %dma_wait3A_154 = tpu.memref_slice %arg1[%dma_wait3A_152, %dma_wait3A_153] : memref<10000x1433xf32, #tpu.memory_space<hbm>> -> memref<2000x1433xf32, #tpu.memory_space<hbm>>
    tpu.wait_dma2 semaphore(%dma_wait3A_147 : memref<!tpu.dma_semaphore, #tpu.memory_space<semaphore_mem>>) src(%dma_wait3A_154 : memref<2000x1433xf32, #tpu.memory_space<hbm>>) dst(%dma_wait3A_151 : memref<2000x1433xf32, #tpu.memory_space<vmem>>)
    %get3A_155 = arith.constant 1 : index
    %get3A_156 = arith.constant 0 : index
    %get3A_157 = arith.constant 0 : index
    %get3A_158 = vector.load %arg6[%get3A_155, %get3A_156, %get3A_157] : memref<2x2000x1433xf32, #tpu.memory_space<vmem>>, vector<1x2000x1433xf32>
    %get3A_159 = vector.shape_cast %get3A_158 : vector<1x2000x1433xf32> to vector<2000x1433xf32>
    %convert_element_type3A_160 = arith.truncf %get3A_159 : vector<2000x1433xf32> to vector<2000x1433xbf16>
    %dot_general3A_161 = arith.constant dense<0.000000e+00> : vector<2000x96xf32>
    %dot_general3A_162 = tpu.matmul %convert_element_type3A_160, %convert_element_type3A, %dot_general3A_161 {dimension_numbers = #tpu.dot_dimension_numbers<[1], [0], [0], [1], [0, 0, 1, 1], [], []>, transpose_lhs_hint = false} : vector<2000x1433xbf16>, vector<1433x96xbf16>, vector<2000x96xf32> -> vector<2000x96xf32>
    %convert_element_type3A_163 = arith.truncf %dot_general3A_162 : vector<2000x96xf32> to vector<2000x96xbf16>
    %swap3A_164 = arith.constant 6000 : index
    %swap3A_165 = arith.constant 0 : index
    %swap3A_166 = vector.load %arg4[%swap3A_164, %swap3A_165] : memref<10000x96xbf16, #tpu.memory_space<vmem>>, vector<2000x96xbf16>
    tpu.vector_store %arg4[%swap3A_164, %swap3A_165], %convert_element_type3A_163 {strides = array<i32>} : memref<10000x96xbf16, #tpu.memory_space<vmem>>, vector<2000x96xbf16>,
    %dot_general3A_167 = arith.constant dense<0.000000e+00> : vector<2000x32xf32>
    %dot_general3A_168 = tpu.matmul %convert_element_type3A_160, %convert_element_type3A_26, %dot_general3A_167 {dimension_numbers = #tpu.dot_dimension_numbers<[1], [0], [0], [1], [0, 0, 1, 1], [], []>, transpose_lhs_hint = false} : vector<2000x1433xbf16>, vector<1433x32xbf16>, vector<2000x32xf32> -> vector<2000x32xf32>
    %convert_element_type3A_169 = arith.truncf %dot_general3A_168 : vector<2000x32xf32> to vector<2000x32xbf16>
    %swap3A_170 = arith.constant 6000 : index
    %swap3A_171 = arith.constant 0 : index
    %swap3A_172 = vector.load %arg5[%swap3A_170, %swap3A_171] : memref<10000x32xbf16, #tpu.memory_space<vmem>>, vector<2000x32xbf16>
    tpu.vector_store %arg5[%swap3A_170, %swap3A_171], %convert_element_type3A_169 {strides = array<i32>} : memref<10000x32xbf16, #tpu.memory_space<vmem>>, vector<2000x32xbf16>,
    %dma_wait3A_173 = arith.constant 0 : i32
    %dma_wait3A_174 = arith.constant 0 : i32
    %dma_wait3A_175 = tpu.memref_slice %arg7[%dma_wait3A_174] : memref<2x!tpu.dma_semaphore, #tpu.memory_space<semaphore_mem>> -> memref<1x!tpu.dma_semaphore, #tpu.memory_space<semaphore_mem>>
    %dma_wait3A_176 = tpu.memref_squeeze %dma_wait3A_175 : memref<1x!tpu.dma_semaphore, #tpu.memory_space<semaphore_mem>> -> memref<!tpu.dma_semaphore, #tpu.memory_space<semaphore_mem>>
    %dma_wait3A_177 = arith.constant 0 : i32
    %dma_wait3A_178 = arith.constant 0 : i32
    %dma_wait3A_179 = tpu.memref_slice %arg6[%dma_wait3A_173, %dma_wait3A_177, %dma_wait3A_178] : memref<2x2000x1433xf32, #tpu.memory_space<vmem>> -> memref<1x2000x1433xf32, #tpu.memory_space<vmem>>
    %dma_wait3A_180 = tpu.memref_squeeze %dma_wait3A_179 : memref<1x2000x1433xf32, #tpu.memory_space<vmem>> -> memref<2000x1433xf32, #tpu.memory_space<vmem>>
    %dma_wait3A_181 = arith.constant 8000 : i32
    %dma_wait3A_182 = arith.constant 0 : i32
    %dma_wait3A_183 = tpu.memref_slice %arg1[%dma_wait3A_181, %dma_wait3A_182] : memref<10000x1433xf32, #tpu.memory_space<hbm>> -> memref<2000x1433xf32, #tpu.memory_space<hbm>>
    tpu.wait_dma2 semaphore(%dma_wait3A_176 : memref<!tpu.dma_semaphore, #tpu.memory_space<semaphore_mem>>) src(%dma_wait3A_183 : memref<2000x1433xf32, #tpu.memory_space<hbm>>) dst(%dma_wait3A_180 : memref<2000x1433xf32, #tpu.memory_space<vmem>>)
    %get3A_184 = arith.constant 0 : index
    %get3A_185 = arith.constant 0 : index
    %get3A_186 = arith.constant 0 : index
    %get3A_187 = vector.load %arg6[%get3A_184, %get3A_185, %get3A_186] : memref<2x2000x1433xf32, #tpu.memory_space<vmem>>, vector<1x2000x1433xf32>
    %get3A_188 = vector.shape_cast %get3A_187 : vector<1x2000x1433xf32> to vector<2000x1433xf32>
    %convert_element_type3A_189 = arith.truncf %get3A_188 : vector<2000x1433xf32> to vector<2000x1433xbf16>
    %dot_general3A_190 = arith.constant dense<0.000000e+00> : vector<2000x96xf32>
    %dot_general3A_191 = tpu.matmul %convert_element_type3A_189, %convert_element_type3A, %dot_general3A_190 {dimension_numbers = #tpu.dot_dimension_numbers<[1], [0], [0], [1], [0, 0, 1, 1], [], []>, transpose_lhs_hint = false} : vector<2000x1433xbf16>, vector<1433x96xbf16>, vector<2000x96xf32> -> vector<2000x96xf32>
    %convert_element_type3A_192 = arith.truncf %dot_general3A_191 : vector<2000x96xf32> to vector<2000x96xbf16>
    %swap3A_193 = arith.constant 8000 : index
    %swap3A_194 = arith.constant 0 : index
    %swap3A_195 = vector.load %arg4[%swap3A_193, %swap3A_194] : memref<10000x96xbf16, #tpu.memory_space<vmem>>, vector<2000x96xbf16>
    tpu.vector_store %arg4[%swap3A_193, %swap3A_194], %convert_element_type3A_192 {strides = array<i32>} : memref<10000x96xbf16, #tpu.memory_space<vmem>>, vector<2000x96xbf16>,
    %dot_general3A_196 = arith.constant dense<0.000000e+00> : vector<2000x32xf32>
    %dot_general3A_197 = tpu.matmul %convert_element_type3A_189, %convert_element_type3A_26, %dot_general3A_196 {dimension_numbers = #tpu.dot_dimension_numbers<[1], [0], [0], [1], [0, 0, 1, 1], [], []>, transpose_lhs_hint = false} : vector<2000x1433xbf16>, vector<1433x32xbf16>, vector<2000x32xf32> -> vector<2000x32xf32>
    %convert_element_type3A_198 = arith.truncf %dot_general3A_197 : vector<2000x32xf32> to vector<2000x32xbf16>
    %swap3A_199 = arith.constant 8000 : index
    %swap3A_200 = arith.constant 0 : index
    %swap3A_201 = vector.load %arg5[%swap3A_199, %swap3A_200] : memref<10000x32xbf16, #tpu.memory_space<vmem>>, vector<2000x32xbf16>
    tpu.vector_store %arg5[%swap3A_199, %swap3A_200], %convert_element_type3A_198 {strides = array<i32>} : memref<10000x32xbf16, #tpu.memory_space<vmem>>, vector<2000x32xbf16>,
    return
  }
  func.func @transform_1(%arg0: i32) -> (i32, i32) {
    %c0_i32 = arith.constant 0 : i32
    %c0_i32_0 = arith.constant 0 : i32
    %c0_i32_1 = arith.constant 0 : i32
    return %c0_i32, %c0_i32_0 : i32, i32
  }
  func.func @transform_2(%arg0: i32) -> (i32, i32) {
    %c0_i32 = arith.constant 0 : i32
    %c0_i32_0 = arith.constant 0 : i32
    %c0_i32_1 = arith.constant 0 : i32
    return %c0_i32, %c0_i32_0 : i32, i32
  }
  func.func @transform_3(%arg0: i32) -> (i32, i32) {
    %c0_i32 = arith.constant 0 : i32
    %c0_i32_0 = arith.constant 0 : i32
    %c0_i32_1 = arith.constant 0 : i32
    return %c0_i32, %c0_i32_0 : i32, i32
  }
  func.func @transform_4(%arg0: i32) -> (i32, i32) {
    %c0_i32 = arith.constant 0 : i32
    %c0_i32_0 = arith.constant 0 : i32
    %c0_i32_1 = arith.constant 0 : i32
    return %c0_i32, %c0_i32_0 : i32, i32
  }
}

module attributes {stable_mosaic.version = 14 : i64} {
  func.func @_tcb_body(%arg0: i32, %arg1: memref<2x10000x96xf32, #tpu.memory_space<vmem>>, %arg2: memref<96x10xf32, #tpu.memory_space<vmem>>, %arg3: memref<10x80xf32, #tpu.memory_space<vmem>>, %arg4: memref<1x80xf32, #tpu.memory_space<vmem>>, %arg5: memref<80x9xf32, #tpu.memory_space<vmem>>, %arg6: memref<9x16xf32, #tpu.memory_space<vmem>>, %arg7: memref<9x16xf32, #tpu.memory_space<vmem>>, %arg8: memref<1x16xf32, #tpu.memory_space<vmem>>, %arg9: memref<10000x16xf32, #tpu.memory_space<vmem>>, %arg10: memref<10000x16xf32, #tpu.memory_space<vmem>>) attributes {dimension_semantics = [#tpu.dimension_semantics<arbitrary>], iteration_bounds = array<i64: 1>, scalar_prefetch = 0 : i64, scratch_operands = 0 : i64, tpu.core_type = #tpu.core_type<tc>, window_params = [{transform_indices = @transform_0, window_bounds = array<i64: 2, 10000, 96>}, {pipeline_mode = #tpu.pipeline_mode<synchronous>, transform_indices = @transform_1, window_bounds = array<i64: 96, 10>}, {pipeline_mode = #tpu.pipeline_mode<synchronous>, transform_indices = @transform_2, window_bounds = array<i64: 10, 80>}, {pipeline_mode = #tpu.pipeline_mode<synchronous>, transform_indices = @transform_3, window_bounds = array<i64: 1, 80>}, {pipeline_mode = #tpu.pipeline_mode<synchronous>, transform_indices = @transform_4, window_bounds = array<i64: 80, 9>}, {pipeline_mode = #tpu.pipeline_mode<synchronous>, transform_indices = @transform_5, window_bounds = array<i64: 9, 16>}, {pipeline_mode = #tpu.pipeline_mode<synchronous>, transform_indices = @transform_6, window_bounds = array<i64: 9, 16>}, {pipeline_mode = #tpu.pipeline_mode<synchronous>, transform_indices = @transform_7, window_bounds = array<i64: 1, 16>}, {pipeline_mode = #tpu.pipeline_mode<synchronous>, transform_indices = @transform_8, window_bounds = array<i64: 10000, 16>}, {pipeline_mode = #tpu.pipeline_mode<synchronous>, transform_indices = @transform_9, window_bounds = array<i64: 10000, 16>}]} {
    %get3A = arith.constant 0 : index
    %get3A_0 = arith.constant 0 : index
    %get3A_1 = arith.constant 0 : index
    %get3A_2 = vector.load %arg1[%get3A, %get3A_0, %get3A_1] : memref<2x10000x96xf32, #tpu.memory_space<vmem>>, vector<1x10000x96xf32>
    %get3A_3 = vector.shape_cast %get3A_2 : vector<1x10000x96xf32> to vector<10000x96xf32>
    %get3A_4 = arith.constant 1 : index
    %get3A_5 = arith.constant 0 : index
    %get3A_6 = arith.constant 0 : index
    %get3A_7 = vector.load %arg1[%get3A_4, %get3A_5, %get3A_6] : memref<2x10000x96xf32, #tpu.memory_space<vmem>>, vector<1x10000x96xf32>
    %get3A_8 = vector.shape_cast %get3A_7 : vector<1x10000x96xf32> to vector<10000x96xf32>
    %add3A = arith.addf %get3A_3, %get3A_8 : vector<10000x96xf32>
    %slice3A = vector.extract_strided_slice %add3A {offsets = [0, 0], sizes = [10000, 80], strides = [1, 1]} : vector<10000x96xf32> to vector<10000x80xf32>
    %get3A_9 = arith.constant 0 : index
    %get3A_10 = arith.constant 0 : index
    %get3A_11 = vector.load %arg2[%get3A_9, %get3A_10] : memref<96x10xf32, #tpu.memory_space<vmem>>, vector<96x10xf32>
    %dot_general3A = arith.constant dense<0.000000e+00> : vector<10000x10xf32>
    %dot_general3A_12 = tpu.matmul %add3A, %get3A_11, %dot_general3A {dimension_numbers = #tpu.dot_dimension_numbers<[1], [0], [0], [1], [0, 0, 1, 1], [], []>, transpose_lhs_hint = false} : vector<10000x96xf32>, vector<96x10xf32>, vector<10000x10xf32> -> vector<10000x10xf32>
    %add3A_13 = arith.constant 1.000000e-16 : f32
    %add3A_14 = vector.broadcast %add3A_13 : f32 to vector<10000x10xf32>
    %add3A_15 = arith.addf %dot_general3A_12, %add3A_14 : vector<10000x10xf32>
    %div3A = arith.constant 1.000000e+00 : f32
    %div3A_16 = vector.broadcast %div3A : f32 to vector<10000x10xf32>
    %div3A_17 = arith.divf %div3A_16, %add3A_15 : vector<10000x10xf32>
    %get3A_18 = arith.constant 0 : index
    %get3A_19 = arith.constant 0 : index
    %get3A_20 = vector.load %arg3[%get3A_18, %get3A_19] : memref<10x80xf32, #tpu.memory_space<vmem>>, vector<10x80xf32>
    %dot_general3A_21 = arith.constant dense<0.000000e+00> : vector<10000x80xf32>
    %dot_general3A_22 = tpu.matmul %div3A_17, %get3A_20, %dot_general3A_21 {dimension_numbers = #tpu.dot_dimension_numbers<[1], [0], [0], [1], [0, 0, 1, 1], [], []>, transpose_lhs_hint = false} : vector<10000x10xf32>, vector<10x80xf32>, vector<10000x80xf32> -> vector<10000x80xf32>
    %mul3A = arith.mulf %slice3A, %dot_general3A_22 : vector<10000x80xf32>
    %get3A_23 = arith.constant 0 : index
    %get3A_24 = arith.constant 0 : index
    %get3A_25 = vector.load %arg4[%get3A_23, %get3A_24] : memref<1x80xf32, #tpu.memory_space<vmem>>, vector<1x80xf32>
    %add3A_26 = vector.broadcast %get3A_25 : vector<1x80xf32> to vector<10000x80xf32>
    %add3A_27 = arith.addf %mul3A, %add3A_26 : vector<10000x80xf32>
    %gt3A = arith.constant 0.000000e+00 : f32
    %gt3A_28 = vector.broadcast %gt3A : f32 to vector<10000x80xf32>
    %gt3A_29 = arith.cmpf ogt, %add3A_27, %gt3A_28 : vector<10000x80xf32>
    %exp3A = math.exp %add3A_27 : vector<10000x80xf32>
    %sub3A = arith.constant 1.000000e+00 : f32
    %sub3A_30 = vector.broadcast %sub3A : f32 to vector<10000x80xf32>
    %sub3A_31 = arith.subf %exp3A, %sub3A_30 : vector<10000x80xf32>
    %select_n3A = arith.select %gt3A_29, %add3A_27, %sub3A_31 : vector<10000x80xi1>, vector<10000x80xf32>
    %get3A_32 = arith.constant 0 : index
    %get3A_33 = arith.constant 0 : index
    %get3A_34 = vector.load %arg5[%get3A_32, %get3A_33] : memref<80x9xf32, #tpu.memory_space<vmem>>, vector<80x9xf32>
    %dot_general3A_35 = arith.constant dense<0.000000e+00> : vector<10000x9xf32>
    %dot_general3A_36 = tpu.matmul %select_n3A, %get3A_34, %dot_general3A_35 {dimension_numbers = #tpu.dot_dimension_numbers<[1], [0], [0], [1], [0, 0, 1, 1], [], []>, transpose_lhs_hint = false} : vector<10000x80xf32>, vector<80x9xf32>, vector<10000x9xf32> -> vector<10000x9xf32>
    %get3A_37 = arith.constant 0 : index
    %get3A_38 = arith.constant 0 : index
    %get3A_39 = vector.load %arg6[%get3A_37, %get3A_38] : memref<9x16xf32, #tpu.memory_space<vmem>>, vector<9x16xf32>
    %dot_general3A_40 = arith.constant dense<0.000000e+00> : vector<10000x16xf32>
    %dot_general3A_41 = tpu.matmul %dot_general3A_36, %get3A_39, %dot_general3A_40 {dimension_numbers = #tpu.dot_dimension_numbers<[1], [0], [0], [1], [0, 0, 1, 1], [], []>, transpose_lhs_hint = false} : vector<10000x9xf32>, vector<9x16xf32>, vector<10000x16xf32> -> vector<10000x16xf32>
    %get3A_42 = arith.constant 0 : index
    %get3A_43 = arith.constant 0 : index
    %get3A_44 = vector.load %arg8[%get3A_42, %get3A_43] : memref<1x16xf32, #tpu.memory_space<vmem>>, vector<1x16xf32>
    %add3A_45 = vector.broadcast %get3A_44 : vector<1x16xf32> to vector<10000x16xf32>
    %add3A_46 = arith.addf %dot_general3A_41, %add3A_45 : vector<10000x16xf32>
    %swap3A = arith.constant 0 : index
    %swap3A_47 = arith.constant 0 : index
    %swap3A_48 = vector.load %arg9[%swap3A, %swap3A_47] : memref<10000x16xf32, #tpu.memory_space<vmem>>, vector<10000x16xf32>
    tpu.vector_store %arg9[%swap3A, %swap3A_47], %add3A_46 {strides = array<i32>} : memref<10000x16xf32, #tpu.memory_space<vmem>>, vector<10000x16xf32>,
    %get3A_49 = arith.constant 0 : index
    %get3A_50 = arith.constant 0 : index
    %get3A_51 = vector.load %arg7[%get3A_49, %get3A_50] : memref<9x16xf32, #tpu.memory_space<vmem>>, vector<9x16xf32>
    %dot_general3A_52 = arith.constant dense<0.000000e+00> : vector<10000x16xf32>
    %dot_general3A_53 = tpu.matmul %dot_general3A_36, %get3A_51, %dot_general3A_52 {dimension_numbers = #tpu.dot_dimension_numbers<[1], [0], [0], [1], [0, 0, 1, 1], [], []>, transpose_lhs_hint = false} : vector<10000x9xf32>, vector<9x16xf32>, vector<10000x16xf32> -> vector<10000x16xf32>
    %swap3A_54 = arith.constant 0 : index
    %swap3A_55 = arith.constant 0 : index
    %swap3A_56 = vector.load %arg10[%swap3A_54, %swap3A_55] : memref<10000x16xf32, #tpu.memory_space<vmem>>, vector<10000x16xf32>
    tpu.vector_store %arg10[%swap3A_54, %swap3A_55], %dot_general3A_53 {strides = array<i32>} : memref<10000x16xf32, #tpu.memory_space<vmem>>, vector<10000x16xf32>,
    return
  }
  func.func @transform_0(%arg0: i32) -> (i32, i32, i32) {
    %c0_i32 = arith.constant 0 : i32
    %c0_i32_0 = arith.constant 0 : i32
    %c0_i32_1 = arith.constant 0 : i32
    %c0_i32_2 = arith.constant 0 : i32
    return %c0_i32, %c0_i32_0, %c0_i32_1 : i32, i32, i32
  }
  func.func @transform_1(%arg0: i32) -> (i32, i32) {
    %c0_i32 = arith.constant 0 : i32
    %c0_i32_0 = arith.constant 0 : i32
    %c0_i32_1 = arith.constant 0 : i32
    return %c0_i32, %c0_i32_0 : i32, i32
  }
  func.func @transform_2(%arg0: i32) -> (i32, i32) {
    %c0_i32 = arith.constant 0 : i32
    %c0_i32_0 = arith.constant 0 : i32
    %c0_i32_1 = arith.constant 0 : i32
    return %c0_i32, %c0_i32_0 : i32, i32
  }
  func.func @transform_3(%arg0: i32) -> (i32, i32) {
    %c0_i32 = arith.constant 0 : i32
    %c0_i32_0 = arith.constant 0 : i32
    %c0_i32_1 = arith.constant 0 : i32
    return %c0_i32, %c0_i32_0 : i32, i32
  }
  func.func @transform_4(%arg0: i32) -> (i32, i32) {
    %c0_i32 = arith.constant 0 : i32
    %c0_i32_0 = arith.constant 0 : i32
    %c0_i32_1 = arith.constant 0 : i32
    return %c0_i32, %c0_i32_0 : i32, i32
  }
  func.func @transform_5(%arg0: i32) -> (i32, i32) {
    %c0_i32 = arith.constant 0 : i32
    %c0_i32_0 = arith.constant 0 : i32
    %c0_i32_1 = arith.constant 0 : i32
    return %c0_i32, %c0_i32_0 : i32, i32
  }
  func.func @transform_6(%arg0: i32) -> (i32, i32) {
    %c0_i32 = arith.constant 0 : i32
    %c0_i32_0 = arith.constant 0 : i32
    %c0_i32_1 = arith.constant 0 : i32
    return %c0_i32, %c0_i32_0 : i32, i32
  }
  func.func @transform_7(%arg0: i32) -> (i32, i32) {
    %c0_i32 = arith.constant 0 : i32
    %c0_i32_0 = arith.constant 0 : i32
    %c0_i32_1 = arith.constant 0 : i32
    return %c0_i32, %c0_i32_0 : i32, i32
  }
  func.func @transform_8(%arg0: i32) -> (i32, i32) {
    %c0_i32 = arith.constant 0 : i32
    %c0_i32_0 = arith.constant 0 : i32
    %c0_i32_1 = arith.constant 0 : i32
    return %c0_i32, %c0_i32_0 : i32, i32
  }
  func.func @transform_9(%arg0: i32) -> (i32, i32) {
    %c0_i32 = arith.constant 0 : i32
    %c0_i32_0 = arith.constant 0 : i32
    %c0_i32_1 = arith.constant 0 : i32
    return %c0_i32, %c0_i32_0 : i32, i32
  }
}

module attributes {stable_mosaic.version = 14 : i64} {
  func.func @_tcc_body(%arg0: i32, %arg1: memref<2x10000x16xf32, #tpu.memory_space<vmem>>, %arg2: memref<1x7xf32, #tpu.memory_space<vmem>>, %arg3: memref<10000x7xf32, #tpu.memory_space<vmem>>) attributes {dimension_semantics = [#tpu.dimension_semantics<arbitrary>], iteration_bounds = array<i64: 1>, scalar_prefetch = 0 : i64, scratch_operands = 0 : i64, tpu.core_type = #tpu.core_type<tc>, window_params = [{transform_indices = @transform_0, window_bounds = array<i64: 2, 10000, 16>}, {pipeline_mode = #tpu.pipeline_mode<synchronous>, transform_indices = @transform_1, window_bounds = array<i64: 1, 7>}, {pipeline_mode = #tpu.pipeline_mode<synchronous>, transform_indices = @transform_2, window_bounds = array<i64: 10000, 7>}]} {
    %get3A = arith.constant 0 : index
    %get3A_0 = arith.constant 0 : index
    %get3A_1 = arith.constant 0 : index
    %get3A_2 = vector.load %arg1[%get3A, %get3A_0, %get3A_1] : memref<2x10000x16xf32, #tpu.memory_space<vmem>>, vector<1x10000x16xf32>
    %get3A_3 = vector.shape_cast %get3A_2 : vector<1x10000x16xf32> to vector<10000x16xf32>
    %get3A_4 = arith.constant 1 : index
    %get3A_5 = arith.constant 0 : index
    %get3A_6 = arith.constant 0 : index
    %get3A_7 = vector.load %arg1[%get3A_4, %get3A_5, %get3A_6] : memref<2x10000x16xf32, #tpu.memory_space<vmem>>, vector<1x10000x16xf32>
    %get3A_8 = vector.shape_cast %get3A_7 : vector<1x10000x16xf32> to vector<10000x16xf32>
    %add3A = arith.addf %get3A_3, %get3A_8 : vector<10000x16xf32>
    %slice3A = vector.extract_strided_slice %add3A {offsets = [0, 0], sizes = [10000, 7], strides = [1, 1]} : vector<10000x16xf32> to vector<10000x7xf32>
    %slice3A_9 = vector.extract_strided_slice %add3A {offsets = [0, 7], sizes = [10000, 1], strides = [1, 1]} : vector<10000x16xf32> to vector<10000x1xf32>
    %add3A_10 = arith.constant 1.000000e-16 : f32
    %add3A_11 = vector.broadcast %add3A_10 : f32 to vector<10000x1xf32>
    %add3A_12 = arith.addf %slice3A_9, %add3A_11 : vector<10000x1xf32>
    %div3A = vector.broadcast %add3A_12 : vector<10000x1xf32> to vector<10000x7xf32>
    %div3A_13 = arith.divf %slice3A, %div3A : vector<10000x7xf32>
    %get3A_14 = arith.constant 0 : index
    %get3A_15 = arith.constant 0 : index
    %get3A_16 = vector.load %arg2[%get3A_14, %get3A_15] : memref<1x7xf32, #tpu.memory_space<vmem>>, vector<1x7xf32>
    %add3A_17 = vector.broadcast %get3A_16 : vector<1x7xf32> to vector<10000x7xf32>
    %add3A_18 = arith.addf %div3A_13, %add3A_17 : vector<10000x7xf32>
    %reduce_max3A = arith.constant dense<0xFF800000> : vector<10000xf32>
    %reduce_max3A_19 = vector.multi_reduction <maximumf>, %add3A_18, %reduce_max3A [1] : vector<10000x7xf32> to vector<10000xf32>
    %broadcast_in_dim3A = vector.shape_cast %reduce_max3A_19 : vector<10000xf32> to vector<10000x1xf32>
    %sub3A = vector.broadcast %broadcast_in_dim3A : vector<10000x1xf32> to vector<10000x7xf32>
    %sub3A_20 = arith.subf %add3A_18, %sub3A : vector<10000x7xf32>
    %exp3A = math.exp %sub3A_20 : vector<10000x7xf32>
    %reduce_sum3A = arith.constant dense<0.000000e+00> : vector<10000xf32>
    %reduce_sum3A_21 = vector.multi_reduction <add>, %exp3A, %reduce_sum3A [1] : vector<10000x7xf32> to vector<10000xf32>
    %broadcast_in_dim3A_22 = vector.shape_cast %reduce_sum3A_21 : vector<10000xf32> to vector<10000x1xf32>
    %log3A = math.log %broadcast_in_dim3A_22 : vector<10000x1xf32>
    %sub3A_23 = vector.broadcast %log3A : vector<10000x1xf32> to vector<10000x7xf32>
    %sub3A_24 = arith.subf %sub3A_20, %sub3A_23 : vector<10000x7xf32>
    %swap3A = arith.constant 0 : index
    %swap3A_25 = arith.constant 0 : index
    %swap3A_26 = vector.load %arg3[%swap3A, %swap3A_25] : memref<10000x7xf32, #tpu.memory_space<vmem>>, vector<10000x7xf32>
    tpu.vector_store %arg3[%swap3A, %swap3A_25], %sub3A_24 {strides = array<i32>} : memref<10000x7xf32, #tpu.memory_space<vmem>>, vector<10000x7xf32>,
    return
  }
  func.func @transform_0(%arg0: i32) -> (i32, i32, i32) {
    %c0_i32 = arith.constant 0 : i32
    %c0_i32_0 = arith.constant 0 : i32
    %c0_i32_1 = arith.constant 0 : i32
    %c0_i32_2 = arith.constant 0 : i32
    return %c0_i32, %c0_i32_0, %c0_i32_1 : i32, i32, i32
  }
  func.func @transform_1(%arg0: i32) -> (i32, i32) {
    %c0_i32 = arith.constant 0 : i32
    %c0_i32_0 = arith.constant 0 : i32
    %c0_i32_1 = arith.constant 0 : i32
    return %c0_i32, %c0_i32_0 : i32, i32
  }
  func.func @transform_2(%arg0: i32) -> (i32, i32) {
    %c0_i32 = arith.constant 0 : i32
    %c0_i32_0 = arith.constant 0 : i32
    %c0_i32_1 = arith.constant 0 : i32
    return %c0_i32, %c0_i32_0 : i32, i32
  }
}

</mosaic_0001>

<sc_bundles>
// kernel: kernel.10.cloned.1.call-start
scs
__scs_entry_jumppad:
0x0: {  	(pc) =	sbr.rel $0x88, $3  }
0x1: {  	(tag) =	ssettag $0x0;
	lr =	simm.s32 $0x1  }
0x2: {  	[smem:$0x3F97] =	sst lr;
	_ =	strace $0xD0000000  }
0x3: {  	_ = 	snop  }
0x4: {  	_ = 	snop  }
0x5: {  	_ = 	snop  }
0x6: {  	_ = 	snop  }
0x7: {  	_ = 	snop  }
__scs_overlays_trampoline_lowered:
0x8: {  	[smem:$0x3FA6] =	sst s0  }
0x9: {  	[smem:$0x3FA7] =	sst s1  }
0xa: {  	[smem:$0x3FA8] =	sst s2  }
0xb: {  	[smem:$0x3FA9] =	sst s3  }
0xc: {  	[smem:$0x3FAA] =	sst s4  }
0xd: {  	[smem:$0x3FAB] =	sst s5  }
0xe: {  	[smem:$0x3FAC] =	sst s6  }
0xf: {  	[smem:$0x3FAD] =	sst s7  }
0x10: {  	[smem:$0x3FAE] =	sst s8  }
0x11: {  	[smem:$0x3FAF] =	sst s9;
	s0 =	simm.s32 @!p0 $0x0  }
0x12: {  	s1 =	sld [smem:$0x3F95];
	s0 =	simm.s32 @p0 $0x1  }
0x13: {  	[smem:$0x3FB0] =	sst s0;
	s0 =	simm.s32 @!p1 $0x0  }
0x14: {  	s2 =	sld [smem:$0x3F94];
	s0 =	simm.s32 @p1 $0x1  }
0x15: {  	[smem:$0x3FB1] =	sst s0;
	s0 =	simm.s32 @!p2 $0x0  }
0x16: {  	s3 =	sld [smem:$0x3FDB];
	s0 =	simm.s32 @p2 $0x1  }
0x17: {  	s4 =	simm.s32 $0x1BF5;
	[smem:$0x3FB3] =	sst s0  }
0x18: {  	s0 =	sld [smem:$0x3F96];
	_ =	swait.ge [sflag:s4], $0x0  }
0x19: {  	s7 =	sld [smem:$0x3F97]  }
0x1a: {  	s8 =	sadd.s32 $0xFFFFE003, lr  }
0x1b: {  	s9 =	sadd.s32 $0xFFFFFEF7, lr;
	s5 =	simm.s32 $0xFFFFFFFF;
	p2 =	slt.u32 s8, $0xFFFFF086  }
0x1c: {  	p1 =	slt.u32 s9, $0xF7A;
	s5 =	simm.s32 @!p2 $0x0  }
0x1d: {  	s5 =	simm.s32 @p1 $0x1;
	p0 =	seq.s32 s7, s2  }
0x1e: {  	s7 =	smul.u32 @!p0 $0xF7A, s2;
	p2 =	seq.s32 @!p0 s5, $0x0  }
0x1f: {  	s9 =	smul.u32 $0xF7A, s1;
	s8 =	simm.s32 @!p0 $0x1BF5;
	p2 =	por !p2, p0  }
0x20: {  	[sflag:s8] =	ssyncset.s32 @!p0 $0xFFFFF086;
	s6 =	sadd.s32 @!p0 s3, s7;
	s7 =	simm.s32 @!p0 $0x108  }
0x21: {  	s3 =	sadd.s32 s3, s9;
	s6 =	sadd.s32 @!p0 $0x88, s6;
	s7 =	simm.s32 @p2 $0x1082  }
0x22: {  	[simem:s7], [sflag:s8] =	dma.local @!p0 [hbm:s6], $0xF7A  }
0x23: {  	s9 =	sor.u32 $0xD0000000, s2;
	s6 =	simm.s32 $0x108;
	_ =	swait.ge @!p0 [sflag:s8], $0x0  }
0x24: {  	s3 =	sadd.s32 $0x88, s3;
	s6 =	simm.s32 @!p1 $0x1082;
	[sflag:s4] =	ssyncset.s32 $0xFFFFF086  }
0x25: {  	[simem:s6], [sflag:s4] =	dma.local [hbm:s3], $0xF7A  }
0x26: {  	[smem:$0x3F97] =	sst s1;
	(tag) =	ssettag s2;
	_ =	strace s9  }
0x27: {  	s1 =	sld [smem:$0x3FA7]  }
0x28: {  	s2 =	sld [smem:$0x3FA8]  }
0x29: {  	s4 =	sld [smem:$0x3FAA]  }
0x2a: {  	p0 =	seq.s32 s5, $0x0;
	s5 =	sld [smem:$0x3FAB]  }
0x2b: {  	s6 =	sld [smem:$0x3FAC]  }
0x2c: {  	s7 =	sld [smem:$0x3FAD]  }
0x2d: {  	s3 =	simm.s32 $0x108;
	s8 =	sld [smem:$0x3FAE]  }
0x2e: {  	s3 =	simm.s32 @!p0 $0x1082;
	s9 =	sld [smem:$0x3FAF]  }
0x2f: {  	lr =	sadd.s32 s0, s3;
	s0 =	sld [smem:$0x3FA6]  }
0x30: {  	s3 =	sld [smem:$0x3FA9]  }
0x31: {  	[smem:$0x3FB2] =	sst s10  }
0x32: {  	s10 =	sld [smem:$0x3FB0];
	_ =	sdelay $0x3  }
0x33: {  	p0 =	seq.s32 s10, $0x1;
	s10 =	sld [smem:$0x3FB2];
	_ =	sdelay $0x3  }
0x34: {  	[smem:$0x3FB2] =	sst s10  }
0x35: {  	s10 =	sld [smem:$0x3FB1];
	_ =	sdelay $0x3  }
0x36: {  	p1 =	seq.s32 s10, $0x1;
	s10 =	sld [smem:$0x3FB2];
	_ =	sdelay $0x3  }
0x37: {  	[smem:$0x3FB2] =	sst s10  }
0x38: {  	s10 =	sld [smem:$0x3FB3]  }
0x39: {  	_ = 	snop;
	(pc) =	sbr.ind lr, $3  }
0x3a: {  	_ = 	snop  }
0x3b: {  	_ = 	snop  }
0x3c: {  	p2 =	seq.s32 s10, $0x1;
	s10 =	sld [smem:$0x3FB2]  }
0x3d: {  	_ =	shalt  }
0x3e: {  	_ =	shalt  }
0x3f: {  	_ =	shalt  }
0x40: {  	_ =	shalt  }
0x41: {  	_ =	shalt  }
0x42: {  	_ =	shalt  }
0x43: {  	_ =	shalt  }
0x44: {  	_ =	shalt  }
0x45: {  	_ =	shalt  }
0x46: {  	_ =	shalt  }
0x47: {  	_ =	shalt  }
0x48: {  	_ =	shalt  }
0x49: {  	_ =	shalt  }
0x4a: {  	_ =	shalt  }
0x4b: {  	_ =	shalt  }
0x4c: {  	_ =	shalt  }
0x4d: {  	_ =	shalt  }
0x4e: {  	_ =	shalt  }
0x4f: {  	_ =	shalt  }
0x50: {  	_ =	shalt  }
0x51: {  	_ =	shalt  }
0x52: {  	_ =	shalt  }
0x53: {  	_ =	shalt  }
0x54: {  	_ =	shalt  }
0x55: {  	_ =	shalt  }
0x56: {  	_ =	shalt  }
0x57: {  	_ =	shalt  }
0x58: {  	_ =	shalt  }
0x59: {  	_ =	shalt  }
0x5a: {  	_ =	shalt  }
0x5b: {  	_ =	shalt  }
0x5c: {  	_ =	shalt  }
0x5d: {  	_ =	shalt  }
0x5e: {  	_ =	shalt  }
0x5f: {  	_ =	shalt  }
0x60: {  	_ =	shalt  }
0x61: {  	_ =	shalt  }
0x62: {  	_ =	shalt  }
0x63: {  	_ =	shalt  }
0x64: {  	_ =	shalt  }
0x65: {  	_ =	shalt  }
0x66: {  	_ =	shalt  }
0x67: {  	_ =	shalt  }
0x68: {  	_ =	shalt  }
0x69: {  	_ =	shalt  }
0x6a: {  	_ =	shalt  }
0x6b: {  	_ =	shalt  }
0x6c: {  	_ =	shalt  }
0x6d: {  	_ =	shalt  }
0x6e: {  	_ =	shalt  }
0x6f: {  	_ =	shalt  }
0x70: {  	_ =	shalt  }
0x71: {  	_ =	shalt  }
0x72: {  	_ =	shalt  }
0x73: {  	_ =	shalt  }
0x74: {  	_ =	shalt  }
0x75: {  	_ =	shalt  }
0x76: {  	_ =	shalt  }
0x77: {  	_ =	shalt  }
0x78: {  	_ =	shalt  }
0x79: {  	_ =	shalt  }
0x7a: {  	_ =	shalt  }
0x7b: {  	_ =	shalt  }
0x7c: {  	_ =	shalt  }
0x7d: {  	_ =	shalt  }
0x7e: {  	_ =	shalt  }
0x7f: {  	_ =	shalt  }
0x80: {  	_ =	shalt  }
0x81: {  	_ =	shalt  }
0x82: {  	_ =	shalt  }
0x83: {  	_ =	shalt  }
0x84: {  	_ =	shalt  }
0x85: {  	_ =	shalt  }
0x86: {  	_ =	shalt  }
0x87: {  	_ =	shalt  }
.Lfunc_end0:
.L_simem_size_0:
called_computation.1_lowered:
.L_overlay_start_0:
0x88: {  	s2 =	sld [smem:$0x3FD9]  }
0x89: {  	s3 =	sld [smem:$0x3FFE];
	_ =	sdelay $0x1  }
0x8a: {  	s1 =	srdreg.scid  }
0x8b: {  	s0 =	sand.u32 $0x1, s1  }
0x8c: {  	s16 =	sshll.u32 s0, $0xA;
	s2 =	sadd.s32 s3, s2  }
0x8d: {  	s2 =	sadd.s32 s2, s16  }
0x8e: {  	[smem:$0x3FBE] =	sst s2  }
0x8f: {  	_ = 	snop  }
0x90: {  	(tm) =	ssettm $0x1  }
0x91: {  	s17 =	sld [smem:$0x3FFB];
	_ =	sdelay $0x3  }
0x92: {  	_ =	strace s17  }
0x93: {  	s2 =	sld [smem:$0x3FFC];
	_ =	sdelay $0x3  }
0x94: {  	_ =	strace s2  }
0x95: {  	s2 =	sld [smem:$0x3FFD];
	_ =	sdelay $0x3  }
0x96: {  	_ =	strace s2  }
0x97: {  	_ =	strace $0x8FFFFFFF  }
0x98: {  	s18 =	sld [smem:$0x3FDB];
	_ =	sdelay $0x1  }
0x99: {  	s19 =	simm.s32 $_scs_section_size  }
0x9a: {  	s4 =	simm.s32 $_size__tile_overlayer_lowered;
	s5 =	simm.s32 $_tile_overlayer_lowered  }
0x9b: {  	s22 =	simm.s32 $0x1BFF;
	s21 =	sshll.u32 s5, $0x1;
	s2 =	sadd.s32 s19, s18  }
0x9c: {  	s6 =	simm.s32 $0x0;
	s20 =	sshll.u32 s4, $0x1;
	s4 =	sadd.s32 s21, s2  }
0x9d: {  	[timem:s6], [sflag:s22] =	dma.local [hbm:s4], s20  }
0x9e: {  	_ =	swait.ge [sflag:s22], s20  }
0x9f: {  	s3 =	ssub.s32 $0x0, s20;
	[sflag:s22] =	ssyncset.done $0x0  }
0xa0: {  	[sflag:s22] =	ssyncadd.s32 s3;
	_ =	sdelay $0x1  }
0xa1: {  	s23 =	simm.s32 $0x1B8B  }
0xa2: {  	_ =	swait.ge [sflag:s23], $0x1  }
0xa3: {  	[sflag:s23] =	ssyncset.done $0x0  }
0xa4: {  	s25 =	simm.s32 $0x1B8E;
	s24 =	sld [smem:$0x3FFE];
	[sflag:s23] =	ssyncadd.s32 $0xFFFFFFFF  }
0xa5: {  	s26 =	simm.s32 $execute0_lowered;
	[smem:$0x3FD2] =	sst s25  }
0xa6: {  	s4 =	sshll.u32 s26, $0x1;
	_ =	strace $0x80000049;
	[dreg:$0x1] =	wrdreg $0xFFFFFFFF  }
0xa7: {  	s28 =	simm.s32 $_size_execute0_lowered;
	s2 =	sadd.s32 s2, s4;
	[dreg:$0x0] =	wrdreg $0x0  }
0xa8: {  	s4 =	sshll.u32 s28, $0x1;
	[dreg:$0x2] =	wrdreg s2  }
0xa9: {  	[dreg:$0x3] =	wrdreg s4  }
0xaa: {  	[dreg:$0x4] =	wrdreg $0xC0  }
0xab: {  	_ =	task [dreg:s6], $0x5FFFF  }
0xac: {  	[dreg:$0x1] =	wrdreg $0xFFFFFFFF  }
0xad: {  	[dreg:$0x0] =	wrdreg $0x60  }
0xae: {  	[dreg:$0x2] =	wrdreg s24  }
0xaf: {  	[dreg:$0x3] =	wrdreg $0x3CE00  }
0xb0: {  	[dreg:$0x4] =	wrdreg $0x9  }
0xb1: {  	_ =	task.clear_ibuf [dreg:s6], $0x5FFFF;
	_ =	strace $0x90000049  }
0xb2: {  	s29 =	simm.s32 $0x9;
	_ =	strace $0x8000004B  }
0xb3: {  	_ =	swait.ge [sflag:s29], $0x1  }
0xb4: {  	[sflag:s29] =	ssyncadd.s32 $0xFFFFFFFF  }
0xb5: {  	_ =	strace $0x9000004B  }
0xb6: {  	_ =	sfence  }
0xb7: {  	s30 =	sld [smem:$0x0];
	_ =	sdelay $0x2  }
0xb8: {  	s31 =	sshll.u32 s1, $0xD;
	s1 =	sshrl.u32 s1, $0x2  }
0xb9: {  	s3 =	sand.u32 $0x4000, s31;
	s1 =	sadd.s32 s1, s30  }
0xba: {  	s0 =	sor.u32 s3, s0;
	s1 =	sshll.u32 s1, $0x11  }
0xbb: {  	s0 =	sor.u32 s1, s0  }
0xbc: {  	s0 =	sadd.s32 $0x8F2B, s0  }
0xbd: {  	[sflag:s0] =	ssyncadd.remote.s32 $0x1  }
0xbe: {  	_ =	sfence.sel $0xFFFF  }
0xbf: {  	[dreg:$0x0] =	wrdreg $0xFFFFFFFF;
	(pc) =	sbr.abs _section_cstart, $3  }
0xc0: {  	[dreg:$0x1] =	wrdreg $0xFFFFFFFF  }
0xc1: {  	_ =	task.clear_ibuf [dreg:s6], $0x2FFFF;
	_ =	strace $0x9FFFFFFF  }
0xc2: {  	(tm) =	ssettm $0x7FFFFFFF  }
0xc3: {  	_ =	shalt  }
tec
execute0_lowered:
.L_overlay_start_1:
0x0: {  	(tag) =	ssettag $0x1  }
0x1: {  	s0 =	rddreg [dreg:$0x0]  }
0x2: {  	s2 =	rddreg [dreg:$0x1];
	s1 =	srdreg.scid  }
0x3: {  	s11 =	stileid.u32;
	s3 =	simm.s32 $0x0;
	s19 =	simm.s32 $0x9  }
0x4: {  	s30 =	simm.s32 $0x1B00;
	s31 =	simm.s32 $0x3;
	s12 =	simm.s32 $0x280  }
0x5: {  	s13 =	simm.s32 $0x2B00;
	s14 =	simm.s32 $0x7;
	s7 =	smul.u32 $0x2780, s11  }
0x6: {  	s17 =	simm.s32 $0x8;
	s1 =	sand.u32 $0x1, s1;
	s8 =	smul.u32 $0x9E00, s11  }
0x7: {  	[smem:$0x7FF] =	sst s3;
	s4 =	sadd.s32 $0x1C00, s0;
	s11 =	smul.u32 $0x54, s11  }
0x8: {  	s5 =	sadd.s32 $0x11600, s0;
	s6 =	smul.u32 $0x27800, s1;
	s10 =	ssub.s32 $0x2, s1  }
0x9: {  	_ =	strace $0x8000004A;
	s20 =	sshrl.u32 s10, $0x1;
	s8 =	sshrl.u32 s8, $0x2  }
0xa: {  	s1 =	sor.u32 s1, s11;
	s18 =	sadd.s32 s7, s2;
	s11 =	simm.s32 $0x6  }
0xb: {  	s6 =	sadd.s32 s7, s6;
	s21 =	sadd.s32 s8, s2;
	s22 =	sshll.u32 s1, $0x5  }
0xc: {  	s15 =	sadd.s32 $0x4, s1;
	s16 =	sadd.s32 $0x6, s1;
	s1 =	simm.s32 $0x200  }
0xd: {  	[dreg:$0x3] =	wrdreg s18;
	s9 =	sshrl.u32 s6, $0x3;
	s6 =	sadd.s32 $0xC600, s0  }
0xe: {  	s23 =	sadd.s32 $0x9E0, s21;
	s24 =	sadd.s32 $0x13C0, s21;
	s8 =	sadd.s32 s4, s22  }
0xf: {  	s7 =	sadd.s32 $0x1DA0, s21;
	s21 =	simm.s32 $0x100;
	[dreg:$0x4] =	wrdreg s23  }
0x10: {  	s22 =	simm.s32 $0x1;
	s0 =	sadd.s32 s9, s0;
	[dreg:$0x5] =	wrdreg s24  }
0x11: {  	s9 =	ssub.s32 s10, s20;
	[dreg:$0x7] =	wrdreg s7;
	s25 =	sadd.s32 $0x40, s8  }
0x12: {  	s26 =	sadd.s32 $0x80, s8;
	[dreg:$0x6] =	wrdreg s8;
	s28 =	sadd.s32 $0xC0, s8  }
0x13: {  	s23 =	simm.s32 $0x80;
	s24 =	simm.s32 $0x300;
	[dreg:$0x8] =	wrdreg s25  }
0x14: {  	s8 =	simm.s32 $0x2300;
	s10 =	simm.s32 $0x0;
	[dreg:$0x9] =	wrdreg s26  }
0x15: {  	[dreg:$0xa] =	wrdreg s28;
	s0 =	sadd.s32 $0x16600, s0;
	s29 =	smax.u32 s9, $0x1  }
0x16: {  	s25 =	simm.s32 $0x1300;
	s26 =	simm.s32 $0x2;
	[dreg:$0xb] =	wrdreg s0  }
0x17: {  	v0 =	vimm.f32 $0.0e+00;
	v1 =	vimm.s32 $0x8;
	s9 =	simm.s32 $0x4;
	[dreg:$0xc] =	wrdreg s29;
	s0 =	simm.s32 $0x5  }
.LBB2_1:
0x18: {  	[dreg:$0xd] =	wrdreg s10;
	s7 =	simm.s32 $0x40;
	s10 =	simm.s32 $0x0  }
.LBB2_2:
0x19: {  	p0 =	sne.s32 s7, $0x2740;
	[tilespmem:s10+$0x3300] =	vst v0;
	s10 =	smov.u32 s7;
	s7 =	sadd.s32 $0x40, s7  }
.Ltmp0:
0x1a: {  	(pc) =	sbr.rel @p0 .LBB2_2-.Ltmp0, $2  }
0x1b: {  	_ =	sdelay $0x2  }
0x1c: {  	s10 =	sshra.s32 s10, $0x2  }
0x1d: {  	[tilespmem:s10+$0x3300] =	vst v0;
	s28 =	simm.s32 $0x3300  }
0x1e: {  	[spmem:s18] =	stream.linear.scatter [tilespmem:s28], [sflag:$0x9], $0x9E0, $0x38;
	[tilespmem:$0x6460] =	vst v63  }
0x1f: {  	_ =	swait.ge [sflag:s19], $0x9E0  }
0x20: {  	[sflag:s19] =	ssyncset.done $0x0  }
0x21: {  	s7 =	rddreg [dreg:$0x4];
	[sflag:s19] =	ssyncadd.s32 $0xFFFFF620  }
0x22: {  	[spmem:s7] =	stream.linear.scatter [tilespmem:s28], [sflag:$0x9], $0x9E0, $0x38;
	[tilespmem:$0x6460] =	vst v63  }
0x23: {  	_ =	swait.ge [sflag:s19], $0x9E0  }
0x24: {  	[sflag:s19] =	ssyncset.done $0x0  }
0x25: {  	s29 =	rddreg [dreg:$0x5];
	[sflag:s19] =	ssyncadd.s32 $0xFFFFF620  }
0x26: {  	[spmem:s29] =	stream.linear.scatter [tilespmem:s28], [sflag:$0x9], $0x9E0, $0x38;
	[tilespmem:$0x6460] =	vst v63  }
0x27: {  	_ =	swait.ge [sflag:s19], $0x9E0  }
0x28: {  	[sflag:s19] =	ssyncset.done $0x0  }
0x29: {  	s18 =	rddreg [dreg:$0x7];
	[sflag:s19] =	ssyncadd.s32 $0xFFFFF620  }
0x2a: {  	[spmem:s18] =	stream.linear.scatter [tilespmem:s28], [sflag:$0x9], $0x9E0, $0x38;
	[tilespmem:$0x6460] =	vst v63  }
0x2b: {  	_ =	swait.ge [sflag:s19], $0x9E0  }
0x2c: {  	[sflag:s19] =	ssyncset.done $0x0  }
0x2d: {  	[sflag:s19] =	ssyncadd.s32 $0xFFFFF620  }
0x2e: {  	[bflag:$0x0] =	sbarrier.arrive $0xFFFF  }
0x2f: {  	s19 =	rddreg [dreg:$0x6]  }
0x30: {  	[tilespmem:s3], [sflag:$0x1] =	stream.linear.gather [hbm4b:s19+s3], $0x100, $0x38;
	[tilespmem:$0x6460] =	vst v63  }
0x31: {  	s20 =	rddreg [dreg:$0x8]  }
0x32: {  	[tilespmem:s21], [sflag:$0x2] =	stream.linear.gather [hbm4b:s20+s3], $0x100, $0x38;
	[tilespmem:$0x6460] =	vst v63  }
0x33: {  	_ =	swait.ge [sflag:s22], $0x100  }
0x34: {  	[sflag:s22] =	ssyncset.done $0x0  }
0x35: {  	[sflag:s22] =	ssyncadd.s32 $0xFFFFFF00  }
0x36: {  	[tilespmem:s24], [sflag:$0x3] =	stream.indirect.gather [hbm4b:s5+s23], $0x10, s3, s23, $0xb8;
	[tilespmem:$0x6460] =	vst v63  }
0x37: {  	_ = 	snop  }
0x38: {  	[tilespmem:s25], [sflag:$0x5] =	stream.indirect.gather [hbm4b:s6+s23], $0x10, s23, s23, $0xb8;
	[tilespmem:$0x6460] =	vst v63  }
0x39: {  	_ =	swait.ge [sflag:s26], $0x100  }
0x3a: {  	[sflag:s26] =	ssyncset.done $0x0  }
0x3b: {  	s28 =	simm.s32 $0xB00;
	[sflag:s26] =	ssyncadd.s32 $0xFFFFFF00  }
0x3c: {  	[tilespmem:s28], [sflag:$0x4] =	stream.indirect.gather [hbm4b:s5+s23], $0x10, s21, s23, $0xb8;
	[tilespmem:$0x6460] =	vst v63  }
0x3d: {  	s29 =	simm.s32 $0x180  }
0x3e: {  	[tilespmem:s30], [sflag:$0x6] =	stream.indirect.gather [hbm4b:s6+s23], $0x10, s29, s23, $0xb8;
	[tilespmem:$0x6460] =	vst v63  }
0x3f: {  	_ =	swait.ge [sflag:s31], $0x800  }
0x40: {  	[sflag:s31] =	ssyncset.done $0x0  }
0x41: {  	[sflag:s31] =	ssyncadd.s32 $0xFFFFF800  }
0x42: {  	_ =	swait.ge [sflag:s0], $0x800  }
0x43: {  	[sflag:s0] =	ssyncset.done $0x0  }
0x44: {  	[sflag:s0] =	ssyncadd.s32 $0xFFFFF800  }
0x45: {  	v2 =	vld [tilespmem:$0x80]  }
0x46: {  	v3 =	vld [tilespmem:$0x90]  }
0x47: {  	v4 =	vld [tilespmem:$0xA0]  }
0x48: {  	v5 =	vld [tilespmem:$0xB0]  }
0x49: {  	v6 =	vld [tilespmem:$0xC0]  }
0x4a: {  	[tilespmem:$0x200] =	vst v2;
	v2 =	vld [tilespmem:$0xD0]  }
0x4b: {  	[tilespmem:$0x210] =	vst v3;
	v3 =	vld [tilespmem:$0xE0]  }
0x4c: {  	[tilespmem:$0x220] =	vst v4;
	v4 =	vld [tilespmem:$0xF0]  }
0x4d: {  	[tilespmem:$0x230] =	vst v5  }
0x4e: {  	[tilespmem:$0x240] =	vst v6  }
0x4f: {  	[tilespmem:$0x250] =	vst v2  }
0x50: {  	[tilespmem:$0x260] =	vst v3  }
0x51: {  	s18 =	simm.s32 $0x320;
	s10 =	rddreg [dreg:$0x9];
	[tilespmem:$0x270] =	vst v4  }
0x52: {  	[tilespmem:s3], [sflag:$0x1] =	stream.linear.gather [hbm4b:s10+s3], $0x100, $0x38;
	[tilespmem:$0x6460] =	vst v63  }
0x53: {  	s19 =	simm.s32 $0x1320;
	v6 =	vld [tilespmem:s18+$0x10]  }
0x54: {  	v2 =	vld [tilespmem:s19+$0x10];
	_ =	sdelay $0x1  }
0x55: {  	v4 =	vld [tilespmem:s19+$0xFFFFFFE0]  }
0x56: {  	v10 =	vld [tilespmem:s18+$0xFFFFFFF0]  }
0x57: {  	v3 =	vld [tilespmem:s19+$0xFFFFFFF0]  }
0x58: {  	v14 =	vld [tilespmem:s18+$0xFFFFFFE0];
	v5 =	vadd.f32 v2, v6  }
0x59: {  	v8 =	vld [tilespmem:s19+$0x0]  }
0x5a: {  	v2 =	vld [tilespmem:s18+$0x0];
	v7 =	vmul.f32 $2.000000030e-01, v5  }
0x5b: {  	s28 =	simm.s32 $0x1360;
	vm0 =	vgt.f32 v5, $0.0e+00  }
0x5c: {  	s20 =	simm.s32 $0x360;
	v11 =	vld [tilespmem:s28+$0x10];
	v5 =	vsel vm0, v5, v7;
	v7 =	vadd.f32 v3, v10  }
0x5d: {  	v3 =	vld [tilespmem:s20+$0x10];
	v5 =	vmul.f32 $1.442695020e+00, v5  }
0x5e: {  	v9 =	vadd.f32 v4, v14;
	v12 =	vmul.f32 $2.000000030e-01, v7  }
0x5f: {  	v13 =	vld [tilespmem:s28+$0xFFFFFFE0];
	v8 =	vadd.f32 v8, v2;
	vm10 =	vgt.f32 v7, $0.0e+00;
	(erf) = vpow2.f32 v5  }
0x60: {  	v16 =	vld [tilespmem:s28+$0x0];
	v5 =	vmul.f32 $2.000000030e-01, v9;
	v7 =	vsel vm10, v7, v12  }
0x61: {  	v4 =	vld [tilespmem:s20+$0xFFFFFFF0];
	vm1 =	vgt.f32 v9, $0.0e+00;
	v15 =	vmul.f32 $2.000000030e-01, v8;
	v7 =	vmul.f32 $1.442695020e+00, v7  }
0x62: {  	vm11 =	vgt.f32 v8, $0.0e+00;
	v12 =	vld [tilespmem:s28+$0xFFFFFFF0];
	v9 =	vsel vm1, v9, v5;
	v11 =	vadd.f32 v11, v3  }
0x63: {  	v8 =	vsel vm11, v8, v15;
	v9 =	vmul.f32 $1.442695020e+00, v9;
	(erf) = vpow2.f32 v7;
	v7 =	vld [tilespmem:s20+$0xFFFFFFE0]  }
0x64: {  	v5 =	vld [tilespmem:s20+$0x0];
	v8 =	vmul.f32 $1.442695020e+00, v8  }
0x65: {  	(erf) = vpow2.f32 v9;
	v9 =	vmul.f32 $2.000000030e-01, v11  }
0x66: {  	vm12 =	vgt.f32 v11, $0.0e+00  }
0x67: {  	v9 =	vsel vm12, v11, v9;
	v11 =	vadd.f32 v12, v4  }
0x68: {  	(erf) = vpow2.f32 v8;
	v9 =	vmul.f32 $1.442695020e+00, v9;
	v8 =	vpop (erf);
	v13 =	vadd.f32 v13, v7  }
0x69: {  	s7 =	simm.s32 $0x13A0;
	v12 =	vadd.f32 v16, v5;
	v16 =	vmul.f32 $2.000000030e-01, v11;
	v15 =	vperm.xlane v8, v1  }
0x6a: {  	s29 =	simm.s32 $0x3A0;
	v17 =	vld [tilespmem:s7+$0x10];
	vm13 =	vgt.f32 v11, $0.0e+00;
	(erf) = vpow2.f32 v9;
	v9 =	vmul.f32 $2.000000030e-01, v13  }
0x6b: {  	v18 =	vmul.f32 $2.000000030e-01, v12;
	v8 =	vld [tilespmem:s29+$0x10];
	vm2 =	vgt.f32 v13, $0.0e+00;
	v11 =	vsel vm13, v11, v16  }
0x6c: {  	v20 =	vld [tilespmem:s7+$0x0];
	vm14 =	vgt.f32 v12, $0.0e+00;
	v11 =	vmul.f32 $1.442695020e+00, v11;
	v13 =	vsel vm2, v13, v9  }
0x6d: {  	v16 =	vld [tilespmem:s7+$0xFFFFFFF0];
	v12 =	vsel vm14, v12, v18;
	v19 =	vmul.f32 v15, v6;
	v13 =	vmul.f32 $1.442695020e+00, v13  }
0x6e: {  	v6 =	vld [tilespmem:s29+$0xFFFFFFF0];
	v12 =	vmul.f32 $1.442695020e+00, v12;
	v15 =	vpop (erf);
	(erf) = vpow2.f32 v11  }
0x6f: {  	v9 =	vld [tilespmem:s29+$0x0];
	v15 =	vperm.xlane v15, v1;
	(erf) = vpow2.f32 v13  }
0x70: {  	v18 =	vpop (erf);
	v17 =	vadd.f32 v17, v8;
	(erf) = vpow2.f32 v12;
	v12 =	vld [tilespmem:s7+$0xFFFFFFE0]  }
0x71: {  	v15 =	vmul.f32 v15, v10;
	v10 =	vld [tilespmem:s29+$0xFFFFFFE0]  }
0x72: {  	v18 =	vperm.xlane v18, v1;
	v21 =	vmul.f32 $2.000000030e-01, v17  }
0x73: {  	v11 =	vpop (erf);
	v13 =	vadd.f32 v16, v6;
	vm15 =	vgt.f32 v17, $0.0e+00  }
0x74: {  	s10 =	simm.s32 $0x2320;
	v11 =	vperm.xlane v11, v1;
	v16 =	vmul.f32 v18, v14;
	v17 =	vsel vm15, v17, v21;
	v63 =	vpop (erf)  }
0x75: {  	s19 =	simm.s32 $0x8;
	s18 =	simm.s32 $0x2320;
	s20 =	simm.s32 $0x3E0;
	[tilespmem:s10+$0x10] =	vst v19;
	v14 =	vadd.f32 v20, v9;
	v18 =	vmul.f32 $1.442695020e+00, v17;
	v17 =	vperm.xlane v63, v1  }
.LBB2_4:
0x76: {  	v19 =	vld [tilespmem:s20+$0x10];
	v20 =	vadd.f32 v12, v10;
	vm0 =	vgt.f32 v13, $0.0e+00;
	v21 =	vmul.f32 $2.000000030e-01, v13;
	s7 =	sadd.s32 $0x40, s7;
	[tilespmem:s10+$0xFFFFFFE0] =	vst v16;
	v16 =	vmovc v9;
	v22 =	vmovc v7  }
0x77: {  	s19 =	sadd.s32 $0x4, s19;
	v7 =	vmovc v10;
	v23 =	vld [tilespmem:s7+$0x10];
	vm1 =	vgt.f32 v14, $0.0e+00;
	(erf) = vpow2.f32 v18;
	v9 =	vmul.f32 v17, v3;
	[tilespmem:s10+$0xFFFFFFF0] =	vst v15;
	v3 =	vmovc v8  }
0x78: {  	p0 =	slt.u32 s19, $0x7C;
	v18 =	vmul.f32 $2.000000030e-01, v14;
	s10 =	sadd.s32 $0x40, s10;
	v12 =	vld [tilespmem:s7+$0xFFFFFFE0];
	vm2 =	vgt.f32 v20, $0.0e+00;
	v26 =	vmul.f32 $2.000000030e-01, v20  }
0x79: {  	v11 =	vmul.f32 v11, v2;
	v2 =	vmov v5;
	v13 =	vsel vm0, v13, v21;
	v24 =	vld [tilespmem:s20+$0xFFFFFFF0];
	[tilespmem:s10+$0x10] =	vst v9;
	v15 =	vpop (erf)  }
0x7a: {  	v13 =	vmul.f32 $1.442695020e+00, v13;
	v21 =	vsel vm1, v14, v18;
	v17 =	vld [tilespmem:s7+$0xFFFFFFF0];
	v25 =	vsel vm2, v20, v26;
	v10 =	vpop (erf)  }
0x7b: {  	v18 =	vmul.f32 $1.442695020e+00, v21;
	v9 =	vld [tilespmem:s20+$0x0];
	v14 =	vmul.f32 $1.442695020e+00, v25;
	v20 =	vpop (erf);
	[tilespmem:s18+$0x0] =	vst v11;
	v8 =	vmov v19;
	s18 =	smov.u32 s10  }
0x7c: {  	v5 =	vmovc v16;
	v19 =	vld [tilespmem:s7+$0x0];
	v21 =	vadd.f32 v23, v8;
	(erf) = vpow2.f32 v13;
	v23 =	vperm.xlane v10, v1  }
.Ltmp1:
0x7d: {  	v10 =	vld [tilespmem:s20+$0xFFFFFFE0];
	(erf) = vpow2.f32 v14;
	v14 =	vperm.xlane v15, v1;
	(pc) =	sbr.rel @p0 .LBB2_4-.Ltmp1, $4  }
0x7e: {  	v15 =	vmul.f32 $2.000000030e-01, v21;
	(erf) = vpow2.f32 v18  }
0x7f: {  	v11 =	vperm.xlane v20, v1;
	vm0 =	vgt.f32 v21, $0.0e+00;
	v13 =	vadd.f32 v17, v24  }
0x80: {  	v16 =	vmul.f32 v23, v22;
	v17 =	vsel vm0, v21, v15;
	v20 =	vpop (erf);
	v15 =	vmul.f32 v14, v4  }
0x81: {  	s20 =	sadd.s32 $0x40, s20;
	v4 =	vmovc v6;
	v6 =	vmovc v24;
	v14 =	vadd.f32 v19, v9;
	v18 =	vmul.f32 $1.442695020e+00, v17;
	v17 =	vperm.xlane v20, v1  }
0x82: {  	v12 =	vadd.f32 v12, v10  }
0x83: {  	v19 =	vmul.f32 $2.000000030e-01, v13  }
0x84: {  	vm0 =	vgt.f32 v13, $0.0e+00;
	vm7 =	vgt.f32 v14, $0.0e+00;
	v20 =	vmul.f32 $2.000000030e-01, v12  }
0x85: {  	vm1 =	vgt.f32 v12, $0.0e+00;
	v13 =	vsel vm0, v13, v19;
	v19 =	vmul.f32 $2.000000030e-01, v14  }
0x86: {  	(erf) = vpow2.f32 v18;
	v13 =	vmul.f32 $1.442695020e+00, v13;
	v12 =	vsel vm1, v12, v20  }
0x87: {  	v14 =	vsel vm7, v14, v19;
	v12 =	vmul.f32 $1.442695020e+00, v12  }
0x88: {  	(erf) = vpow2.f32 v13;
	v13 =	vmul.f32 $1.442695020e+00, v14  }
0x89: {  	(erf) = vpow2.f32 v12  }
0x8a: {  	(erf) = vpow2.f32 v13;
	_ =	sdelay $0x1  }
0x8b: {  	v12 =	vpop (erf)  }
0x8c: {  	[tilespmem:s10+$0xFFFFFFE0] =	vst v16;
	v2 =	vmul.f32 v11, v2;
	v13 =	vpop (erf);
	v11 =	vperm.xlane v12, v1  }
0x8d: {  	[tilespmem:s10+$0xFFFFFFF0] =	vst v15;
	v3 =	vmul.f32 v17, v3;
	v14 =	vpop (erf);
	v13 =	vperm.xlane v13, v1  }
0x8e: {  	s7 =	sadd.s32 $0x40, s10;
	[tilespmem:s18+$0x0] =	vst v2;
	v12 =	vpop (erf);
	v2 =	vperm.xlane v14, v1;
	v4 =	vmul.f32 v11, v4  }
0x8f: {  	[tilespmem:s7+$0x10] =	vst v3;
	v3 =	vmul.f32 v13, v7;
	v7 =	vperm.xlane v12, v1  }
0x90: {  	v12 =	vpop (erf);
	[tilespmem:s7+$0xFFFFFFF0] =	vst v4;
	v2 =	vmul.f32 v2, v5  }
0x91: {  	[tilespmem:s7+$0xFFFFFFE0] =	vst v3;
	v3 =	vmul.f32 v7, v8;
	v5 =	vperm.xlane v12, v1;
	v11 =	vpop (erf)  }
0x92: {  	s10 =	sadd.s32 $0x40, s7;
	[tilespmem:s7+$0x0] =	vst v2;
	v7 =	vperm.xlane v11, v1;
	v4 =	vpop (erf)  }
0x93: {  	[tilespmem:s10+$0x10] =	vst v3;
	v2 =	vmul.f32 v5, v6;
	v3 =	vperm.xlane v4, v1  }
0x94: {  	v4 =	vmul.f32 v7, v10  }
0x95: {  	[tilespmem:s10+$0xFFFFFFF0] =	vst v2;
	v3 =	vmul.f32 v3, v9  }
0x96: {  	[tilespmem:s10+$0xFFFFFFE0] =	vst v4  }
0x97: {  	[tilespmem:s10+$0x0] =	vst v3  }
0x98: {  	[spmem:s2] =	stream.indirect.scatter.add.f32 [tilespmem:s8], [sflag:$0x7], $0x10, s1, s23, $0xb8;
	[tilespmem:$0x6460] =	vst v63  }
0x99: {  	_ =	swait.ge [sflag:s22], $0x100  }
0x9a: {  	[sflag:s22] =	ssyncset.done $0x0  }
0x9b: {  	[sflag:s22] =	ssyncadd.s32 $0xFFFFFF00  }
0x9c: {  	[tilespmem:s24], [sflag:$0x3] =	stream.indirect.gather [hbm4b:s5+s23], $0x10, s3, s23, $0xb8;
	[tilespmem:$0x6460] =	vst v63  }
0x9d: {  	_ = 	snop  }
0x9e: {  	[tilespmem:s25], [sflag:$0x5] =	stream.indirect.gather [hbm4b:s6+s23], $0x10, s23, s23, $0xb8;
	[tilespmem:$0x6460] =	vst v63  }
0x9f: {  	_ =	swait.ge [sflag:s9], $0x800  }
0xa0: {  	[sflag:s9] =	ssyncset.done $0x0  }
0xa1: {  	[sflag:s9] =	ssyncadd.s32 $0xFFFFF800  }
0xa2: {  	_ =	swait.ge [sflag:s11], $0x800  }
0xa3: {  	[sflag:s11] =	ssyncset.done $0x0  }
0xa4: {  	[sflag:s11] =	ssyncadd.s32 $0xFFFFF800  }
0xa5: {  	v2 =	vld [tilespmem:$0x180]  }
0xa6: {  	v3 =	vld [tilespmem:$0x190]  }
0xa7: {  	v4 =	vld [tilespmem:$0x1A0]  }
0xa8: {  	v5 =	vld [tilespmem:$0x1B0]  }
0xa9: {  	v6 =	vld [tilespmem:$0x1C0]  }
0xaa: {  	[tilespmem:$0x280] =	vst v2;
	v2 =	vld [tilespmem:$0x1D0]  }
0xab: {  	[tilespmem:$0x290] =	vst v3;
	v3 =	vld [tilespmem:$0x1E0]  }
0xac: {  	[tilespmem:$0x2A0] =	vst v4;
	v4 =	vld [tilespmem:$0x1F0]  }
0xad: {  	[tilespmem:$0x2B0] =	vst v5  }
0xae: {  	[tilespmem:$0x2C0] =	vst v6  }
0xaf: {  	[tilespmem:$0x2D0] =	vst v2  }
0xb0: {  	[tilespmem:$0x2E0] =	vst v3  }
0xb1: {  	s18 =	simm.s32 $0xB20;
	s10 =	rddreg [dreg:$0xa];
	[tilespmem:$0x2F0] =	vst v4  }
0xb2: {  	[tilespmem:s21], [sflag:$0x2] =	stream.linear.gather [hbm4b:s10+s3], $0x100, $0x38;
	[tilespmem:$0x6460] =	vst v63  }
0xb3: {  	s19 =	simm.s32 $0x1B20;
	v6 =	vld [tilespmem:s18+$0x10]  }
0xb4: {  	v2 =	vld [tilespmem:s19+$0x10];
	_ =	sdelay $0x1  }
0xb5: {  	v4 =	vld [tilespmem:s19+$0xFFFFFFE0]  }
0xb6: {  	v10 =	vld [tilespmem:s18+$0xFFFFFFF0]  }
0xb7: {  	v3 =	vld [tilespmem:s19+$0xFFFFFFF0]  }
0xb8: {  	v14 =	vld [tilespmem:s18+$0xFFFFFFE0];
	v5 =	vadd.f32 v2, v6  }
0xb9: {  	v8 =	vld [tilespmem:s19+$0x0]  }
0xba: {  	v2 =	vld [tilespmem:s18+$0x0];
	v7 =	vmul.f32 $2.000000030e-01, v5  }
0xbb: {  	s28 =	simm.s32 $0x1B60;
	vm8 =	vgt.f32 v5, $0.0e+00  }
0xbc: {  	s20 =	simm.s32 $0xB60;
	v11 =	vld [tilespmem:s28+$0x10];
	v5 =	vsel vm8, v5, v7;
	v7 =	vadd.f32 v3, v10  }
0xbd: {  	v3 =	vld [tilespmem:s20+$0x10];
	v5 =	vmul.f32 $1.442695020e+00, v5  }
0xbe: {  	v9 =	vadd.f32 v4, v14;
	v12 =	vmul.f32 $2.000000030e-01, v7  }
0xbf: {  	v13 =	vld [tilespmem:s28+$0xFFFFFFE0];
	v8 =	vadd.f32 v8, v2;
	vm9 =	vgt.f32 v7, $0.0e+00;
	(erf) = vpow2.f32 v5  }
0xc0: {  	v16 =	vld [tilespmem:s28+$0x0];
	v5 =	vmul.f32 $2.000000030e-01, v9;
	v7 =	vsel vm9, v7, v12  }
0xc1: {  	v4 =	vld [tilespmem:s20+$0xFFFFFFF0];
	vm10 =	vgt.f32 v9, $0.0e+00;
	v15 =	vmul.f32 $2.000000030e-01, v8;
	v7 =	vmul.f32 $1.442695020e+00, v7  }
0xc2: {  	vm11 =	vgt.f32 v8, $0.0e+00;
	v12 =	vld [tilespmem:s28+$0xFFFFFFF0];
	v9 =	vsel vm10, v9, v5;
	v11 =	vadd.f32 v11, v3  }
0xc3: {  	v8 =	vsel vm11, v8, v15;
	v9 =	vmul.f32 $1.442695020e+00, v9;
	(erf) = vpow2.f32 v7;
	v7 =	vld [tilespmem:s20+$0xFFFFFFE0]  }
0xc4: {  	v5 =	vld [tilespmem:s20+$0x0];
	v8 =	vmul.f32 $1.442695020e+00, v8  }
0xc5: {  	(erf) = vpow2.f32 v9;
	v9 =	vmul.f32 $2.000000030e-01, v11  }
0xc6: {  	vm12 =	vgt.f32 v11, $0.0e+00  }
0xc7: {  	v9 =	vsel vm12, v11, v9;
	v11 =	vadd.f32 v12, v4  }
0xc8: {  	(erf) = vpow2.f32 v8;
	v9 =	vmul.f32 $1.442695020e+00, v9;
	v8 =	vpop (erf);
	v13 =	vadd.f32 v13, v7  }
0xc9: {  	s7 =	simm.s32 $0x1BA0;
	v12 =	vadd.f32 v16, v5;
	v16 =	vmul.f32 $2.000000030e-01, v11;
	v15 =	vperm.xlane v8, v1  }
0xca: {  	s29 =	simm.s32 $0xBA0;
	v17 =	vld [tilespmem:s7+$0x10];
	vm13 =	vgt.f32 v11, $0.0e+00;
	(erf) = vpow2.f32 v9;
	v9 =	vmul.f32 $2.000000030e-01, v13  }
0xcb: {  	v18 =	vmul.f32 $2.000000030e-01, v12;
	v8 =	vld [tilespmem:s29+$0x10];
	vm2 =	vgt.f32 v13, $0.0e+00;
	v11 =	vsel vm13, v11, v16  }
0xcc: {  	v20 =	vld [tilespmem:s7+$0x0];
	vm14 =	vgt.f32 v12, $0.0e+00;
	v11 =	vmul.f32 $1.442695020e+00, v11;
	v13 =	vsel vm2, v13, v9  }
0xcd: {  	v16 =	vld [tilespmem:s7+$0xFFFFFFF0];
	v12 =	vsel vm14, v12, v18;
	v19 =	vmul.f32 v15, v6;
	v13 =	vmul.f32 $1.442695020e+00, v13  }
0xce: {  	v6 =	vld [tilespmem:s29+$0xFFFFFFF0];
	v12 =	vmul.f32 $1.442695020e+00, v12;
	v15 =	vpop (erf);
	(erf) = vpow2.f32 v11  }
0xcf: {  	v9 =	vld [tilespmem:s29+$0x0];
	v15 =	vperm.xlane v15, v1;
	(erf) = vpow2.f32 v13  }
0xd0: {  	v18 =	vpop (erf);
	v17 =	vadd.f32 v17, v8;
	(erf) = vpow2.f32 v12;
	v12 =	vld [tilespmem:s7+$0xFFFFFFE0]  }
0xd1: {  	v15 =	vmul.f32 v15, v10;
	v10 =	vld [tilespmem:s29+$0xFFFFFFE0]  }
0xd2: {  	v18 =	vperm.xlane v18, v1;
	v21 =	vmul.f32 $2.000000030e-01, v17  }
0xd3: {  	v11 =	vpop (erf);
	v13 =	vadd.f32 v16, v6;
	vm15 =	vgt.f32 v17, $0.0e+00  }
0xd4: {  	s10 =	simm.s32 $0x2B20;
	v11 =	vperm.xlane v11, v1;
	v16 =	vmul.f32 v18, v14;
	v17 =	vsel vm15, v17, v21;
	v63 =	vpop (erf)  }
0xd5: {  	s19 =	simm.s32 $0x8;
	s18 =	simm.s32 $0x2B20;
	s20 =	simm.s32 $0xBE0;
	[tilespmem:s10+$0x10] =	vst v19;
	v14 =	vadd.f32 v20, v9;
	v18 =	vmul.f32 $1.442695020e+00, v17;
	v17 =	vperm.xlane v63, v1  }
.LBB2_6:
0xd6: {  	v19 =	vld [tilespmem:s20+$0x10];
	v20 =	vadd.f32 v12, v10;
	vm0 =	vgt.f32 v13, $0.0e+00;
	v21 =	vmul.f32 $2.000000030e-01, v13;
	s7 =	sadd.s32 $0x40, s7;
	[tilespmem:s10+$0xFFFFFFE0] =	vst v16;
	v16 =	vmovc v9;
	v22 =	vmovc v7  }
0xd7: {  	s19 =	sadd.s32 $0x4, s19;
	v7 =	vmovc v10;
	v23 =	vld [tilespmem:s7+$0x10];
	vm1 =	vgt.f32 v14, $0.0e+00;
	(erf) = vpow2.f32 v18;
	v9 =	vmul.f32 v17, v3;
	[tilespmem:s10+$0xFFFFFFF0] =	vst v15;
	v3 =	vmovc v8  }
0xd8: {  	p0 =	slt.u32 s19, $0x7C;
	v18 =	vmul.f32 $2.000000030e-01, v14;
	s10 =	sadd.s32 $0x40, s10;
	v12 =	vld [tilespmem:s7+$0xFFFFFFE0];
	vm2 =	vgt.f32 v20, $0.0e+00;
	v26 =	vmul.f32 $2.000000030e-01, v20  }
0xd9: {  	v11 =	vmul.f32 v11, v2;
	v2 =	vmov v5;
	v13 =	vsel vm0, v13, v21;
	v24 =	vld [tilespmem:s20+$0xFFFFFFF0];
	[tilespmem:s10+$0x10] =	vst v9;
	v15 =	vpop (erf)  }
0xda: {  	v13 =	vmul.f32 $1.442695020e+00, v13;
	v21 =	vsel vm1, v14, v18;
	v17 =	vld [tilespmem:s7+$0xFFFFFFF0];
	v25 =	vsel vm2, v20, v26;
	v10 =	vpop (erf)  }
0xdb: {  	v18 =	vmul.f32 $1.442695020e+00, v21;
	v9 =	vld [tilespmem:s20+$0x0];
	v14 =	vmul.f32 $1.442695020e+00, v25;
	v20 =	vpop (erf);
	[tilespmem:s18+$0x0] =	vst v11;
	v8 =	vmov v19;
	s18 =	smov.u32 s10  }
0xdc: {  	v5 =	vmovc v16;
	v19 =	vld [tilespmem:s7+$0x0];
	v21 =	vadd.f32 v23, v8;
	(erf) = vpow2.f32 v13;
	v23 =	vperm.xlane v10, v1  }
.Ltmp2:
0xdd: {  	v10 =	vld [tilespmem:s20+$0xFFFFFFE0];
	(erf) = vpow2.f32 v14;
	v14 =	vperm.xlane v15, v1;
	(pc) =	sbr.rel @p0 .LBB2_6-.Ltmp2, $4  }
0xde: {  	v15 =	vmul.f32 $2.000000030e-01, v21;
	(erf) = vpow2.f32 v18  }
0xdf: {  	v11 =	vperm.xlane v20, v1;
	vm0 =	vgt.f32 v21, $0.0e+00;
	v13 =	vadd.f32 v17, v24  }
0xe0: {  	v16 =	vmul.f32 v23, v22;
	v17 =	vsel vm0, v21, v15;
	v20 =	vpop (erf);
	v15 =	vmul.f32 v14, v4  }
0xe1: {  	s20 =	sadd.s32 $0x40, s20;
	v4 =	vmovc v6;
	v6 =	vmovc v24;
	v14 =	vadd.f32 v19, v9;
	v18 =	vmul.f32 $1.442695020e+00, v17;
	v17 =	vperm.xlane v20, v1  }
0xe2: {  	v12 =	vadd.f32 v12, v10  }
0xe3: {  	v19 =	vmul.f32 $2.000000030e-01, v13  }
0xe4: {  	vm0 =	vgt.f32 v13, $0.0e+00;
	v50 =	vmul.f32 $2.000000030e-01, v14;
	v20 =	vmul.f32 $2.000000030e-01, v12  }
0xe5: {  	vm15 =	vgt.f32 v14, $0.0e+00;
	v13 =	vsel vm0, v13, v19;
	vm14 =	vgt.f32 v12, $0.0e+00  }
0xe6: {  	(erf) = vpow2.f32 v18;
	v13 =	vmul.f32 $1.442695020e+00, v13;
	v12 =	vsel vm14, v12, v20  }
0xe7: {  	v14 =	vsel vm15, v14, v50;
	v12 =	vmul.f32 $1.442695020e+00, v12  }
0xe8: {  	v51 =	vmul.f32 $1.442695020e+00, v14;
	(erf) = vpow2.f32 v13  }
0xe9: {  	(erf) = vpow2.f32 v12  }
0xea: {  	(erf) = vpow2.f32 v51;
	_ =	sdelay $0x1  }
0xeb: {  	v52 =	vpop (erf)  }
0xec: {  	v2 =	vmul.f32 v11, v2;
	v53 =	vpop (erf)  }
0xed: {  	[tilespmem:s10+$0xFFFFFFE0] =	vst v16;
	v3 =	vmul.f32 v17, v3;
	v54 =	vpop (erf);
	v13 =	vperm.xlane v53, v1  }
0xee: {  	s7 =	sadd.s32 $0x40, s10;
	[tilespmem:s18+$0x0] =	vst v2;
	v2 =	vperm.xlane v54, v1;
	v56 =	vpop (erf)  }
0xef: {  	[tilespmem:s7+$0x10] =	vst v3;
	v3 =	vmul.f32 v13, v7;
	v57 =	vperm.xlane v56, v1  }
0xf0: {  	[tilespmem:s10+$0xFFFFFFF0] =	vst v15;
	v55 =	vperm.xlane v52, v1;
	v2 =	vmul.f32 v2, v5;
	v58 =	vpop (erf)  }
0xf1: {  	[tilespmem:s7+$0xFFFFFFE0] =	vst v3;
	v3 =	vmul.f32 v57, v8;
	v62 =	vperm.xlane v58, v1;
	v59 =	vpop (erf)  }
0xf2: {  	s10 =	sadd.s32 $0x40, s7;
	v4 =	vmul.f32 v55, v4;
	[tilespmem:s7+$0x0] =	vst v2;
	v60 =	vperm.xlane v59, v1;
	v61 =	vpop (erf)  }
0xf3: {  	[tilespmem:s10+$0x10] =	vst v3;
	v2 =	vmul.f32 v62, v6;
	v3 =	vperm.xlane v61, v1  }
0xf4: {  	[tilespmem:s7+$0xFFFFFFF0] =	vst v4;
	v63 =	vmul.f32 v60, v10  }
0xf5: {  	[tilespmem:s10+$0xFFFFFFF0] =	vst v2;
	v3 =	vmul.f32 v3, v9  }
0xf6: {  	[tilespmem:s10+$0xFFFFFFE0] =	vst v63  }
0xf7: {  	[tilespmem:s10+$0x0] =	vst v3;
	s10 =	simm.s32 $0x1  }
0xf8: {  	[spmem:s2] =	stream.indirect.scatter.add.f32 [tilespmem:s13], [sflag:$0x8], $0x10, s12, s23, $0xb8;
	[tilespmem:$0x6460] =	vst v63  }
.LBB2_8:
0xf9: {  	_ =	swait.ge [sflag:s26], $0x100  }
0xfa: {  	[sflag:s26] =	ssyncset.done $0x0  }
0xfb: {  	s7 =	simm.s32 $0xB00;
	[sflag:s26] =	ssyncadd.s32 $0xFFFFFF00  }
0xfc: {  	[tilespmem:s7], [sflag:$0x4] =	stream.indirect.gather [hbm4b:s5+s23], $0x10, s21, s23, $0xb8;
	[tilespmem:$0x6460] =	vst v63  }
0xfd: {  	s19 =	simm.s32 $0x180  }
0xfe: {  	[tilespmem:s30], [sflag:$0x6] =	stream.indirect.gather [hbm4b:s6+s23], $0x10, s19, s23, $0xb8;
	[tilespmem:$0x6460] =	vst v63  }
0xff: {  	_ =	swait.ge [sflag:s31], $0x800  }
0x100: {  	[sflag:s31] =	ssyncset.done $0x0  }
0x101: {  	[sflag:s31] =	ssyncadd.s32 $0xFFFFF800  }
0x102: {  	_ =	swait.ge [sflag:s0], $0x800  }
0x103: {  	[sflag:s0] =	ssyncset.done $0x0  }
0x104: {  	[sflag:s0] =	ssyncadd.s32 $0xFFFFF800  }
0x105: {  	_ =	swait.ge [sflag:s14], $0x800  }
0x106: {  	[sflag:s14] =	ssyncset.done $0x0  }
0x107: {  	[sflag:s14] =	ssyncadd.s32 $0xFFFFF800  }
0x108: {  	v2 =	vld [tilespmem:$0x80]  }
0x109: {  	v3 =	vld [tilespmem:$0x90]  }
0x10a: {  	v4 =	vld [tilespmem:$0xA0]  }
0x10b: {  	v5 =	vld [tilespmem:$0xB0]  }
0x10c: {  	v6 =	vld [tilespmem:$0xC0]  }
0x10d: {  	[tilespmem:$0x200] =	vst v2;
	v2 =	vld [tilespmem:$0xD0]  }
0x10e: {  	[tilespmem:$0x210] =	vst v3;
	v3 =	vld [tilespmem:$0xE0]  }
0x10f: {  	[tilespmem:$0x220] =	vst v4;
	v4 =	vld [tilespmem:$0xF0]  }
0x110: {  	[tilespmem:$0x230] =	vst v5  }
0x111: {  	s7 =	sshll.u32 s10, $0x2;
	[tilespmem:$0x240] =	vst v6  }
0x112: {  	s18 =	sadd.s32 s7, s15;
	[tilespmem:$0x250] =	vst v2  }
0x113: {  	s18 =	sshll.u32 s18, $0x5;
	[tilespmem:$0x260] =	vst v3  }
0x114: {  	s20 =	simm.s32 $0x320;
	s18 =	sadd.s32 s4, s18;
	[tilespmem:$0x270] =	vst v4  }
0x115: {  	[tilespmem:s3], [sflag:$0x1] =	stream.linear.gather [hbm4b:s18+s3], $0x100, $0x38;
	[tilespmem:$0x6460] =	vst v63  }
0x116: {  	s19 =	simm.s32 $0x1320;
	v6 =	vld [tilespmem:s20+$0x10]  }
0x117: {  	v2 =	vld [tilespmem:s19+$0x10];
	_ =	sdelay $0x1  }
0x118: {  	v4 =	vld [tilespmem:s19+$0xFFFFFFE0]  }
0x119: {  	v10 =	vld [tilespmem:s20+$0xFFFFFFF0]  }
0x11a: {  	v3 =	vld [tilespmem:s19+$0xFFFFFFF0]  }
0x11b: {  	v14 =	vld [tilespmem:s20+$0xFFFFFFE0];
	v5 =	vadd.f32 v2, v6  }
0x11c: {  	v8 =	vld [tilespmem:s19+$0x0]  }
0x11d: {  	v2 =	vld [tilespmem:s20+$0x0];
	v7 =	vmul.f32 $2.000000030e-01, v5  }
0x11e: {  	s20 =	simm.s32 $0x1360;
	vm0 =	vgt.f32 v5, $0.0e+00  }
0x11f: {  	s18 =	simm.s32 $0x360;
	v11 =	vld [tilespmem:s20+$0x10];
	v5 =	vsel vm0, v5, v7;
	v7 =	vadd.f32 v3, v10  }
0x120: {  	v3 =	vld [tilespmem:s18+$0x10];
	v5 =	vmul.f32 $1.442695020e+00, v5  }
0x121: {  	v9 =	vadd.f32 v4, v14;
	v12 =	vmul.f32 $2.000000030e-01, v7  }
0x122: {  	v4 =	vld [tilespmem:s18+$0xFFFFFFF0];
	v8 =	vadd.f32 v8, v2;
	vm10 =	vgt.f32 v7, $0.0e+00;
	(erf) = vpow2.f32 v5  }
0x123: {  	v13 =	vld [tilespmem:s20+$0xFFFFFFE0];
	v5 =	vmul.f32 $2.000000030e-01, v9;
	v7 =	vsel vm10, v7, v12  }
0x124: {  	v16 =	vld [tilespmem:s20+$0x0];
	vm1 =	vgt.f32 v9, $0.0e+00;
	v15 =	vmul.f32 $2.000000030e-01, v8;
	v7 =	vmul.f32 $1.442695020e+00, v7  }
0x125: {  	vm11 =	vgt.f32 v8, $0.0e+00;
	v12 =	vld [tilespmem:s20+$0xFFFFFFF0];
	v9 =	vsel vm1, v9, v5;
	v11 =	vadd.f32 v11, v3  }
0x126: {  	v8 =	vsel vm11, v8, v15;
	v9 =	vmul.f32 $1.442695020e+00, v9;
	(erf) = vpow2.f32 v7;
	v7 =	vld [tilespmem:s18+$0xFFFFFFE0]  }
0x127: {  	v5 =	vld [tilespmem:s18+$0x0];
	v8 =	vmul.f32 $1.442695020e+00, v8  }
0x128: {  	(erf) = vpow2.f32 v9;
	v9 =	vmul.f32 $2.000000030e-01, v11  }
0x129: {  	vm12 =	vgt.f32 v11, $0.0e+00  }
0x12a: {  	v9 =	vsel vm12, v11, v9;
	v11 =	vadd.f32 v12, v4  }
0x12b: {  	(erf) = vpow2.f32 v8;
	v9 =	vmul.f32 $1.442695020e+00, v9;
	v8 =	vpop (erf);
	v13 =	vadd.f32 v13, v7  }
0x12c: {  	s19 =	simm.s32 $0x13A0;
	v12 =	vadd.f32 v16, v5;
	v16 =	vmul.f32 $2.000000030e-01, v11;
	v15 =	vperm.xlane v8, v1  }
0x12d: {  	v17 =	vld [tilespmem:s19+$0x10];
	s20 =	simm.s32 $0x3A0;
	vm13 =	vgt.f32 v11, $0.0e+00;
	(erf) = vpow2.f32 v9;
	v9 =	vmul.f32 $2.000000030e-01, v13  }
0x12e: {  	v18 =	vmul.f32 $2.000000030e-01, v12;
	v8 =	vld [tilespmem:s20+$0x10];
	vm2 =	vgt.f32 v13, $0.0e+00;
	v11 =	vsel vm13, v11, v16  }
0x12f: {  	v20 =	vld [tilespmem:s19+$0x0];
	vm14 =	vgt.f32 v12, $0.0e+00;
	v11 =	vmul.f32 $1.442695020e+00, v11;
	v13 =	vsel vm2, v13, v9  }
0x130: {  	v16 =	vld [tilespmem:s19+$0xFFFFFFF0];
	v12 =	vsel vm14, v12, v18;
	v19 =	vmul.f32 v15, v6;
	v13 =	vmul.f32 $1.442695020e+00, v13  }
0x131: {  	v6 =	vld [tilespmem:s20+$0xFFFFFFF0];
	v12 =	vmul.f32 $1.442695020e+00, v12;
	v15 =	vpop (erf);
	(erf) = vpow2.f32 v11  }
0x132: {  	v9 =	vld [tilespmem:s20+$0x0];
	v15 =	vperm.xlane v15, v1;
	(erf) = vpow2.f32 v13  }
0x133: {  	v18 =	vpop (erf);
	v17 =	vadd.f32 v17, v8;
	(erf) = vpow2.f32 v12;
	v12 =	vld [tilespmem:s19+$0xFFFFFFE0]  }
0x134: {  	v15 =	vmul.f32 v15, v10;
	v10 =	vld [tilespmem:s20+$0xFFFFFFE0]  }
0x135: {  	v18 =	vperm.xlane v18, v1;
	v21 =	vmul.f32 $2.000000030e-01, v17  }
0x136: {  	v11 =	vpop (erf);
	v13 =	vadd.f32 v16, v6;
	vm15 =	vgt.f32 v17, $0.0e+00  }
0x137: {  	s18 =	simm.s32 $0x2320;
	v11 =	vperm.xlane v11, v1;
	v16 =	vmul.f32 v18, v14;
	v17 =	vsel vm15, v17, v21;
	v63 =	vpop (erf)  }
0x138: {  	s28 =	simm.s32 $0x8;
	s29 =	simm.s32 $0x3E0;
	[tilespmem:s18+$0x10] =	vst v19;
	s20 =	simm.s32 $0x2320;
	v14 =	vadd.f32 v20, v9;
	v18 =	vmul.f32 $1.442695020e+00, v17;
	v17 =	vperm.xlane v63, v1  }
.LBB2_9:
0x139: {  	v19 =	vld [tilespmem:s29+$0x10];
	v20 =	vadd.f32 v12, v10;
	vm0 =	vgt.f32 v13, $0.0e+00;
	v21 =	vmul.f32 $2.000000030e-01, v13;
	s19 =	sadd.s32 $0x40, s19;
	[tilespmem:s18+$0xFFFFFFE0] =	vst v16;
	v16 =	vmovc v9;
	v22 =	vmovc v7  }
0x13a: {  	s28 =	sadd.s32 $0x4, s28;
	v7 =	vmovc v10;
	v23 =	vld [tilespmem:s19+$0x10];
	vm1 =	vgt.f32 v14, $0.0e+00;
	(erf) = vpow2.f32 v18;
	v9 =	vmul.f32 v17, v3;
	[tilespmem:s18+$0xFFFFFFF0] =	vst v15;
	v3 =	vmovc v8  }
0x13b: {  	p0 =	slt.u32 s28, $0x7C;
	v18 =	vmul.f32 $2.000000030e-01, v14;
	s18 =	sadd.s32 $0x40, s18;
	v12 =	vld [tilespmem:s19+$0xFFFFFFE0];
	vm2 =	vgt.f32 v20, $0.0e+00;
	v26 =	vmul.f32 $2.000000030e-01, v20  }
0x13c: {  	v11 =	vmul.f32 v11, v2;
	v2 =	vmov v5;
	v13 =	vsel vm0, v13, v21;
	v24 =	vld [tilespmem:s29+$0xFFFFFFF0];
	[tilespmem:s18+$0x10] =	vst v9;
	v15 =	vpop (erf)  }
0x13d: {  	v13 =	vmul.f32 $1.442695020e+00, v13;
	v21 =	vsel vm1, v14, v18;
	v17 =	vld [tilespmem:s19+$0xFFFFFFF0];
	v25 =	vsel vm2, v20, v26;
	v10 =	vpop (erf)  }
0x13e: {  	v18 =	vmul.f32 $1.442695020e+00, v21;
	v9 =	vld [tilespmem:s29+$0x0];
	v14 =	vmul.f32 $1.442695020e+00, v25;
	v20 =	vpop (erf);
	[tilespmem:s20+$0x0] =	vst v11;
	v8 =	vmov v19;
	s20 =	smov.u32 s18  }
0x13f: {  	v5 =	vmovc v16;
	v19 =	vld [tilespmem:s19+$0x0];
	v21 =	vadd.f32 v23, v8;
	(erf) = vpow2.f32 v13;
	v23 =	vperm.xlane v10, v1  }
.Ltmp3:
0x140: {  	v10 =	vld [tilespmem:s29+$0xFFFFFFE0];
	(erf) = vpow2.f32 v14;
	v14 =	vperm.xlane v15, v1;
	(pc) =	sbr.rel @p0 .LBB2_9-.Ltmp3, $4  }
0x141: {  	v15 =	vmul.f32 $2.000000030e-01, v21;
	(erf) = vpow2.f32 v18  }
0x142: {  	v11 =	vperm.xlane v20, v1;
	vm0 =	vgt.f32 v21, $0.0e+00;
	v13 =	vadd.f32 v17, v24  }
0x143: {  	v16 =	vmul.f32 v23, v22;
	v17 =	vsel vm0, v21, v15;
	v20 =	vpop (erf);
	v15 =	vmul.f32 v14, v4  }
0x144: {  	s29 =	sadd.s32 $0x40, s29;
	v4 =	vmovc v6;
	v6 =	vmovc v24;
	v14 =	vadd.f32 v19, v9;
	v18 =	vmul.f32 $1.442695020e+00, v17;
	v17 =	vperm.xlane v20, v1  }
0x145: {  	v12 =	vadd.f32 v12, v10  }
0x146: {  	v19 =	vmul.f32 $2.000000030e-01, v13  }
0x147: {  	vm0 =	vgt.f32 v13, $0.0e+00;
	vm7 =	vgt.f32 v14, $0.0e+00;
	v20 =	vmul.f32 $2.000000030e-01, v12  }
0x148: {  	vm1 =	vgt.f32 v12, $0.0e+00;
	v13 =	vsel vm0, v13, v19;
	v19 =	vmul.f32 $2.000000030e-01, v14  }
0x149: {  	(erf) = vpow2.f32 v18;
	v13 =	vmul.f32 $1.442695020e+00, v13;
	v12 =	vsel vm1, v12, v20  }
0x14a: {  	v14 =	vsel vm7, v14, v19;
	v12 =	vmul.f32 $1.442695020e+00, v12  }
0x14b: {  	(erf) = vpow2.f32 v13;
	v13 =	vmul.f32 $1.442695020e+00, v14  }
0x14c: {  	(erf) = vpow2.f32 v12  }
0x14d: {  	(erf) = vpow2.f32 v13;
	_ =	sdelay $0x1  }
0x14e: {  	v12 =	vpop (erf)  }
0x14f: {  	v2 =	vmul.f32 v11, v2;
	v13 =	vpop (erf);
	v11 =	vperm.xlane v12, v1  }
0x150: {  	[tilespmem:s18+$0xFFFFFFE0] =	vst v16;
	v3 =	vmul.f32 v17, v3;
	v14 =	vpop (erf);
	v13 =	vperm.xlane v13, v1  }
0x151: {  	s29 =	sadd.s32 $0x40, s18;
	[tilespmem:s20+$0x0] =	vst v2;
	v12 =	vpop (erf);
	v2 =	vperm.xlane v14, v1;
	v4 =	vmul.f32 v11, v4  }
0x152: {  	[tilespmem:s29+$0x10] =	vst v3;
	v3 =	vmul.f32 v13, v7;
	v7 =	vperm.xlane v12, v1  }
0x153: {  	v12 =	vpop (erf);
	[tilespmem:s29+$0xFFFFFFF0] =	vst v4;
	v2 =	vmul.f32 v2, v5  }
0x154: {  	[tilespmem:s29+$0xFFFFFFE0] =	vst v3;
	v3 =	vmul.f32 v7, v8;
	v5 =	vperm.xlane v12, v1;
	v11 =	vpop (erf)  }
0x155: {  	s19 =	sadd.s32 $0x40, s29;
	[tilespmem:s29+$0x0] =	vst v2;
	v7 =	vperm.xlane v11, v1;
	v4 =	vpop (erf)  }
0x156: {  	[tilespmem:s19+$0x10] =	vst v3;
	v2 =	vmul.f32 v5, v6;
	v3 =	vperm.xlane v4, v1  }
0x157: {  	[tilespmem:s18+$0xFFFFFFF0] =	vst v15;
	v4 =	vmul.f32 v7, v10  }
0x158: {  	[tilespmem:s19+$0xFFFFFFF0] =	vst v2;
	v3 =	vmul.f32 v3, v9  }
0x159: {  	[tilespmem:s19+$0xFFFFFFE0] =	vst v4  }
0x15a: {  	[tilespmem:s19+$0x0] =	vst v3  }
0x15b: {  	[spmem:s2] =	stream.indirect.scatter.add.f32 [tilespmem:s8], [sflag:$0x7], $0x10, s1, s23, $0xb8;
	[tilespmem:$0x6460] =	vst v63  }
0x15c: {  	_ =	swait.ge [sflag:s22], $0x100  }
0x15d: {  	[sflag:s22] =	ssyncset.done $0x0  }
0x15e: {  	[sflag:s22] =	ssyncadd.s32 $0xFFFFFF00  }
0x15f: {  	[tilespmem:s24], [sflag:$0x3] =	stream.indirect.gather [hbm4b:s5+s23], $0x10, s3, s23, $0xb8;
	[tilespmem:$0x6460] =	vst v63  }
0x160: {  	_ = 	snop  }
0x161: {  	[tilespmem:s25], [sflag:$0x5] =	stream.indirect.gather [hbm4b:s6+s23], $0x10, s23, s23, $0xb8;
	[tilespmem:$0x6460] =	vst v63  }
0x162: {  	_ =	swait.ge [sflag:s9], $0x800  }
0x163: {  	[sflag:s9] =	ssyncset.done $0x0  }
0x164: {  	[sflag:s9] =	ssyncadd.s32 $0xFFFFF800  }
0x165: {  	_ =	swait.ge [sflag:s11], $0x800  }
0x166: {  	[sflag:s11] =	ssyncset.done $0x0  }
0x167: {  	[sflag:s11] =	ssyncadd.s32 $0xFFFFF800  }
0x168: {  	_ =	swait.ge [sflag:s17], $0x800  }
0x169: {  	[sflag:s17] =	ssyncset.done $0x0  }
0x16a: {  	[sflag:s17] =	ssyncadd.s32 $0xFFFFF800  }
0x16b: {  	v2 =	vld [tilespmem:$0x180]  }
0x16c: {  	v3 =	vld [tilespmem:$0x190]  }
0x16d: {  	v4 =	vld [tilespmem:$0x1A0]  }
0x16e: {  	v5 =	vld [tilespmem:$0x1B0]  }
0x16f: {  	v6 =	vld [tilespmem:$0x1C0]  }
0x170: {  	[tilespmem:$0x280] =	vst v2;
	v2 =	vld [tilespmem:$0x1D0]  }
0x171: {  	[tilespmem:$0x290] =	vst v3;
	v3 =	vld [tilespmem:$0x1E0]  }
0x172: {  	[tilespmem:$0x2A0] =	vst v4;
	v4 =	vld [tilespmem:$0x1F0]  }
0x173: {  	[tilespmem:$0x2B0] =	vst v5  }
0x174: {  	[tilespmem:$0x2C0] =	vst v6  }
0x175: {  	s7 =	sadd.s32 s7, s16;
	[tilespmem:$0x2D0] =	vst v2  }
0x176: {  	s7 =	sshll.u32 s7, $0x5;
	[tilespmem:$0x2E0] =	vst v3  }
0x177: {  	s7 =	sadd.s32 s4, s7;
	s20 =	simm.s32 $0xB20;
	[tilespmem:$0x2F0] =	vst v4  }
0x178: {  	[tilespmem:s21], [sflag:$0x2] =	stream.linear.gather [hbm4b:s7+s3], $0x100, $0x38;
	[tilespmem:$0x6460] =	vst v63  }
0x179: {  	s29 =	simm.s32 $0x1B20;
	v6 =	vld [tilespmem:s20+$0x10]  }
0x17a: {  	v2 =	vld [tilespmem:s29+$0x10];
	_ =	sdelay $0x1  }
0x17b: {  	v4 =	vld [tilespmem:s29+$0xFFFFFFE0]  }
0x17c: {  	v10 =	vld [tilespmem:s20+$0xFFFFFFF0]  }
0x17d: {  	v3 =	vld [tilespmem:s29+$0xFFFFFFF0]  }
0x17e: {  	v14 =	vld [tilespmem:s20+$0xFFFFFFE0];
	v5 =	vadd.f32 v2, v6  }
0x17f: {  	v8 =	vld [tilespmem:s29+$0x0]  }
0x180: {  	v2 =	vld [tilespmem:s20+$0x0];
	v7 =	vmul.f32 $2.000000030e-01, v5  }
0x181: {  	s20 =	simm.s32 $0x1B60;
	vm8 =	vgt.f32 v5, $0.0e+00  }
0x182: {  	s19 =	simm.s32 $0xB60;
	v11 =	vld [tilespmem:s20+$0x10];
	v5 =	vsel vm8, v5, v7;
	v7 =	vadd.f32 v3, v10  }
0x183: {  	v3 =	vld [tilespmem:s19+$0x10];
	v5 =	vmul.f32 $1.442695020e+00, v5  }
0x184: {  	v9 =	vadd.f32 v4, v14;
	v12 =	vmul.f32 $2.000000030e-01, v7  }
0x185: {  	v4 =	vld [tilespmem:s19+$0xFFFFFFF0];
	v8 =	vadd.f32 v8, v2;
	vm9 =	vgt.f32 v7, $0.0e+00;
	(erf) = vpow2.f32 v5  }
0x186: {  	v13 =	vld [tilespmem:s20+$0xFFFFFFE0];
	v5 =	vmul.f32 $2.000000030e-01, v9;
	v7 =	vsel vm9, v7, v12  }
0x187: {  	v16 =	vld [tilespmem:s20+$0x0];
	vm10 =	vgt.f32 v9, $0.0e+00;
	v15 =	vmul.f32 $2.000000030e-01, v8;
	v7 =	vmul.f32 $1.442695020e+00, v7  }
0x188: {  	vm11 =	vgt.f32 v8, $0.0e+00;
	v12 =	vld [tilespmem:s20+$0xFFFFFFF0];
	v9 =	vsel vm10, v9, v5;
	v11 =	vadd.f32 v11, v3  }
0x189: {  	v8 =	vsel vm11, v8, v15;
	v9 =	vmul.f32 $1.442695020e+00, v9;
	(erf) = vpow2.f32 v7;
	v7 =	vld [tilespmem:s19+$0xFFFFFFE0]  }
0x18a: {  	v5 =	vld [tilespmem:s19+$0x0];
	v8 =	vmul.f32 $1.442695020e+00, v8  }
0x18b: {  	(erf) = vpow2.f32 v9;
	v9 =	vmul.f32 $2.000000030e-01, v11  }
0x18c: {  	vm12 =	vgt.f32 v11, $0.0e+00  }
0x18d: {  	v9 =	vsel vm12, v11, v9;
	v11 =	vadd.f32 v12, v4  }
0x18e: {  	(erf) = vpow2.f32 v8;
	v9 =	vmul.f32 $1.442695020e+00, v9;
	v8 =	vpop (erf);
	v13 =	vadd.f32 v13, v7  }
0x18f: {  	s7 =	simm.s32 $0x1BA0;
	v12 =	vadd.f32 v16, v5;
	v16 =	vmul.f32 $2.000000030e-01, v11;
	v15 =	vperm.xlane v8, v1  }
0x190: {  	s29 =	simm.s32 $0xBA0;
	v17 =	vld [tilespmem:s7+$0x10];
	vm13 =	vgt.f32 v11, $0.0e+00;
	(erf) = vpow2.f32 v9;
	v9 =	vmul.f32 $2.000000030e-01, v13  }
0x191: {  	v18 =	vmul.f32 $2.000000030e-01, v12;
	v8 =	vld [tilespmem:s29+$0x10];
	vm2 =	vgt.f32 v13, $0.0e+00;
	v11 =	vsel vm13, v11, v16  }
0x192: {  	v20 =	vld [tilespmem:s7+$0x0];
	vm14 =	vgt.f32 v12, $0.0e+00;
	v11 =	vmul.f32 $1.442695020e+00, v11;
	v13 =	vsel vm2, v13, v9  }
0x193: {  	v16 =	vld [tilespmem:s7+$0xFFFFFFF0];
	v12 =	vsel vm14, v12, v18;
	v19 =	vmul.f32 v15, v6;
	v13 =	vmul.f32 $1.442695020e+00, v13  }
0x194: {  	v6 =	vld [tilespmem:s29+$0xFFFFFFF0];
	v12 =	vmul.f32 $1.442695020e+00, v12;
	v15 =	vpop (erf);
	(erf) = vpow2.f32 v11  }
0x195: {  	v9 =	vld [tilespmem:s29+$0x0];
	v15 =	vperm.xlane v15, v1;
	(erf) = vpow2.f32 v13  }
0x196: {  	v18 =	vpop (erf);
	v17 =	vadd.f32 v17, v8;
	(erf) = vpow2.f32 v12;
	v12 =	vld [tilespmem:s7+$0xFFFFFFE0]  }
0x197: {  	v15 =	vmul.f32 v15, v10;
	v10 =	vld [tilespmem:s29+$0xFFFFFFE0]  }
0x198: {  	v18 =	vperm.xlane v18, v1;
	v21 =	vmul.f32 $2.000000030e-01, v17  }
0x199: {  	v11 =	vpop (erf);
	v13 =	vadd.f32 v16, v6;
	vm15 =	vgt.f32 v17, $0.0e+00  }
0x19a: {  	s18 =	simm.s32 $0x2B20;
	v11 =	vperm.xlane v11, v1;
	v16 =	vmul.f32 v18, v14;
	v17 =	vsel vm15, v17, v21;
	v63 =	vpop (erf)  }
0x19b: {  	s28 =	simm.s32 $0xBE0;
	s20 =	simm.s32 $0x8;
	s19 =	simm.s32 $0x2B20;
	[tilespmem:s18+$0x10] =	vst v19;
	v14 =	vadd.f32 v20, v9;
	v18 =	vmul.f32 $1.442695020e+00, v17;
	v17 =	vperm.xlane v63, v1  }
.LBB2_11:
0x19c: {  	v19 =	vld [tilespmem:s28+$0x10];
	v20 =	vadd.f32 v12, v10;
	vm0 =	vgt.f32 v13, $0.0e+00;
	v21 =	vmul.f32 $2.000000030e-01, v13;
	s7 =	sadd.s32 $0x40, s7;
	[tilespmem:s18+$0xFFFFFFE0] =	vst v16;
	v16 =	vmovc v9;
	v22 =	vmovc v7  }
0x19d: {  	s20 =	sadd.s32 $0x4, s20;
	v7 =	vmovc v10;
	v23 =	vld [tilespmem:s7+$0x10];
	vm1 =	vgt.f32 v14, $0.0e+00;
	(erf) = vpow2.f32 v18;
	v9 =	vmul.f32 v17, v3;
	[tilespmem:s18+$0xFFFFFFF0] =	vst v15;
	v3 =	vmovc v8  }
0x19e: {  	p0 =	slt.u32 s20, $0x7C;
	v18 =	vmul.f32 $2.000000030e-01, v14;
	s18 =	sadd.s32 $0x40, s18;
	v12 =	vld [tilespmem:s7+$0xFFFFFFE0];
	vm2 =	vgt.f32 v20, $0.0e+00;
	v26 =	vmul.f32 $2.000000030e-01, v20  }
0x19f: {  	v11 =	vmul.f32 v11, v2;
	v2 =	vmov v5;
	v13 =	vsel vm0, v13, v21;
	v24 =	vld [tilespmem:s28+$0xFFFFFFF0];
	[tilespmem:s18+$0x10] =	vst v9;
	v15 =	vpop (erf)  }
0x1a0: {  	v13 =	vmul.f32 $1.442695020e+00, v13;
	v21 =	vsel vm1, v14, v18;
	v17 =	vld [tilespmem:s7+$0xFFFFFFF0];
	v25 =	vsel vm2, v20, v26;
	v10 =	vpop (erf)  }
0x1a1: {  	v18 =	vmul.f32 $1.442695020e+00, v21;
	v9 =	vld [tilespmem:s28+$0x0];
	v14 =	vmul.f32 $1.442695020e+00, v25;
	v20 =	vpop (erf);
	[tilespmem:s19+$0x0] =	vst v11;
	v8 =	vmov v19;
	s19 =	smov.u32 s18  }
0x1a2: {  	v5 =	vmovc v16;
	v19 =	vld [tilespmem:s7+$0x0];
	v21 =	vadd.f32 v23, v8;
	(erf) = vpow2.f32 v13;
	v23 =	vperm.xlane v10, v1  }
.Ltmp4:
0x1a3: {  	v10 =	vld [tilespmem:s28+$0xFFFFFFE0];
	(erf) = vpow2.f32 v14;
	v14 =	vperm.xlane v15, v1;
	(pc) =	sbr.rel @p0 .LBB2_11-.Ltmp4, $4  }
0x1a4: {  	v15 =	vmul.f32 $2.000000030e-01, v21;
	(erf) = vpow2.f32 v18  }
0x1a5: {  	v11 =	vperm.xlane v20, v1;
	vm0 =	vgt.f32 v21, $0.0e+00;
	v13 =	vadd.f32 v17, v24  }
0x1a6: {  	v16 =	vmul.f32 v23, v22;
	v17 =	vsel vm0, v21, v15;
	v20 =	vpop (erf);
	v15 =	vmul.f32 v14, v4  }
0x1a7: {  	s28 =	sadd.s32 $0x40, s28;
	v4 =	vmovc v6;
	v6 =	vmovc v24;
	v14 =	vadd.f32 v19, v9;
	v18 =	vmul.f32 $1.442695020e+00, v17;
	v17 =	vperm.xlane v20, v1  }
0x1a8: {  	v12 =	vadd.f32 v12, v10  }
0x1a9: {  	v19 =	vmul.f32 $2.000000030e-01, v13  }
0x1aa: {  	vm0 =	vgt.f32 v13, $0.0e+00;
	v50 =	vmul.f32 $2.000000030e-01, v14;
	v20 =	vmul.f32 $2.000000030e-01, v12  }
0x1ab: {  	vm15 =	vgt.f32 v14, $0.0e+00;
	v13 =	vsel vm0, v13, v19;
	vm14 =	vgt.f32 v12, $0.0e+00  }
0x1ac: {  	(erf) = vpow2.f32 v18;
	v13 =	vmul.f32 $1.442695020e+00, v13;
	v12 =	vsel vm14, v12, v20  }
0x1ad: {  	v14 =	vsel vm15, v14, v50;
	v12 =	vmul.f32 $1.442695020e+00, v12  }
0x1ae: {  	v51 =	vmul.f32 $1.442695020e+00, v14;
	(erf) = vpow2.f32 v13  }
0x1af: {  	(erf) = vpow2.f32 v12  }
0x1b0: {  	(erf) = vpow2.f32 v51;
	_ =	sdelay $0x1  }
0x1b1: {  	v52 =	vpop (erf)  }
0x1b2: {  	v2 =	vmul.f32 v11, v2;
	v53 =	vpop (erf)  }
0x1b3: {  	[tilespmem:s18+$0xFFFFFFE0] =	vst v16;
	v3 =	vmul.f32 v17, v3;
	v54 =	vpop (erf);
	v13 =	vperm.xlane v53, v1  }
0x1b4: {  	s7 =	sadd.s32 $0x40, s18;
	[tilespmem:s19+$0x0] =	vst v2;
	v2 =	vperm.xlane v54, v1;
	v56 =	vpop (erf)  }
0x1b5: {  	[tilespmem:s7+$0x10] =	vst v3;
	v3 =	vmul.f32 v13, v7;
	v57 =	vperm.xlane v56, v1  }
0x1b6: {  	[tilespmem:s18+$0xFFFFFFF0] =	vst v15;
	v55 =	vperm.xlane v52, v1;
	v2 =	vmul.f32 v2, v5;
	v58 =	vpop (erf)  }
0x1b7: {  	[tilespmem:s7+$0xFFFFFFE0] =	vst v3;
	v3 =	vmul.f32 v57, v8;
	v62 =	vperm.xlane v58, v1;
	v59 =	vpop (erf)  }
0x1b8: {  	s10 =	sadd.s32 $0x1, s10;
	s18 =	sadd.s32 $0x40, s7;
	v4 =	vmul.f32 v55, v4;
	[tilespmem:s7+$0x0] =	vst v2;
	v60 =	vperm.xlane v59, v1;
	v61 =	vpop (erf)  }
0x1b9: {  	p0 =	sne.s32 s10, $0x15;
	[tilespmem:s18+$0x10] =	vst v3;
	v2 =	vmul.f32 v62, v6;
	v3 =	vperm.xlane v61, v1  }
.Ltmp5:
0x1ba: {  	[tilespmem:s7+$0xFFFFFFF0] =	vst v4;
	v63 =	vmul.f32 v60, v10;
	(pc) =	sbr.rel @p0 .LBB2_8-.Ltmp5, $4  }
0x1bb: {  	[tilespmem:s18+$0xFFFFFFF0] =	vst v2;
	v3 =	vmul.f32 v3, v9  }
0x1bc: {  	[tilespmem:s18+$0xFFFFFFE0] =	vst v63  }
0x1bd: {  	[tilespmem:s18+$0x0] =	vst v3  }
0x1be: {  	[spmem:s2] =	stream.indirect.scatter.add.f32 [tilespmem:s13], [sflag:$0x8], $0x10, s12, s23, $0xb8;
	[tilespmem:$0x6460] =	vst v63  }
0x1bf: {  	_ =	swait.ge [sflag:s14], $0x800  }
0x1c0: {  	[sflag:s14] =	ssyncset.done $0x0  }
0x1c1: {  	[sflag:s14] =	ssyncadd.s32 $0xFFFFF800  }
0x1c2: {  	_ =	swait.ge [sflag:s17], $0x800  }
0x1c3: {  	[sflag:s17] =	ssyncset.done $0x0  }
0x1c4: {  	[sflag:s17] =	ssyncadd.s32 $0xFFFFF800  }
0x1c5: {  	_ =	swait.ge [sflag:s31], $0x800  }
0x1c6: {  	[sflag:s31] =	ssyncset.done $0x0  }
0x1c7: {  	[sflag:s31] =	ssyncadd.s32 $0xFFFFF800  }
0x1c8: {  	_ =	swait.ge [sflag:s0], $0x800  }
0x1c9: {  	[sflag:s0] =	ssyncset.done $0x0  }
0x1ca: {  	[sflag:s0] =	ssyncadd.s32 $0xFFFFF800  }
0x1cb: {  	_ =	swait.ge [sflag:s26], $0x100  }
0x1cc: {  	[sflag:s26] =	ssyncset.done $0x0  }
0x1cd: {  	[sflag:s26] =	ssyncadd.s32 $0xFFFFFF00  }
0x1ce: {  	s7 =	stileid.u32;
	[bflag:$0x0] =	sbarrier.arrive $0xFFFF  }
0x1cf: {  	s7 =	sshll.u32 s7, $0x6;
	s18 =	rddreg [dreg:$0x3]  }
0x1d0: {  	s7 =	sor.u32 $0x1C09, s7;
	s19 =	rddreg [dreg:$0xb];
	s10 =	sshrl.u32 s18, $0x3  }
0x1d1: {  	[hbm:s19], [sflag:s7] =	dma.local [spmem:s10], $0x4F0  }
0x1d2: {  	s19 =	simm.s32 $0x9  }
0x1d3: {  	_ =	swait.ge [sflag:s19], $0x4F0  }
0x1d4: {  	s28 =	rddreg [dreg:$0xd]  }
0x1d5: {  	s29 =	rddreg [dreg:$0xc];
	s10 =	sadd.s32 $0x1, s28  }
0x1d6: {  	p0 =	sne.s32 s10, s29  }
.Ltmp6:
0x1d7: {  	_ = 	snop;
	(pc) =	sbr.rel @p0 .LBB2_1-.Ltmp6, $3  }
0x1d8: {  	_ =	sdelay $0x1  }
0x1d9: {  	[sflag:s19] =	ssyncset.done $0x0  }
0x1da: {  	[sflag:s19] =	ssyncadd.s32 $0xFFFFFB10  }
0x1db: {  	_ =	sfence.sel $0x180000  }
0x1dc: {  	[bflag:$0x0] =	sbarrier.arrive $0xFFFF  }
0x1dd: {  	_ =	strace $0x9000004A  }
0x1de: {  	s0 =	stileid.u32;
	[bflag:$0x2] =	sbarrier.arrive $0xFFFF  }
0x1df: {  	p0 =	sne.s32 s0, $0x0;
	s0 =	rddreg [dreg:$0x2]  }
0x1e0: {  	s0 =	sadd.s32 @!p0 $0x100000, s0  }
0x1e1: {  	[sflag:s0] =	ssyncadd.tile.s32 @!p0 $0x1;
	_ =	shalt  }
.Lfunc_end2:
_tile_overlayer_lowered:
.L_overlay_start_2:
0x1e2: {  	(tag) =	ssettag $0x2  }
0x1e3: {  	s0 =	rddreg [dreg:$0x0];
	s2 =	stileid.u32  }
0x1e4: {  	s1 =	rddreg [dreg:$0x1];
	p0 =	sne.s32 s2, $0x0  }
0x1e5: {  	s3 =	rddreg [dreg:$0x2];
	[bflag:$0x3] =	sbarrier.arrive $0xFFFF;
	s2 =	simm.s32 @!p0 $0x1C09  }
0x1e6: {  	[timem:s3], [sflag:s2] =	dma.local @!p0 [hbm:s0], s1  }
0x1e7: {  	s0 =	simm.s32 @!p0 $0x9  }
0x1e8: {  	_ =	swait.ge @!p0 [sflag:s0], s1  }
0x1e9: {  	s1 =	ssub.s32 @!p0 $0x0, s1;
	[sflag:s0] =	ssyncset.done @!p0 $0x0  }
0x1ea: {  	[sflag:s0] =	ssyncadd.s32 @!p0 s1  }
0x1eb: {  	[bflag:$0x3] =	sbarrier.arrive $0xFFFF  }
0x1ec: {  	_ =	shalt  }

// kernel: kernel.7.cloned.1.call-start
scs
__scs_entry_jumppad:
0x0: {  	(pc) =	sbr.rel $0x88, $3  }
0x1: {  	(tag) =	ssettag $0x0;
	lr =	simm.s32 $0x1  }
0x2: {  	[smem:$0x3F97] =	sst lr;
	_ =	strace $0xD0000000  }
0x3: {  	_ = 	snop  }
0x4: {  	_ = 	snop  }
0x5: {  	_ = 	snop  }
0x6: {  	_ = 	snop  }
0x7: {  	_ = 	snop  }
__scs_overlays_trampoline_lowered:
0x8: {  	[smem:$0x3FA6] =	sst s0  }
0x9: {  	[smem:$0x3FA7] =	sst s1  }
0xa: {  	[smem:$0x3FA8] =	sst s2  }
0xb: {  	[smem:$0x3FA9] =	sst s3  }
0xc: {  	[smem:$0x3FAA] =	sst s4  }
0xd: {  	[smem:$0x3FAB] =	sst s5  }
0xe: {  	[smem:$0x3FAC] =	sst s6  }
0xf: {  	[smem:$0x3FAD] =	sst s7  }
0x10: {  	[smem:$0x3FAE] =	sst s8  }
0x11: {  	[smem:$0x3FAF] =	sst s9;
	s0 =	simm.s32 @!p0 $0x0  }
0x12: {  	s1 =	sld [smem:$0x3F95];
	s0 =	simm.s32 @p0 $0x1  }
0x13: {  	[smem:$0x3FB0] =	sst s0;
	s0 =	simm.s32 @!p1 $0x0  }
0x14: {  	s2 =	sld [smem:$0x3F94];
	s0 =	simm.s32 @p1 $0x1  }
0x15: {  	[smem:$0x3FB1] =	sst s0;
	s0 =	simm.s32 @!p2 $0x0  }
0x16: {  	s3 =	sld [smem:$0x3FDB];
	s0 =	simm.s32 @p2 $0x1  }
0x17: {  	s4 =	simm.s32 $0x1BF5;
	[smem:$0x3FB3] =	sst s0  }
0x18: {  	s0 =	sld [smem:$0x3F96];
	_ =	swait.ge [sflag:s4], $0x0  }
0x19: {  	s7 =	sld [smem:$0x3F97]  }
0x1a: {  	s8 =	sadd.s32 $0xFFFFE003, lr  }
0x1b: {  	s9 =	sadd.s32 $0xFFFFFEF7, lr;
	s5 =	simm.s32 $0xFFFFFFFF;
	p2 =	slt.u32 s8, $0xFFFFF086  }
0x1c: {  	p1 =	slt.u32 s9, $0xF7A;
	s5 =	simm.s32 @!p2 $0x0  }
0x1d: {  	s5 =	simm.s32 @p1 $0x1;
	p0 =	seq.s32 s7, s2  }
0x1e: {  	s7 =	smul.u32 @!p0 $0xF7A, s2;
	p2 =	seq.s32 @!p0 s5, $0x0  }
0x1f: {  	s9 =	smul.u32 $0xF7A, s1;
	s8 =	simm.s32 @!p0 $0x1BF5;
	p2 =	por !p2, p0  }
0x20: {  	[sflag:s8] =	ssyncset.s32 @!p0 $0xFFFFF086;
	s6 =	sadd.s32 @!p0 s3, s7;
	s7 =	simm.s32 @!p0 $0x108  }
0x21: {  	s3 =	sadd.s32 s3, s9;
	s6 =	sadd.s32 @!p0 $0x88, s6;
	s7 =	simm.s32 @p2 $0x1082  }
0x22: {  	[simem:s7], [sflag:s8] =	dma.local @!p0 [hbm:s6], $0xF7A  }
0x23: {  	s9 =	sor.u32 $0xD0000000, s2;
	s6 =	simm.s32 $0x108;
	_ =	swait.ge @!p0 [sflag:s8], $0x0  }
0x24: {  	s3 =	sadd.s32 $0x88, s3;
	s6 =	simm.s32 @!p1 $0x1082;
	[sflag:s4] =	ssyncset.s32 $0xFFFFF086  }
0x25: {  	[simem:s6], [sflag:s4] =	dma.local [hbm:s3], $0xF7A  }
0x26: {  	[smem:$0x3F97] =	sst s1;
	(tag) =	ssettag s2;
	_ =	strace s9  }
0x27: {  	s1 =	sld [smem:$0x3FA7]  }
0x28: {  	s2 =	sld [smem:$0x3FA8]  }
0x29: {  	s4 =	sld [smem:$0x3FAA]  }
0x2a: {  	p0 =	seq.s32 s5, $0x0;
	s5 =	sld [smem:$0x3FAB]  }
0x2b: {  	s6 =	sld [smem:$0x3FAC]  }
0x2c: {  	s7 =	sld [smem:$0x3FAD]  }
0x2d: {  	s3 =	simm.s32 $0x108;
	s8 =	sld [smem:$0x3FAE]  }
0x2e: {  	s3 =	simm.s32 @!p0 $0x1082;
	s9 =	sld [smem:$0x3FAF]  }
0x2f: {  	lr =	sadd.s32 s0, s3;
	s0 =	sld [smem:$0x3FA6]  }
0x30: {  	s3 =	sld [smem:$0x3FA9]  }
0x31: {  	[smem:$0x3FB2] =	sst s10  }
0x32: {  	s10 =	sld [smem:$0x3FB0];
	_ =	sdelay $0x3  }
0x33: {  	p0 =	seq.s32 s10, $0x1;
	s10 =	sld [smem:$0x3FB2];
	_ =	sdelay $0x3  }
0x34: {  	[smem:$0x3FB2] =	sst s10  }
0x35: {  	s10 =	sld [smem:$0x3FB1];
	_ =	sdelay $0x3  }
0x36: {  	p1 =	seq.s32 s10, $0x1;
	s10 =	sld [smem:$0x3FB2];
	_ =	sdelay $0x3  }
0x37: {  	[smem:$0x3FB2] =	sst s10  }
0x38: {  	s10 =	sld [smem:$0x3FB3]  }
0x39: {  	_ = 	snop;
	(pc) =	sbr.ind lr, $3  }
0x3a: {  	_ = 	snop  }
0x3b: {  	_ = 	snop  }
0x3c: {  	p2 =	seq.s32 s10, $0x1;
	s10 =	sld [smem:$0x3FB2]  }
0x3d: {  	_ =	shalt  }
0x3e: {  	_ =	shalt  }
0x3f: {  	_ =	shalt  }
0x40: {  	_ =	shalt  }
0x41: {  	_ =	shalt  }
0x42: {  	_ =	shalt  }
0x43: {  	_ =	shalt  }
0x44: {  	_ =	shalt  }
0x45: {  	_ =	shalt  }
0x46: {  	_ =	shalt  }
0x47: {  	_ =	shalt  }
0x48: {  	_ =	shalt  }
0x49: {  	_ =	shalt  }
0x4a: {  	_ =	shalt  }
0x4b: {  	_ =	shalt  }
0x4c: {  	_ =	shalt  }
0x4d: {  	_ =	shalt  }
0x4e: {  	_ =	shalt  }
0x4f: {  	_ =	shalt  }
0x50: {  	_ =	shalt  }
0x51: {  	_ =	shalt  }
0x52: {  	_ =	shalt  }
0x53: {  	_ =	shalt  }
0x54: {  	_ =	shalt  }
0x55: {  	_ =	shalt  }
0x56: {  	_ =	shalt  }
0x57: {  	_ =	shalt  }
0x58: {  	_ =	shalt  }
0x59: {  	_ =	shalt  }
0x5a: {  	_ =	shalt  }
0x5b: {  	_ =	shalt  }
0x5c: {  	_ =	shalt  }
0x5d: {  	_ =	shalt  }
0x5e: {  	_ =	shalt  }
0x5f: {  	_ =	shalt  }
0x60: {  	_ =	shalt  }
0x61: {  	_ =	shalt  }
0x62: {  	_ =	shalt  }
0x63: {  	_ =	shalt  }
0x64: {  	_ =	shalt  }
0x65: {  	_ =	shalt  }
0x66: {  	_ =	shalt  }
0x67: {  	_ =	shalt  }
0x68: {  	_ =	shalt  }
0x69: {  	_ =	shalt  }
0x6a: {  	_ =	shalt  }
0x6b: {  	_ =	shalt  }
0x6c: {  	_ =	shalt  }
0x6d: {  	_ =	shalt  }
0x6e: {  	_ =	shalt  }
0x6f: {  	_ =	shalt  }
0x70: {  	_ =	shalt  }
0x71: {  	_ =	shalt  }
0x72: {  	_ =	shalt  }
0x73: {  	_ =	shalt  }
0x74: {  	_ =	shalt  }
0x75: {  	_ =	shalt  }
0x76: {  	_ =	shalt  }
0x77: {  	_ =	shalt  }
0x78: {  	_ =	shalt  }
0x79: {  	_ =	shalt  }
0x7a: {  	_ =	shalt  }
0x7b: {  	_ =	shalt  }
0x7c: {  	_ =	shalt  }
0x7d: {  	_ =	shalt  }
0x7e: {  	_ =	shalt  }
0x7f: {  	_ =	shalt  }
0x80: {  	_ =	shalt  }
0x81: {  	_ =	shalt  }
0x82: {  	_ =	shalt  }
0x83: {  	_ =	shalt  }
0x84: {  	_ =	shalt  }
0x85: {  	_ =	shalt  }
0x86: {  	_ =	shalt  }
0x87: {  	_ =	shalt  }
.Lfunc_end0:
.L_simem_size_0:
called_computation_lowered:
.L_overlay_start_0:
0x88: {  	s2 =	sld [smem:$0x3FD9]  }
0x89: {  	s3 =	sld [smem:$0x3FFE];
	_ =	sdelay $0x1  }
0x8a: {  	s1 =	srdreg.scid  }
0x8b: {  	s0 =	sand.u32 $0x1, s1  }
0x8c: {  	s16 =	sshll.u32 s0, $0xA;
	s2 =	sadd.s32 s3, s2  }
0x8d: {  	s2 =	sadd.s32 s2, s16  }
0x8e: {  	[smem:$0x3FBE] =	sst s2  }
0x8f: {  	_ = 	snop  }
0x90: {  	(tm) =	ssettm $0x1  }
0x91: {  	s17 =	sld [smem:$0x3FFB];
	_ =	sdelay $0x3  }
0x92: {  	_ =	strace s17  }
0x93: {  	s2 =	sld [smem:$0x3FFC];
	_ =	sdelay $0x3  }
0x94: {  	_ =	strace s2  }
0x95: {  	s2 =	sld [smem:$0x3FFD];
	_ =	sdelay $0x3  }
0x96: {  	_ =	strace s2  }
0x97: {  	_ =	strace $0x8FFFFFFF  }
0x98: {  	s18 =	sld [smem:$0x3FDB];
	_ =	sdelay $0x1  }
0x99: {  	s19 =	simm.s32 $_scs_section_size  }
0x9a: {  	s4 =	simm.s32 $_size__tile_overlayer_lowered;
	s5 =	simm.s32 $_tile_overlayer_lowered  }
0x9b: {  	s22 =	simm.s32 $0x1BFF;
	s21 =	sshll.u32 s5, $0x1;
	s2 =	sadd.s32 s19, s18  }
0x9c: {  	s6 =	simm.s32 $0x0;
	s20 =	sshll.u32 s4, $0x1;
	s4 =	sadd.s32 s21, s2  }
0x9d: {  	[timem:s6], [sflag:s22] =	dma.local [hbm:s4], s20  }
0x9e: {  	_ =	swait.ge [sflag:s22], s20  }
0x9f: {  	s3 =	ssub.s32 $0x0, s20;
	[sflag:s22] =	ssyncset.done $0x0  }
0xa0: {  	[sflag:s22] =	ssyncadd.s32 s3;
	_ =	sdelay $0x1  }
0xa1: {  	s23 =	simm.s32 $0x1B8B  }
0xa2: {  	_ =	swait.ge [sflag:s23], $0x1  }
0xa3: {  	[sflag:s23] =	ssyncset.done $0x0  }
0xa4: {  	s25 =	simm.s32 $0x1B8E;
	s24 =	sld [smem:$0x3FFE];
	[sflag:s23] =	ssyncadd.s32 $0xFFFFFFFF  }
0xa5: {  	s26 =	simm.s32 $execute0_lowered;
	[smem:$0x3FD2] =	sst s25  }
0xa6: {  	s4 =	sshll.u32 s26, $0x1;
	_ =	strace $0x80000046;
	[dreg:$0x1] =	wrdreg $0xFFFFFFFF  }
0xa7: {  	s28 =	simm.s32 $_size_execute0_lowered;
	s2 =	sadd.s32 s2, s4;
	[dreg:$0x0] =	wrdreg $0x0  }
0xa8: {  	s4 =	sshll.u32 s28, $0x1;
	[dreg:$0x2] =	wrdreg s2  }
0xa9: {  	[dreg:$0x3] =	wrdreg s4  }
0xaa: {  	[dreg:$0x4] =	wrdreg $0xC0  }
0xab: {  	_ =	task [dreg:s6], $0x5FFFF  }
0xac: {  	[dreg:$0x1] =	wrdreg $0xFFFFFFFF  }
0xad: {  	[dreg:$0x0] =	wrdreg $0x60  }
0xae: {  	[dreg:$0x2] =	wrdreg s24  }
0xaf: {  	[dreg:$0x3] =	wrdreg $0xDE400  }
0xb0: {  	[dreg:$0x4] =	wrdreg $0x9  }
0xb1: {  	_ =	task.clear_ibuf [dreg:s6], $0x5FFFF;
	_ =	strace $0x90000046  }
0xb2: {  	s29 =	simm.s32 $0x9;
	_ =	strace $0x80000048  }
0xb3: {  	_ =	swait.ge [sflag:s29], $0x1  }
0xb4: {  	[sflag:s29] =	ssyncadd.s32 $0xFFFFFFFF  }
0xb5: {  	_ =	strace $0x90000048  }
0xb6: {  	_ =	sfence  }
0xb7: {  	s30 =	sld [smem:$0x0];
	_ =	sdelay $0x2  }
0xb8: {  	s31 =	sshll.u32 s1, $0xD;
	s1 =	sshrl.u32 s1, $0x2  }
0xb9: {  	s3 =	sand.u32 $0x4000, s31;
	s1 =	sadd.s32 s1, s30  }
0xba: {  	s0 =	sor.u32 s3, s0;
	s1 =	sshll.u32 s1, $0x11  }
0xbb: {  	s0 =	sor.u32 s1, s0  }
0xbc: {  	s0 =	sadd.s32 $0x8F2B, s0  }
0xbd: {  	[sflag:s0] =	ssyncadd.remote.s32 $0x1  }
0xbe: {  	_ =	sfence.sel $0xFFFF  }
0xbf: {  	[dreg:$0x0] =	wrdreg $0xFFFFFFFF;
	(pc) =	sbr.abs _section_cstart, $3  }
0xc0: {  	[dreg:$0x1] =	wrdreg $0xFFFFFFFF  }
0xc1: {  	_ =	task.clear_ibuf [dreg:s6], $0x2FFFF;
	_ =	strace $0x9FFFFFFF  }
0xc2: {  	(tm) =	ssettm $0x7FFFFFFF  }
0xc3: {  	_ =	shalt  }
tec
execute0_lowered:
.L_overlay_start_1:
0x0: {  	(tag) =	ssettag $0x1  }
0x1: {  	s0 =	rddreg [dreg:$0x0]  }
0x2: {  	s2 =	rddreg [dreg:$0x1];
	s1 =	srdreg.scid  }
0x3: {  	s11 =	stileid.u32;
	s3 =	simm.s32 $0x0;
	s19 =	simm.s32 $0x9  }
0x4: {  	s30 =	simm.s32 $0x3B00;
	s31 =	simm.s32 $0x3;
	s12 =	simm.s32 $0x280  }
0x5: {  	s13 =	simm.s32 $0x7300;
	s14 =	simm.s32 $0x7;
	s7 =	smul.u32 $0xED00, s11  }
0x6: {  	s17 =	simm.s32 $0x8;
	s1 =	sand.u32 $0x1, s1;
	s8 =	smul.u32 $0x3B400, s11  }
0x7: {  	[smem:$0x7FF] =	sst s3;
	s4 =	sadd.s32 $0x1C00, s0;
	s11 =	smul.u32 $0x54, s11  }
0x8: {  	s5 =	sadd.s32 $0xC600, s0;
	s6 =	smul.u32 $0xED000, s1;
	s10 =	ssub.s32 $0x2, s1  }
0x9: {  	_ =	strace $0x80000047;
	s20 =	sshrl.u32 s10, $0x1;
	s8 =	sshrl.u32 s8, $0x2  }
0xa: {  	s1 =	sor.u32 s1, s11;
	s18 =	sadd.s32 s7, s2;
	s11 =	simm.s32 $0x6  }
0xb: {  	s6 =	sadd.s32 s7, s6;
	s21 =	sadd.s32 s8, s2;
	s22 =	sshll.u32 s1, $0x5  }
0xc: {  	s15 =	sadd.s32 $0x4, s1;
	s16 =	sadd.s32 $0x6, s1;
	s1 =	simm.s32 $0x200  }
0xd: {  	[dreg:$0x3] =	wrdreg s18;
	s9 =	sshrl.u32 s6, $0x3;
	s6 =	sadd.s32 $0x1B200, s0  }
0xe: {  	s23 =	sadd.s32 $0x3B40, s21;
	s24 =	sadd.s32 $0x7680, s21;
	s8 =	sadd.s32 s4, s22  }
0xf: {  	s7 =	sadd.s32 $0xB1C0, s21;
	s21 =	simm.s32 $0x100;
	[dreg:$0x4] =	wrdreg s23  }
0x10: {  	s22 =	simm.s32 $0x1;
	s0 =	sadd.s32 s9, s0;
	[dreg:$0x5] =	wrdreg s24  }
0x11: {  	s9 =	ssub.s32 s10, s20;
	[dreg:$0x7] =	wrdreg s7;
	s25 =	sadd.s32 $0x40, s8  }
0x12: {  	s26 =	sadd.s32 $0x80, s8;
	[dreg:$0x6] =	wrdreg s8;
	s28 =	sadd.s32 $0xC0, s8  }
0x13: {  	s23 =	simm.s32 $0x80;
	s24 =	simm.s32 $0x300;
	[dreg:$0x8] =	wrdreg s25  }
0x14: {  	v0 =	vlaneseq.u32;
	s8 =	simm.s32 $0x4300;
	s10 =	simm.s32 $0x0;
	[dreg:$0x9] =	wrdreg s26  }
0x15: {  	v0 =	vshrl.u32 v0, $0x3;
	[dreg:$0xa] =	wrdreg s28;
	s0 =	sadd.s32 $0x20200, s0;
	s29 =	smax.u32 s9, $0x1  }
0x16: {  	v1 =	vimm.f32 $0.0e+00;
	v2 =	vor.u32 $0x2, v0;
	s25 =	simm.s32 $0x3300;
	s26 =	simm.s32 $0x2;
	[dreg:$0xb] =	wrdreg s0  }
0x17: {  	v3 =	vor.u32 $0x4, v0;
	v4 =	vor.u32 $0x6, v0;
	v5 =	vor.u32 $0x8, v0;
	s9 =	simm.s32 $0x4;
	[dreg:$0xc] =	wrdreg s29;
	s0 =	simm.s32 $0x5  }
.LBB2_1:
0x18: {  	s7 =	simm.s32 $0x0  }
0x19: {  	[tilespmem:s7+$0xA350] =	vst v1  }
0x1a: {  	[tilespmem:s7+$0xA300] =	vst v1  }
0x1b: {  	[tilespmem:s7+$0xA310] =	vst v1  }
0x1c: {  	[tilespmem:s7+$0xA320] =	vst v1  }
0x1d: {  	[dreg:$0xd] =	wrdreg s10;
	s10 =	simm.s32 $0x180;
	[tilespmem:s7+$0xA330] =	vst v1  }
.LBB2_2:
0x1e: {  	p0 =	sne.s32 s10, $0xEB80;
	[tilespmem:s7+$0xA340] =	vst v1;
	s7 =	sshra.s32 s10, $0x2;
	s10 =	sadd.s32 $0x180, s10  }
.Ltmp0:
0x1f: {  	[tilespmem:s7+$0xA350] =	vst v1;
	(pc) =	sbr.rel @p0 .LBB2_2-.Ltmp0, $4  }
0x20: {  	[tilespmem:s7+$0xA300] =	vst v1  }
0x21: {  	[tilespmem:s7+$0xA310] =	vst v1  }
0x22: {  	[tilespmem:s7+$0xA320] =	vst v1  }
0x23: {  	[tilespmem:s7+$0xA330] =	vst v1  }
0x24: {  	[tilespmem:s7+$0xA340] =	vst v1;
	s10 =	simm.s32 $0xA300  }
0x25: {  	[spmem:s18] =	stream.linear.scatter [tilespmem:s10], [sflag:$0x9], $0x3B40, $0x38;
	[tilespmem:$0x1CB40] =	vst v63  }
0x26: {  	_ =	swait.ge [sflag:s19], $0x3B40  }
0x27: {  	[sflag:s19] =	ssyncset.done $0x0  }
0x28: {  	s18 =	rddreg [dreg:$0x4];
	[sflag:s19] =	ssyncadd.s32 $0xFFFFC4C0  }
0x29: {  	[spmem:s18] =	stream.linear.scatter [tilespmem:s10], [sflag:$0x9], $0x3B40, $0x38;
	[tilespmem:$0x1CB40] =	vst v63  }
0x2a: {  	_ =	swait.ge [sflag:s19], $0x3B40  }
0x2b: {  	[sflag:s19] =	ssyncset.done $0x0  }
0x2c: {  	s20 =	rddreg [dreg:$0x5];
	[sflag:s19] =	ssyncadd.s32 $0xFFFFC4C0  }
0x2d: {  	[spmem:s20] =	stream.linear.scatter [tilespmem:s10], [sflag:$0x9], $0x3B40, $0x38;
	[tilespmem:$0x1CB40] =	vst v63  }
0x2e: {  	_ =	swait.ge [sflag:s19], $0x3B40  }
0x2f: {  	[sflag:s19] =	ssyncset.done $0x0  }
0x30: {  	s28 =	rddreg [dreg:$0x7];
	[sflag:s19] =	ssyncadd.s32 $0xFFFFC4C0  }
0x31: {  	[spmem:s28] =	stream.linear.scatter [tilespmem:s10], [sflag:$0x9], $0x3B40, $0x38;
	[tilespmem:$0x1CB40] =	vst v63  }
0x32: {  	_ =	swait.ge [sflag:s19], $0x3B40  }
0x33: {  	[sflag:s19] =	ssyncset.done $0x0  }
0x34: {  	[sflag:s19] =	ssyncadd.s32 $0xFFFFC4C0  }
0x35: {  	[bflag:$0x0] =	sbarrier.arrive $0xFFFF  }
0x36: {  	s29 =	rddreg [dreg:$0x6]  }
0x37: {  	[tilespmem:s3], [sflag:$0x1] =	stream.linear.gather [hbm4b:s29+s3], $0x100, $0x38;
	[tilespmem:$0x1CB40] =	vst v63  }
0x38: {  	s10 =	rddreg [dreg:$0x8]  }
0x39: {  	[tilespmem:s21], [sflag:$0x2] =	stream.linear.gather [hbm4b:s10+s3], $0x100, $0x38;
	[tilespmem:$0x1CB40] =	vst v63  }
0x3a: {  	_ =	swait.ge [sflag:s22], $0x100  }
0x3b: {  	[sflag:s22] =	ssyncset.done $0x0  }
0x3c: {  	[sflag:s22] =	ssyncadd.s32 $0xFFFFFF00  }
0x3d: {  	[tilespmem:s24], [sflag:$0x3] =	stream.indirect.gather [hbm4b:s5+s23], $0x30, s3, s23, $0xb8;
	[tilespmem:$0x1CB40] =	vst v63  }
0x3e: {  	_ = 	snop  }
0x3f: {  	[tilespmem:s25], [sflag:$0x5] =	stream.indirect.gather [hbm4b:s6+s23], $0x10, s23, s23, $0xb8;
	[tilespmem:$0x1CB40] =	vst v63  }
0x40: {  	_ =	swait.ge [sflag:s26], $0x100  }
0x41: {  	[sflag:s26] =	ssyncset.done $0x0  }
0x42: {  	s18 =	simm.s32 $0x1B00;
	[sflag:s26] =	ssyncadd.s32 $0xFFFFFF00  }
0x43: {  	[tilespmem:s18], [sflag:$0x4] =	stream.indirect.gather [hbm4b:s5+s23], $0x30, s21, s23, $0xb8;
	[tilespmem:$0x1CB40] =	vst v63  }
0x44: {  	s19 =	simm.s32 $0x180  }
0x45: {  	[tilespmem:s30], [sflag:$0x6] =	stream.indirect.gather [hbm4b:s6+s23], $0x10, s19, s23, $0xb8;
	[tilespmem:$0x1CB40] =	vst v63  }
0x46: {  	_ =	swait.ge [sflag:s31], $0x1800  }
0x47: {  	[sflag:s31] =	ssyncset.done $0x0  }
0x48: {  	[sflag:s31] =	ssyncadd.s32 $0xFFFFE800  }
0x49: {  	_ =	swait.ge [sflag:s0], $0x800  }
0x4a: {  	[sflag:s0] =	ssyncset.done $0x0  }
0x4b: {  	[sflag:s0] =	ssyncadd.s32 $0xFFFFF800  }
0x4c: {  	v6 =	vld [tilespmem:$0x80]  }
0x4d: {  	v7 =	vld [tilespmem:$0x90]  }
0x4e: {  	v8 =	vld [tilespmem:$0xA0]  }
0x4f: {  	v9 =	vld [tilespmem:$0xB0]  }
0x50: {  	v10 =	vld [tilespmem:$0xC0]  }
0x51: {  	[tilespmem:$0x200] =	vst v6;
	v6 =	vld [tilespmem:$0xD0]  }
0x52: {  	[tilespmem:$0x210] =	vst v7;
	v7 =	vld [tilespmem:$0xE0]  }
0x53: {  	[tilespmem:$0x220] =	vst v8;
	v8 =	vld [tilespmem:$0xF0]  }
0x54: {  	[tilespmem:$0x230] =	vst v9  }
0x55: {  	[tilespmem:$0x240] =	vst v10  }
0x56: {  	[tilespmem:$0x250] =	vst v6  }
0x57: {  	[tilespmem:$0x260] =	vst v7  }
0x58: {  	s28 =	simm.s32 $0x360;
	s20 =	rddreg [dreg:$0x9];
	[tilespmem:$0x270] =	vst v8  }
0x59: {  	[tilespmem:s3], [sflag:$0x1] =	stream.linear.gather [hbm4b:s20+s3], $0x100, $0x38;
	[tilespmem:$0x1CB40] =	vst v63  }
0x5a: {  	s29 =	simm.s32 $0x3320;
	v6 =	vld [tilespmem:s28+$0xFFFFFFC0]  }
0x5b: {  	v7 =	vld [tilespmem:s29+$0xFFFFFFE0];
	_ =	sdelay $0x2  }
0x5c: {  	v11 =	vld [tilespmem:s28+$0xFFFFFFF0]  }
0x5d: {  	v9 =	vld [tilespmem:s29+$0xFFFFFFF0]  }
0x5e: {  	v8 =	vld [tilespmem:s28+$0x50];
	v10 =	vunpack.i.u.bf16.f32 v6;
	v7 =	vunpack.i.l.bf16.f32 v7  }
0x5f: {  	v7 =	vadd.f32 v10, v7;
	v10 =	vld [tilespmem:s29+$0x10];
	_ =	sdelay $0x2  }
0x60: {  	v14 =	vld [tilespmem:s28+$0x20];
	v12 =	vunpack.i.u.bf16.f32 v11;
	v9 =	vunpack.i.l.bf16.f32 v9;
	v13 =	vmul.f32 $2.000000030e-01, v7  }
0x61: {  	v15 =	vld [tilespmem:s29+$0x0];
	v9 =	vadd.f32 v12, v9;
	vm0 =	vgt.f32 v7, $0.0e+00  }
0x62: {  	v7 =	vsel vm0, v7, v13;
	v13 =	vunpack.i.u.bf16.f32 v8;
	v10 =	vunpack.i.l.bf16.f32 v10  }
0x63: {  	v12 =	vmul.f32 $2.000000030e-01, v9;
	v10 =	vadd.f32 v13, v10  }
0x64: {  	vm13 =	vgt.f32 v9, $0.0e+00;
	v7 =	vmul.f32 $1.442695020e+00, v7  }
0x65: {  	v16 =	vunpack.i.u.bf16.f32 v14;
	v9 =	vsel vm13, v9, v12;
	v12 =	vmul.f32 $2.000000030e-01, v10  }
0x66: {  	(erf) = vpow2.f32 v7;
	v7 =	vunpack.i.l.bf16.f32 v15;
	vm14 =	vgt.f32 v10, $0.0e+00  }
0x67: {  	v9 =	vmul.f32 $1.442695020e+00, v9;
	v13 =	vadd.f32 v16, v7;
	v10 =	vsel vm14, v10, v12  }
0x68: {  	v10 =	vmul.f32 $1.442695020e+00, v10  }
0x69: {  	v25 =	vld [tilespmem:s28+$0x40];
	(erf) = vpow2.f32 v9;
	v9 =	vmul.f32 $2.000000030e-01, v13  }
0x6a: {  	v18 =	vld [tilespmem:s28+$0xFFFFFFD0];
	vm15 =	vgt.f32 v13, $0.0e+00;
	(erf) = vpow2.f32 v10  }
0x6b: {  	v7 =	vld [tilespmem:s28+$0x30];
	v9 =	vsel vm15, v13, v9  }
0x6c: {  	v12 =	vld [tilespmem:s28+$0xFFFFFFA0];
	v9 =	vmul.f32 $1.442695020e+00, v9  }
0x6d: {  	v13 =	vld [tilespmem:s28+$0x10]  }
0x6e: {  	v28 =	vld [tilespmem:s28+$0x0];
	(erf) = vpow2.f32 v9  }
0x6f: {  	v24 =	vunpack.i.l.bf16.f32 v14;
	v29 =	vunpack.i.l.bf16.f32 v18  }
0x70: {  	v20 =	vunpack.i.u.bf16.f32 v25;
	v26 =	vunpack.i.l.bf16.f32 v25;
	v15 =	vunpack.i.l.bf16.f32 v7;
	v23 =	vpop (erf)  }
0x71: {  	s7 =	simm.s32 $0x43C0;
	s10 =	simm.s32 $0x0;
	v21 =	vld [tilespmem:s28+$0xFFFFFFE0];
	v16 =	vunpack.i.l.bf16.f32 v12;
	v17 =	vperm.xlane v23, v0;
	v14 =	vperm.xlane v23, v2  }
0x72: {  	s18 =	simm.s32 $0x3360;
	s19 =	simm.s32 $0x420;
	s20 =	simm.s32 $0x43C0;
	v19 =	vld [tilespmem:s28+$0xFFFFFFB0];
	v9 =	vperm.xlane v23, v4;
	v10 =	vperm.xlane v23, v5;
	v27 =	vunpack.i.u.bf16.f32 v13;
	v22 =	vpop (erf)  }
.LBB2_4:
0x73: {  	v25 =	vld [tilespmem:s19+$0xFFFFFFC0];
	s10 =	sadd.s32 $0x4, s10;
	[tilespmem:s7+$0xFFFFFFF0] =	vst v22;
	v30 =	vperm.xlane v22, v0;
	v31 =	vperm.xlane v22, v5;
	v32 =	vunpack.i.u.bf16.f32 v28;
	s20 =	sadd.s32 $0x180, s20;
	v33 =	vpop (erf)  }
0x74: {  	v34 =	vperm.xlane v22, v4;
	v35 =	vunpack.i.u.bf16.f32 v7;
	p0 =	slt.u32 s10, $0x7C;
	v7 =	vld [tilespmem:s19+$0x30];
	[tilespmem:s7+$0xB0] =	vst v33;
	v36 =	vperm.xlane v33, v2  }
0x75: {  	v28 =	vunpack.i.l.bf16.f32 v28;
	v37 =	vunpack.i.l.bf16.f32 v8;
	v38 =	vperm.xlane v33, v0;
	[tilespmem:s7+$0xFFFFFF90] =	vst v23;
	v8 =	vld [tilespmem:s19+$0x50]  }
0x76: {  	v39 =	vld [tilespmem:s18+$0x10];
	v40 =	vunpack.i.u.bf16.f32 v21;
	v35 =	vmul.f32 v36, v35;
	v36 =	vperm.xlane v33, v5  }
0x77: {  	v42 =	vunpack.i.l.bf16.f32 v11;
	v41 =	vld [tilespmem:s19+$0x20];
	v34 =	vmul.f32 v34, v40;
	v40 =	vperm.xlane v33, v3;
	v43 =	vpop (erf)  }
0x78: {  	v29 =	vmul.f32 v30, v29;
	v44 =	vld [tilespmem:s18+$0xFFFFFFE0];
	v45 =	vunpack.i.u.bf16.f32 v25;
	[tilespmem:s7+$0x50] =	vst v43;
	v30 =	vmul.f32 v36, v37  }
0x79: {  	v31 =	vmul.f32 v31, v42;
	v11 =	vld [tilespmem:s19+$0xFFFFFFF0];
	v36 =	vunpack.i.l.bf16.f32 v7;
	[tilespmem:s7+$0xFFFFFFD0] =	vst v34;
	v34 =	vperm.xlane v43, v0  }
0x7a: {  	v46 =	vperm.xlane v43, v4;
	v37 =	vld [tilespmem:s18+$0xFFFFFFF0];
	v42 =	vunpack.i.u.bf16.f32 v8;
	[tilespmem:s7+$0xFFFFFFA0] =	vst v29;
	v29 =	vperm.xlane v43, v2  }
0x7b: {  	v47 =	vld [tilespmem:s18+$0x0];
	v39 =	vunpack.i.l.bf16.f32 v39;
	[tilespmem:s7+$0xFFFFFFE0] =	vst v31;
	v28 =	vmul.f32 v34, v28;
	v31 =	vperm.xlane v43, v5  }
0x7c: {  	v34 =	vunpack.i.u.bf16.f32 v41;
	v39 =	vadd.f32 v42, v39;
	v29 =	vmul.f32 v29, v32;
	[tilespmem:s7+$0xA0] =	vst v30  }
0x7d: {  	v27 =	vmul.f32 v46, v27;
	v30 =	vunpack.i.l.bf16.f32 v44;
	[tilespmem:s7+$0x0] =	vst v28;
	v24 =	vmul.f32 v31, v24  }
0x7e: {  	v28 =	vadd.f32 v45, v30;
	v30 =	vunpack.i.u.bf16.f32 v11;
	v31 =	vmul.f32 $2.000000030e-01, v39;
	[tilespmem:s7+$0x10] =	vst v29  }
0x7f: {  	v26 =	vmul.f32 v40, v26;
	v29 =	vunpack.i.l.bf16.f32 v37;
	[tilespmem:s7+$0x30] =	vst v27;
	v27 =	vmul.f32 v38, v15;
	v15 =	vmovc v36  }
0x80: {  	vm0 =	vgt.f32 v39, $0.0e+00;
	v32 =	vmul.f32 $2.000000030e-01, v28;
	v29 =	vadd.f32 v30, v29;
	[tilespmem:s7+$0x40] =	vst v24  }
0x81: {  	v23 =	vperm.xlane v23, v3;
	vm1 =	vgt.f32 v28, $0.0e+00;
	v24 =	vunpack.i.l.bf16.f32 v47;
	[tilespmem:s7+$0x60] =	vst v27  }
0x82: {  	v30 =	vunpack.i.l.bf16.f32 v19;
	v27 =	vsel vm1, v28, v32;
	v28 =	vmul.f32 $2.000000030e-01, v29;
	[tilespmem:s7+$0x80] =	vst v26  }
0x83: {  	v23 =	vmul.f32 v23, v30;
	vm1 =	vgt.f32 v29, $0.0e+00;
	v26 =	vmul.f32 $1.442695020e+00, v27;
	[tilespmem:s7+$0x70] =	vst v35  }
0x84: {  	v24 =	vadd.f32 v34, v24;
	v27 =	vsel vm1, v29, v28;
	v28 =	vperm.xlane v43, v3  }
0x85: {  	v29 =	vsel vm0, v39, v31;
	v27 =	vmul.f32 $1.442695020e+00, v27;
	(erf) = vpow2.f32 v26;
	[tilespmem:s7+$0xFFFFFF60] =	vst v23  }
0x86: {  	v13 =	vunpack.i.l.bf16.f32 v13;
	v23 =	vperm.xlane v22, v2;
	v22 =	vperm.xlane v22, v3  }
0x87: {  	v18 =	vunpack.i.u.bf16.f32 v18;
	v26 =	vmul.f32 $1.442695020e+00, v29;
	(erf) = vpow2.f32 v27  }
0x88: {  	v21 =	vunpack.i.l.bf16.f32 v21;
	v27 =	vmul.f32 $2.000000030e-01, v24;
	v18 =	vmul.f32 v23, v18  }
0x89: {  	vm0 =	vgt.f32 v24, $0.0e+00;
	v21 =	vmul.f32 v22, v21;
	v30 =	vld [tilespmem:s19+$0x40];
	(erf) = vpow2.f32 v26  }
0x8a: {  	v23 =	vsel vm0, v24, v27;
	v24 =	vmul.f32 v28, v13;
	v26 =	vperm.xlane v33, v4;
	v22 =	vld [tilespmem:s19+$0xFFFFFFA0];
	[tilespmem:s7+$0xFFFFFFB0] =	vst v18  }
0x8b: {  	v12 =	vunpack.i.u.bf16.f32 v12;
	v16 =	vmul.f32 v17, v16;
	v27 =	vmul.f32 $1.442695020e+00, v23;
	v13 =	vld [tilespmem:s19+$0x10];
	[tilespmem:s7+$0xFFFFFFC0] =	vst v21  }
0x8c: {  	v21 =	vmul.f32 v14, v12;
	v20 =	vmul.f32 v26, v20;
	v18 =	vld [tilespmem:s19+$0xFFFFFFD0];
	[tilespmem:s7+$0x20] =	vst v24  }
.Ltmp1:
0x8d: {  	v17 =	vunpack.i.l.bf16.f32 v6;
	v6 =	vmovc v25;
	v14 =	vunpack.i.u.bf16.f32 v19;
	v28 =	vld [tilespmem:s19+$0x0];
	(erf) = vpow2.f32 v27;
	[tilespmem:s7+$0xFFFFFF40] =	vst v16;
	(pc) =	sbr.rel @p0 .LBB2_4-.Ltmp1, $4  }
0x8e: {  	v25 =	vmul.f32 v10, v17;
	v24 =	vunpack.i.l.bf16.f32 v41;
	v19 =	vmul.f32 v9, v14;
	v23 =	vpop (erf);
	[tilespmem:s7+$0xFFFFFF50] =	vst v21  }
0x8f: {  	v16 =	vunpack.i.l.bf16.f32 v22;
	v17 =	vperm.xlane v23, v0;
	v14 =	vperm.xlane v23, v2;
	[tilespmem:s7+$0x90] =	vst v20;
	v12 =	vmovc v22  }
0x90: {  	v9 =	vperm.xlane v23, v4;
	v10 =	vperm.xlane v23, v5;
	v21 =	vld [tilespmem:s19+$0xFFFFFFE0];
	v27 =	vunpack.i.u.bf16.f32 v13;
	v22 =	vpop (erf);
	[tilespmem:s7+$0xFFFFFF70] =	vst v19  }
0x91: {  	s18 =	sadd.s32 $0x40, s18;
	v26 =	vunpack.i.l.bf16.f32 v30;
	v20 =	vunpack.i.u.bf16.f32 v30;
	v19 =	vld [tilespmem:s19+$0xFFFFFFB0];
	v29 =	vunpack.i.l.bf16.f32 v18;
	s19 =	sadd.s32 $0xC0, s19;
	[tilespmem:s7+$0xFFFFFF80] =	vst v25;
	s7 =	smov.u32 s20  }
0x92: {  	[tilespmem:s7+$0xFFFFFFF0] =	vst v22;
	v31 =	vperm.xlane v22, v0;
	v6 =	vunpack.i.l.bf16.f32 v6  }
0x93: {  	v25 =	vpop (erf);
	v33 =	vperm.xlane v22, v5;
	[tilespmem:s7+$0xFFFFFF90] =	vst v23;
	v6 =	vmul.f32 v10, v6  }
0x94: {  	v30 =	vperm.xlane v22, v4;
	v11 =	vunpack.i.l.bf16.f32 v11;
	[tilespmem:s7+$0xB0] =	vst v25;
	v29 =	vmul.f32 v31, v29  }
0x95: {  	v34 =	vperm.xlane v25, v5;
	v11 =	vmul.f32 v33, v11;
	v32 =	vunpack.i.u.bf16.f32 v21;
	[tilespmem:s7+$0xFFFFFF80] =	vst v6  }
0x96: {  	v8 =	vunpack.i.l.bf16.f32 v8;
	v30 =	vmul.f32 v30, v32;
	v62 =	vpop (erf);
	[tilespmem:s7+$0xFFFFFFA0] =	vst v29  }
0x97: {  	v8 =	vmul.f32 v34, v8;
	[tilespmem:s7+$0xFFFFFFE0] =	vst v11;
	v29 =	vperm.xlane v62, v2  }
0x98: {  	v31 =	vunpack.i.l.bf16.f32 v28;
	v28 =	vunpack.i.u.bf16.f32 v28;
	[tilespmem:s7+$0xFFFFFFD0] =	vst v30;
	v30 =	vperm.xlane v62, v0  }
0x99: {  	[tilespmem:s7+$0xA0] =	vst v8;
	v8 =	vperm.xlane v25, v0;
	v28 =	vmul.f32 v29, v28  }
0x9a: {  	[tilespmem:s7+$0x50] =	vst v62;
	v63 =	vperm.xlane v62, v4;
	v11 =	vmul.f32 v30, v31  }
0x9b: {  	v8 =	vmul.f32 v8, v15;
	v30 =	vperm.xlane v62, v5;
	[tilespmem:s7+$0x10] =	vst v28  }
0x9c: {  	v15 =	vperm.xlane v23, v3;
	[tilespmem:s7+$0x0] =	vst v11;
	v11 =	vmul.f32 v63, v27  }
0x9d: {  	v28 =	vperm.xlane v25, v2;
	[tilespmem:s7+$0x60] =	vst v8;
	v8 =	vunpack.i.l.bf16.f32 v19;
	v24 =	vmul.f32 v30, v24  }
0x9e: {  	v7 =	vunpack.i.u.bf16.f32 v7;
	v27 =	vperm.xlane v25, v3;
	v8 =	vmul.f32 v15, v8;
	[tilespmem:s7+$0x30] =	vst v11  }
0x9f: {  	v23 =	vperm.xlane v22, v2;
	v7 =	vmul.f32 v28, v7;
	[tilespmem:s7+$0x40] =	vst v24  }
0xa0: {  	v15 =	vunpack.i.u.bf16.f32 v18;
	v11 =	vmul.f32 v27, v26;
	[tilespmem:s7+$0xFFFFFF60] =	vst v8  }
0xa1: {  	v15 =	vmul.f32 v23, v15;
	[tilespmem:s7+$0x70] =	vst v7;
	v7 =	vperm.xlane v62, v3  }
0xa2: {  	v8 =	vunpack.i.l.bf16.f32 v13;
	v13 =	vmul.f32 v17, v16;
	[tilespmem:s7+$0x80] =	vst v11;
	v11 =	vperm.xlane v22, v3  }
0xa3: {  	v18 =	vunpack.i.l.bf16.f32 v21;
	[tilespmem:s7+$0xFFFFFFB0] =	vst v15;
	v7 =	vmul.f32 v7, v8;
	v8 =	vperm.xlane v25, v4  }
0xa4: {  	[tilespmem:s7+$0xFFFFFF40] =	vst v13;
	v11 =	vmul.f32 v11, v18  }
0xa5: {  	v12 =	vunpack.i.u.bf16.f32 v12;
	[tilespmem:s7+$0x20] =	vst v7;
	v7 =	vmul.f32 v8, v20  }
0xa6: {  	v8 =	vunpack.i.u.bf16.f32 v19;
	[tilespmem:s7+$0xFFFFFFC0] =	vst v11;
	v11 =	vmul.f32 v14, v12  }
0xa7: {  	v8 =	vmul.f32 v9, v8;
	[tilespmem:s7+$0x90] =	vst v7  }
0xa8: {  	[tilespmem:s7+$0xFFFFFF50] =	vst v11  }
0xa9: {  	[tilespmem:s7+$0xFFFFFF70] =	vst v8  }
0xaa: {  	[spmem:s2] =	stream.indirect.scatter.add.f32 [tilespmem:s8], [sflag:$0x7], $0x60, s1, s23, $0xb8;
	[tilespmem:$0x1CB40] =	vst v63  }
0xab: {  	_ =	swait.ge [sflag:s22], $0x100  }
0xac: {  	[sflag:s22] =	ssyncset.done $0x0  }
0xad: {  	[sflag:s22] =	ssyncadd.s32 $0xFFFFFF00  }
0xae: {  	[tilespmem:s24], [sflag:$0x3] =	stream.indirect.gather [hbm4b:s5+s23], $0x30, s3, s23, $0xb8;
	[tilespmem:$0x1CB40] =	vst v63  }
0xaf: {  	_ = 	snop  }
0xb0: {  	[tilespmem:s25], [sflag:$0x5] =	stream.indirect.gather [hbm4b:s6+s23], $0x10, s23, s23, $0xb8;
	[tilespmem:$0x1CB40] =	vst v63  }
0xb1: {  	_ =	swait.ge [sflag:s9], $0x1800  }
0xb2: {  	[sflag:s9] =	ssyncset.done $0x0  }
0xb3: {  	[sflag:s9] =	ssyncadd.s32 $0xFFFFE800  }
0xb4: {  	_ =	swait.ge [sflag:s11], $0x800  }
0xb5: {  	[sflag:s11] =	ssyncset.done $0x0  }
0xb6: {  	[sflag:s11] =	ssyncadd.s32 $0xFFFFF800  }
0xb7: {  	v6 =	vld [tilespmem:$0x180]  }
0xb8: {  	v7 =	vld [tilespmem:$0x190]  }
0xb9: {  	v8 =	vld [tilespmem:$0x1A0]  }
0xba: {  	v9 =	vld [tilespmem:$0x1B0]  }
0xbb: {  	v10 =	vld [tilespmem:$0x1C0]  }
0xbc: {  	[tilespmem:$0x280] =	vst v6;
	v6 =	vld [tilespmem:$0x1D0]  }
0xbd: {  	[tilespmem:$0x290] =	vst v7;
	v7 =	vld [tilespmem:$0x1E0]  }
0xbe: {  	[tilespmem:$0x2A0] =	vst v8;
	v8 =	vld [tilespmem:$0x1F0]  }
0xbf: {  	[tilespmem:$0x2B0] =	vst v9  }
0xc0: {  	[tilespmem:$0x2C0] =	vst v10  }
0xc1: {  	[tilespmem:$0x2D0] =	vst v6  }
0xc2: {  	[tilespmem:$0x2E0] =	vst v7  }
0xc3: {  	s18 =	simm.s32 $0x1B60;
	s28 =	rddreg [dreg:$0xa];
	[tilespmem:$0x2F0] =	vst v8  }
0xc4: {  	[tilespmem:s21], [sflag:$0x2] =	stream.linear.gather [hbm4b:s28+s3], $0x100, $0x38;
	[tilespmem:$0x1CB40] =	vst v63  }
0xc5: {  	s29 =	simm.s32 $0x3B20;
	v6 =	vld [tilespmem:s18+$0xFFFFFFC0]  }
0xc6: {  	v7 =	vld [tilespmem:s29+$0xFFFFFFE0];
	_ =	sdelay $0x2  }
0xc7: {  	v11 =	vld [tilespmem:s18+$0xFFFFFFF0]  }
0xc8: {  	v9 =	vld [tilespmem:s29+$0xFFFFFFF0]  }
0xc9: {  	v8 =	vld [tilespmem:s18+$0x50];
	v10 =	vunpack.i.u.bf16.f32 v6;
	v7 =	vunpack.i.l.bf16.f32 v7  }
0xca: {  	v7 =	vadd.f32 v10, v7;
	v10 =	vld [tilespmem:s29+$0x10];
	_ =	sdelay $0x2  }
0xcb: {  	v14 =	vld [tilespmem:s18+$0x20];
	v12 =	vunpack.i.u.bf16.f32 v11;
	v9 =	vunpack.i.l.bf16.f32 v9;
	v13 =	vmul.f32 $2.000000030e-01, v7  }
0xcc: {  	v15 =	vld [tilespmem:s29+$0x0];
	v9 =	vadd.f32 v12, v9;
	vm0 =	vgt.f32 v7, $0.0e+00  }
0xcd: {  	v7 =	vsel vm0, v7, v13;
	v13 =	vunpack.i.u.bf16.f32 v8;
	v10 =	vunpack.i.l.bf16.f32 v10  }
0xce: {  	v12 =	vmul.f32 $2.000000030e-01, v9;
	v10 =	vadd.f32 v13, v10  }
0xcf: {  	vm13 =	vgt.f32 v9, $0.0e+00;
	v7 =	vmul.f32 $1.442695020e+00, v7  }
0xd0: {  	v16 =	vunpack.i.u.bf16.f32 v14;
	v9 =	vsel vm13, v9, v12;
	v12 =	vmul.f32 $2.000000030e-01, v10  }
0xd1: {  	(erf) = vpow2.f32 v7;
	v7 =	vunpack.i.l.bf16.f32 v15;
	vm14 =	vgt.f32 v10, $0.0e+00  }
0xd2: {  	v9 =	vmul.f32 $1.442695020e+00, v9;
	v13 =	vadd.f32 v16, v7;
	v10 =	vsel vm14, v10, v12  }
0xd3: {  	v10 =	vmul.f32 $1.442695020e+00, v10  }
0xd4: {  	v25 =	vld [tilespmem:s18+$0x40];
	(erf) = vpow2.f32 v9;
	v9 =	vmul.f32 $2.000000030e-01, v13  }
0xd5: {  	v18 =	vld [tilespmem:s18+$0xFFFFFFD0];
	vm15 =	vgt.f32 v13, $0.0e+00;
	(erf) = vpow2.f32 v10  }
0xd6: {  	v7 =	vld [tilespmem:s18+$0x30];
	v9 =	vsel vm15, v13, v9  }
0xd7: {  	v12 =	vld [tilespmem:s18+$0xFFFFFFA0];
	v9 =	vmul.f32 $1.442695020e+00, v9  }
0xd8: {  	v13 =	vld [tilespmem:s18+$0x10]  }
0xd9: {  	v28 =	vld [tilespmem:s18+$0x0];
	(erf) = vpow2.f32 v9  }
0xda: {  	v24 =	vunpack.i.l.bf16.f32 v14;
	v29 =	vunpack.i.l.bf16.f32 v18  }
0xdb: {  	v20 =	vunpack.i.u.bf16.f32 v25;
	v26 =	vunpack.i.l.bf16.f32 v25;
	v15 =	vunpack.i.l.bf16.f32 v7;
	v23 =	vpop (erf)  }
0xdc: {  	s10 =	simm.s32 $0x0;
	s19 =	simm.s32 $0x1C20;
	v21 =	vld [tilespmem:s18+$0xFFFFFFE0];
	v16 =	vunpack.i.l.bf16.f32 v12;
	v17 =	vperm.xlane v23, v0;
	v14 =	vperm.xlane v23, v2  }
0xdd: {  	s20 =	simm.s32 $0x73C0;
	s7 =	simm.s32 $0x73C0;
	v19 =	vld [tilespmem:s18+$0xFFFFFFB0];
	s18 =	simm.s32 $0x3B60;
	v9 =	vperm.xlane v23, v4;
	v10 =	vperm.xlane v23, v5;
	v27 =	vunpack.i.u.bf16.f32 v13;
	v22 =	vpop (erf)  }
.LBB2_6:
0xde: {  	v25 =	vld [tilespmem:s19+$0xFFFFFFC0];
	s10 =	sadd.s32 $0x4, s10;
	[tilespmem:s7+$0xFFFFFFF0] =	vst v22;
	v30 =	vperm.xlane v22, v0;
	v31 =	vperm.xlane v22, v5;
	v32 =	vunpack.i.u.bf16.f32 v28;
	s20 =	sadd.s32 $0x180, s20;
	v33 =	vpop (erf)  }
0xdf: {  	v34 =	vperm.xlane v22, v4;
	v35 =	vunpack.i.u.bf16.f32 v7;
	p0 =	slt.u32 s10, $0x7C;
	v7 =	vld [tilespmem:s19+$0x30];
	[tilespmem:s7+$0xB0] =	vst v33;
	v36 =	vperm.xlane v33, v2  }
0xe0: {  	v28 =	vunpack.i.l.bf16.f32 v28;
	v37 =	vunpack.i.l.bf16.f32 v8;
	v38 =	vperm.xlane v33, v0;
	[tilespmem:s7+$0xFFFFFF90] =	vst v23;
	v8 =	vld [tilespmem:s19+$0x50]  }
0xe1: {  	v39 =	vld [tilespmem:s18+$0x10];
	v40 =	vunpack.i.u.bf16.f32 v21;
	v35 =	vmul.f32 v36, v35;
	v36 =	vperm.xlane v33, v5  }
0xe2: {  	v42 =	vunpack.i.l.bf16.f32 v11;
	v41 =	vld [tilespmem:s19+$0x20];
	v34 =	vmul.f32 v34, v40;
	v40 =	vperm.xlane v33, v3;
	v43 =	vpop (erf)  }
0xe3: {  	v29 =	vmul.f32 v30, v29;
	v44 =	vld [tilespmem:s18+$0xFFFFFFE0];
	v45 =	vunpack.i.u.bf16.f32 v25;
	[tilespmem:s7+$0x50] =	vst v43;
	v30 =	vmul.f32 v36, v37  }
0xe4: {  	v31 =	vmul.f32 v31, v42;
	v11 =	vld [tilespmem:s19+$0xFFFFFFF0];
	v36 =	vunpack.i.l.bf16.f32 v7;
	[tilespmem:s7+$0xFFFFFFD0] =	vst v34;
	v34 =	vperm.xlane v43, v0  }
0xe5: {  	v46 =	vperm.xlane v43, v4;
	v37 =	vld [tilespmem:s18+$0xFFFFFFF0];
	v42 =	vunpack.i.u.bf16.f32 v8;
	[tilespmem:s7+$0xFFFFFFA0] =	vst v29;
	v29 =	vperm.xlane v43, v2  }
0xe6: {  	v47 =	vld [tilespmem:s18+$0x0];
	v39 =	vunpack.i.l.bf16.f32 v39;
	[tilespmem:s7+$0xFFFFFFE0] =	vst v31;
	v28 =	vmul.f32 v34, v28;
	v31 =	vperm.xlane v43, v5  }
0xe7: {  	v34 =	vunpack.i.u.bf16.f32 v41;
	v39 =	vadd.f32 v42, v39;
	v29 =	vmul.f32 v29, v32;
	[tilespmem:s7+$0xA0] =	vst v30  }
0xe8: {  	v27 =	vmul.f32 v46, v27;
	v30 =	vunpack.i.l.bf16.f32 v44;
	[tilespmem:s7+$0x0] =	vst v28;
	v24 =	vmul.f32 v31, v24  }
0xe9: {  	v28 =	vadd.f32 v45, v30;
	v30 =	vunpack.i.u.bf16.f32 v11;
	v31 =	vmul.f32 $2.000000030e-01, v39;
	[tilespmem:s7+$0x10] =	vst v29  }
0xea: {  	v26 =	vmul.f32 v40, v26;
	v29 =	vunpack.i.l.bf16.f32 v37;
	[tilespmem:s7+$0x30] =	vst v27;
	v27 =	vmul.f32 v38, v15;
	v15 =	vmovc v36  }
0xeb: {  	vm0 =	vgt.f32 v39, $0.0e+00;
	v32 =	vmul.f32 $2.000000030e-01, v28;
	v29 =	vadd.f32 v30, v29;
	[tilespmem:s7+$0x40] =	vst v24  }
0xec: {  	v23 =	vperm.xlane v23, v3;
	vm1 =	vgt.f32 v28, $0.0e+00;
	v24 =	vunpack.i.l.bf16.f32 v47;
	[tilespmem:s7+$0x60] =	vst v27  }
0xed: {  	v30 =	vunpack.i.l.bf16.f32 v19;
	v27 =	vsel vm1, v28, v32;
	v28 =	vmul.f32 $2.000000030e-01, v29;
	[tilespmem:s7+$0x80] =	vst v26  }
0xee: {  	v23 =	vmul.f32 v23, v30;
	vm1 =	vgt.f32 v29, $0.0e+00;
	v26 =	vmul.f32 $1.442695020e+00, v27;
	[tilespmem:s7+$0x70] =	vst v35  }
0xef: {  	v24 =	vadd.f32 v34, v24;
	v27 =	vsel vm1, v29, v28;
	v28 =	vperm.xlane v43, v3  }
0xf0: {  	v29 =	vsel vm0, v39, v31;
	v27 =	vmul.f32 $1.442695020e+00, v27;
	(erf) = vpow2.f32 v26;
	[tilespmem:s7+$0xFFFFFF60] =	vst v23  }
0xf1: {  	v13 =	vunpack.i.l.bf16.f32 v13;
	v23 =	vperm.xlane v22, v2;
	v22 =	vperm.xlane v22, v3  }
0xf2: {  	v18 =	vunpack.i.u.bf16.f32 v18;
	v26 =	vmul.f32 $1.442695020e+00, v29;
	(erf) = vpow2.f32 v27  }
0xf3: {  	v21 =	vunpack.i.l.bf16.f32 v21;
	v27 =	vmul.f32 $2.000000030e-01, v24;
	v18 =	vmul.f32 v23, v18  }
0xf4: {  	vm0 =	vgt.f32 v24, $0.0e+00;
	v21 =	vmul.f32 v22, v21;
	v30 =	vld [tilespmem:s19+$0x40];
	(erf) = vpow2.f32 v26  }
0xf5: {  	v23 =	vsel vm0, v24, v27;
	v24 =	vmul.f32 v28, v13;
	v26 =	vperm.xlane v33, v4;
	v22 =	vld [tilespmem:s19+$0xFFFFFFA0];
	[tilespmem:s7+$0xFFFFFFB0] =	vst v18  }
0xf6: {  	v12 =	vunpack.i.u.bf16.f32 v12;
	v16 =	vmul.f32 v17, v16;
	v27 =	vmul.f32 $1.442695020e+00, v23;
	v13 =	vld [tilespmem:s19+$0x10];
	[tilespmem:s7+$0xFFFFFFC0] =	vst v21  }
0xf7: {  	v21 =	vmul.f32 v14, v12;
	v20 =	vmul.f32 v26, v20;
	v18 =	vld [tilespmem:s19+$0xFFFFFFD0];
	[tilespmem:s7+$0x20] =	vst v24  }
.Ltmp2:
0xf8: {  	v17 =	vunpack.i.l.bf16.f32 v6;
	v6 =	vmovc v25;
	v14 =	vunpack.i.u.bf16.f32 v19;
	v28 =	vld [tilespmem:s19+$0x0];
	(erf) = vpow2.f32 v27;
	[tilespmem:s7+$0xFFFFFF40] =	vst v16;
	(pc) =	sbr.rel @p0 .LBB2_6-.Ltmp2, $4  }
0xf9: {  	v25 =	vmul.f32 v10, v17;
	v24 =	vunpack.i.l.bf16.f32 v41;
	v19 =	vmul.f32 v9, v14;
	v23 =	vpop (erf);
	[tilespmem:s7+$0xFFFFFF50] =	vst v21  }
0xfa: {  	v16 =	vunpack.i.l.bf16.f32 v22;
	v17 =	vperm.xlane v23, v0;
	v14 =	vperm.xlane v23, v2;
	[tilespmem:s7+$0x90] =	vst v20;
	v12 =	vmovc v22  }
0xfb: {  	v9 =	vperm.xlane v23, v4;
	v10 =	vperm.xlane v23, v5;
	v21 =	vld [tilespmem:s19+$0xFFFFFFE0];
	v27 =	vunpack.i.u.bf16.f32 v13;
	v22 =	vpop (erf);
	[tilespmem:s7+$0xFFFFFF70] =	vst v19  }
0xfc: {  	s18 =	sadd.s32 $0x40, s18;
	v26 =	vunpack.i.l.bf16.f32 v30;
	v20 =	vunpack.i.u.bf16.f32 v30;
	v19 =	vld [tilespmem:s19+$0xFFFFFFB0];
	v29 =	vunpack.i.l.bf16.f32 v18;
	s19 =	sadd.s32 $0xC0, s19;
	[tilespmem:s7+$0xFFFFFF80] =	vst v25;
	s7 =	smov.u32 s20  }
0xfd: {  	[tilespmem:s7+$0xFFFFFFF0] =	vst v22  }
0xfe: {  	v25 =	vpop (erf);
	[tilespmem:s7+$0xFFFFFF90] =	vst v23;
	v12 =	vunpack.i.u.bf16.f32 v12;
	v61 =	vmul.f32 v17, v16  }
0xff: {  	v31 =	vperm.xlane v22, v0;
	v6 =	vunpack.i.l.bf16.f32 v6;
	[tilespmem:s7+$0xB0] =	vst v25;
	v62 =	vmul.f32 v14, v12  }
0x100: {  	v33 =	vperm.xlane v22, v5;
	v6 =	vmul.f32 v10, v6;
	[tilespmem:s7+$0xFFFFFF40] =	vst v61  }
0x101: {  	v11 =	vunpack.i.l.bf16.f32 v11;
	v29 =	vmul.f32 v31, v29;
	[tilespmem:s7+$0xFFFFFF50] =	vst v62  }
0x102: {  	v34 =	vperm.xlane v25, v5;
	v11 =	vmul.f32 v33, v11;
	[tilespmem:s7+$0xFFFFFF80] =	vst v6  }
0x103: {  	v8 =	vunpack.i.l.bf16.f32 v8;
	v50 =	vperm.xlane v25, v3;
	[tilespmem:s7+$0xFFFFFFA0] =	vst v29  }
0x104: {  	v51 =	vperm.xlane v25, v2;
	v8 =	vmul.f32 v34, v8;
	v40 =	vpop (erf);
	[tilespmem:s7+$0xFFFFFFE0] =	vst v11  }
0x105: {  	v30 =	vperm.xlane v22, v4;
	v7 =	vunpack.i.u.bf16.f32 v7;
	v52 =	vmul.f32 v50, v26;
	[tilespmem:s7+$0x50] =	vst v40  }
0x106: {  	v56 =	vperm.xlane v22, v3;
	v32 =	vunpack.i.u.bf16.f32 v21;
	v7 =	vmul.f32 v51, v7;
	[tilespmem:s7+$0xA0] =	vst v8  }
0x107: {  	v48 =	vperm.xlane v25, v0;
	v58 =	vunpack.i.l.bf16.f32 v21;
	v30 =	vmul.f32 v30, v32;
	[tilespmem:s7+$0x80] =	vst v52  }
0x108: {  	v55 =	vperm.xlane v22, v2;
	v11 =	vmul.f32 v56, v58;
	[tilespmem:s7+$0x70] =	vst v7  }
0x109: {  	v57 =	vunpack.i.u.bf16.f32 v18;
	v41 =	vperm.xlane v40, v0;
	v8 =	vmul.f32 v48, v15;
	[tilespmem:s7+$0xFFFFFFD0] =	vst v30  }
0x10a: {  	v42 =	vunpack.i.l.bf16.f32 v28;
	v43 =	vperm.xlane v40, v2;
	v15 =	vmul.f32 v55, v57;
	[tilespmem:s7+$0xFFFFFFC0] =	vst v11  }
0x10b: {  	v44 =	vunpack.i.u.bf16.f32 v28;
	v45 =	vperm.xlane v40, v4;
	v46 =	vmul.f32 v41, v42;
	[tilespmem:s7+$0x60] =	vst v8  }
0x10c: {  	v47 =	vperm.xlane v40, v5;
	v28 =	vmul.f32 v43, v44;
	[tilespmem:s7+$0xFFFFFFB0] =	vst v15  }
0x10d: {  	v7 =	vperm.xlane v40, v3;
	v49 =	vmul.f32 v45, v27;
	[tilespmem:s7+$0x0] =	vst v46  }
0x10e: {  	v53 =	vperm.xlane v23, v3;
	v59 =	vunpack.i.l.bf16.f32 v13;
	v24 =	vmul.f32 v47, v24;
	[tilespmem:s7+$0x10] =	vst v28  }
0x10f: {  	v60 =	vperm.xlane v25, v4;
	v54 =	vunpack.i.l.bf16.f32 v19;
	v7 =	vmul.f32 v7, v59;
	[tilespmem:s7+$0x30] =	vst v49  }
0x110: {  	v8 =	vmul.f32 v53, v54;
	[tilespmem:s7+$0x40] =	vst v24  }
0x111: {  	v63 =	vunpack.i.u.bf16.f32 v19;
	[tilespmem:s7+$0x20] =	vst v7;
	v7 =	vmul.f32 v60, v20  }
0x112: {  	[tilespmem:s7+$0xFFFFFF60] =	vst v8;
	v8 =	vmul.f32 v9, v63  }
0x113: {  	[tilespmem:s7+$0x90] =	vst v7  }
0x114: {  	s10 =	simm.s32 $0x1;
	[tilespmem:s7+$0xFFFFFF70] =	vst v8  }
0x115: {  	[spmem:s2] =	stream.indirect.scatter.add.f32 [tilespmem:s13], [sflag:$0x8], $0x60, s12, s23, $0xb8;
	[tilespmem:$0x1CB40] =	vst v63  }
.LBB2_8:
0x116: {  	_ =	swait.ge [sflag:s26], $0x100  }
0x117: {  	[sflag:s26] =	ssyncset.done $0x0  }
0x118: {  	s7 =	simm.s32 $0x1B00;
	[sflag:s26] =	ssyncadd.s32 $0xFFFFFF00  }
0x119: {  	[tilespmem:s7], [sflag:$0x4] =	stream.indirect.gather [hbm4b:s5+s23], $0x30, s21, s23, $0xb8;
	[tilespmem:$0x1CB40] =	vst v63  }
0x11a: {  	s18 =	simm.s32 $0x180  }
0x11b: {  	[tilespmem:s30], [sflag:$0x6] =	stream.indirect.gather [hbm4b:s6+s23], $0x10, s18, s23, $0xb8;
	[tilespmem:$0x1CB40] =	vst v63  }
0x11c: {  	_ =	swait.ge [sflag:s31], $0x1800  }
0x11d: {  	[sflag:s31] =	ssyncset.done $0x0  }
0x11e: {  	[sflag:s31] =	ssyncadd.s32 $0xFFFFE800  }
0x11f: {  	_ =	swait.ge [sflag:s0], $0x800  }
0x120: {  	[sflag:s0] =	ssyncset.done $0x0  }
0x121: {  	[sflag:s0] =	ssyncadd.s32 $0xFFFFF800  }
0x122: {  	_ =	swait.ge [sflag:s14], $0x3000  }
0x123: {  	[sflag:s14] =	ssyncset.done $0x0  }
0x124: {  	[sflag:s14] =	ssyncadd.s32 $0xFFFFD000  }
0x125: {  	v6 =	vld [tilespmem:$0x80]  }
0x126: {  	v7 =	vld [tilespmem:$0x90]  }
0x127: {  	v8 =	vld [tilespmem:$0xA0]  }
0x128: {  	v9 =	vld [tilespmem:$0xB0]  }
0x129: {  	v10 =	vld [tilespmem:$0xC0]  }
0x12a: {  	[tilespmem:$0x200] =	vst v6;
	v6 =	vld [tilespmem:$0xD0]  }
0x12b: {  	[tilespmem:$0x210] =	vst v7;
	v7 =	vld [tilespmem:$0xE0]  }
0x12c: {  	[tilespmem:$0x220] =	vst v8;
	v8 =	vld [tilespmem:$0xF0]  }
0x12d: {  	[tilespmem:$0x230] =	vst v9  }
0x12e: {  	s7 =	sshll.u32 s10, $0x2;
	[tilespmem:$0x240] =	vst v10  }
0x12f: {  	s18 =	sadd.s32 s7, s15;
	[tilespmem:$0x250] =	vst v6  }
0x130: {  	s18 =	sshll.u32 s18, $0x5;
	[tilespmem:$0x260] =	vst v7  }
0x131: {  	s20 =	simm.s32 $0x360;
	s18 =	sadd.s32 s4, s18;
	[tilespmem:$0x270] =	vst v8  }
0x132: {  	[tilespmem:s3], [sflag:$0x1] =	stream.linear.gather [hbm4b:s18+s3], $0x100, $0x38;
	[tilespmem:$0x1CB40] =	vst v63  }
0x133: {  	s19 =	simm.s32 $0x3320;
	v6 =	vld [tilespmem:s20+$0xFFFFFFC0]  }
0x134: {  	v7 =	vld [tilespmem:s19+$0xFFFFFFE0];
	_ =	sdelay $0x2  }
0x135: {  	v11 =	vld [tilespmem:s20+$0xFFFFFFF0]  }
0x136: {  	v9 =	vld [tilespmem:s19+$0xFFFFFFF0]  }
0x137: {  	v8 =	vld [tilespmem:s20+$0x50];
	v10 =	vunpack.i.u.bf16.f32 v6;
	v7 =	vunpack.i.l.bf16.f32 v7  }
0x138: {  	v7 =	vadd.f32 v10, v7;
	v10 =	vld [tilespmem:s19+$0x10];
	_ =	sdelay $0x2  }
0x139: {  	v14 =	vld [tilespmem:s20+$0x20];
	v12 =	vunpack.i.u.bf16.f32 v11;
	v9 =	vunpack.i.l.bf16.f32 v9;
	v13 =	vmul.f32 $2.000000030e-01, v7  }
0x13a: {  	v15 =	vld [tilespmem:s19+$0x0];
	v9 =	vadd.f32 v12, v9;
	vm0 =	vgt.f32 v7, $0.0e+00  }
0x13b: {  	v7 =	vsel vm0, v7, v13;
	v13 =	vunpack.i.u.bf16.f32 v8;
	v10 =	vunpack.i.l.bf16.f32 v10  }
0x13c: {  	v12 =	vmul.f32 $2.000000030e-01, v9;
	v10 =	vadd.f32 v13, v10  }
0x13d: {  	vm13 =	vgt.f32 v9, $0.0e+00;
	v7 =	vmul.f32 $1.442695020e+00, v7  }
0x13e: {  	v16 =	vunpack.i.u.bf16.f32 v14;
	v9 =	vsel vm13, v9, v12;
	v12 =	vmul.f32 $2.000000030e-01, v10  }
0x13f: {  	(erf) = vpow2.f32 v7;
	v7 =	vunpack.i.l.bf16.f32 v15;
	vm14 =	vgt.f32 v10, $0.0e+00  }
0x140: {  	v9 =	vmul.f32 $1.442695020e+00, v9;
	v13 =	vadd.f32 v16, v7;
	v10 =	vsel vm14, v10, v12  }
0x141: {  	v10 =	vmul.f32 $1.442695020e+00, v10  }
0x142: {  	v25 =	vld [tilespmem:s20+$0x40];
	(erf) = vpow2.f32 v9;
	v9 =	vmul.f32 $2.000000030e-01, v13  }
0x143: {  	v18 =	vld [tilespmem:s20+$0xFFFFFFD0];
	vm15 =	vgt.f32 v13, $0.0e+00;
	(erf) = vpow2.f32 v10  }
0x144: {  	v7 =	vld [tilespmem:s20+$0x30];
	v9 =	vsel vm15, v13, v9  }
0x145: {  	v12 =	vld [tilespmem:s20+$0xFFFFFFA0];
	v9 =	vmul.f32 $1.442695020e+00, v9  }
0x146: {  	v13 =	vld [tilespmem:s20+$0x10]  }
0x147: {  	v28 =	vld [tilespmem:s20+$0x0];
	(erf) = vpow2.f32 v9  }
0x148: {  	v24 =	vunpack.i.l.bf16.f32 v14;
	v29 =	vunpack.i.l.bf16.f32 v18  }
0x149: {  	v20 =	vunpack.i.u.bf16.f32 v25;
	v26 =	vunpack.i.l.bf16.f32 v25;
	v15 =	vunpack.i.l.bf16.f32 v7;
	v23 =	vpop (erf)  }
0x14a: {  	s28 =	simm.s32 $0x420;
	s29 =	simm.s32 $0x43C0;
	v21 =	vld [tilespmem:s20+$0xFFFFFFE0];
	v16 =	vunpack.i.l.bf16.f32 v12;
	v17 =	vperm.xlane v23, v0;
	v14 =	vperm.xlane v23, v2  }
0x14b: {  	s18 =	simm.s32 $0x0;
	v19 =	vld [tilespmem:s20+$0xFFFFFFB0];
	s19 =	simm.s32 $0x43C0;
	s20 =	simm.s32 $0x3360;
	v9 =	vperm.xlane v23, v4;
	v10 =	vperm.xlane v23, v5;
	v27 =	vunpack.i.u.bf16.f32 v13;
	v22 =	vpop (erf)  }
.LBB2_9:
0x14c: {  	v25 =	vld [tilespmem:s28+$0xFFFFFFC0];
	s18 =	sadd.s32 $0x4, s18;
	[tilespmem:s19+$0xFFFFFFF0] =	vst v22;
	v30 =	vperm.xlane v22, v0;
	v31 =	vperm.xlane v22, v5;
	v32 =	vunpack.i.u.bf16.f32 v28;
	s29 =	sadd.s32 $0x180, s29;
	v33 =	vpop (erf)  }
0x14d: {  	v34 =	vperm.xlane v22, v4;
	v35 =	vunpack.i.u.bf16.f32 v7;
	p0 =	slt.u32 s18, $0x7C;
	v7 =	vld [tilespmem:s28+$0x30];
	[tilespmem:s19+$0xB0] =	vst v33;
	v36 =	vperm.xlane v33, v2  }
0x14e: {  	v28 =	vunpack.i.l.bf16.f32 v28;
	v37 =	vunpack.i.l.bf16.f32 v8;
	v38 =	vperm.xlane v33, v0;
	[tilespmem:s19+$0xFFFFFF90] =	vst v23;
	v8 =	vld [tilespmem:s28+$0x50]  }
0x14f: {  	v39 =	vld [tilespmem:s20+$0x10];
	v40 =	vunpack.i.u.bf16.f32 v21;
	v35 =	vmul.f32 v36, v35;
	v36 =	vperm.xlane v33, v5  }
0x150: {  	v42 =	vunpack.i.l.bf16.f32 v11;
	v41 =	vld [tilespmem:s28+$0x20];
	v34 =	vmul.f32 v34, v40;
	v40 =	vperm.xlane v33, v3;
	v43 =	vpop (erf)  }
0x151: {  	v29 =	vmul.f32 v30, v29;
	v44 =	vld [tilespmem:s20+$0xFFFFFFE0];
	v45 =	vunpack.i.u.bf16.f32 v25;
	[tilespmem:s19+$0x50] =	vst v43;
	v30 =	vmul.f32 v36, v37  }
0x152: {  	v31 =	vmul.f32 v31, v42;
	v11 =	vld [tilespmem:s28+$0xFFFFFFF0];
	v36 =	vunpack.i.l.bf16.f32 v7;
	[tilespmem:s19+$0xFFFFFFD0] =	vst v34;
	v34 =	vperm.xlane v43, v0  }
0x153: {  	v46 =	vperm.xlane v43, v4;
	v37 =	vld [tilespmem:s20+$0xFFFFFFF0];
	v42 =	vunpack.i.u.bf16.f32 v8;
	[tilespmem:s19+$0xFFFFFFA0] =	vst v29;
	v29 =	vperm.xlane v43, v2  }
0x154: {  	v47 =	vld [tilespmem:s20+$0x0];
	v39 =	vunpack.i.l.bf16.f32 v39;
	[tilespmem:s19+$0xFFFFFFE0] =	vst v31;
	v28 =	vmul.f32 v34, v28;
	v31 =	vperm.xlane v43, v5  }
0x155: {  	v34 =	vunpack.i.u.bf16.f32 v41;
	v39 =	vadd.f32 v42, v39;
	v29 =	vmul.f32 v29, v32;
	[tilespmem:s19+$0xA0] =	vst v30  }
0x156: {  	v27 =	vmul.f32 v46, v27;
	v30 =	vunpack.i.l.bf16.f32 v44;
	[tilespmem:s19+$0x0] =	vst v28;
	v24 =	vmul.f32 v31, v24  }
0x157: {  	v28 =	vadd.f32 v45, v30;
	v30 =	vunpack.i.u.bf16.f32 v11;
	v31 =	vmul.f32 $2.000000030e-01, v39;
	[tilespmem:s19+$0x10] =	vst v29  }
0x158: {  	v26 =	vmul.f32 v40, v26;
	v29 =	vunpack.i.l.bf16.f32 v37;
	[tilespmem:s19+$0x30] =	vst v27;
	v27 =	vmul.f32 v38, v15;
	v15 =	vmovc v36  }
0x159: {  	vm0 =	vgt.f32 v39, $0.0e+00;
	v32 =	vmul.f32 $2.000000030e-01, v28;
	v29 =	vadd.f32 v30, v29;
	[tilespmem:s19+$0x40] =	vst v24  }
0x15a: {  	v23 =	vperm.xlane v23, v3;
	vm1 =	vgt.f32 v28, $0.0e+00;
	v24 =	vunpack.i.l.bf16.f32 v47;
	[tilespmem:s19+$0x60] =	vst v27  }
0x15b: {  	v30 =	vunpack.i.l.bf16.f32 v19;
	v27 =	vsel vm1, v28, v32;
	v28 =	vmul.f32 $2.000000030e-01, v29;
	[tilespmem:s19+$0x80] =	vst v26  }
0x15c: {  	v23 =	vmul.f32 v23, v30;
	vm1 =	vgt.f32 v29, $0.0e+00;
	v26 =	vmul.f32 $1.442695020e+00, v27;
	[tilespmem:s19+$0x70] =	vst v35  }
0x15d: {  	v24 =	vadd.f32 v34, v24;
	v27 =	vsel vm1, v29, v28;
	v28 =	vperm.xlane v43, v3  }
0x15e: {  	v29 =	vsel vm0, v39, v31;
	v27 =	vmul.f32 $1.442695020e+00, v27;
	(erf) = vpow2.f32 v26;
	[tilespmem:s19+$0xFFFFFF60] =	vst v23  }
0x15f: {  	v13 =	vunpack.i.l.bf16.f32 v13;
	v23 =	vperm.xlane v22, v2;
	v22 =	vperm.xlane v22, v3  }
0x160: {  	v18 =	vunpack.i.u.bf16.f32 v18;
	v26 =	vmul.f32 $1.442695020e+00, v29;
	(erf) = vpow2.f32 v27  }
0x161: {  	v21 =	vunpack.i.l.bf16.f32 v21;
	v27 =	vmul.f32 $2.000000030e-01, v24;
	v18 =	vmul.f32 v23, v18  }
0x162: {  	vm0 =	vgt.f32 v24, $0.0e+00;
	v21 =	vmul.f32 v22, v21;
	v30 =	vld [tilespmem:s28+$0x40];
	(erf) = vpow2.f32 v26  }
0x163: {  	v23 =	vsel vm0, v24, v27;
	v24 =	vmul.f32 v28, v13;
	v26 =	vperm.xlane v33, v4;
	v22 =	vld [tilespmem:s28+$0xFFFFFFA0];
	[tilespmem:s19+$0xFFFFFFB0] =	vst v18  }
0x164: {  	v12 =	vunpack.i.u.bf16.f32 v12;
	v16 =	vmul.f32 v17, v16;
	v27 =	vmul.f32 $1.442695020e+00, v23;
	v13 =	vld [tilespmem:s28+$0x10];
	[tilespmem:s19+$0xFFFFFFC0] =	vst v21  }
0x165: {  	v21 =	vmul.f32 v14, v12;
	v20 =	vmul.f32 v26, v20;
	v18 =	vld [tilespmem:s28+$0xFFFFFFD0];
	[tilespmem:s19+$0x20] =	vst v24  }
.Ltmp3:
0x166: {  	v17 =	vunpack.i.l.bf16.f32 v6;
	v6 =	vmovc v25;
	v14 =	vunpack.i.u.bf16.f32 v19;
	v28 =	vld [tilespmem:s28+$0x0];
	(erf) = vpow2.f32 v27;
	[tilespmem:s19+$0xFFFFFF40] =	vst v16;
	(pc) =	sbr.rel @p0 .LBB2_9-.Ltmp3, $4  }
0x167: {  	v25 =	vmul.f32 v10, v17;
	v24 =	vunpack.i.l.bf16.f32 v41;
	v19 =	vmul.f32 v9, v14;
	v23 =	vpop (erf);
	[tilespmem:s19+$0xFFFFFF50] =	vst v21  }
0x168: {  	v16 =	vunpack.i.l.bf16.f32 v22;
	v17 =	vperm.xlane v23, v0;
	v14 =	vperm.xlane v23, v2;
	[tilespmem:s19+$0x90] =	vst v20;
	v12 =	vmovc v22  }
0x169: {  	v9 =	vperm.xlane v23, v4;
	v10 =	vperm.xlane v23, v5;
	v21 =	vld [tilespmem:s28+$0xFFFFFFE0];
	v27 =	vunpack.i.u.bf16.f32 v13;
	v22 =	vpop (erf);
	[tilespmem:s19+$0xFFFFFF70] =	vst v19  }
0x16a: {  	s20 =	sadd.s32 $0x40, s20;
	v26 =	vunpack.i.l.bf16.f32 v30;
	v20 =	vunpack.i.u.bf16.f32 v30;
	v19 =	vld [tilespmem:s28+$0xFFFFFFB0];
	v29 =	vunpack.i.l.bf16.f32 v18;
	s28 =	sadd.s32 $0xC0, s28;
	[tilespmem:s19+$0xFFFFFF80] =	vst v25;
	s19 =	smov.u32 s29  }
0x16b: {  	[tilespmem:s19+$0xFFFFFFF0] =	vst v22;
	v31 =	vperm.xlane v22, v0;
	v6 =	vunpack.i.l.bf16.f32 v6  }
0x16c: {  	v25 =	vpop (erf);
	v33 =	vperm.xlane v22, v5;
	[tilespmem:s19+$0xFFFFFF90] =	vst v23;
	v6 =	vmul.f32 v10, v6  }
0x16d: {  	v30 =	vperm.xlane v22, v4;
	v11 =	vunpack.i.l.bf16.f32 v11;
	[tilespmem:s19+$0xB0] =	vst v25;
	v29 =	vmul.f32 v31, v29  }
0x16e: {  	v34 =	vperm.xlane v25, v5;
	v11 =	vmul.f32 v33, v11;
	v32 =	vunpack.i.u.bf16.f32 v21;
	[tilespmem:s19+$0xFFFFFF80] =	vst v6  }
0x16f: {  	v8 =	vunpack.i.l.bf16.f32 v8;
	v30 =	vmul.f32 v30, v32;
	v62 =	vpop (erf);
	[tilespmem:s19+$0xFFFFFFA0] =	vst v29  }
0x170: {  	v8 =	vmul.f32 v34, v8;
	[tilespmem:s19+$0xFFFFFFE0] =	vst v11;
	v29 =	vperm.xlane v62, v2  }
0x171: {  	v31 =	vunpack.i.l.bf16.f32 v28;
	v28 =	vunpack.i.u.bf16.f32 v28;
	[tilespmem:s19+$0xFFFFFFD0] =	vst v30;
	v30 =	vperm.xlane v62, v0  }
0x172: {  	[tilespmem:s19+$0xA0] =	vst v8;
	v8 =	vperm.xlane v25, v0;
	v28 =	vmul.f32 v29, v28  }
0x173: {  	[tilespmem:s19+$0x50] =	vst v62;
	v63 =	vperm.xlane v62, v4;
	v11 =	vmul.f32 v30, v31  }
0x174: {  	v8 =	vmul.f32 v8, v15;
	v30 =	vperm.xlane v62, v5;
	[tilespmem:s19+$0x10] =	vst v28  }
0x175: {  	v15 =	vperm.xlane v23, v3;
	[tilespmem:s19+$0x0] =	vst v11;
	v11 =	vmul.f32 v63, v27  }
0x176: {  	v28 =	vperm.xlane v25, v2;
	[tilespmem:s19+$0x60] =	vst v8;
	v8 =	vunpack.i.l.bf16.f32 v19;
	v24 =	vmul.f32 v30, v24  }
0x177: {  	v7 =	vunpack.i.u.bf16.f32 v7;
	v27 =	vperm.xlane v25, v3;
	v8 =	vmul.f32 v15, v8;
	[tilespmem:s19+$0x30] =	vst v11  }
0x178: {  	v23 =	vperm.xlane v22, v2;
	v7 =	vmul.f32 v28, v7;
	[tilespmem:s19+$0x40] =	vst v24  }
0x179: {  	v15 =	vunpack.i.u.bf16.f32 v18;
	v11 =	vmul.f32 v27, v26;
	[tilespmem:s19+$0xFFFFFF60] =	vst v8  }
0x17a: {  	v15 =	vmul.f32 v23, v15;
	[tilespmem:s19+$0x70] =	vst v7;
	v7 =	vperm.xlane v62, v3  }
0x17b: {  	v8 =	vunpack.i.l.bf16.f32 v13;
	v13 =	vmul.f32 v17, v16;
	[tilespmem:s19+$0x80] =	vst v11;
	v11 =	vperm.xlane v22, v3  }
0x17c: {  	v18 =	vunpack.i.l.bf16.f32 v21;
	[tilespmem:s19+$0xFFFFFFB0] =	vst v15;
	v7 =	vmul.f32 v7, v8;
	v8 =	vperm.xlane v25, v4  }
0x17d: {  	[tilespmem:s19+$0xFFFFFF40] =	vst v13;
	v11 =	vmul.f32 v11, v18  }
0x17e: {  	v12 =	vunpack.i.u.bf16.f32 v12;
	[tilespmem:s19+$0x20] =	vst v7;
	v7 =	vmul.f32 v8, v20  }
0x17f: {  	v8 =	vunpack.i.u.bf16.f32 v19;
	[tilespmem:s19+$0xFFFFFFC0] =	vst v11;
	v11 =	vmul.f32 v14, v12  }
0x180: {  	v8 =	vmul.f32 v9, v8;
	[tilespmem:s19+$0x90] =	vst v7  }
0x181: {  	[tilespmem:s19+$0xFFFFFF50] =	vst v11  }
0x182: {  	[tilespmem:s19+$0xFFFFFF70] =	vst v8  }
0x183: {  	[spmem:s2] =	stream.indirect.scatter.add.f32 [tilespmem:s8], [sflag:$0x7], $0x60, s1, s23, $0xb8;
	[tilespmem:$0x1CB40] =	vst v63  }
0x184: {  	_ =	swait.ge [sflag:s22], $0x100  }
0x185: {  	[sflag:s22] =	ssyncset.done $0x0  }
0x186: {  	[sflag:s22] =	ssyncadd.s32 $0xFFFFFF00  }
0x187: {  	[tilespmem:s24], [sflag:$0x3] =	stream.indirect.gather [hbm4b:s5+s23], $0x30, s3, s23, $0xb8;
	[tilespmem:$0x1CB40] =	vst v63  }
0x188: {  	_ = 	snop  }
0x189: {  	[tilespmem:s25], [sflag:$0x5] =	stream.indirect.gather [hbm4b:s6+s23], $0x10, s23, s23, $0xb8;
	[tilespmem:$0x1CB40] =	vst v63  }
0x18a: {  	_ =	swait.ge [sflag:s9], $0x1800  }
0x18b: {  	[sflag:s9] =	ssyncset.done $0x0  }
0x18c: {  	[sflag:s9] =	ssyncadd.s32 $0xFFFFE800  }
0x18d: {  	_ =	swait.ge [sflag:s11], $0x800  }
0x18e: {  	[sflag:s11] =	ssyncset.done $0x0  }
0x18f: {  	[sflag:s11] =	ssyncadd.s32 $0xFFFFF800  }
0x190: {  	_ =	swait.ge [sflag:s17], $0x3000  }
0x191: {  	[sflag:s17] =	ssyncset.done $0x0  }
0x192: {  	[sflag:s17] =	ssyncadd.s32 $0xFFFFD000  }
0x193: {  	v6 =	vld [tilespmem:$0x180]  }
0x194: {  	v7 =	vld [tilespmem:$0x190]  }
0x195: {  	v8 =	vld [tilespmem:$0x1A0]  }
0x196: {  	v9 =	vld [tilespmem:$0x1B0]  }
0x197: {  	v10 =	vld [tilespmem:$0x1C0]  }
0x198: {  	[tilespmem:$0x280] =	vst v6;
	v6 =	vld [tilespmem:$0x1D0]  }
0x199: {  	[tilespmem:$0x290] =	vst v7;
	v7 =	vld [tilespmem:$0x1E0]  }
0x19a: {  	[tilespmem:$0x2A0] =	vst v8;
	v8 =	vld [tilespmem:$0x1F0]  }
0x19b: {  	[tilespmem:$0x2B0] =	vst v9  }
0x19c: {  	[tilespmem:$0x2C0] =	vst v10  }
0x19d: {  	s7 =	sadd.s32 s7, s16;
	[tilespmem:$0x2D0] =	vst v6  }
0x19e: {  	s7 =	sshll.u32 s7, $0x5;
	[tilespmem:$0x2E0] =	vst v7  }
0x19f: {  	s20 =	simm.s32 $0x1B60;
	s7 =	sadd.s32 s4, s7;
	[tilespmem:$0x2F0] =	vst v8  }
0x1a0: {  	[tilespmem:s21], [sflag:$0x2] =	stream.linear.gather [hbm4b:s7+s3], $0x100, $0x38;
	[tilespmem:$0x1CB40] =	vst v63  }
0x1a1: {  	s29 =	simm.s32 $0x3B20;
	v6 =	vld [tilespmem:s20+$0xFFFFFFC0]  }
0x1a2: {  	v7 =	vld [tilespmem:s29+$0xFFFFFFE0];
	_ =	sdelay $0x2  }
0x1a3: {  	v11 =	vld [tilespmem:s20+$0xFFFFFFF0]  }
0x1a4: {  	v9 =	vld [tilespmem:s29+$0xFFFFFFF0]  }
0x1a5: {  	v8 =	vld [tilespmem:s20+$0x50];
	v10 =	vunpack.i.u.bf16.f32 v6;
	v7 =	vunpack.i.l.bf16.f32 v7  }
0x1a6: {  	v7 =	vadd.f32 v10, v7;
	v10 =	vld [tilespmem:s29+$0x10];
	_ =	sdelay $0x2  }
0x1a7: {  	v14 =	vld [tilespmem:s20+$0x20];
	v12 =	vunpack.i.u.bf16.f32 v11;
	v9 =	vunpack.i.l.bf16.f32 v9;
	v13 =	vmul.f32 $2.000000030e-01, v7  }
0x1a8: {  	v15 =	vld [tilespmem:s29+$0x0];
	v9 =	vadd.f32 v12, v9;
	vm0 =	vgt.f32 v7, $0.0e+00  }
0x1a9: {  	v7 =	vsel vm0, v7, v13;
	v13 =	vunpack.i.u.bf16.f32 v8;
	v10 =	vunpack.i.l.bf16.f32 v10  }
0x1aa: {  	v12 =	vmul.f32 $2.000000030e-01, v9;
	v10 =	vadd.f32 v13, v10  }
0x1ab: {  	vm13 =	vgt.f32 v9, $0.0e+00;
	v7 =	vmul.f32 $1.442695020e+00, v7  }
0x1ac: {  	v16 =	vunpack.i.u.bf16.f32 v14;
	v9 =	vsel vm13, v9, v12;
	v12 =	vmul.f32 $2.000000030e-01, v10  }
0x1ad: {  	(erf) = vpow2.f32 v7;
	v7 =	vunpack.i.l.bf16.f32 v15;
	vm14 =	vgt.f32 v10, $0.0e+00  }
0x1ae: {  	v9 =	vmul.f32 $1.442695020e+00, v9;
	v13 =	vadd.f32 v16, v7;
	v10 =	vsel vm14, v10, v12  }
0x1af: {  	v10 =	vmul.f32 $1.442695020e+00, v10  }
0x1b0: {  	v25 =	vld [tilespmem:s20+$0x40];
	(erf) = vpow2.f32 v9;
	v9 =	vmul.f32 $2.000000030e-01, v13  }
0x1b1: {  	v18 =	vld [tilespmem:s20+$0xFFFFFFD0];
	vm15 =	vgt.f32 v13, $0.0e+00;
	(erf) = vpow2.f32 v10  }
0x1b2: {  	v7 =	vld [tilespmem:s20+$0x30];
	v9 =	vsel vm15, v13, v9  }
0x1b3: {  	v12 =	vld [tilespmem:s20+$0xFFFFFFA0];
	v9 =	vmul.f32 $1.442695020e+00, v9  }
0x1b4: {  	v13 =	vld [tilespmem:s20+$0x10]  }
0x1b5: {  	v28 =	vld [tilespmem:s20+$0x0];
	(erf) = vpow2.f32 v9  }
0x1b6: {  	v24 =	vunpack.i.l.bf16.f32 v14;
	v29 =	vunpack.i.l.bf16.f32 v18  }
0x1b7: {  	v20 =	vunpack.i.u.bf16.f32 v25;
	v26 =	vunpack.i.l.bf16.f32 v25;
	v15 =	vunpack.i.l.bf16.f32 v7;
	v23 =	vpop (erf)  }
0x1b8: {  	s18 =	simm.s32 $0x0;
	s28 =	simm.s32 $0x73C0;
	v21 =	vld [tilespmem:s20+$0xFFFFFFE0];
	v16 =	vunpack.i.l.bf16.f32 v12;
	v17 =	vperm.xlane v23, v0;
	v14 =	vperm.xlane v23, v2  }
0x1b9: {  	s19 =	simm.s32 $0x3B60;
	s7 =	simm.s32 $0x73C0;
	v19 =	vld [tilespmem:s20+$0xFFFFFFB0];
	s20 =	simm.s32 $0x1C20;
	v9 =	vperm.xlane v23, v4;
	v10 =	vperm.xlane v23, v5;
	v27 =	vunpack.i.u.bf16.f32 v13;
	v22 =	vpop (erf)  }
.LBB2_11:
0x1ba: {  	v25 =	vld [tilespmem:s20+$0xFFFFFFC0];
	s18 =	sadd.s32 $0x4, s18;
	[tilespmem:s7+$0xFFFFFFF0] =	vst v22;
	v30 =	vperm.xlane v22, v0;
	v31 =	vperm.xlane v22, v5;
	v32 =	vunpack.i.u.bf16.f32 v28;
	s28 =	sadd.s32 $0x180, s28;
	v33 =	vpop (erf)  }
0x1bb: {  	v34 =	vperm.xlane v22, v4;
	v35 =	vunpack.i.u.bf16.f32 v7;
	p0 =	slt.u32 s18, $0x7C;
	v7 =	vld [tilespmem:s20+$0x30];
	[tilespmem:s7+$0xB0] =	vst v33;
	v36 =	vperm.xlane v33, v2  }
0x1bc: {  	v28 =	vunpack.i.l.bf16.f32 v28;
	v37 =	vunpack.i.l.bf16.f32 v8;
	v38 =	vperm.xlane v33, v0;
	[tilespmem:s7+$0xFFFFFF90] =	vst v23;
	v8 =	vld [tilespmem:s20+$0x50]  }
0x1bd: {  	v39 =	vld [tilespmem:s19+$0x10];
	v40 =	vunpack.i.u.bf16.f32 v21;
	v35 =	vmul.f32 v36, v35;
	v36 =	vperm.xlane v33, v5  }
0x1be: {  	v42 =	vunpack.i.l.bf16.f32 v11;
	v41 =	vld [tilespmem:s20+$0x20];
	v34 =	vmul.f32 v34, v40;
	v40 =	vperm.xlane v33, v3;
	v43 =	vpop (erf)  }
0x1bf: {  	v29 =	vmul.f32 v30, v29;
	v44 =	vld [tilespmem:s19+$0xFFFFFFE0];
	v45 =	vunpack.i.u.bf16.f32 v25;
	[tilespmem:s7+$0x50] =	vst v43;
	v30 =	vmul.f32 v36, v37  }
0x1c0: {  	v31 =	vmul.f32 v31, v42;
	v11 =	vld [tilespmem:s20+$0xFFFFFFF0];
	v36 =	vunpack.i.l.bf16.f32 v7;
	[tilespmem:s7+$0xFFFFFFD0] =	vst v34;
	v34 =	vperm.xlane v43, v0  }
0x1c1: {  	v46 =	vperm.xlane v43, v4;
	v37 =	vld [tilespmem:s19+$0xFFFFFFF0];
	v42 =	vunpack.i.u.bf16.f32 v8;
	[tilespmem:s7+$0xFFFFFFA0] =	vst v29;
	v29 =	vperm.xlane v43, v2  }
0x1c2: {  	v47 =	vld [tilespmem:s19+$0x0];
	v39 =	vunpack.i.l.bf16.f32 v39;
	[tilespmem:s7+$0xFFFFFFE0] =	vst v31;
	v28 =	vmul.f32 v34, v28;
	v31 =	vperm.xlane v43, v5  }
0x1c3: {  	v34 =	vunpack.i.u.bf16.f32 v41;
	v39 =	vadd.f32 v42, v39;
	v29 =	vmul.f32 v29, v32;
	[tilespmem:s7+$0xA0] =	vst v30  }
0x1c4: {  	v27 =	vmul.f32 v46, v27;
	v30 =	vunpack.i.l.bf16.f32 v44;
	[tilespmem:s7+$0x0] =	vst v28;
	v24 =	vmul.f32 v31, v24  }
0x1c5: {  	v28 =	vadd.f32 v45, v30;
	v30 =	vunpack.i.u.bf16.f32 v11;
	v31 =	vmul.f32 $2.000000030e-01, v39;
	[tilespmem:s7+$0x10] =	vst v29  }
0x1c6: {  	v26 =	vmul.f32 v40, v26;
	v29 =	vunpack.i.l.bf16.f32 v37;
	[tilespmem:s7+$0x30] =	vst v27;
	v27 =	vmul.f32 v38, v15;
	v15 =	vmovc v36  }
0x1c7: {  	vm0 =	vgt.f32 v39, $0.0e+00;
	v32 =	vmul.f32 $2.000000030e-01, v28;
	v29 =	vadd.f32 v30, v29;
	[tilespmem:s7+$0x40] =	vst v24  }
0x1c8: {  	v23 =	vperm.xlane v23, v3;
	vm1 =	vgt.f32 v28, $0.0e+00;
	v24 =	vunpack.i.l.bf16.f32 v47;
	[tilespmem:s7+$0x60] =	vst v27  }
0x1c9: {  	v30 =	vunpack.i.l.bf16.f32 v19;
	v27 =	vsel vm1, v28, v32;
	v28 =	vmul.f32 $2.000000030e-01, v29;
	[tilespmem:s7+$0x80] =	vst v26  }
0x1ca: {  	v23 =	vmul.f32 v23, v30;
	vm1 =	vgt.f32 v29, $0.0e+00;
	v26 =	vmul.f32 $1.442695020e+00, v27;
	[tilespmem:s7+$0x70] =	vst v35  }
0x1cb: {  	v24 =	vadd.f32 v34, v24;
	v27 =	vsel vm1, v29, v28;
	v28 =	vperm.xlane v43, v3  }
0x1cc: {  	v29 =	vsel vm0, v39, v31;
	v27 =	vmul.f32 $1.442695020e+00, v27;
	(erf) = vpow2.f32 v26;
	[tilespmem:s7+$0xFFFFFF60] =	vst v23  }
0x1cd: {  	v13 =	vunpack.i.l.bf16.f32 v13;
	v23 =	vperm.xlane v22, v2;
	v22 =	vperm.xlane v22, v3  }
0x1ce: {  	v18 =	vunpack.i.u.bf16.f32 v18;
	v26 =	vmul.f32 $1.442695020e+00, v29;
	(erf) = vpow2.f32 v27  }
0x1cf: {  	v21 =	vunpack.i.l.bf16.f32 v21;
	v27 =	vmul.f32 $2.000000030e-01, v24;
	v18 =	vmul.f32 v23, v18  }
0x1d0: {  	vm0 =	vgt.f32 v24, $0.0e+00;
	v21 =	vmul.f32 v22, v21;
	v30 =	vld [tilespmem:s20+$0x40];
	(erf) = vpow2.f32 v26  }
0x1d1: {  	v23 =	vsel vm0, v24, v27;
	v24 =	vmul.f32 v28, v13;
	v26 =	vperm.xlane v33, v4;
	v22 =	vld [tilespmem:s20+$0xFFFFFFA0];
	[tilespmem:s7+$0xFFFFFFB0] =	vst v18  }
0x1d2: {  	v12 =	vunpack.i.u.bf16.f32 v12;
	v16 =	vmul.f32 v17, v16;
	v27 =	vmul.f32 $1.442695020e+00, v23;
	v13 =	vld [tilespmem:s20+$0x10];
	[tilespmem:s7+$0xFFFFFFC0] =	vst v21  }
0x1d3: {  	v21 =	vmul.f32 v14, v12;
	v20 =	vmul.f32 v26, v20;
	v18 =	vld [tilespmem:s20+$0xFFFFFFD0];
	[tilespmem:s7+$0x20] =	vst v24  }
.Ltmp4:
0x1d4: {  	v17 =	vunpack.i.l.bf16.f32 v6;
	v6 =	vmovc v25;
	v14 =	vunpack.i.u.bf16.f32 v19;
	v28 =	vld [tilespmem:s20+$0x0];
	(erf) = vpow2.f32 v27;
	[tilespmem:s7+$0xFFFFFF40] =	vst v16;
	(pc) =	sbr.rel @p0 .LBB2_11-.Ltmp4, $4  }
0x1d5: {  	v25 =	vmul.f32 v10, v17;
	v24 =	vunpack.i.l.bf16.f32 v41;
	v19 =	vmul.f32 v9, v14;
	v23 =	vpop (erf);
	[tilespmem:s7+$0xFFFFFF50] =	vst v21  }
0x1d6: {  	v16 =	vunpack.i.l.bf16.f32 v22;
	v17 =	vperm.xlane v23, v0;
	v14 =	vperm.xlane v23, v2;
	[tilespmem:s7+$0x90] =	vst v20;
	v12 =	vmovc v22  }
0x1d7: {  	v9 =	vperm.xlane v23, v4;
	v10 =	vperm.xlane v23, v5;
	v21 =	vld [tilespmem:s20+$0xFFFFFFE0];
	v27 =	vunpack.i.u.bf16.f32 v13;
	v22 =	vpop (erf);
	[tilespmem:s7+$0xFFFFFF70] =	vst v19  }
0x1d8: {  	s19 =	sadd.s32 $0x40, s19;
	v26 =	vunpack.i.l.bf16.f32 v30;
	v20 =	vunpack.i.u.bf16.f32 v30;
	v19 =	vld [tilespmem:s20+$0xFFFFFFB0];
	v29 =	vunpack.i.l.bf16.f32 v18;
	s20 =	sadd.s32 $0xC0, s20;
	[tilespmem:s7+$0xFFFFFF80] =	vst v25;
	s7 =	smov.u32 s28  }
0x1d9: {  	[tilespmem:s7+$0xFFFFFFF0] =	vst v22  }
0x1da: {  	v25 =	vpop (erf);
	[tilespmem:s7+$0xFFFFFF90] =	vst v23;
	v12 =	vunpack.i.u.bf16.f32 v12;
	v61 =	vmul.f32 v17, v16  }
0x1db: {  	v31 =	vperm.xlane v22, v0;
	v6 =	vunpack.i.l.bf16.f32 v6;
	[tilespmem:s7+$0xB0] =	vst v25;
	v62 =	vmul.f32 v14, v12  }
0x1dc: {  	v33 =	vperm.xlane v22, v5;
	v6 =	vmul.f32 v10, v6;
	[tilespmem:s7+$0xFFFFFF40] =	vst v61  }
0x1dd: {  	v11 =	vunpack.i.l.bf16.f32 v11;
	v29 =	vmul.f32 v31, v29;
	[tilespmem:s7+$0xFFFFFF50] =	vst v62  }
0x1de: {  	v34 =	vperm.xlane v25, v5;
	v11 =	vmul.f32 v33, v11;
	[tilespmem:s7+$0xFFFFFF80] =	vst v6  }
0x1df: {  	v8 =	vunpack.i.l.bf16.f32 v8;
	v50 =	vperm.xlane v25, v3;
	[tilespmem:s7+$0xFFFFFFA0] =	vst v29  }
0x1e0: {  	v51 =	vperm.xlane v25, v2;
	v8 =	vmul.f32 v34, v8;
	v40 =	vpop (erf);
	[tilespmem:s7+$0xFFFFFFE0] =	vst v11  }
0x1e1: {  	v30 =	vperm.xlane v22, v4;
	v7 =	vunpack.i.u.bf16.f32 v7;
	v52 =	vmul.f32 v50, v26;
	[tilespmem:s7+$0x50] =	vst v40  }
0x1e2: {  	v56 =	vperm.xlane v22, v3;
	v32 =	vunpack.i.u.bf16.f32 v21;
	v7 =	vmul.f32 v51, v7;
	[tilespmem:s7+$0xA0] =	vst v8  }
0x1e3: {  	v48 =	vperm.xlane v25, v0;
	v58 =	vunpack.i.l.bf16.f32 v21;
	v30 =	vmul.f32 v30, v32;
	[tilespmem:s7+$0x80] =	vst v52  }
0x1e4: {  	v55 =	vperm.xlane v22, v2;
	v11 =	vmul.f32 v56, v58;
	[tilespmem:s7+$0x70] =	vst v7  }
0x1e5: {  	v57 =	vunpack.i.u.bf16.f32 v18;
	v41 =	vperm.xlane v40, v0;
	v8 =	vmul.f32 v48, v15;
	[tilespmem:s7+$0xFFFFFFD0] =	vst v30  }
0x1e6: {  	v42 =	vunpack.i.l.bf16.f32 v28;
	v43 =	vperm.xlane v40, v2;
	v15 =	vmul.f32 v55, v57;
	[tilespmem:s7+$0xFFFFFFC0] =	vst v11  }
0x1e7: {  	v44 =	vunpack.i.u.bf16.f32 v28;
	v45 =	vperm.xlane v40, v4;
	v46 =	vmul.f32 v41, v42;
	[tilespmem:s7+$0x60] =	vst v8  }
0x1e8: {  	v47 =	vperm.xlane v40, v5;
	v28 =	vmul.f32 v43, v44;
	[tilespmem:s7+$0xFFFFFFB0] =	vst v15  }
0x1e9: {  	v7 =	vperm.xlane v40, v3;
	v49 =	vmul.f32 v45, v27;
	[tilespmem:s7+$0x0] =	vst v46  }
0x1ea: {  	v53 =	vperm.xlane v23, v3;
	v59 =	vunpack.i.l.bf16.f32 v13;
	v24 =	vmul.f32 v47, v24;
	[tilespmem:s7+$0x10] =	vst v28  }
0x1eb: {  	s10 =	sadd.s32 $0x1, s10;
	v60 =	vperm.xlane v25, v4;
	v54 =	vunpack.i.l.bf16.f32 v19;
	v7 =	vmul.f32 v7, v59;
	[tilespmem:s7+$0x30] =	vst v49  }
0x1ec: {  	p0 =	sne.s32 s10, $0x15;
	v8 =	vmul.f32 v53, v54;
	[tilespmem:s7+$0x40] =	vst v24  }
.Ltmp5:
0x1ed: {  	v63 =	vunpack.i.u.bf16.f32 v19;
	[tilespmem:s7+$0x20] =	vst v7;
	v7 =	vmul.f32 v60, v20;
	(pc) =	sbr.rel @p0 .LBB2_8-.Ltmp5, $4  }
0x1ee: {  	[tilespmem:s7+$0xFFFFFF60] =	vst v8;
	v8 =	vmul.f32 v9, v63  }
0x1ef: {  	[tilespmem:s7+$0x90] =	vst v7  }
0x1f0: {  	[tilespmem:s7+$0xFFFFFF70] =	vst v8  }
0x1f1: {  	[spmem:s2] =	stream.indirect.scatter.add.f32 [tilespmem:s13], [sflag:$0x8], $0x60, s12, s23, $0xb8;
	[tilespmem:$0x1CB40] =	vst v63  }
0x1f2: {  	_ =	swait.ge [sflag:s14], $0x3000  }
0x1f3: {  	[sflag:s14] =	ssyncset.done $0x0  }
0x1f4: {  	[sflag:s14] =	ssyncadd.s32 $0xFFFFD000  }
0x1f5: {  	_ =	swait.ge [sflag:s17], $0x3000  }
0x1f6: {  	[sflag:s17] =	ssyncset.done $0x0  }
0x1f7: {  	[sflag:s17] =	ssyncadd.s32 $0xFFFFD000  }
0x1f8: {  	_ =	swait.ge [sflag:s31], $0x1800  }
0x1f9: {  	[sflag:s31] =	ssyncset.done $0x0  }
0x1fa: {  	[sflag:s31] =	ssyncadd.s32 $0xFFFFE800  }
0x1fb: {  	_ =	swait.ge [sflag:s0], $0x800  }
0x1fc: {  	[sflag:s0] =	ssyncset.done $0x0  }
0x1fd: {  	[sflag:s0] =	ssyncadd.s32 $0xFFFFF800  }
0x1fe: {  	_ =	swait.ge [sflag:s26], $0x100  }
0x1ff: {  	[sflag:s26] =	ssyncset.done $0x0  }
0x200: {  	[sflag:s26] =	ssyncadd.s32 $0xFFFFFF00  }
0x201: {  	s7 =	stileid.u32;
	[bflag:$0x0] =	sbarrier.arrive $0xFFFF  }
0x202: {  	s7 =	sshll.u32 s7, $0x6;
	s18 =	rddreg [dreg:$0x3]  }
0x203: {  	s7 =	sor.u32 $0x1C09, s7;
	s19 =	rddreg [dreg:$0xb];
	s10 =	sshrl.u32 s18, $0x3  }
0x204: {  	[hbm:s19], [sflag:s7] =	dma.local [spmem:s10], $0x1DA0  }
0x205: {  	s19 =	simm.s32 $0x9  }
0x206: {  	_ =	swait.ge [sflag:s19], $0x1DA0  }
0x207: {  	s28 =	rddreg [dreg:$0xd]  }
0x208: {  	s29 =	rddreg [dreg:$0xc];
	s10 =	sadd.s32 $0x1, s28  }
0x209: {  	p0 =	sne.s32 s10, s29  }
.Ltmp6:
0x20a: {  	_ = 	snop;
	(pc) =	sbr.rel @p0 .LBB2_1-.Ltmp6, $3  }
0x20b: {  	_ =	sdelay $0x1  }
0x20c: {  	[sflag:s19] =	ssyncset.done $0x0  }
0x20d: {  	[sflag:s19] =	ssyncadd.s32 $0xFFFFE260  }
0x20e: {  	_ =	sfence.sel $0x180000  }
0x20f: {  	[bflag:$0x0] =	sbarrier.arrive $0xFFFF  }
0x210: {  	_ =	strace $0x90000047  }
0x211: {  	s0 =	stileid.u32;
	[bflag:$0x2] =	sbarrier.arrive $0xFFFF  }
0x212: {  	p0 =	sne.s32 s0, $0x0;
	s0 =	rddreg [dreg:$0x2]  }
0x213: {  	s0 =	sadd.s32 @!p0 $0x100000, s0  }
0x214: {  	[sflag:s0] =	ssyncadd.tile.s32 @!p0 $0x1;
	_ =	shalt  }
.Lfunc_end2:
_tile_overlayer_lowered:
.L_overlay_start_2:
0x215: {  	(tag) =	ssettag $0x2  }
0x216: {  	s0 =	rddreg [dreg:$0x0];
	s2 =	stileid.u32  }
0x217: {  	s1 =	rddreg [dreg:$0x1];
	p0 =	sne.s32 s2, $0x0  }
0x218: {  	s3 =	rddreg [dreg:$0x2];
	[bflag:$0x3] =	sbarrier.arrive $0xFFFF;
	s2 =	simm.s32 @!p0 $0x1C09  }
0x219: {  	[timem:s3], [sflag:s2] =	dma.local @!p0 [hbm:s0], s1  }
0x21a: {  	s0 =	simm.s32 @!p0 $0x9  }
0x21b: {  	_ =	swait.ge @!p0 [sflag:s0], s1  }
0x21c: {  	s1 =	ssub.s32 @!p0 $0x0, s1;
	[sflag:s0] =	ssyncset.done @!p0 $0x0  }
0x21d: {  	[sflag:s0] =	ssyncadd.s32 @!p0 s1  }
0x21e: {  	[bflag:$0x3] =	sbarrier.arrive $0xFFFF  }
0x21f: {  	_ =	shalt  }

</sc_bundles>
